<compile_context>
chip_gen: v7x
topology: tpu7x:2x2x1
jax: 0.10.2.dev20260603
libtpu: 0.0.44.dev20260713+nightly
codegen_flags: <defaults>
</compile_context>

<pallas_src>
import functools

import jax
import jax.numpy as jnp
from jax import lax
from jax.experimental import pallas as pl
from jax.experimental.pallas import tpu as pltpu
from jax.experimental.pallas import tpu_sc as plsc

N = 10000
N_PAD = 10240
E = 320000
CHUNK = 128
TOTAL_CHUNKS = 2560
E_PAD = TOTAL_CHUNKS * CHUNK
D_IN, D_HID, D_OUT = 128, 64, 32
NC, NS = 2, 16
ROWS_PER_TILE = N_PAD // NS
DEG_W = 16
BN = 2560

K0_D, K1_D = 96, 64
C1_BASE_D = NS * K0_D
K0_MAX = 148


def _sc_mesh():
    return plsc.VectorSubcoreMesh(core_axis_name="c", subcore_axis_name="s")



@functools.partial(
    pl.kernel,
    mesh=_sc_mesh(),
    compiler_params=pltpu.CompilerParams(use_tc_tiling_on_sc=False),
    out_type=jax.ShapeDtypeStruct((NC, N_PAD, DEG_W), jnp.float32),
    scratch_types=[
        pltpu.VMEM((K0_D, CHUNK), jnp.int32),
        pltpu.VMEM((CHUNK, DEG_W), jnp.float32),
        pltpu.VMEM((CHUNK, DEG_W), jnp.float32),
        pltpu.VMEM_SHARED((N_PAD, DEG_W), jnp.float32),
        pltpu.SemaphoreType.DMA,
    ],
)
def _deg_kernel(dst_hbm, ones_hbm, out_hbm, dst_v, ones_v, zrow_v, accum, sem):
    c = lax.axis_index("c")
    s = lax.axis_index("s")
    base = s * ROWS_PER_TILE

    def zstore(i, carry):
        zrow_v[i, pl.ds(0, DEG_W)] = jnp.zeros((DEG_W,), jnp.float32)
        return carry

    lax.fori_loop(0, CHUNK, zstore, 0)
    for i in range(ROWS_PER_TILE // CHUNK):
        pltpu.sync_copy(zrow_v, accum.at[pl.ds(base + i * CHUNK, CHUNK)])

    pltpu.sync_copy(ones_hbm, ones_v)

    def stage_idx(cbase, k):
        pltpu.sync_copy(dst_hbm.at[pl.ds(cbase, k)], dst_v.at[pl.ds(0, k)])

    pl.when(c == 0)(lambda: stage_idx(s * K0_D, K0_D))
    pl.when(c == 1)(lambda: stage_idx(C1_BASE_D + s * K1_D, K1_D))
    plsc.subcore_barrier()

    def run(k):
        def body(j, carry):
            pltpu.async_copy(ones_v, accum.at[dst_v.at[j]], sem, add=True)
            return carry

        lax.fori_loop(0, k, body, 0)

        def drain(j, carry):
            pltpu.make_async_copy(ones_v, accum.at[dst_v.at[j]], sem).wait()
            return carry

        lax.fori_loop(0, k, drain, 0)

    pl.when(c == 0)(lambda: run(K0_D))
    pl.when(c == 1)(lambda: run(K1_D))
    plsc.subcore_barrier()
    for i in range(ROWS_PER_TILE // CHUNK):
        pltpu.sync_copy(accum.at[pl.ds(base + i * CHUNK, CHUNK)], zrow_v)
        pltpu.sync_copy(zrow_v,
                        out_hbm.at[c].at[pl.ds(base + i * CHUNK, CHUNK)])



NBUF = 4


def _make_edge_kernel(d, k0, k1):
    c1_base = NS * k0

    @functools.partial(
        pl.kernel,
        mesh=_sc_mesh(),
        compiler_params=pltpu.CompilerParams(use_tc_tiling_on_sc=False),
        out_type=jax.ShapeDtypeStruct((NC, N_PAD, d), jnp.float32),
        scratch_types=[
            pltpu.VMEM((K0_MAX, CHUNK), jnp.int32),
            pltpu.VMEM((K0_MAX, CHUNK), jnp.int32),
            pltpu.VMEM((NBUF, CHUNK, d), jnp.float32),
            pltpu.VMEM_SHARED((N_PAD, d), jnp.float32),
            pltpu.SemaphoreType.DMA((NBUF,)),
            pltpu.SemaphoreType.DMA((NBUF,)),
        ],
    )
    def edge_kernel(y_hbm, src_hbm, dst_hbm, out_hbm,
                    src_v, dst_v, rows_v, accum, gsems, ssems):
        c = lax.axis_index("c")
        s = lax.axis_index("s")
        base = s * ROWS_PER_TILE

        def zstore(i, carry):
            for j in range(d // 16):
                rows_v[0, i, pl.ds(j * 16, 16)] = jnp.zeros((16,), jnp.float32)
            return carry

        lax.fori_loop(0, CHUNK, zstore, 0)
        for i in range(ROWS_PER_TILE // CHUNK):
            pltpu.sync_copy(rows_v.at[0],
                            accum.at[pl.ds(base + i * CHUNK, CHUNK)])

        def stage_idx(cbase, k):
            pltpu.sync_copy(src_hbm.at[pl.ds(cbase, k)], src_v.at[pl.ds(0, k)])
            pltpu.sync_copy(dst_hbm.at[pl.ds(cbase, k)], dst_v.at[pl.ds(0, k)])

        pl.when(c == 0)(lambda: stage_idx(s * k0, k0))
        pl.when(c == 1)(lambda: stage_idx(c1_base + s * k1, k1))
        plsc.subcore_barrier()

        def wait_gather(t, b):
            pltpu.make_async_copy(y_hbm.at[src_v.at[t * NBUF + b]],
                                  rows_v.at[b], gsems.at[b]).wait()

        def wait_scatter(t, b):
            pltpu.make_async_copy(rows_v.at[b],
                                  accum.at[dst_v.at[t * NBUF + b]],
                                  ssems.at[b]).wait()

        def run(k):
            ngrp = k // NBUF
            for b in range(NBUF):
                pltpu.async_copy(y_hbm.at[src_v.at[b]], rows_v.at[b],
                                 gsems.at[b])

            def group(t, carry):
                for b in range(NBUF):
                    wait_gather(t, b)
                    pltpu.async_copy(rows_v.at[b],
                                     accum.at[dst_v.at[t * NBUF + b]],
                                     ssems.at[b], add=True)

                @pl.when(t < ngrp - 1)
                def _():
                    for b in range(NBUF):
                        wait_scatter(t, b)
                        pltpu.async_copy(y_hbm.at[src_v.at[(t + 1) * NBUF + b]],
                                         rows_v.at[b], gsems.at[b])

                return carry

            lax.fori_loop(0, ngrp, group, 0)
            for b in range(NBUF):
                wait_scatter(ngrp - 1, b)

        pl.when(c == 0)(lambda: run(k0))
        pl.when(c == 1)(lambda: run(k1))
        plsc.subcore_barrier()

        descs = [None] * NBUF
        for i in range(ROWS_PER_TILE // CHUNK):
            b = i % NBUF
            if descs[b] is not None:
                descs[b].wait()
            pltpu.async_copy(accum.at[pl.ds(base + i * CHUNK, CHUNK)],
                             rows_v.at[b], gsems.at[b]).wait()
            descs[b] = pltpu.async_copy(
                rows_v.at[b],
                out_hbm.at[c].at[pl.ds(base + i * CHUNK, CHUNK)],
                ssems.at[b])
        for p in descs:
            if p is not None:
                p.wait()

    return edge_kernel


_edge_kernel_h = _make_edge_kernel(D_HID, 148, 12)
_edge_kernel_o = _make_edge_kernel(D_OUT, 144, 16)



def _dinv_block(degp):
    deg = degp[0, :, 0:1] + degp[1, :, 0:1] + 1.0
    return lax.rsqrt(deg)


def _tc1_body(x_ref, w_ref, degp_ref, y_ref):
    dinv = _dinv_block(degp_ref[...])
    xw = jnp.dot(x_ref[...], w_ref[...], preferred_element_type=jnp.float32)
    y_ref[...] = xw * dinv


_tc1 = pl.pallas_call(
    _tc1_body,
    grid=(N_PAD // BN,),
    in_specs=[
        pl.BlockSpec((BN, D_IN), lambda i: (i, 0)),
        pl.BlockSpec((D_IN, D_HID), lambda i: (0, 0)),
        pl.BlockSpec((NC, BN, DEG_W), lambda i: (0, i, 0)),
    ],
    out_specs=pl.BlockSpec((BN, D_HID), lambda i: (i, 0)),
    out_shape=jax.ShapeDtypeStruct((N_PAD, D_HID), jnp.float32),
)


def _tc2_body(part_ref, y1_ref, degp_ref, b1_ref, w2_ref, y2_ref):
    dinv = _dinv_block(degp_ref[...])
    p = part_ref[...]
    pre = (p[0] + p[1] + y1_ref[...]) * dinv + b1_ref[...]
    h = jnp.maximum(pre, 0.0)
    y2_ref[...] = jnp.dot(h, w2_ref[...],
                          preferred_element_type=jnp.float32) * dinv


_tc2 = pl.pallas_call(
    _tc2_body,
    grid=(N_PAD // BN,),
    in_specs=[
        pl.BlockSpec((NC, BN, D_HID), lambda i: (0, i, 0)),
        pl.BlockSpec((BN, D_HID), lambda i: (i, 0)),
        pl.BlockSpec((NC, BN, DEG_W), lambda i: (0, i, 0)),
        pl.BlockSpec((1, D_HID), lambda i: (0, 0)),
        pl.BlockSpec((D_HID, D_OUT), lambda i: (0, 0)),
    ],
    out_specs=pl.BlockSpec((BN, D_OUT), lambda i: (i, 0)),
    out_shape=jax.ShapeDtypeStruct((N_PAD, D_OUT), jnp.float32),
)


def _tc3_body(part_ref, y2_ref, degp_ref, b2_ref, out_ref):
    dinv = _dinv_block(degp_ref[...])
    p = part_ref[...]
    out_ref[...] = (p[0] + p[1] + y2_ref[...]) * dinv + b2_ref[...]


_tc3 = pl.pallas_call(
    _tc3_body,
    grid=(N_PAD // BN,),
    in_specs=[
        pl.BlockSpec((NC, BN, D_OUT), lambda i: (0, i, 0)),
        pl.BlockSpec((BN, D_OUT), lambda i: (i, 0)),
        pl.BlockSpec((NC, BN, DEG_W), lambda i: (0, i, 0)),
        pl.BlockSpec((1, D_OUT), lambda i: (0, 0)),
    ],
    out_specs=pl.BlockSpec((BN, D_OUT), lambda i: (i, 0)),
    out_shape=jax.ShapeDtypeStruct((N_PAD, D_OUT), jnp.float32),
)



def kernel(x, edge_index, W1, b1, W2, b2):
    pad_e = E_PAD - E
    src3 = jnp.concatenate(
        [edge_index[0], jnp.full((pad_e,), N, jnp.int32)]
    ).reshape(TOTAL_CHUNKS, CHUNK)
    dst3 = jnp.concatenate(
        [edge_index[1], jnp.full((pad_e,), N, jnp.int32)]
    ).reshape(TOTAL_CHUNKS, CHUNK)
    x_pad = jnp.zeros((N_PAD, D_IN), jnp.float32).at[:N].set(x)

    ones_w = jnp.ones((CHUNK, DEG_W), jnp.float32)

    degp = _deg_kernel(dst3, ones_w)
    y1 = _tc1(x_pad, W1, degp)
    part1 = _edge_kernel_h(y1, src3, dst3)
    y2 = _tc2(part1, y1, degp, b1.reshape(1, D_HID), W2)
    part2 = _edge_kernel_o(y2, src3, dst3)
    out = _tc3(part2, y2, degp, b2.reshape(1, D_OUT))
    return out[:N]

# --- scband reference (transcript-rebuilt; emitter-appended) ---
"""Pipeline reference for scband-event-gcn-5686536700290 (READ-ONLY COPY).

The authoritative reference and input builder live on the scoring server;
editing this copy changes nothing except your own understanding.
"""

import jax, jax.numpy as jnp
import numpy as np

N = 10000
E = 320000
D_IN = 128
D_HID = 64
D_OUT = 32


def setup_inputs(seed: int = 0) -> dict:
    key = jax.random.key(seed)
    ks = jax.random.split(key, 5)
    x = jax.random.normal(ks[0], (N, D_IN), dtype=jnp.float32)
    edge_index = jax.random.randint(ks[1], (2, E), 0, N, dtype=jnp.int32)
    W1 = jax.random.normal(ks[2], (D_IN, D_HID), dtype=jnp.float32) * (1.0 / np.sqrt(D_IN))
    b1 = jnp.zeros((D_HID,), dtype=jnp.float32)
    W2 = jax.random.normal(ks[3], (D_HID, D_OUT), dtype=jnp.float32) * (1.0 / np.sqrt(D_HID))
    b2 = jnp.zeros((D_OUT,), dtype=jnp.float32)
    return {"x": x, "edge_index": edge_index, "W1": W1, "b1": b1, "W2": W2, "b2": b2}


def _gcn_conv(x, src, dst, W, b):
    # torch_geometric GCNConv: x' = D^{-1/2} (A + I) D^{-1/2} X W + b
    n = x.shape[0]
    xw = x @ W
    deg = jnp.zeros((n,), dtype=x.dtype).at[dst].add(1.0)
    dinv = jnp.where(deg > 0, deg ** -0.5, 0.0)
    coef = dinv[src] * dinv[dst]
    msg = jnp.take(xw, src, axis=0) * coef[:, None]
    out = jnp.zeros((n, W.shape[1]), dtype=x.dtype).at[dst].add(msg)
    return out + b


def reference(x, edge_index, W1, b1, W2, b2):
    n = x.shape[0]
    loops = jnp.arange(n, dtype=edge_index.dtype)
    src = jnp.concatenate([edge_index[0], loops])
    dst = jnp.concatenate([edge_index[1], loops])
    # layer 1 + relu (dropout is identity in eval mode)
    h = _gcn_conv(x, src, dst, W1, b1)
    h = jax.nn.relu(h)
    # layer 2 (final, no activation)
    out = _gcn_conv(h, src, dst, W2, b2)
    return out

if __name__ == "__main__":
    import jax
    _d = setup_inputs()
    print(jax.jit(kernel)(*tuple(_d.values())))

</pallas_src>

<mosaic_0001>
#map = affine_map<(d0, d1) -> (0, 0)>
#map1 = affine_map<(d0, d1) -> (0, 0, 0)>
module attributes {stable_mosaic.version = 14 : i64} {
  func.func @edge_kernel(%arg0: i32, %arg1: i32, %arg2: memref<10240x64xf32, #tpu.memory_space<hbm>>, %arg3: memref<2560x128xi32, #tpu.memory_space<hbm>>, %arg4: memref<2560x128xi32, #tpu.memory_space<hbm>>, %arg5: memref<2x10240x64xf32, #tpu.memory_space<hbm>>, %arg6: memref<148x128xi32, #tpu.memory_space<vmem>>, %arg7: memref<148x128xi32, #tpu.memory_space<vmem>>, %arg8: memref<4x128x64xf32, #tpu.memory_space<vmem>>, %arg9: memref<10240x64xf32, #tpu.memory_space<vmem_shared>>, %arg10: memref<4x!tpu.dma_semaphore, #tpu.memory_space<semaphore_mem>>, %arg11: memref<4x!tpu.dma_semaphore, #tpu.memory_space<semaphore_mem>>) attributes {dimension_semantics = [#tpu.dimension_semantics<core_parallel>, #tpu.dimension_semantics<subcore_parallel>], iteration_bounds = array<i64: 2, 16>, scalar_prefetch = 0 : i64, scratch_operands = 6 : i64, tpu.core_type = #tpu.core_type<sc_vector_subcore>, window_params = [{transform_indices = #map}, {transform_indices = #map}, {transform_indices = #map}, {transform_indices = #map1}]} {
    %mul3A = arith.constant 640 : i32
    %mul3A_0 = arith.muli %arg1, %mul3A : i32
    %scan3A = arith.constant 0 : i32
    %scan3A_1 = arith.constant 0 : i32
    %scan3A_2 = arith.constant 128 : i32
    %scan3A_3 = arith.addi %scan3A_1, %scan3A_2 : i32
    %scan3A_4 = arith.constant 1 : i32
    scf.for %scan3A_455 = %scan3A_1 to %scan3A_3 step %scan3A_4  : i32 {
      %broadcast_in_dim3A = arith.constant 0.000000e+00 : f32
      %broadcast_in_dim3A_456 = vector.broadcast %broadcast_in_dim3A : f32 to vector<16xf32>
      %swap3A = arith.constant 0 : i32
      %swap3A_457 = arith.index_cast %swap3A : i32 to index
      %swap3A_458 = arith.index_cast %scan3A_455 : i32 to index
      %swap3A_459 = arith.constant 0 : index
      %swap3A_460 = tpu.vector_load %arg8[%swap3A_457, %swap3A_458, %swap3A_459] {strides = array<i32>} : memref<4x128x64xf32, #tpu.memory_space<vmem>>, vector<1x1x16xf32>,
      %swap3A_461 = vector.shape_cast %swap3A_460 : vector<1x1x16xf32> to vector<16xf32>
      %swap3A_462 = vector.shape_cast %broadcast_in_dim3A_456 : vector<16xf32> to vector<1x1x16xf32>
      tpu.vector_store %arg8[%swap3A_457, %swap3A_458, %swap3A_459], %swap3A_462 {strides = array<i32>} : memref<4x128x64xf32, #tpu.memory_space<vmem>>, vector<1x1x16xf32>,
      %broadcast_in_dim3A_463 = arith.constant 0.000000e+00 : f32
      %broadcast_in_dim3A_464 = vector.broadcast %broadcast_in_dim3A_463 : f32 to vector<16xf32>
      %swap3A_465 = arith.constant 0 : i32
      %swap3A_466 = arith.index_cast %swap3A_465 : i32 to index
      %swap3A_467 = arith.index_cast %scan3A_455 : i32 to index
      %swap3A_468 = arith.constant 16 : index
      %swap3A_469 = tpu.vector_load %arg8[%swap3A_466, %swap3A_467, %swap3A_468] {strides = array<i32>} : memref<4x128x64xf32, #tpu.memory_space<vmem>>, vector<1x1x16xf32>,
      %swap3A_470 = vector.shape_cast %swap3A_469 : vector<1x1x16xf32> to vector<16xf32>
      %swap3A_471 = vector.shape_cast %broadcast_in_dim3A_464 : vector<16xf32> to vector<1x1x16xf32>
      tpu.vector_store %arg8[%swap3A_466, %swap3A_467, %swap3A_468], %swap3A_471 {strides = array<i32>} : memref<4x128x64xf32, #tpu.memory_space<vmem>>, vector<1x1x16xf32>,
      %broadcast_in_dim3A_472 = arith.constant 0.000000e+00 : f32
      %broadcast_in_dim3A_473 = vector.broadcast %broadcast_in_dim3A_472 : f32 to vector<16xf32>
      %swap3A_474 = arith.constant 0 : i32
      %swap3A_475 = arith.index_cast %swap3A_474 : i32 to index
      %swap3A_476 = arith.index_cast %scan3A_455 : i32 to index
      %swap3A_477 = arith.constant 32 : index
      %swap3A_478 = tpu.vector_load %arg8[%swap3A_475, %swap3A_476, %swap3A_477] {strides = array<i32>} : memref<4x128x64xf32, #tpu.memory_space<vmem>>, vector<1x1x16xf32>,
      %swap3A_479 = vector.shape_cast %swap3A_478 : vector<1x1x16xf32> to vector<16xf32>
      %swap3A_480 = vector.shape_cast %broadcast_in_dim3A_473 : vector<16xf32> to vector<1x1x16xf32>
      tpu.vector_store %arg8[%swap3A_475, %swap3A_476, %swap3A_477], %swap3A_480 {strides = array<i32>} : memref<4x128x64xf32, #tpu.memory_space<vmem>>, vector<1x1x16xf32>,
      %broadcast_in_dim3A_481 = arith.constant 0.000000e+00 : f32
      %broadcast_in_dim3A_482 = vector.broadcast %broadcast_in_dim3A_481 : f32 to vector<16xf32>
      %swap3A_483 = arith.constant 0 : i32
      %swap3A_484 = arith.index_cast %swap3A_483 : i32 to index
      %swap3A_485 = arith.index_cast %scan3A_455 : i32 to index
      %swap3A_486 = arith.constant 48 : index
      %swap3A_487 = tpu.vector_load %arg8[%swap3A_484, %swap3A_485, %swap3A_486] {strides = array<i32>} : memref<4x128x64xf32, #tpu.memory_space<vmem>>, vector<1x1x16xf32>,
      %swap3A_488 = vector.shape_cast %swap3A_487 : vector<1x1x16xf32> to vector<16xf32>
      %swap3A_489 = vector.shape_cast %broadcast_in_dim3A_482 : vector<16xf32> to vector<1x1x16xf32>
      tpu.vector_store %arg8[%swap3A_484, %swap3A_485, %swap3A_486], %swap3A_489 {strides = array<i32>} : memref<4x128x64xf32, #tpu.memory_space<vmem>>, vector<1x1x16xf32>,
    }
    %scan3A_5 = arith.constant 128 : i32
    %add3A = arith.constant 0 : i32
    %add3A_6 = arith.addi %mul3A_0, %add3A : i32
    %run_scoped3A = arith.constant 0 : i32
    "tpu.region"() ({
      %run_scoped3A_455 = tpu.sem_alloc : memref<!tpu.dma_semaphore, #tpu.memory_space<semaphore_mem>>
      %dma_start3A_456 = arith.constant 0 : i32
      %dma_start3A_457 = arith.constant 0 : i32
      %dma_start3A_458 = tpu.memref_slice %arg8[%run_scoped3A, %dma_start3A_456, %dma_start3A_457] : memref<4x128x64xf32, #tpu.memory_space<vmem>> -> memref<1x128x64xf32, #tpu.memory_space<vmem>>
      %dma_start3A_459 = tpu.memref_squeeze %dma_start3A_458 : memref<1x128x64xf32, #tpu.memory_space<vmem>> -> memref<128x64xf32, #tpu.memory_space<vmem>>
      %dma_start3A_460 = arith.constant 0 : i32
      %dma_start3A_461 = tpu.memref_slice %arg9[%add3A_6, %dma_start3A_460] : memref<10240x64xf32, #tpu.memory_space<vmem_shared>> -> memref<128x64xf32, #tpu.memory_space<vmem_shared>>
      %dma_start3A_462 = arith.constant 0 : i32
      %dma_start3A_463 = tpu.memref_slice %arg9[%add3A_6, %dma_start3A_462] : memref<10240x64xf32, #tpu.memory_space<vmem_shared>> -> memref<128x64xf32, #tpu.memory_space<vmem_shared>>
      %dma_start3A_464 = arith.constant 0 : i32
      %dma_start3A_465 = arith.constant 0 : i32
      %dma_start3A_466 = tpu.memref_slice %arg8[%run_scoped3A, %dma_start3A_464, %dma_start3A_465] : memref<4x128x64xf32, #tpu.memory_space<vmem>> -> memref<1x128x64xf32, #tpu.memory_space<vmem>>
      %dma_start3A_467 = tpu.memref_squeeze %dma_start3A_466 : memref<1x128x64xf32, #tpu.memory_space<vmem>> -> memref<128x64xf32, #tpu.memory_space<vmem>>
      tpu.enqueue_dma source(%dma_start3A_467 : memref<128x64xf32, #tpu.memory_space<vmem>>) target(%dma_start3A_463 : memref<128x64xf32, #tpu.memory_space<vmem_shared>>) target_semaphore(%run_scoped3A_455 : memref<!tpu.dma_semaphore, #tpu.memory_space<semaphore_mem>>)
      %dma_wait3A_468 = arith.constant 0 : i32
      %dma_wait3A_469 = arith.constant 0 : i32
      %dma_wait3A_470 = tpu.memref_slice %arg8[%run_scoped3A, %dma_wait3A_468, %dma_wait3A_469] : memref<4x128x64xf32, #tpu.memory_space<vmem>> -> memref<1x128x64xf32, #tpu.memory_space<vmem>>
      %dma_wait3A_471 = tpu.memref_squeeze %dma_wait3A_470 : memref<1x128x64xf32, #tpu.memory_space<vmem>> -> memref<128x64xf32, #tpu.memory_space<vmem>>
      %dma_wait3A_472 = arith.constant 0 : i32
      %dma_wait3A_473 = tpu.memref_slice %arg9[%add3A_6, %dma_wait3A_472] : memref<10240x64xf32, #tpu.memory_space<vmem_shared>> -> memref<128x64xf32, #tpu.memory_space<vmem_shared>>
      %dma_wait3A_474 = arith.constant 0 : i32
      %dma_wait3A_475 = tpu.memref_slice %arg9[%add3A_6, %dma_wait3A_474] : memref<10240x64xf32, #tpu.memory_space<vmem_shared>> -> memref<128x64xf32, #tpu.memory_space<vmem_shared>>
      %dma_wait3A_476 = arith.constant 0 : i32
      %dma_wait3A_477 = arith.constant 0 : i32
      %dma_wait3A_478 = tpu.memref_slice %arg8[%run_scoped3A, %dma_wait3A_476, %dma_wait3A_477] : memref<4x128x64xf32, #tpu.memory_space<vmem>> -> memref<1x128x64xf32, #tpu.memory_space<vmem>>
      %dma_wait3A_479 = tpu.memref_squeeze %dma_wait3A_478 : memref<1x128x64xf32, #tpu.memory_space<vmem>> -> memref<128x64xf32, #tpu.memory_space<vmem>>
      tpu.wait_dma2 semaphore(%run_scoped3A_455 : memref<!tpu.dma_semaphore, #tpu.memory_space<semaphore_mem>>) src(%dma_wait3A_479 : memref<128x64xf32, #tpu.memory_space<vmem>>) dst(%dma_wait3A_475 : memref<128x64xf32, #tpu.memory_space<vmem_shared>>)
      tpu.yield
    }) : () -> ()
    %add3A_7 = arith.constant 128 : i32
    %add3A_8 = arith.addi %mul3A_0, %add3A_7 : i32
    %run_scoped3A_9 = arith.constant 0 : i32
    "tpu.region"() ({
      %run_scoped3A_455 = tpu.sem_alloc : memref<!tpu.dma_semaphore, #tpu.memory_space<semaphore_mem>>
      %dma_start3A_456 = arith.constant 0 : i32
      %dma_start3A_457 = arith.constant 0 : i32
      %dma_start3A_458 = tpu.memref_slice %arg8[%run_scoped3A_9, %dma_start3A_456, %dma_start3A_457] : memref<4x128x64xf32, #tpu.memory_space<vmem>> -> memref<1x128x64xf32, #tpu.memory_space<vmem>>
      %dma_start3A_459 = tpu.memref_squeeze %dma_start3A_458 : memref<1x128x64xf32, #tpu.memory_space<vmem>> -> memref<128x64xf32, #tpu.memory_space<vmem>>
      %dma_start3A_460 = arith.constant 0 : i32
      %dma_start3A_461 = tpu.memref_slice %arg9[%add3A_8, %dma_start3A_460] : memref<10240x64xf32, #tpu.memory_space<vmem_shared>> -> memref<128x64xf32, #tpu.memory_space<vmem_shared>>
      %dma_start3A_462 = arith.constant 0 : i32
      %dma_start3A_463 = tpu.memref_slice %arg9[%add3A_8, %dma_start3A_462] : memref<10240x64xf32, #tpu.memory_space<vmem_shared>> -> memref<128x64xf32, #tpu.memory_space<vmem_shared>>
      %dma_start3A_464 = arith.constant 0 : i32
      %dma_start3A_465 = arith.constant 0 : i32
      %dma_start3A_466 = tpu.memref_slice %arg8[%run_scoped3A_9, %dma_start3A_464, %dma_start3A_465] : memref<4x128x64xf32, #tpu.memory_space<vmem>> -> memref<1x128x64xf32, #tpu.memory_space<vmem>>
      %dma_start3A_467 = tpu.memref_squeeze %dma_start3A_466 : memref<1x128x64xf32, #tpu.memory_space<vmem>> -> memref<128x64xf32, #tpu.memory_space<vmem>>
      tpu.enqueue_dma source(%dma_start3A_467 : memref<128x64xf32, #tpu.memory_space<vmem>>) target(%dma_start3A_463 : memref<128x64xf32, #tpu.memory_space<vmem_shared>>) target_semaphore(%run_scoped3A_455 : memref<!tpu.dma_semaphore, #tpu.memory_space<semaphore_mem>>)
      %dma_wait3A_468 = arith.constant 0 : i32
      %dma_wait3A_469 = arith.constant 0 : i32
      %dma_wait3A_470 = tpu.memref_slice %arg8[%run_scoped3A_9, %dma_wait3A_468, %dma_wait3A_469] : memref<4x128x64xf32, #tpu.memory_space<vmem>> -> memref<1x128x64xf32, #tpu.memory_space<vmem>>
      %dma_wait3A_471 = tpu.memref_squeeze %dma_wait3A_470 : memref<1x128x64xf32, #tpu.memory_space<vmem>> -> memref<128x64xf32, #tpu.memory_space<vmem>>
      %dma_wait3A_472 = arith.constant 0 : i32
      %dma_wait3A_473 = tpu.memref_slice %arg9[%add3A_8, %dma_wait3A_472] : memref<10240x64xf32, #tpu.memory_space<vmem_shared>> -> memref<128x64xf32, #tpu.memory_space<vmem_shared>>
      %dma_wait3A_474 = arith.constant 0 : i32
      %dma_wait3A_475 = tpu.memref_slice %arg9[%add3A_8, %dma_wait3A_474] : memref<10240x64xf32, #tpu.memory_space<vmem_shared>> -> memref<128x64xf32, #tpu.memory_space<vmem_shared>>
      %dma_wait3A_476 = arith.constant 0 : i32
      %dma_wait3A_477 = arith.constant 0 : i32
      %dma_wait3A_478 = tpu.memref_slice %arg8[%run_scoped3A_9, %dma_wait3A_476, %dma_wait3A_477] : memref<4x128x64xf32, #tpu.memory_space<vmem>> -> memref<1x128x64xf32, #tpu.memory_space<vmem>>
      %dma_wait3A_479 = tpu.memref_squeeze %dma_wait3A_478 : memref<1x128x64xf32, #tpu.memory_space<vmem>> -> memref<128x64xf32, #tpu.memory_space<vmem>>
      tpu.wait_dma2 semaphore(%run_scoped3A_455 : memref<!tpu.dma_semaphore, #tpu.memory_space<semaphore_mem>>) src(%dma_wait3A_479 : memref<128x64xf32, #tpu.memory_space<vmem>>) dst(%dma_wait3A_475 : memref<128x64xf32, #tpu.memory_space<vmem_shared>>)
      tpu.yield
    }) : () -> ()
    %add3A_10 = arith.constant 256 : i32
    %add3A_11 = arith.addi %mul3A_0, %add3A_10 : i32
    %run_scoped3A_12 = arith.constant 0 : i32
    "tpu.region"() ({
      %run_scoped3A_455 = tpu.sem_alloc : memref<!tpu.dma_semaphore, #tpu.memory_space<semaphore_mem>>
      %dma_start3A_456 = arith.constant 0 : i32
      %dma_start3A_457 = arith.constant 0 : i32
      %dma_start3A_458 = tpu.memref_slice %arg8[%run_scoped3A_12, %dma_start3A_456, %dma_start3A_457] : memref<4x128x64xf32, #tpu.memory_space<vmem>> -> memref<1x128x64xf32, #tpu.memory_space<vmem>>
      %dma_start3A_459 = tpu.memref_squeeze %dma_start3A_458 : memref<1x128x64xf32, #tpu.memory_space<vmem>> -> memref<128x64xf32, #tpu.memory_space<vmem>>
      %dma_start3A_460 = arith.constant 0 : i32
      %dma_start3A_461 = tpu.memref_slice %arg9[%add3A_11, %dma_start3A_460] : memref<10240x64xf32, #tpu.memory_space<vmem_shared>> -> memref<128x64xf32, #tpu.memory_space<vmem_shared>>
      %dma_start3A_462 = arith.constant 0 : i32
      %dma_start3A_463 = tpu.memref_slice %arg9[%add3A_11, %dma_start3A_462] : memref<10240x64xf32, #tpu.memory_space<vmem_shared>> -> memref<128x64xf32, #tpu.memory_space<vmem_shared>>
      %dma_start3A_464 = arith.constant 0 : i32
      %dma_start3A_465 = arith.constant 0 : i32
      %dma_start3A_466 = tpu.memref_slice %arg8[%run_scoped3A_12, %dma_start3A_464, %dma_start3A_465] : memref<4x128x64xf32, #tpu.memory_space<vmem>> -> memref<1x128x64xf32, #tpu.memory_space<vmem>>
      %dma_start3A_467 = tpu.memref_squeeze %dma_start3A_466 : memref<1x128x64xf32, #tpu.memory_space<vmem>> -> memref<128x64xf32, #tpu.memory_space<vmem>>
      tpu.enqueue_dma source(%dma_start3A_467 : memref<128x64xf32, #tpu.memory_space<vmem>>) target(%dma_start3A_463 : memref<128x64xf32, #tpu.memory_space<vmem_shared>>) target_semaphore(%run_scoped3A_455 : memref<!tpu.dma_semaphore, #tpu.memory_space<semaphore_mem>>)
      %dma_wait3A_468 = arith.constant 0 : i32
      %dma_wait3A_469 = arith.constant 0 : i32
      %dma_wait3A_470 = tpu.memref_slice %arg8[%run_scoped3A_12, %dma_wait3A_468, %dma_wait3A_469] : memref<4x128x64xf32, #tpu.memory_space<vmem>> -> memref<1x128x64xf32, #tpu.memory_space<vmem>>
      %dma_wait3A_471 = tpu.memref_squeeze %dma_wait3A_470 : memref<1x128x64xf32, #tpu.memory_space<vmem>> -> memref<128x64xf32, #tpu.memory_space<vmem>>
      %dma_wait3A_472 = arith.constant 0 : i32
      %dma_wait3A_473 = tpu.memref_slice %arg9[%add3A_11, %dma_wait3A_472] : memref<10240x64xf32, #tpu.memory_space<vmem_shared>> -> memref<128x64xf32, #tpu.memory_space<vmem_shared>>
      %dma_wait3A_474 = arith.constant 0 : i32
      %dma_wait3A_475 = tpu.memref_slice %arg9[%add3A_11, %dma_wait3A_474] : memref<10240x64xf32, #tpu.memory_space<vmem_shared>> -> memref<128x64xf32, #tpu.memory_space<vmem_shared>>
      %dma_wait3A_476 = arith.constant 0 : i32
      %dma_wait3A_477 = arith.constant 0 : i32
      %dma_wait3A_478 = tpu.memref_slice %arg8[%run_scoped3A_12, %dma_wait3A_476, %dma_wait3A_477] : memref<4x128x64xf32, #tpu.memory_space<vmem>> -> memref<1x128x64xf32, #tpu.memory_space<vmem>>
      %dma_wait3A_479 = tpu.memref_squeeze %dma_wait3A_478 : memref<1x128x64xf32, #tpu.memory_space<vmem>> -> memref<128x64xf32, #tpu.memory_space<vmem>>
      tpu.wait_dma2 semaphore(%run_scoped3A_455 : memref<!tpu.dma_semaphore, #tpu.memory_space<semaphore_mem>>) src(%dma_wait3A_479 : memref<128x64xf32, #tpu.memory_space<vmem>>) dst(%dma_wait3A_475 : memref<128x64xf32, #tpu.memory_space<vmem_shared>>)
      tpu.yield
    }) : () -> ()
    %add3A_13 = arith.constant 384 : i32
    %add3A_14 = arith.addi %mul3A_0, %add3A_13 : i32
    %run_scoped3A_15 = arith.constant 0 : i32
    "tpu.region"() ({
      %run_scoped3A_455 = tpu.sem_alloc : memref<!tpu.dma_semaphore, #tpu.memory_space<semaphore_mem>>
      %dma_start3A_456 = arith.constant 0 : i32
      %dma_start3A_457 = arith.constant 0 : i32
      %dma_start3A_458 = tpu.memref_slice %arg8[%run_scoped3A_15, %dma_start3A_456, %dma_start3A_457] : memref<4x128x64xf32, #tpu.memory_space<vmem>> -> memref<1x128x64xf32, #tpu.memory_space<vmem>>
      %dma_start3A_459 = tpu.memref_squeeze %dma_start3A_458 : memref<1x128x64xf32, #tpu.memory_space<vmem>> -> memref<128x64xf32, #tpu.memory_space<vmem>>
      %dma_start3A_460 = arith.constant 0 : i32
      %dma_start3A_461 = tpu.memref_slice %arg9[%add3A_14, %dma_start3A_460] : memref<10240x64xf32, #tpu.memory_space<vmem_shared>> -> memref<128x64xf32, #tpu.memory_space<vmem_shared>>
      %dma_start3A_462 = arith.constant 0 : i32
      %dma_start3A_463 = tpu.memref_slice %arg9[%add3A_14, %dma_start3A_462] : memref<10240x64xf32, #tpu.memory_space<vmem_shared>> -> memref<128x64xf32, #tpu.memory_space<vmem_shared>>
      %dma_start3A_464 = arith.constant 0 : i32
      %dma_start3A_465 = arith.constant 0 : i32
      %dma_start3A_466 = tpu.memref_slice %arg8[%run_scoped3A_15, %dma_start3A_464, %dma_start3A_465] : memref<4x128x64xf32, #tpu.memory_space<vmem>> -> memref<1x128x64xf32, #tpu.memory_space<vmem>>
      %dma_start3A_467 = tpu.memref_squeeze %dma_start3A_466 : memref<1x128x64xf32, #tpu.memory_space<vmem>> -> memref<128x64xf32, #tpu.memory_space<vmem>>
      tpu.enqueue_dma source(%dma_start3A_467 : memref<128x64xf32, #tpu.memory_space<vmem>>) target(%dma_start3A_463 : memref<128x64xf32, #tpu.memory_space<vmem_shared>>) target_semaphore(%run_scoped3A_455 : memref<!tpu.dma_semaphore, #tpu.memory_space<semaphore_mem>>)
      %dma_wait3A_468 = arith.constant 0 : i32
      %dma_wait3A_469 = arith.constant 0 : i32
      %dma_wait3A_470 = tpu.memref_slice %arg8[%run_scoped3A_15, %dma_wait3A_468, %dma_wait3A_469] : memref<4x128x64xf32, #tpu.memory_space<vmem>> -> memref<1x128x64xf32, #tpu.memory_space<vmem>>
      %dma_wait3A_471 = tpu.memref_squeeze %dma_wait3A_470 : memref<1x128x64xf32, #tpu.memory_space<vmem>> -> memref<128x64xf32, #tpu.memory_space<vmem>>
      %dma_wait3A_472 = arith.constant 0 : i32
      %dma_wait3A_473 = tpu.memref_slice %arg9[%add3A_14, %dma_wait3A_472] : memref<10240x64xf32, #tpu.memory_space<vmem_shared>> -> memref<128x64xf32, #tpu.memory_space<vmem_shared>>
      %dma_wait3A_474 = arith.constant 0 : i32
      %dma_wait3A_475 = tpu.memref_slice %arg9[%add3A_14, %dma_wait3A_474] : memref<10240x64xf32, #tpu.memory_space<vmem_shared>> -> memref<128x64xf32, #tpu.memory_space<vmem_shared>>
      %dma_wait3A_476 = arith.constant 0 : i32
      %dma_wait3A_477 = arith.constant 0 : i32
      %dma_wait3A_478 = tpu.memref_slice %arg8[%run_scoped3A_15, %dma_wait3A_476, %dma_wait3A_477] : memref<4x128x64xf32, #tpu.memory_space<vmem>> -> memref<1x128x64xf32, #tpu.memory_space<vmem>>
      %dma_wait3A_479 = tpu.memref_squeeze %dma_wait3A_478 : memref<1x128x64xf32, #tpu.memory_space<vmem>> -> memref<128x64xf32, #tpu.memory_space<vmem>>
      tpu.wait_dma2 semaphore(%run_scoped3A_455 : memref<!tpu.dma_semaphore, #tpu.memory_space<semaphore_mem>>) src(%dma_wait3A_479 : memref<128x64xf32, #tpu.memory_space<vmem>>) dst(%dma_wait3A_475 : memref<128x64xf32, #tpu.memory_space<vmem_shared>>)
      tpu.yield
    }) : () -> ()
    %add3A_16 = arith.constant 512 : i32
    %add3A_17 = arith.addi %mul3A_0, %add3A_16 : i32
    %run_scoped3A_18 = arith.constant 0 : i32
    "tpu.region"() ({
      %run_scoped3A_455 = tpu.sem_alloc : memref<!tpu.dma_semaphore, #tpu.memory_space<semaphore_mem>>
      %dma_start3A_456 = arith.constant 0 : i32
      %dma_start3A_457 = arith.constant 0 : i32
      %dma_start3A_458 = tpu.memref_slice %arg8[%run_scoped3A_18, %dma_start3A_456, %dma_start3A_457] : memref<4x128x64xf32, #tpu.memory_space<vmem>> -> memref<1x128x64xf32, #tpu.memory_space<vmem>>
      %dma_start3A_459 = tpu.memref_squeeze %dma_start3A_458 : memref<1x128x64xf32, #tpu.memory_space<vmem>> -> memref<128x64xf32, #tpu.memory_space<vmem>>
      %dma_start3A_460 = arith.constant 0 : i32
      %dma_start3A_461 = tpu.memref_slice %arg9[%add3A_17, %dma_start3A_460] : memref<10240x64xf32, #tpu.memory_space<vmem_shared>> -> memref<128x64xf32, #tpu.memory_space<vmem_shared>>
      %dma_start3A_462 = arith.constant 0 : i32
      %dma_start3A_463 = tpu.memref_slice %arg9[%add3A_17, %dma_start3A_462] : memref<10240x64xf32, #tpu.memory_space<vmem_shared>> -> memref<128x64xf32, #tpu.memory_space<vmem_shared>>
      %dma_start3A_464 = arith.constant 0 : i32
      %dma_start3A_465 = arith.constant 0 : i32
      %dma_start3A_466 = tpu.memref_slice %arg8[%run_scoped3A_18, %dma_start3A_464, %dma_start3A_465] : memref<4x128x64xf32, #tpu.memory_space<vmem>> -> memref<1x128x64xf32, #tpu.memory_space<vmem>>
      %dma_start3A_467 = tpu.memref_squeeze %dma_start3A_466 : memref<1x128x64xf32, #tpu.memory_space<vmem>> -> memref<128x64xf32, #tpu.memory_space<vmem>>
      tpu.enqueue_dma source(%dma_start3A_467 : memref<128x64xf32, #tpu.memory_space<vmem>>) target(%dma_start3A_463 : memref<128x64xf32, #tpu.memory_space<vmem_shared>>) target_semaphore(%run_scoped3A_455 : memref<!tpu.dma_semaphore, #tpu.memory_space<semaphore_mem>>)
      %dma_wait3A_468 = arith.constant 0 : i32
      %dma_wait3A_469 = arith.constant 0 : i32
      %dma_wait3A_470 = tpu.memref_slice %arg8[%run_scoped3A_18, %dma_wait3A_468, %dma_wait3A_469] : memref<4x128x64xf32, #tpu.memory_space<vmem>> -> memref<1x128x64xf32, #tpu.memory_space<vmem>>
      %dma_wait3A_471 = tpu.memref_squeeze %dma_wait3A_470 : memref<1x128x64xf32, #tpu.memory_space<vmem>> -> memref<128x64xf32, #tpu.memory_space<vmem>>
      %dma_wait3A_472 = arith.constant 0 : i32
      %dma_wait3A_473 = tpu.memref_slice %arg9[%add3A_17, %dma_wait3A_472] : memref<10240x64xf32, #tpu.memory_space<vmem_shared>> -> memref<128x64xf32, #tpu.memory_space<vmem_shared>>
      %dma_wait3A_474 = arith.constant 0 : i32
      %dma_wait3A_475 = tpu.memref_slice %arg9[%add3A_17, %dma_wait3A_474] : memref<10240x64xf32, #tpu.memory_space<vmem_shared>> -> memref<128x64xf32, #tpu.memory_space<vmem_shared>>
      %dma_wait3A_476 = arith.constant 0 : i32
      %dma_wait3A_477 = arith.constant 0 : i32
      %dma_wait3A_478 = tpu.memref_slice %arg8[%run_scoped3A_18, %dma_wait3A_476, %dma_wait3A_477] : memref<4x128x64xf32, #tpu.memory_space<vmem>> -> memref<1x128x64xf32, #tpu.memory_space<vmem>>
      %dma_wait3A_479 = tpu.memref_squeeze %dma_wait3A_478 : memref<1x128x64xf32, #tpu.memory_space<vmem>> -> memref<128x64xf32, #tpu.memory_space<vmem>>
      tpu.wait_dma2 semaphore(%run_scoped3A_455 : memref<!tpu.dma_semaphore, #tpu.memory_space<semaphore_mem>>) src(%dma_wait3A_479 : memref<128x64xf32, #tpu.memory_space<vmem>>) dst(%dma_wait3A_475 : memref<128x64xf32, #tpu.memory_space<vmem_shared>>)
      tpu.yield
    }) : () -> ()
    %eq3A = arith.constant 0 : i32
    %eq3A_19 = arith.cmpi eq, %arg0, %eq3A : i32
    %convert_element_type3A = arith.extui %eq3A_19 : i1 to i32
    %cond3A = arith.constant 0 : i32
    %cond3A_20 = arith.cmpi ne, %convert_element_type3A, %cond3A : i32
    scf.if %cond3A_20 {
      %mul3A_455 = arith.constant 148 : i32
      %mul3A_456 = arith.muli %arg1, %mul3A_455 : i32
      "tpu.region"() ({
        %run_scoped3A_457 = tpu.sem_alloc : memref<!tpu.dma_semaphore, #tpu.memory_space<semaphore_mem>>
        %dma_start3A_458 = arith.constant 0 : i32
        %dma_start3A_459 = arith.constant 0 : i32
        %dma_start3A_460 = tpu.memref_slice %arg6[%dma_start3A_458, %dma_start3A_459] : memref<148x128xi32, #tpu.memory_space<vmem>> -> memref<148x128xi32, #tpu.memory_space<vmem>>
        %dma_start3A_461 = arith.constant 0 : i32
        %dma_start3A_462 = tpu.memref_slice %arg3[%mul3A_456, %dma_start3A_461] : memref<2560x128xi32, #tpu.memory_space<hbm>> -> memref<148x128xi32, #tpu.memory_space<hbm>>
        %dma_start3A_463 = arith.constant 0 : i32
        %dma_start3A_464 = arith.constant 0 : i32
        %dma_start3A_465 = tpu.memref_slice %arg6[%dma_start3A_463, %dma_start3A_464] : memref<148x128xi32, #tpu.memory_space<vmem>> -> memref<148x128xi32, #tpu.memory_space<vmem>>
        %dma_start3A_466 = arith.constant 0 : i32
        %dma_start3A_467 = tpu.memref_slice %arg3[%mul3A_456, %dma_start3A_466] : memref<2560x128xi32, #tpu.memory_space<hbm>> -> memref<148x128xi32, #tpu.memory_space<hbm>>
        tpu.enqueue_dma source(%dma_start3A_467 : memref<148x128xi32, #tpu.memory_space<hbm>>) target(%dma_start3A_465 : memref<148x128xi32, #tpu.memory_space<vmem>>) target_semaphore(%run_scoped3A_457 : memref<!tpu.dma_semaphore, #tpu.memory_space<semaphore_mem>>)
        %dma_wait3A_468 = arith.constant 0 : i32
        %dma_wait3A_469 = arith.constant 0 : i32
        %dma_wait3A_470 = tpu.memref_slice %arg6[%dma_wait3A_468, %dma_wait3A_469] : memref<148x128xi32, #tpu.memory_space<vmem>> -> memref<148x128xi32, #tpu.memory_space<vmem>>
        %dma_wait3A_471 = arith.constant 0 : i32
        %dma_wait3A_472 = tpu.memref_slice %arg3[%mul3A_456, %dma_wait3A_471] : memref<2560x128xi32, #tpu.memory_space<hbm>> -> memref<148x128xi32, #tpu.memory_space<hbm>>
        %dma_wait3A_473 = arith.constant 0 : i32
        %dma_wait3A_474 = arith.constant 0 : i32
        %dma_wait3A_475 = tpu.memref_slice %arg6[%dma_wait3A_473, %dma_wait3A_474] : memref<148x128xi32, #tpu.memory_space<vmem>> -> memref<148x128xi32, #tpu.memory_space<vmem>>
        %dma_wait3A_476 = arith.constant 0 : i32
        %dma_wait3A_477 = tpu.memref_slice %arg3[%mul3A_456, %dma_wait3A_476] : memref<2560x128xi32, #tpu.memory_space<hbm>> -> memref<148x128xi32, #tpu.memory_space<hbm>>
        tpu.wait_dma2 semaphore(%run_scoped3A_457 : memref<!tpu.dma_semaphore, #tpu.memory_space<semaphore_mem>>) src(%dma_wait3A_477 : memref<148x128xi32, #tpu.memory_space<hbm>>) dst(%dma_wait3A_475 : memref<148x128xi32, #tpu.memory_space<vmem>>)
        tpu.yield
      }) : () -> ()
      "tpu.region"() ({
        %run_scoped3A_457 = tpu.sem_alloc : memref<!tpu.dma_semaphore, #tpu.memory_space<semaphore_mem>>
        %dma_start3A_458 = arith.constant 0 : i32
        %dma_start3A_459 = arith.constant 0 : i32
        %dma_start3A_460 = tpu.memref_slice %arg7[%dma_start3A_458, %dma_start3A_459] : memref<148x128xi32, #tpu.memory_space<vmem>> -> memref<148x128xi32, #tpu.memory_space<vmem>>
        %dma_start3A_461 = arith.constant 0 : i32
        %dma_start3A_462 = tpu.memref_slice %arg4[%mul3A_456, %dma_start3A_461] : memref<2560x128xi32, #tpu.memory_space<hbm>> -> memref<148x128xi32, #tpu.memory_space<hbm>>
        %dma_start3A_463 = arith.constant 0 : i32
        %dma_start3A_464 = arith.constant 0 : i32
        %dma_start3A_465 = tpu.memref_slice %arg7[%dma_start3A_463, %dma_start3A_464] : memref<148x128xi32, #tpu.memory_space<vmem>> -> memref<148x128xi32, #tpu.memory_space<vmem>>
        %dma_start3A_466 = arith.constant 0 : i32
        %dma_start3A_467 = tpu.memref_slice %arg4[%mul3A_456, %dma_start3A_466] : memref<2560x128xi32, #tpu.memory_space<hbm>> -> memref<148x128xi32, #tpu.memory_space<hbm>>
        tpu.enqueue_dma source(%dma_start3A_467 : memref<148x128xi32, #tpu.memory_space<hbm>>) target(%dma_start3A_465 : memref<148x128xi32, #tpu.memory_space<vmem>>) target_semaphore(%run_scoped3A_457 : memref<!tpu.dma_semaphore, #tpu.memory_space<semaphore_mem>>)
        %dma_wait3A_468 = arith.constant 0 : i32
        %dma_wait3A_469 = arith.constant 0 : i32
        %dma_wait3A_470 = tpu.memref_slice %arg7[%dma_wait3A_468, %dma_wait3A_469] : memref<148x128xi32, #tpu.memory_space<vmem>> -> memref<148x128xi32, #tpu.memory_space<vmem>>
        %dma_wait3A_471 = arith.constant 0 : i32
        %dma_wait3A_472 = tpu.memref_slice %arg4[%mul3A_456, %dma_wait3A_471] : memref<2560x128xi32, #tpu.memory_space<hbm>> -> memref<148x128xi32, #tpu.memory_space<hbm>>
        %dma_wait3A_473 = arith.constant 0 : i32
        %dma_wait3A_474 = arith.constant 0 : i32
        %dma_wait3A_475 = tpu.memref_slice %arg7[%dma_wait3A_473, %dma_wait3A_474] : memref<148x128xi32, #tpu.memory_space<vmem>> -> memref<148x128xi32, #tpu.memory_space<vmem>>
        %dma_wait3A_476 = arith.constant 0 : i32
        %dma_wait3A_477 = tpu.memref_slice %arg4[%mul3A_456, %dma_wait3A_476] : memref<2560x128xi32, #tpu.memory_space<hbm>> -> memref<148x128xi32, #tpu.memory_space<hbm>>
        tpu.wait_dma2 semaphore(%run_scoped3A_457 : memref<!tpu.dma_semaphore, #tpu.memory_space<semaphore_mem>>) src(%dma_wait3A_477 : memref<148x128xi32, #tpu.memory_space<hbm>>) dst(%dma_wait3A_475 : memref<148x128xi32, #tpu.memory_space<vmem>>)
        tpu.yield
      }) : () -> ()
    } else {
    }
    %eq3A_21 = arith.constant 1 : i32
    %eq3A_22 = arith.cmpi eq, %arg0, %eq3A_21 : i32
    %convert_element_type3A_23 = arith.extui %eq3A_22 : i1 to i32
    %cond3A_24 = arith.constant 0 : i32
    %cond3A_25 = arith.cmpi ne, %convert_element_type3A_23, %cond3A_24 : i32
    scf.if %cond3A_25 {
      %mul3A_455 = arith.constant 12 : i32
      %mul3A_456 = arith.muli %arg1, %mul3A_455 : i32
      %add3A_457 = arith.constant 2368 : i32
      %add3A_458 = arith.addi %add3A_457, %mul3A_456 : i32
      "tpu.region"() ({
        %run_scoped3A_459 = tpu.sem_alloc : memref<!tpu.dma_semaphore, #tpu.memory_space<semaphore_mem>>
        %dma_start3A_460 = arith.constant 0 : i32
        %dma_start3A_461 = arith.constant 0 : i32
        %dma_start3A_462 = tpu.memref_slice %arg6[%dma_start3A_460, %dma_start3A_461] : memref<148x128xi32, #tpu.memory_space<vmem>> -> memref<12x128xi32, #tpu.memory_space<vmem>>
        %dma_start3A_463 = arith.constant 0 : i32
        %dma_start3A_464 = tpu.memref_slice %arg3[%add3A_458, %dma_start3A_463] : memref<2560x128xi32, #tpu.memory_space<hbm>> -> memref<12x128xi32, #tpu.memory_space<hbm>>
        %dma_start3A_465 = arith.constant 0 : i32
        %dma_start3A_466 = arith.constant 0 : i32
        %dma_start3A_467 = tpu.memref_slice %arg6[%dma_start3A_465, %dma_start3A_466] : memref<148x128xi32, #tpu.memory_space<vmem>> -> memref<12x128xi32, #tpu.memory_space<vmem>>
        %dma_start3A_468 = arith.constant 0 : i32
        %dma_start3A_469 = tpu.memref_slice %arg3[%add3A_458, %dma_start3A_468] : memref<2560x128xi32, #tpu.memory_space<hbm>> -> memref<12x128xi32, #tpu.memory_space<hbm>>
        tpu.enqueue_dma source(%dma_start3A_469 : memref<12x128xi32, #tpu.memory_space<hbm>>) target(%dma_start3A_467 : memref<12x128xi32, #tpu.memory_space<vmem>>) target_semaphore(%run_scoped3A_459 : memref<!tpu.dma_semaphore, #tpu.memory_space<semaphore_mem>>)
        %dma_wait3A_470 = arith.constant 0 : i32
        %dma_wait3A_471 = arith.constant 0 : i32
        %dma_wait3A_472 = tpu.memref_slice %arg6[%dma_wait3A_470, %dma_wait3A_471] : memref<148x128xi32, #tpu.memory_space<vmem>> -> memref<12x128xi32, #tpu.memory_space<vmem>>
        %dma_wait3A_473 = arith.constant 0 : i32
        %dma_wait3A_474 = tpu.memref_slice %arg3[%add3A_458, %dma_wait3A_473] : memref<2560x128xi32, #tpu.memory_space<hbm>> -> memref<12x128xi32, #tpu.memory_space<hbm>>
        %dma_wait3A_475 = arith.constant 0 : i32
        %dma_wait3A_476 = arith.constant 0 : i32
        %dma_wait3A_477 = tpu.memref_slice %arg6[%dma_wait3A_475, %dma_wait3A_476] : memref<148x128xi32, #tpu.memory_space<vmem>> -> memref<12x128xi32, #tpu.memory_space<vmem>>
        %dma_wait3A_478 = arith.constant 0 : i32
        %dma_wait3A_479 = tpu.memref_slice %arg3[%add3A_458, %dma_wait3A_478] : memref<2560x128xi32, #tpu.memory_space<hbm>> -> memref<12x128xi32, #tpu.memory_space<hbm>>
        tpu.wait_dma2 semaphore(%run_scoped3A_459 : memref<!tpu.dma_semaphore, #tpu.memory_space<semaphore_mem>>) src(%dma_wait3A_479 : memref<12x128xi32, #tpu.memory_space<hbm>>) dst(%dma_wait3A_477 : memref<12x128xi32, #tpu.memory_space<vmem>>)
        tpu.yield
      }) : () -> ()
      "tpu.region"() ({
        %run_scoped3A_459 = tpu.sem_alloc : memref<!tpu.dma_semaphore, #tpu.memory_space<semaphore_mem>>
        %dma_start3A_460 = arith.constant 0 : i32
        %dma_start3A_461 = arith.constant 0 : i32
        %dma_start3A_462 = tpu.memref_slice %arg7[%dma_start3A_460, %dma_start3A_461] : memref<148x128xi32, #tpu.memory_space<vmem>> -> memref<12x128xi32, #tpu.memory_space<vmem>>
        %dma_start3A_463 = arith.constant 0 : i32
        %dma_start3A_464 = tpu.memref_slice %arg4[%add3A_458, %dma_start3A_463] : memref<2560x128xi32, #tpu.memory_space<hbm>> -> memref<12x128xi32, #tpu.memory_space<hbm>>
        %dma_start3A_465 = arith.constant 0 : i32
        %dma_start3A_466 = arith.constant 0 : i32
        %dma_start3A_467 = tpu.memref_slice %arg7[%dma_start3A_465, %dma_start3A_466] : memref<148x128xi32, #tpu.memory_space<vmem>> -> memref<12x128xi32, #tpu.memory_space<vmem>>
        %dma_start3A_468 = arith.constant 0 : i32
        %dma_start3A_469 = tpu.memref_slice %arg4[%add3A_458, %dma_start3A_468] : memref<2560x128xi32, #tpu.memory_space<hbm>> -> memref<12x128xi32, #tpu.memory_space<hbm>>
        tpu.enqueue_dma source(%dma_start3A_469 : memref<12x128xi32, #tpu.memory_space<hbm>>) target(%dma_start3A_467 : memref<12x128xi32, #tpu.memory_space<vmem>>) target_semaphore(%run_scoped3A_459 : memref<!tpu.dma_semaphore, #tpu.memory_space<semaphore_mem>>)
        %dma_wait3A_470 = arith.constant 0 : i32
        %dma_wait3A_471 = arith.constant 0 : i32
        %dma_wait3A_472 = tpu.memref_slice %arg7[%dma_wait3A_470, %dma_wait3A_471] : memref<148x128xi32, #tpu.memory_space<vmem>> -> memref<12x128xi32, #tpu.memory_space<vmem>>
        %dma_wait3A_473 = arith.constant 0 : i32
        %dma_wait3A_474 = tpu.memref_slice %arg4[%add3A_458, %dma_wait3A_473] : memref<2560x128xi32, #tpu.memory_space<hbm>> -> memref<12x128xi32, #tpu.memory_space<hbm>>
        %dma_wait3A_475 = arith.constant 0 : i32
        %dma_wait3A_476 = arith.constant 0 : i32
        %dma_wait3A_477 = tpu.memref_slice %arg7[%dma_wait3A_475, %dma_wait3A_476] : memref<148x128xi32, #tpu.memory_space<vmem>> -> memref<12x128xi32, #tpu.memory_space<vmem>>
        %dma_wait3A_478 = arith.constant 0 : i32
        %dma_wait3A_479 = tpu.memref_slice %arg4[%add3A_458, %dma_wait3A_478] : memref<2560x128xi32, #tpu.memory_space<hbm>> -> memref<12x128xi32, #tpu.memory_space<hbm>>
        tpu.wait_dma2 semaphore(%run_scoped3A_459 : memref<!tpu.dma_semaphore, #tpu.memory_space<semaphore_mem>>) src(%dma_wait3A_479 : memref<12x128xi32, #tpu.memory_space<hbm>>) dst(%dma_wait3A_477 : memref<12x128xi32, #tpu.memory_space<vmem>>)
        tpu.yield
      }) : () -> ()
    } else {
    }
    %barrier3A = arith.constant 0 : index
    tpu.barrier barrier_id(%barrier3A)
    %eq3A_26 = arith.constant 0 : i32
    %eq3A_27 = arith.cmpi eq, %arg0, %eq3A_26 : i32
    %convert_element_type3A_28 = arith.extui %eq3A_27 : i1 to i32
    %cond3A_29 = arith.constant 0 : i32
    %cond3A_30 = arith.cmpi ne, %convert_element_type3A_28, %cond3A_29 : i32
    scf.if %cond3A_30 {
      %dma_start3A_455 = arith.constant 0 : i32
      %dma_start3A_456 = arith.constant 0 : i32
      %dma_start3A_457 = arith.constant 0 : i32
      %dma_start3A_458 = arith.constant 0 : i32
      %dma_start3A_459 = arith.constant 0 : i32
      %dma_start3A_460 = tpu.memref_slice %arg8[%dma_start3A_456, %dma_start3A_458, %dma_start3A_459] : memref<4x128x64xf32, #tpu.memory_space<vmem>> -> memref<1x128x64xf32, #tpu.memory_space<vmem>>
      %dma_start3A_461 = tpu.memref_squeeze %dma_start3A_460 : memref<1x128x64xf32, #tpu.memory_space<vmem>> -> memref<128x64xf32, #tpu.memory_space<vmem>>
      %dma_start3A_462 = arith.constant 0 : i32
      %dma_start3A_463 = tpu.memref_slice %arg6[%dma_start3A_455, %dma_start3A_462] : memref<148x128xi32, #tpu.memory_space<vmem>> -> memref<1x128xi32, #tpu.memory_space<vmem>>
      %dma_start3A_464 = tpu.memref_squeeze %dma_start3A_463 : memref<1x128xi32, #tpu.memory_space<vmem>> -> memref<128xi32, #tpu.memory_space<vmem>>
      %dma_start3A_465 = arith.constant 0 : i32
      %dma_start3A_466 = arith.constant 0 : i32
      %dma_start3A_467 = tpu.memref_slice %arg2[%dma_start3A_465, %dma_start3A_466] : memref<10240x64xf32, #tpu.memory_space<hbm>> -> memref<10240x64xf32, #tpu.memory_space<hbm>>
      %dma_start3A_468 = tpu.memref_slice %arg10[%dma_start3A_457] : memref<4x!tpu.dma_semaphore, #tpu.memory_space<semaphore_mem>> -> memref<1x!tpu.dma_semaphore, #tpu.memory_space<semaphore_mem>>
      %dma_start3A_469 = tpu.memref_squeeze %dma_start3A_468 : memref<1x!tpu.dma_semaphore, #tpu.memory_space<semaphore_mem>> -> memref<!tpu.dma_semaphore, #tpu.memory_space<semaphore_mem>>
      tpu.enqueue_indirect_dma source(%dma_start3A_467 : memref<10240x64xf32, #tpu.memory_space<hbm>>) target(%dma_start3A_461 : memref<128x64xf32, #tpu.memory_space<vmem>>) offsets(%dma_start3A_464 : memref<128xi32, #tpu.memory_space<vmem>>) semaphore(%dma_start3A_469 : memref<!tpu.dma_semaphore, #tpu.memory_space<semaphore_mem>>)
      %dma_start3A_470 = arith.constant 1 : i32
      %dma_start3A_471 = arith.constant 1 : i32
      %dma_start3A_472 = arith.constant 1 : i32
      %dma_start3A_473 = arith.constant 0 : i32
      %dma_start3A_474 = arith.constant 0 : i32
      %dma_start3A_475 = tpu.memref_slice %arg8[%dma_start3A_471, %dma_start3A_473, %dma_start3A_474] : memref<4x128x64xf32, #tpu.memory_space<vmem>> -> memref<1x128x64xf32, #tpu.memory_space<vmem>>
      %dma_start3A_476 = tpu.memref_squeeze %dma_start3A_475 : memref<1x128x64xf32, #tpu.memory_space<vmem>> -> memref<128x64xf32, #tpu.memory_space<vmem>>
      %dma_start3A_477 = arith.constant 0 : i32
      %dma_start3A_478 = tpu.memref_slice %arg6[%dma_start3A_470, %dma_start3A_477] : memref<148x128xi32, #tpu.memory_space<vmem>> -> memref<1x128xi32, #tpu.memory_space<vmem>>
      %dma_start3A_479 = tpu.memref_squeeze %dma_start3A_478 : memref<1x128xi32, #tpu.memory_space<vmem>> -> memref<128xi32, #tpu.memory_space<vmem>>
      %dma_start3A_480 = arith.constant 0 : i32
      %dma_start3A_481 = arith.constant 0 : i32
      %dma_start3A_482 = tpu.memref_slice %arg2[%dma_start3A_480, %dma_start3A_481] : memref<10240x64xf32, #tpu.memory_space<hbm>> -> memref<10240x64xf32, #tpu.memory_space<hbm>>
      %dma_start3A_483 = tpu.memref_slice %arg10[%dma_start3A_472] : memref<4x!tpu.dma_semaphore, #tpu.memory_space<semaphore_mem>> -> memref<1x!tpu.dma_semaphore, #tpu.memory_space<semaphore_mem>>
      %dma_start3A_484 = tpu.memref_squeeze %dma_start3A_483 : memref<1x!tpu.dma_semaphore, #tpu.memory_space<semaphore_mem>> -> memref<!tpu.dma_semaphore, #tpu.memory_space<semaphore_mem>>
      tpu.enqueue_indirect_dma source(%dma_start3A_482 : memref<10240x64xf32, #tpu.memory_space<hbm>>) target(%dma_start3A_476 : memref<128x64xf32, #tpu.memory_space<vmem>>) offsets(%dma_start3A_479 : memref<128xi32, #tpu.memory_space<vmem>>) semaphore(%dma_start3A_484 : memref<!tpu.dma_semaphore, #tpu.memory_space<semaphore_mem>>)
      %dma_start3A_485 = arith.constant 2 : i32
      %dma_start3A_486 = arith.constant 2 : i32
      %dma_start3A_487 = arith.constant 2 : i32
      %dma_start3A_488 = arith.constant 0 : i32
      %dma_start3A_489 = arith.constant 0 : i32
      %dma_start3A_490 = tpu.memref_slice %arg8[%dma_start3A_486, %dma_start3A_488, %dma_start3A_489] : memref<4x128x64xf32, #tpu.memory_space<vmem>> -> memref<1x128x64xf32, #tpu.memory_space<vmem>>
      %dma_start3A_491 = tpu.memref_squeeze %dma_start3A_490 : memref<1x128x64xf32, #tpu.memory_space<vmem>> -> memref<128x64xf32, #tpu.memory_space<vmem>>
      %dma_start3A_492 = arith.constant 0 : i32
      %dma_start3A_493 = tpu.memref_slice %arg6[%dma_start3A_485, %dma_start3A_492] : memref<148x128xi32, #tpu.memory_space<vmem>> -> memref<1x128xi32, #tpu.memory_space<vmem>>
      %dma_start3A_494 = tpu.memref_squeeze %dma_start3A_493 : memref<1x128xi32, #tpu.memory_space<vmem>> -> memref<128xi32, #tpu.memory_space<vmem>>
      %dma_start3A_495 = arith.constant 0 : i32
      %dma_start3A_496 = arith.constant 0 : i32
      %dma_start3A_497 = tpu.memref_slice %arg2[%dma_start3A_495, %dma_start3A_496] : memref<10240x64xf32, #tpu.memory_space<hbm>> -> memref<10240x64xf32, #tpu.memory_space<hbm>>
      %dma_start3A_498 = tpu.memref_slice %arg10[%dma_start3A_487] : memref<4x!tpu.dma_semaphore, #tpu.memory_space<semaphore_mem>> -> memref<1x!tpu.dma_semaphore, #tpu.memory_space<semaphore_mem>>
      %dma_start3A_499 = tpu.memref_squeeze %dma_start3A_498 : memref<1x!tpu.dma_semaphore, #tpu.memory_space<semaphore_mem>> -> memref<!tpu.dma_semaphore, #tpu.memory_space<semaphore_mem>>
      tpu.enqueue_indirect_dma source(%dma_start3A_497 : memref<10240x64xf32, #tpu.memory_space<hbm>>) target(%dma_start3A_491 : memref<128x64xf32, #tpu.memory_space<vmem>>) offsets(%dma_start3A_494 : memref<128xi32, #tpu.memory_space<vmem>>) semaphore(%dma_start3A_499 : memref<!tpu.dma_semaphore, #tpu.memory_space<semaphore_mem>>)
      %dma_start3A_500 = arith.constant 3 : i32
      %dma_start3A_501 = arith.constant 3 : i32
      %dma_start3A_502 = arith.constant 3 : i32
      %dma_start3A_503 = arith.constant 0 : i32
      %dma_start3A_504 = arith.constant 0 : i32
      %dma_start3A_505 = tpu.memref_slice %arg8[%dma_start3A_501, %dma_start3A_503, %dma_start3A_504] : memref<4x128x64xf32, #tpu.memory_space<vmem>> -> memref<1x128x64xf32, #tpu.memory_space<vmem>>
      %dma_start3A_506 = tpu.memref_squeeze %dma_start3A_505 : memref<1x128x64xf32, #tpu.memory_space<vmem>> -> memref<128x64xf32, #tpu.memory_space<vmem>>
      %dma_start3A_507 = arith.constant 0 : i32
      %dma_start3A_508 = tpu.memref_slice %arg6[%dma_start3A_500, %dma_start3A_507] : memref<148x128xi32, #tpu.memory_space<vmem>> -> memref<1x128xi32, #tpu.memory_space<vmem>>
      %dma_start3A_509 = tpu.memref_squeeze %dma_start3A_508 : memref<1x128xi32, #tpu.memory_space<vmem>> -> memref<128xi32, #tpu.memory_space<vmem>>
      %dma_start3A_510 = arith.constant 0 : i32
      %dma_start3A_511 = arith.constant 0 : i32
      %dma_start3A_512 = tpu.memref_slice %arg2[%dma_start3A_510, %dma_start3A_511] : memref<10240x64xf32, #tpu.memory_space<hbm>> -> memref<10240x64xf32, #tpu.memory_space<hbm>>
      %dma_start3A_513 = tpu.memref_slice %arg10[%dma_start3A_502] : memref<4x!tpu.dma_semaphore, #tpu.memory_space<semaphore_mem>> -> memref<1x!tpu.dma_semaphore, #tpu.memory_space<semaphore_mem>>
      %dma_start3A_514 = tpu.memref_squeeze %dma_start3A_513 : memref<1x!tpu.dma_semaphore, #tpu.memory_space<semaphore_mem>> -> memref<!tpu.dma_semaphore, #tpu.memory_space<semaphore_mem>>
      tpu.enqueue_indirect_dma source(%dma_start3A_512 : memref<10240x64xf32, #tpu.memory_space<hbm>>) target(%dma_start3A_506 : memref<128x64xf32, #tpu.memory_space<vmem>>) offsets(%dma_start3A_509 : memref<128xi32, #tpu.memory_space<vmem>>) semaphore(%dma_start3A_514 : memref<!tpu.dma_semaphore, #tpu.memory_space<semaphore_mem>>)
      %scan3A_515 = arith.constant 0 : i32
      %scan3A_516 = arith.constant 0 : i32
      %scan3A_517 = arith.constant 37 : i32
      %scan3A_518 = arith.addi %scan3A_516, %scan3A_517 : i32
      %scan3A_519 = arith.constant 1 : i32
      scf.for %scan3A_581 = %scan3A_516 to %scan3A_518 step %scan3A_519  : i32 {
        %mul3A_582 = arith.constant 4 : i32
        %mul3A_583 = arith.muli %scan3A_581, %mul3A_582 : i32
        %add3A_584 = arith.constant 0 : i32
        %add3A_585 = arith.addi %mul3A_583, %add3A_584 : i32
        %dma_wait3A_586 = arith.constant 0 : i32
        %dma_wait3A_587 = arith.constant 0 : i32
        %dma_wait3A_588 = arith.constant 0 : i32
        %dma_wait3A_589 = arith.constant 0 : i32
        %dma_wait3A_590 = tpu.memref_slice %arg8[%dma_wait3A_586, %dma_wait3A_588, %dma_wait3A_589] : memref<4x128x64xf32, #tpu.memory_space<vmem>> -> memref<1x128x64xf32, #tpu.memory_space<vmem>>
        %dma_wait3A_591 = tpu.memref_squeeze %dma_wait3A_590 : memref<1x128x64xf32, #tpu.memory_space<vmem>> -> memref<128x64xf32, #tpu.memory_space<vmem>>
        %dma_wait3A_592 = arith.constant 0 : i32
        %dma_wait3A_593 = tpu.memref_slice %arg6[%add3A_585, %dma_wait3A_592] : memref<148x128xi32, #tpu.memory_space<vmem>> -> memref<1x128xi32, #tpu.memory_space<vmem>>
        %dma_wait3A_594 = tpu.memref_squeeze %dma_wait3A_593 : memref<1x128xi32, #tpu.memory_space<vmem>> -> memref<128xi32, #tpu.memory_space<vmem>>
        %dma_wait3A_595 = arith.constant 0 : i32
        %dma_wait3A_596 = arith.constant 0 : i32
        %dma_wait3A_597 = tpu.memref_slice %arg2[%dma_wait3A_595, %dma_wait3A_596] : memref<10240x64xf32, #tpu.memory_space<hbm>> -> memref<10240x64xf32, #tpu.memory_space<hbm>>
        %dma_wait3A_598 = tpu.memref_slice %arg10[%dma_wait3A_587] : memref<4x!tpu.dma_semaphore, #tpu.memory_space<semaphore_mem>> -> memref<1x!tpu.dma_semaphore, #tpu.memory_space<semaphore_mem>>
        %dma_wait3A_599 = tpu.memref_squeeze %dma_wait3A_598 : memref<1x!tpu.dma_semaphore, #tpu.memory_space<semaphore_mem>> -> memref<!tpu.dma_semaphore, #tpu.memory_space<semaphore_mem>>
        tpu.wait_indirect_dma semaphore(%dma_wait3A_599 : memref<!tpu.dma_semaphore, #tpu.memory_space<semaphore_mem>>) src(%dma_wait3A_597 : memref<10240x64xf32, #tpu.memory_space<hbm>>) dst(%dma_wait3A_591 : memref<128x64xf32, #tpu.memory_space<vmem>>)
        %mul3A_600 = arith.constant 4 : i32
        %mul3A_601 = arith.muli %scan3A_581, %mul3A_600 : i32
        %add3A_602 = arith.constant 0 : i32
        %add3A_603 = arith.addi %mul3A_601, %add3A_602 : i32
        %dma_start3A_604 = arith.constant 0 : i32
        %dma_start3A_605 = arith.constant 0 : i32
        %dma_start3A_606 = arith.constant 0 : i32
        %dma_start3A_607 = arith.constant 0 : i32
        %dma_start3A_608 = tpu.memref_slice %arg8[%dma_start3A_604, %dma_start3A_606, %dma_start3A_607] : memref<4x128x64xf32, #tpu.memory_space<vmem>> -> memref<1x128x64xf32, #tpu.memory_space<vmem>>
        %dma_start3A_609 = tpu.memref_squeeze %dma_start3A_608 : memref<1x128x64xf32, #tpu.memory_space<vmem>> -> memref<128x64xf32, #tpu.memory_space<vmem>>
        %dma_start3A_610 = arith.constant 0 : i32
        %dma_start3A_611 = tpu.memref_slice %arg7[%add3A_603, %dma_start3A_610] : memref<148x128xi32, #tpu.memory_space<vmem>> -> memref<1x128xi32, #tpu.memory_space<vmem>>
        %dma_start3A_612 = tpu.memref_squeeze %dma_start3A_611 : memref<1x128xi32, #tpu.memory_space<vmem>> -> memref<128xi32, #tpu.memory_space<vmem>>
        %dma_start3A_613 = arith.constant 0 : i32
        %dma_start3A_614 = arith.constant 0 : i32
        %dma_start3A_615 = tpu.memref_slice %arg9[%dma_start3A_613, %dma_start3A_614] : memref<10240x64xf32, #tpu.memory_space<vmem_shared>> -> memref<10240x64xf32, #tpu.memory_space<vmem_shared>>
        %dma_start3A_616 = tpu.memref_slice %arg11[%dma_start3A_605] : memref<4x!tpu.dma_semaphore, #tpu.memory_space<semaphore_mem>> -> memref<1x!tpu.dma_semaphore, #tpu.memory_space<semaphore_mem>>
        %dma_start3A_617 = tpu.memref_squeeze %dma_start3A_616 : memref<1x!tpu.dma_semaphore, #tpu.memory_space<semaphore_mem>> -> memref<!tpu.dma_semaphore, #tpu.memory_space<semaphore_mem>>
        tpu.enqueue_indirect_dma source(%dma_start3A_609 : memref<128x64xf32, #tpu.memory_space<vmem>>) target(%dma_start3A_615 : memref<10240x64xf32, #tpu.memory_space<vmem_shared>>) offsets(%dma_start3A_612 : memref<128xi32, #tpu.memory_space<vmem>>) semaphore(%dma_start3A_617 : memref<!tpu.dma_semaphore, #tpu.memory_space<semaphore_mem>>) {add = true}
        %mul3A_618 = arith.constant 4 : i32
        %mul3A_619 = arith.muli %scan3A_581, %mul3A_618 : i32
        %add3A_620 = arith.constant 1 : i32
        %add3A_621 = arith.addi %mul3A_619, %add3A_620 : i32
        %dma_wait3A_622 = arith.constant 1 : i32
        %dma_wait3A_623 = arith.constant 1 : i32
        %dma_wait3A_624 = arith.constant 0 : i32
        %dma_wait3A_625 = arith.constant 0 : i32
        %dma_wait3A_626 = tpu.memref_slice %arg8[%dma_wait3A_622, %dma_wait3A_624, %dma_wait3A_625] : memref<4x128x64xf32, #tpu.memory_space<vmem>> -> memref<1x128x64xf32, #tpu.memory_space<vmem>>
        %dma_wait3A_627 = tpu.memref_squeeze %dma_wait3A_626 : memref<1x128x64xf32, #tpu.memory_space<vmem>> -> memref<128x64xf32, #tpu.memory_space<vmem>>
        %dma_wait3A_628 = arith.constant 0 : i32
        %dma_wait3A_629 = tpu.memref_slice %arg6[%add3A_621, %dma_wait3A_628] : memref<148x128xi32, #tpu.memory_space<vmem>> -> memref<1x128xi32, #tpu.memory_space<vmem>>
        %dma_wait3A_630 = tpu.memref_squeeze %dma_wait3A_629 : memref<1x128xi32, #tpu.memory_space<vmem>> -> memref<128xi32, #tpu.memory_space<vmem>>
        %dma_wait3A_631 = arith.constant 0 : i32
        %dma_wait3A_632 = arith.constant 0 : i32
        %dma_wait3A_633 = tpu.memref_slice %arg2[%dma_wait3A_631, %dma_wait3A_632] : memref<10240x64xf32, #tpu.memory_space<hbm>> -> memref<10240x64xf32, #tpu.memory_space<hbm>>
        %dma_wait3A_634 = tpu.memref_slice %arg10[%dma_wait3A_623] : memref<4x!tpu.dma_semaphore, #tpu.memory_space<semaphore_mem>> -> memref<1x!tpu.dma_semaphore, #tpu.memory_space<semaphore_mem>>
        %dma_wait3A_635 = tpu.memref_squeeze %dma_wait3A_634 : memref<1x!tpu.dma_semaphore, #tpu.memory_space<semaphore_mem>> -> memref<!tpu.dma_semaphore, #tpu.memory_space<semaphore_mem>>
        tpu.wait_indirect_dma semaphore(%dma_wait3A_635 : memref<!tpu.dma_semaphore, #tpu.memory_space<semaphore_mem>>) src(%dma_wait3A_633 : memref<10240x64xf32, #tpu.memory_space<hbm>>) dst(%dma_wait3A_627 : memref<128x64xf32, #tpu.memory_space<vmem>>)
        %mul3A_636 = arith.constant 4 : i32
        %mul3A_637 = arith.muli %scan3A_581, %mul3A_636 : i32
        %add3A_638 = arith.constant 1 : i32
        %add3A_639 = arith.addi %mul3A_637, %add3A_638 : i32
        %dma_start3A_640 = arith.constant 1 : i32
        %dma_start3A_641 = arith.constant 1 : i32
        %dma_start3A_642 = arith.constant 0 : i32
        %dma_start3A_643 = arith.constant 0 : i32
        %dma_start3A_644 = tpu.memref_slice %arg8[%dma_start3A_640, %dma_start3A_642, %dma_start3A_643] : memref<4x128x64xf32, #tpu.memory_space<vmem>> -> memref<1x128x64xf32, #tpu.memory_space<vmem>>
        %dma_start3A_645 = tpu.memref_squeeze %dma_start3A_644 : memref<1x128x64xf32, #tpu.memory_space<vmem>> -> memref<128x64xf32, #tpu.memory_space<vmem>>
        %dma_start3A_646 = arith.constant 0 : i32
        %dma_start3A_647 = tpu.memref_slice %arg7[%add3A_639, %dma_start3A_646] : memref<148x128xi32, #tpu.memory_space<vmem>> -> memref<1x128xi32, #tpu.memory_space<vmem>>
        %dma_start3A_648 = tpu.memref_squeeze %dma_start3A_647 : memref<1x128xi32, #tpu.memory_space<vmem>> -> memref<128xi32, #tpu.memory_space<vmem>>
        %dma_start3A_649 = arith.constant 0 : i32
        %dma_start3A_650 = arith.constant 0 : i32
        %dma_start3A_651 = tpu.memref_slice %arg9[%dma_start3A_649, %dma_start3A_650] : memref<10240x64xf32, #tpu.memory_space<vmem_shared>> -> memref<10240x64xf32, #tpu.memory_space<vmem_shared>>
        %dma_start3A_652 = tpu.memref_slice %arg11[%dma_start3A_641] : memref<4x!tpu.dma_semaphore, #tpu.memory_space<semaphore_mem>> -> memref<1x!tpu.dma_semaphore, #tpu.memory_space<semaphore_mem>>
        %dma_start3A_653 = tpu.memref_squeeze %dma_start3A_652 : memref<1x!tpu.dma_semaphore, #tpu.memory_space<semaphore_mem>> -> memref<!tpu.dma_semaphore, #tpu.memory_space<semaphore_mem>>
        tpu.enqueue_indirect_dma source(%dma_start3A_645 : memref<128x64xf32, #tpu.memory_space<vmem>>) target(%dma_start3A_651 : memref<10240x64xf32, #tpu.memory_space<vmem_shared>>) offsets(%dma_start3A_648 : memref<128xi32, #tpu.memory_space<vmem>>) semaphore(%dma_start3A_653 : memref<!tpu.dma_semaphore, #tpu.memory_space<semaphore_mem>>) {add = true}
        %mul3A_654 = arith.constant 4 : i32
        %mul3A_655 = arith.muli %scan3A_581, %mul3A_654 : i32
        %add3A_656 = arith.constant 2 : i32
        %add3A_657 = arith.addi %mul3A_655, %add3A_656 : i32
        %dma_wait3A_658 = arith.constant 2 : i32
        %dma_wait3A_659 = arith.constant 2 : i32
        %dma_wait3A_660 = arith.constant 0 : i32
        %dma_wait3A_661 = arith.constant 0 : i32
        %dma_wait3A_662 = tpu.memref_slice %arg8[%dma_wait3A_658, %dma_wait3A_660, %dma_wait3A_661] : memref<4x128x64xf32, #tpu.memory_space<vmem>> -> memref<1x128x64xf32, #tpu.memory_space<vmem>>
        %dma_wait3A_663 = tpu.memref_squeeze %dma_wait3A_662 : memref<1x128x64xf32, #tpu.memory_space<vmem>> -> memref<128x64xf32, #tpu.memory_space<vmem>>
        %dma_wait3A_664 = arith.constant 0 : i32
        %dma_wait3A_665 = tpu.memref_slice %arg6[%add3A_657, %dma_wait3A_664] : memref<148x128xi32, #tpu.memory_space<vmem>> -> memref<1x128xi32, #tpu.memory_space<vmem>>
        %dma_wait3A_666 = tpu.memref_squeeze %dma_wait3A_665 : memref<1x128xi32, #tpu.memory_space<vmem>> -> memref<128xi32, #tpu.memory_space<vmem>>
        %dma_wait3A_667 = arith.constant 0 : i32
        %dma_wait3A_668 = arith.constant 0 : i32
        %dma_wait3A_669 = tpu.memref_slice %arg2[%dma_wait3A_667, %dma_wait3A_668] : memref<10240x64xf32, #tpu.memory_space<hbm>> -> memref<10240x64xf32, #tpu.memory_space<hbm>>
        %dma_wait3A_670 = tpu.memref_slice %arg10[%dma_wait3A_659] : memref<4x!tpu.dma_semaphore, #tpu.memory_space<semaphore_mem>> -> memref<1x!tpu.dma_semaphore, #tpu.memory_space<semaphore_mem>>
        %dma_wait3A_671 = tpu.memref_squeeze %dma_wait3A_670 : memref<1x!tpu.dma_semaphore, #tpu.memory_space<semaphore_mem>> -> memref<!tpu.dma_semaphore, #tpu.memory_space<semaphore_mem>>
        tpu.wait_indirect_dma semaphore(%dma_wait3A_671 : memref<!tpu.dma_semaphore, #tpu.memory_space<semaphore_mem>>) src(%dma_wait3A_669 : memref<10240x64xf32, #tpu.memory_space<hbm>>) dst(%dma_wait3A_663 : memref<128x64xf32, #tpu.memory_space<vmem>>)
        %mul3A_672 = arith.constant 4 : i32
        %mul3A_673 = arith.muli %scan3A_581, %mul3A_672 : i32
        %add3A_674 = arith.constant 2 : i32
        %add3A_675 = arith.addi %mul3A_673, %add3A_674 : i32
        %dma_start3A_676 = arith.constant 2 : i32
        %dma_start3A_677 = arith.constant 2 : i32
        %dma_start3A_678 = arith.constant 0 : i32
        %dma_start3A_679 = arith.constant 0 : i32
        %dma_start3A_680 = tpu.memref_slice %arg8[%dma_start3A_676, %dma_start3A_678, %dma_start3A_679] : memref<4x128x64xf32, #tpu.memory_space<vmem>> -> memref<1x128x64xf32, #tpu.memory_space<vmem>>
        %dma_start3A_681 = tpu.memref_squeeze %dma_start3A_680 : memref<1x128x64xf32, #tpu.memory_space<vmem>> -> memref<128x64xf32, #tpu.memory_space<vmem>>
        %dma_start3A_682 = arith.constant 0 : i32
        %dma_start3A_683 = tpu.memref_slice %arg7[%add3A_675, %dma_start3A_682] : memref<148x128xi32, #tpu.memory_space<vmem>> -> memref<1x128xi32, #tpu.memory_space<vmem>>
        %dma_start3A_684 = tpu.memref_squeeze %dma_start3A_683 : memref<1x128xi32, #tpu.memory_space<vmem>> -> memref<128xi32, #tpu.memory_space<vmem>>
        %dma_start3A_685 = arith.constant 0 : i32
        %dma_start3A_686 = arith.constant 0 : i32
        %dma_start3A_687 = tpu.memref_slice %arg9[%dma_start3A_685, %dma_start3A_686] : memref<10240x64xf32, #tpu.memory_space<vmem_shared>> -> memref<10240x64xf32, #tpu.memory_space<vmem_shared>>
        %dma_start3A_688 = tpu.memref_slice %arg11[%dma_start3A_677] : memref<4x!tpu.dma_semaphore, #tpu.memory_space<semaphore_mem>> -> memref<1x!tpu.dma_semaphore, #tpu.memory_space<semaphore_mem>>
        %dma_start3A_689 = tpu.memref_squeeze %dma_start3A_688 : memref<1x!tpu.dma_semaphore, #tpu.memory_space<semaphore_mem>> -> memref<!tpu.dma_semaphore, #tpu.memory_space<semaphore_mem>>
        tpu.enqueue_indirect_dma source(%dma_start3A_681 : memref<128x64xf32, #tpu.memory_space<vmem>>) target(%dma_start3A_687 : memref<10240x64xf32, #tpu.memory_space<vmem_shared>>) offsets(%dma_start3A_684 : memref<128xi32, #tpu.memory_space<vmem>>) semaphore(%dma_start3A_689 : memref<!tpu.dma_semaphore, #tpu.memory_space<semaphore_mem>>) {add = true}
        %mul3A_690 = arith.constant 4 : i32
        %mul3A_691 = arith.muli %scan3A_581, %mul3A_690 : i32
        %add3A_692 = arith.constant 3 : i32
        %add3A_693 = arith.addi %mul3A_691, %add3A_692 : i32
        %dma_wait3A_694 = arith.constant 3 : i32
        %dma_wait3A_695 = arith.constant 3 : i32
        %dma_wait3A_696 = arith.constant 0 : i32
        %dma_wait3A_697 = arith.constant 0 : i32
        %dma_wait3A_698 = tpu.memref_slice %arg8[%dma_wait3A_694, %dma_wait3A_696, %dma_wait3A_697] : memref<4x128x64xf32, #tpu.memory_space<vmem>> -> memref<1x128x64xf32, #tpu.memory_space<vmem>>
        %dma_wait3A_699 = tpu.memref_squeeze %dma_wait3A_698 : memref<1x128x64xf32, #tpu.memory_space<vmem>> -> memref<128x64xf32, #tpu.memory_space<vmem>>
        %dma_wait3A_700 = arith.constant 0 : i32
        %dma_wait3A_701 = tpu.memref_slice %arg6[%add3A_693, %dma_wait3A_700] : memref<148x128xi32, #tpu.memory_space<vmem>> -> memref<1x128xi32, #tpu.memory_space<vmem>>
        %dma_wait3A_702 = tpu.memref_squeeze %dma_wait3A_701 : memref<1x128xi32, #tpu.memory_space<vmem>> -> memref<128xi32, #tpu.memory_space<vmem>>
        %dma_wait3A_703 = arith.constant 0 : i32
        %dma_wait3A_704 = arith.constant 0 : i32
        %dma_wait3A_705 = tpu.memref_slice %arg2[%dma_wait3A_703, %dma_wait3A_704] : memref<10240x64xf32, #tpu.memory_space<hbm>> -> memref<10240x64xf32, #tpu.memory_space<hbm>>
        %dma_wait3A_706 = tpu.memref_slice %arg10[%dma_wait3A_695] : memref<4x!tpu.dma_semaphore, #tpu.memory_space<semaphore_mem>> -> memref<1x!tpu.dma_semaphore, #tpu.memory_space<semaphore_mem>>
        %dma_wait3A_707 = tpu.memref_squeeze %dma_wait3A_706 : memref<1x!tpu.dma_semaphore, #tpu.memory_space<semaphore_mem>> -> memref<!tpu.dma_semaphore, #tpu.memory_space<semaphore_mem>>
        tpu.wait_indirect_dma semaphore(%dma_wait3A_707 : memref<!tpu.dma_semaphore, #tpu.memory_space<semaphore_mem>>) src(%dma_wait3A_705 : memref<10240x64xf32, #tpu.memory_space<hbm>>) dst(%dma_wait3A_699 : memref<128x64xf32, #tpu.memory_space<vmem>>)
        %mul3A_708 = arith.constant 4 : i32
        %mul3A_709 = arith.muli %scan3A_581, %mul3A_708 : i32
        %add3A_710 = arith.constant 3 : i32
        %add3A_711 = arith.addi %mul3A_709, %add3A_710 : i32
        %dma_start3A_712 = arith.constant 3 : i32
        %dma_start3A_713 = arith.constant 3 : i32
        %dma_start3A_714 = arith.constant 0 : i32
        %dma_start3A_715 = arith.constant 0 : i32
        %dma_start3A_716 = tpu.memref_slice %arg8[%dma_start3A_712, %dma_start3A_714, %dma_start3A_715] : memref<4x128x64xf32, #tpu.memory_space<vmem>> -> memref<1x128x64xf32, #tpu.memory_space<vmem>>
        %dma_start3A_717 = tpu.memref_squeeze %dma_start3A_716 : memref<1x128x64xf32, #tpu.memory_space<vmem>> -> memref<128x64xf32, #tpu.memory_space<vmem>>
        %dma_start3A_718 = arith.constant 0 : i32
        %dma_start3A_719 = tpu.memref_slice %arg7[%add3A_711, %dma_start3A_718] : memref<148x128xi32, #tpu.memory_space<vmem>> -> memref<1x128xi32, #tpu.memory_space<vmem>>
        %dma_start3A_720 = tpu.memref_squeeze %dma_start3A_719 : memref<1x128xi32, #tpu.memory_space<vmem>> -> memref<128xi32, #tpu.memory_space<vmem>>
        %dma_start3A_721 = arith.constant 0 : i32
        %dma_start3A_722 = arith.constant 0 : i32
        %dma_start3A_723 = tpu.memref_slice %arg9[%dma_start3A_721, %dma_start3A_722] : memref<10240x64xf32, #tpu.memory_space<vmem_shared>> -> memref<10240x64xf32, #tpu.memory_space<vmem_shared>>
        %dma_start3A_724 = tpu.memref_slice %arg11[%dma_start3A_713] : memref<4x!tpu.dma_semaphore, #tpu.memory_space<semaphore_mem>> -> memref<1x!tpu.dma_semaphore, #tpu.memory_space<semaphore_mem>>
        %dma_start3A_725 = tpu.memref_squeeze %dma_start3A_724 : memref<1x!tpu.dma_semaphore, #tpu.memory_space<semaphore_mem>> -> memref<!tpu.dma_semaphore, #tpu.memory_space<semaphore_mem>>
        tpu.enqueue_indirect_dma source(%dma_start3A_717 : memref<128x64xf32, #tpu.memory_space<vmem>>) target(%dma_start3A_723 : memref<10240x64xf32, #tpu.memory_space<vmem_shared>>) offsets(%dma_start3A_720 : memref<128xi32, #tpu.memory_space<vmem>>) semaphore(%dma_start3A_725 : memref<!tpu.dma_semaphore, #tpu.memory_space<semaphore_mem>>) {add = true}
        %lt3A = arith.constant 36 : i32
        %lt3A_726 = arith.cmpi slt, %scan3A_581, %lt3A : i32
        %convert_element_type3A_727 = arith.extui %lt3A_726 : i1 to i32
        %cond3A_728 = arith.constant 0 : i32
        %cond3A_729 = arith.cmpi ne, %convert_element_type3A_727, %cond3A_728 : i32
        scf.if %cond3A_729 {
          %mul3A_730 = arith.constant 4 : i32
          %mul3A_731 = arith.muli %scan3A_581, %mul3A_730 : i32
          %add3A_732 = arith.constant 0 : i32
          %add3A_733 = arith.addi %mul3A_731, %add3A_732 : i32
          %dma_wait3A_734 = arith.constant 0 : i32
          %dma_wait3A_735 = arith.constant 0 : i32
          %dma_wait3A_736 = arith.constant 0 : i32
          %dma_wait3A_737 = arith.constant 0 : i32
          %dma_wait3A_738 = tpu.memref_slice %arg8[%dma_wait3A_734, %dma_wait3A_736, %dma_wait3A_737] : memref<4x128x64xf32, #tpu.memory_space<vmem>> -> memref<1x128x64xf32, #tpu.memory_space<vmem>>
          %dma_wait3A_739 = tpu.memref_squeeze %dma_wait3A_738 : memref<1x128x64xf32, #tpu.memory_space<vmem>> -> memref<128x64xf32, #tpu.memory_space<vmem>>
          %dma_wait3A_740 = arith.constant 0 : i32
          %dma_wait3A_741 = tpu.memref_slice %arg7[%add3A_733, %dma_wait3A_740] : memref<148x128xi32, #tpu.memory_space<vmem>> -> memref<1x128xi32, #tpu.memory_space<vmem>>
          %dma_wait3A_742 = tpu.memref_squeeze %dma_wait3A_741 : memref<1x128xi32, #tpu.memory_space<vmem>> -> memref<128xi32, #tpu.memory_space<vmem>>
          %dma_wait3A_743 = arith.constant 0 : i32
          %dma_wait3A_744 = arith.constant 0 : i32
          %dma_wait3A_745 = tpu.memref_slice %arg9[%dma_wait3A_743, %dma_wait3A_744] : memref<10240x64xf32, #tpu.memory_space<vmem_shared>> -> memref<10240x64xf32, #tpu.memory_space<vmem_shared>>
          %dma_wait3A_746 = tpu.memref_slice %arg11[%dma_wait3A_735] : memref<4x!tpu.dma_semaphore, #tpu.memory_space<semaphore_mem>> -> memref<1x!tpu.dma_semaphore, #tpu.memory_space<semaphore_mem>>
          %dma_wait3A_747 = tpu.memref_squeeze %dma_wait3A_746 : memref<1x!tpu.dma_semaphore, #tpu.memory_space<semaphore_mem>> -> memref<!tpu.dma_semaphore, #tpu.memory_space<semaphore_mem>>
          tpu.wait_indirect_dma semaphore(%dma_wait3A_747 : memref<!tpu.dma_semaphore, #tpu.memory_space<semaphore_mem>>) src(%dma_wait3A_739 : memref<128x64xf32, #tpu.memory_space<vmem>>) dst(%dma_wait3A_745 : memref<10240x64xf32, #tpu.memory_space<vmem_shared>>)
          %add3A_748 = arith.constant 1 : i32
          %add3A_749 = arith.addi %scan3A_581, %add3A_748 : i32
          %mul3A_750 = arith.constant 4 : i32
          %mul3A_751 = arith.muli %add3A_749, %mul3A_750 : i32
          %add3A_752 = arith.constant 0 : i32
          %add3A_753 = arith.addi %mul3A_751, %add3A_752 : i32
          %dma_start3A_754 = arith.constant 0 : i32
          %dma_start3A_755 = arith.constant 0 : i32
          %dma_start3A_756 = arith.constant 0 : i32
          %dma_start3A_757 = arith.constant 0 : i32
          %dma_start3A_758 = tpu.memref_slice %arg8[%dma_start3A_754, %dma_start3A_756, %dma_start3A_757] : memref<4x128x64xf32, #tpu.memory_space<vmem>> -> memref<1x128x64xf32, #tpu.memory_space<vmem>>
          %dma_start3A_759 = tpu.memref_squeeze %dma_start3A_758 : memref<1x128x64xf32, #tpu.memory_space<vmem>> -> memref<128x64xf32, #tpu.memory_space<vmem>>
          %dma_start3A_760 = arith.constant 0 : i32
          %dma_start3A_761 = tpu.memref_slice %arg6[%add3A_753, %dma_start3A_760] : memref<148x128xi32, #tpu.memory_space<vmem>> -> memref<1x128xi32, #tpu.memory_space<vmem>>
          %dma_start3A_762 = tpu.memref_squeeze %dma_start3A_761 : memref<1x128xi32, #tpu.memory_space<vmem>> -> memref<128xi32, #tpu.memory_space<vmem>>
          %dma_start3A_763 = arith.constant 0 : i32
          %dma_start3A_764 = arith.constant 0 : i32
          %dma_start3A_765 = tpu.memref_slice %arg2[%dma_start3A_763, %dma_start3A_764] : memref<10240x64xf32, #tpu.memory_space<hbm>> -> memref<10240x64xf32, #tpu.memory_space<hbm>>
          %dma_start3A_766 = tpu.memref_slice %arg10[%dma_start3A_755] : memref<4x!tpu.dma_semaphore, #tpu.memory_space<semaphore_mem>> -> memref<1x!tpu.dma_semaphore, #tpu.memory_space<semaphore_mem>>
          %dma_start3A_767 = tpu.memref_squeeze %dma_start3A_766 : memref<1x!tpu.dma_semaphore, #tpu.memory_space<semaphore_mem>> -> memref<!tpu.dma_semaphore, #tpu.memory_space<semaphore_mem>>
          tpu.enqueue_indirect_dma source(%dma_start3A_765 : memref<10240x64xf32, #tpu.memory_space<hbm>>) target(%dma_start3A_759 : memref<128x64xf32, #tpu.memory_space<vmem>>) offsets(%dma_start3A_762 : memref<128xi32, #tpu.memory_space<vmem>>) semaphore(%dma_start3A_767 : memref<!tpu.dma_semaphore, #tpu.memory_space<semaphore_mem>>)
          %mul3A_768 = arith.constant 4 : i32
          %mul3A_769 = arith.muli %scan3A_581, %mul3A_768 : i32
          %add3A_770 = arith.constant 1 : i32
          %add3A_771 = arith.addi %mul3A_769, %add3A_770 : i32
          %dma_wait3A_772 = arith.constant 1 : i32
          %dma_wait3A_773 = arith.constant 1 : i32
          %dma_wait3A_774 = arith.constant 0 : i32
          %dma_wait3A_775 = arith.constant 0 : i32
          %dma_wait3A_776 = tpu.memref_slice %arg8[%dma_wait3A_772, %dma_wait3A_774, %dma_wait3A_775] : memref<4x128x64xf32, #tpu.memory_space<vmem>> -> memref<1x128x64xf32, #tpu.memory_space<vmem>>
          %dma_wait3A_777 = tpu.memref_squeeze %dma_wait3A_776 : memref<1x128x64xf32, #tpu.memory_space<vmem>> -> memref<128x64xf32, #tpu.memory_space<vmem>>
          %dma_wait3A_778 = arith.constant 0 : i32
          %dma_wait3A_779 = tpu.memref_slice %arg7[%add3A_771, %dma_wait3A_778] : memref<148x128xi32, #tpu.memory_space<vmem>> -> memref<1x128xi32, #tpu.memory_space<vmem>>
          %dma_wait3A_780 = tpu.memref_squeeze %dma_wait3A_779 : memref<1x128xi32, #tpu.memory_space<vmem>> -> memref<128xi32, #tpu.memory_space<vmem>>
          %dma_wait3A_781 = arith.constant 0 : i32
          %dma_wait3A_782 = arith.constant 0 : i32
          %dma_wait3A_783 = tpu.memref_slice %arg9[%dma_wait3A_781, %dma_wait3A_782] : memref<10240x64xf32, #tpu.memory_space<vmem_shared>> -> memref<10240x64xf32, #tpu.memory_space<vmem_shared>>
          %dma_wait3A_784 = tpu.memref_slice %arg11[%dma_wait3A_773] : memref<4x!tpu.dma_semaphore, #tpu.memory_space<semaphore_mem>> -> memref<1x!tpu.dma_semaphore, #tpu.memory_space<semaphore_mem>>
          %dma_wait3A_785 = tpu.memref_squeeze %dma_wait3A_784 : memref<1x!tpu.dma_semaphore, #tpu.memory_space<semaphore_mem>> -> memref<!tpu.dma_semaphore, #tpu.memory_space<semaphore_mem>>
          tpu.wait_indirect_dma semaphore(%dma_wait3A_785 : memref<!tpu.dma_semaphore, #tpu.memory_space<semaphore_mem>>) src(%dma_wait3A_777 : memref<128x64xf32, #tpu.memory_space<vmem>>) dst(%dma_wait3A_783 : memref<10240x64xf32, #tpu.memory_space<vmem_shared>>)
          %add3A_786 = arith.constant 1 : i32
          %add3A_787 = arith.addi %scan3A_581, %add3A_786 : i32
          %mul3A_788 = arith.constant 4 : i32
          %mul3A_789 = arith.muli %add3A_787, %mul3A_788 : i32
          %add3A_790 = arith.constant 1 : i32
          %add3A_791 = arith.addi %mul3A_789, %add3A_790 : i32
          %dma_start3A_792 = arith.constant 1 : i32
          %dma_start3A_793 = arith.constant 1 : i32
          %dma_start3A_794 = arith.constant 0 : i32
          %dma_start3A_795 = arith.constant 0 : i32
          %dma_start3A_796 = tpu.memref_slice %arg8[%dma_start3A_792, %dma_start3A_794, %dma_start3A_795] : memref<4x128x64xf32, #tpu.memory_space<vmem>> -> memref<1x128x64xf32, #tpu.memory_space<vmem>>
          %dma_start3A_797 = tpu.memref_squeeze %dma_start3A_796 : memref<1x128x64xf32, #tpu.memory_space<vmem>> -> memref<128x64xf32, #tpu.memory_space<vmem>>
          %dma_start3A_798 = arith.constant 0 : i32
          %dma_start3A_799 = tpu.memref_slice %arg6[%add3A_791, %dma_start3A_798] : memref<148x128xi32, #tpu.memory_space<vmem>> -> memref<1x128xi32, #tpu.memory_space<vmem>>
          %dma_start3A_800 = tpu.memref_squeeze %dma_start3A_799 : memref<1x128xi32, #tpu.memory_space<vmem>> -> memref<128xi32, #tpu.memory_space<vmem>>
          %dma_start3A_801 = arith.constant 0 : i32
          %dma_start3A_802 = arith.constant 0 : i32
          %dma_start3A_803 = tpu.memref_slice %arg2[%dma_start3A_801, %dma_start3A_802] : memref<10240x64xf32, #tpu.memory_space<hbm>> -> memref<10240x64xf32, #tpu.memory_space<hbm>>
          %dma_start3A_804 = tpu.memref_slice %arg10[%dma_start3A_793] : memref<4x!tpu.dma_semaphore, #tpu.memory_space<semaphore_mem>> -> memref<1x!tpu.dma_semaphore, #tpu.memory_space<semaphore_mem>>
          %dma_start3A_805 = tpu.memref_squeeze %dma_start3A_804 : memref<1x!tpu.dma_semaphore, #tpu.memory_space<semaphore_mem>> -> memref<!tpu.dma_semaphore, #tpu.memory_space<semaphore_mem>>
          tpu.enqueue_indirect_dma source(%dma_start3A_803 : memref<10240x64xf32, #tpu.memory_space<hbm>>) target(%dma_start3A_797 : memref<128x64xf32, #tpu.memory_space<vmem>>) offsets(%dma_start3A_800 : memref<128xi32, #tpu.memory_space<vmem>>) semaphore(%dma_start3A_805 : memref<!tpu.dma_semaphore, #tpu.memory_space<semaphore_mem>>)
          %mul3A_806 = arith.constant 4 : i32
          %mul3A_807 = arith.muli %scan3A_581, %mul3A_806 : i32
          %add3A_808 = arith.constant 2 : i32
          %add3A_809 = arith.addi %mul3A_807, %add3A_808 : i32
          %dma_wait3A_810 = arith.constant 2 : i32
          %dma_wait3A_811 = arith.constant 2 : i32
          %dma_wait3A_812 = arith.constant 0 : i32
          %dma_wait3A_813 = arith.constant 0 : i32
          %dma_wait3A_814 = tpu.memref_slice %arg8[%dma_wait3A_810, %dma_wait3A_812, %dma_wait3A_813] : memref<4x128x64xf32, #tpu.memory_space<vmem>> -> memref<1x128x64xf32, #tpu.memory_space<vmem>>
          %dma_wait3A_815 = tpu.memref_squeeze %dma_wait3A_814 : memref<1x128x64xf32, #tpu.memory_space<vmem>> -> memref<128x64xf32, #tpu.memory_space<vmem>>
          %dma_wait3A_816 = arith.constant 0 : i32
          %dma_wait3A_817 = tpu.memref_slice %arg7[%add3A_809, %dma_wait3A_816] : memref<148x128xi32, #tpu.memory_space<vmem>> -> memref<1x128xi32, #tpu.memory_space<vmem>>
          %dma_wait3A_818 = tpu.memref_squeeze %dma_wait3A_817 : memref<1x128xi32, #tpu.memory_space<vmem>> -> memref<128xi32, #tpu.memory_space<vmem>>
          %dma_wait3A_819 = arith.constant 0 : i32
          %dma_wait3A_820 = arith.constant 0 : i32
          %dma_wait3A_821 = tpu.memref_slice %arg9[%dma_wait3A_819, %dma_wait3A_820] : memref<10240x64xf32, #tpu.memory_space<vmem_shared>> -> memref<10240x64xf32, #tpu.memory_space<vmem_shared>>
          %dma_wait3A_822 = tpu.memref_slice %arg11[%dma_wait3A_811] : memref<4x!tpu.dma_semaphore, #tpu.memory_space<semaphore_mem>> -> memref<1x!tpu.dma_semaphore, #tpu.memory_space<semaphore_mem>>
          %dma_wait3A_823 = tpu.memref_squeeze %dma_wait3A_822 : memref<1x!tpu.dma_semaphore, #tpu.memory_space<semaphore_mem>> -> memref<!tpu.dma_semaphore, #tpu.memory_space<semaphore_mem>>
          tpu.wait_indirect_dma semaphore(%dma_wait3A_823 : memref<!tpu.dma_semaphore, #tpu.memory_space<semaphore_mem>>) src(%dma_wait3A_815 : memref<128x64xf32, #tpu.memory_space<vmem>>) dst(%dma_wait3A_821 : memref<10240x64xf32, #tpu.memory_space<vmem_shared>>)
          %add3A_824 = arith.constant 1 : i32
          %add3A_825 = arith.addi %scan3A_581, %add3A_824 : i32
          %mul3A_826 = arith.constant 4 : i32
          %mul3A_827 = arith.muli %add3A_825, %mul3A_826 : i32
          %add3A_828 = arith.constant 2 : i32
          %add3A_829 = arith.addi %mul3A_827, %add3A_828 : i32
          %dma_start3A_830 = arith.constant 2 : i32
          %dma_start3A_831 = arith.constant 2 : i32
          %dma_start3A_832 = arith.constant 0 : i32
          %dma_start3A_833 = arith.constant 0 : i32
          %dma_start3A_834 = tpu.memref_slice %arg8[%dma_start3A_830, %dma_start3A_832, %dma_start3A_833] : memref<4x128x64xf32, #tpu.memory_space<vmem>> -> memref<1x128x64xf32, #tpu.memory_space<vmem>>
          %dma_start3A_835 = tpu.memref_squeeze %dma_start3A_834 : memref<1x128x64xf32, #tpu.memory_space<vmem>> -> memref<128x64xf32, #tpu.memory_space<vmem>>
          %dma_start3A_836 = arith.constant 0 : i32
          %dma_start3A_837 = tpu.memref_slice %arg6[%add3A_829, %dma_start3A_836] : memref<148x128xi32, #tpu.memory_space<vmem>> -> memref<1x128xi32, #tpu.memory_space<vmem>>
          %dma_start3A_838 = tpu.memref_squeeze %dma_start3A_837 : memref<1x128xi32, #tpu.memory_space<vmem>> -> memref<128xi32, #tpu.memory_space<vmem>>
          %dma_start3A_839 = arith.constant 0 : i32
          %dma_start3A_840 = arith.constant 0 : i32
          %dma_start3A_841 = tpu.memref_slice %arg2[%dma_start3A_839, %dma_start3A_840] : memref<10240x64xf32, #tpu.memory_space<hbm>> -> memref<10240x64xf32, #tpu.memory_space<hbm>>
          %dma_start3A_842 = tpu.memref_slice %arg10[%dma_start3A_831] : memref<4x!tpu.dma_semaphore, #tpu.memory_space<semaphore_mem>> -> memref<1x!tpu.dma_semaphore, #tpu.memory_space<semaphore_mem>>
          %dma_start3A_843 = tpu.memref_squeeze %dma_start3A_842 : memref<1x!tpu.dma_semaphore, #tpu.memory_space<semaphore_mem>> -> memref<!tpu.dma_semaphore, #tpu.memory_space<semaphore_mem>>
          tpu.enqueue_indirect_dma source(%dma_start3A_841 : memref<10240x64xf32, #tpu.memory_space<hbm>>) target(%dma_start3A_835 : memref<128x64xf32, #tpu.memory_space<vmem>>) offsets(%dma_start3A_838 : memref<128xi32, #tpu.memory_space<vmem>>) semaphore(%dma_start3A_843 : memref<!tpu.dma_semaphore, #tpu.memory_space<semaphore_mem>>)
          %mul3A_844 = arith.constant 4 : i32
          %mul3A_845 = arith.muli %scan3A_581, %mul3A_844 : i32
          %add3A_846 = arith.constant 3 : i32
          %add3A_847 = arith.addi %mul3A_845, %add3A_846 : i32
          %dma_wait3A_848 = arith.constant 3 : i32
          %dma_wait3A_849 = arith.constant 3 : i32
          %dma_wait3A_850 = arith.constant 0 : i32
          %dma_wait3A_851 = arith.constant 0 : i32
          %dma_wait3A_852 = tpu.memref_slice %arg8[%dma_wait3A_848, %dma_wait3A_850, %dma_wait3A_851] : memref<4x128x64xf32, #tpu.memory_space<vmem>> -> memref<1x128x64xf32, #tpu.memory_space<vmem>>
          %dma_wait3A_853 = tpu.memref_squeeze %dma_wait3A_852 : memref<1x128x64xf32, #tpu.memory_space<vmem>> -> memref<128x64xf32, #tpu.memory_space<vmem>>
          %dma_wait3A_854 = arith.constant 0 : i32
          %dma_wait3A_855 = tpu.memref_slice %arg7[%add3A_847, %dma_wait3A_854] : memref<148x128xi32, #tpu.memory_space<vmem>> -> memref<1x128xi32, #tpu.memory_space<vmem>>
          %dma_wait3A_856 = tpu.memref_squeeze %dma_wait3A_855 : memref<1x128xi32, #tpu.memory_space<vmem>> -> memref<128xi32, #tpu.memory_space<vmem>>
          %dma_wait3A_857 = arith.constant 0 : i32
          %dma_wait3A_858 = arith.constant 0 : i32
          %dma_wait3A_859 = tpu.memref_slice %arg9[%dma_wait3A_857, %dma_wait3A_858] : memref<10240x64xf32, #tpu.memory_space<vmem_shared>> -> memref<10240x64xf32, #tpu.memory_space<vmem_shared>>
          %dma_wait3A_860 = tpu.memref_slice %arg11[%dma_wait3A_849] : memref<4x!tpu.dma_semaphore, #tpu.memory_space<semaphore_mem>> -> memref<1x!tpu.dma_semaphore, #tpu.memory_space<semaphore_mem>>
          %dma_wait3A_861 = tpu.memref_squeeze %dma_wait3A_860 : memref<1x!tpu.dma_semaphore, #tpu.memory_space<semaphore_mem>> -> memref<!tpu.dma_semaphore, #tpu.memory_space<semaphore_mem>>
          tpu.wait_indirect_dma semaphore(%dma_wait3A_861 : memref<!tpu.dma_semaphore, #tpu.memory_space<semaphore_mem>>) src(%dma_wait3A_853 : memref<128x64xf32, #tpu.memory_space<vmem>>) dst(%dma_wait3A_859 : memref<10240x64xf32, #tpu.memory_space<vmem_shared>>)
          %add3A_862 = arith.constant 1 : i32
          %add3A_863 = arith.addi %scan3A_581, %add3A_862 : i32
          %mul3A_864 = arith.constant 4 : i32
          %mul3A_865 = arith.muli %add3A_863, %mul3A_864 : i32
          %add3A_866 = arith.constant 3 : i32
          %add3A_867 = arith.addi %mul3A_865, %add3A_866 : i32
          %dma_start3A_868 = arith.constant 3 : i32
          %dma_start3A_869 = arith.constant 3 : i32
          %dma_start3A_870 = arith.constant 0 : i32
          %dma_start3A_871 = arith.constant 0 : i32
          %dma_start3A_872 = tpu.memref_slice %arg8[%dma_start3A_868, %dma_start3A_870, %dma_start3A_871] : memref<4x128x64xf32, #tpu.memory_space<vmem>> -> memref<1x128x64xf32, #tpu.memory_space<vmem>>
          %dma_start3A_873 = tpu.memref_squeeze %dma_start3A_872 : memref<1x128x64xf32, #tpu.memory_space<vmem>> -> memref<128x64xf32, #tpu.memory_space<vmem>>
          %dma_start3A_874 = arith.constant 0 : i32
          %dma_start3A_875 = tpu.memref_slice %arg6[%add3A_867, %dma_start3A_874] : memref<148x128xi32, #tpu.memory_space<vmem>> -> memref<1x128xi32, #tpu.memory_space<vmem>>
          %dma_start3A_876 = tpu.memref_squeeze %dma_start3A_875 : memref<1x128xi32, #tpu.memory_space<vmem>> -> memref<128xi32, #tpu.memory_space<vmem>>
          %dma_start3A_877 = arith.constant 0 : i32
          %dma_start3A_878 = arith.constant 0 : i32
          %dma_start3A_879 = tpu.memref_slice %arg2[%dma_start3A_877, %dma_start3A_878] : memref<10240x64xf32, #tpu.memory_space<hbm>> -> memref<10240x64xf32, #tpu.memory_space<hbm>>
          %dma_start3A_880 = tpu.memref_slice %arg10[%dma_start3A_869] : memref<4x!tpu.dma_semaphore, #tpu.memory_space<semaphore_mem>> -> memref<1x!tpu.dma_semaphore, #tpu.memory_space<semaphore_mem>>
          %dma_start3A_881 = tpu.memref_squeeze %dma_start3A_880 : memref<1x!tpu.dma_semaphore, #tpu.memory_space<semaphore_mem>> -> memref<!tpu.dma_semaphore, #tpu.memory_space<semaphore_mem>>
          tpu.enqueue_indirect_dma source(%dma_start3A_879 : memref<10240x64xf32, #tpu.memory_space<hbm>>) target(%dma_start3A_873 : memref<128x64xf32, #tpu.memory_space<vmem>>) offsets(%dma_start3A_876 : memref<128xi32, #tpu.memory_space<vmem>>) semaphore(%dma_start3A_881 : memref<!tpu.dma_semaphore, #tpu.memory_space<semaphore_mem>>)
        } else {
        }
      }
      %scan3A_520 = arith.constant 37 : i32
      %dma_wait3A_521 = arith.constant 0 : i32
      %dma_wait3A_522 = arith.constant 144 : i32
      %dma_wait3A_523 = arith.constant 0 : i32
      %dma_wait3A_524 = arith.constant 0 : i32
      %dma_wait3A_525 = arith.constant 0 : i32
      %dma_wait3A_526 = tpu.memref_slice %arg8[%dma_wait3A_521, %dma_wait3A_524, %dma_wait3A_525] : memref<4x128x64xf32, #tpu.memory_space<vmem>> -> memref<1x128x64xf32, #tpu.memory_space<vmem>>
      %dma_wait3A_527 = tpu.memref_squeeze %dma_wait3A_526 : memref<1x128x64xf32, #tpu.memory_space<vmem>> -> memref<128x64xf32, #tpu.memory_space<vmem>>
      %dma_wait3A_528 = arith.constant 0 : i32
      %dma_wait3A_529 = tpu.memref_slice %arg7[%dma_wait3A_522, %dma_wait3A_528] : memref<148x128xi32, #tpu.memory_space<vmem>> -> memref<1x128xi32, #tpu.memory_space<vmem>>
      %dma_wait3A_530 = tpu.memref_squeeze %dma_wait3A_529 : memref<1x128xi32, #tpu.memory_space<vmem>> -> memref<128xi32, #tpu.memory_space<vmem>>
      %dma_wait3A_531 = arith.constant 0 : i32
      %dma_wait3A_532 = arith.constant 0 : i32
      %dma_wait3A_533 = tpu.memref_slice %arg9[%dma_wait3A_531, %dma_wait3A_532] : memref<10240x64xf32, #tpu.memory_space<vmem_shared>> -> memref<10240x64xf32, #tpu.memory_space<vmem_shared>>
      %dma_wait3A_534 = tpu.memref_slice %arg11[%dma_wait3A_523] : memref<4x!tpu.dma_semaphore, #tpu.memory_space<semaphore_mem>> -> memref<1x!tpu.dma_semaphore, #tpu.memory_space<semaphore_mem>>
      %dma_wait3A_535 = tpu.memref_squeeze %dma_wait3A_534 : memref<1x!tpu.dma_semaphore, #tpu.memory_space<semaphore_mem>> -> memref<!tpu.dma_semaphore, #tpu.memory_space<semaphore_mem>>
      tpu.wait_indirect_dma semaphore(%dma_wait3A_535 : memref<!tpu.dma_semaphore, #tpu.memory_space<semaphore_mem>>) src(%dma_wait3A_527 : memref<128x64xf32, #tpu.memory_space<vmem>>) dst(%dma_wait3A_533 : memref<10240x64xf32, #tpu.memory_space<vmem_shared>>)
      %dma_wait3A_536 = arith.constant 1 : i32
      %dma_wait3A_537 = arith.constant 145 : i32
      %dma_wait3A_538 = arith.constant 1 : i32
      %dma_wait3A_539 = arith.constant 0 : i32
      %dma_wait3A_540 = arith.constant 0 : i32
      %dma_wait3A_541 = tpu.memref_slice %arg8[%dma_wait3A_536, %dma_wait3A_539, %dma_wait3A_540] : memref<4x128x64xf32, #tpu.memory_space<vmem>> -> memref<1x128x64xf32, #tpu.memory_space<vmem>>
      %dma_wait3A_542 = tpu.memref_squeeze %dma_wait3A_541 : memref<1x128x64xf32, #tpu.memory_space<vmem>> -> memref<128x64xf32, #tpu.memory_space<vmem>>
      %dma_wait3A_543 = arith.constant 0 : i32
      %dma_wait3A_544 = tpu.memref_slice %arg7[%dma_wait3A_537, %dma_wait3A_543] : memref<148x128xi32, #tpu.memory_space<vmem>> -> memref<1x128xi32, #tpu.memory_space<vmem>>
      %dma_wait3A_545 = tpu.memref_squeeze %dma_wait3A_544 : memref<1x128xi32, #tpu.memory_space<vmem>> -> memref<128xi32, #tpu.memory_space<vmem>>
      %dma_wait3A_546 = arith.constant 0 : i32
      %dma_wait3A_547 = arith.constant 0 : i32
      %dma_wait3A_548 = tpu.memref_slice %arg9[%dma_wait3A_546, %dma_wait3A_547] : memref<10240x64xf32, #tpu.memory_space<vmem_shared>> -> memref<10240x64xf32, #tpu.memory_space<vmem_shared>>
      %dma_wait3A_549 = tpu.memref_slice %arg11[%dma_wait3A_538] : memref<4x!tpu.dma_semaphore, #tpu.memory_space<semaphore_mem>> -> memref<1x!tpu.dma_semaphore, #tpu.memory_space<semaphore_mem>>
      %dma_wait3A_550 = tpu.memref_squeeze %dma_wait3A_549 : memref<1x!tpu.dma_semaphore, #tpu.memory_space<semaphore_mem>> -> memref<!tpu.dma_semaphore, #tpu.memory_space<semaphore_mem>>
      tpu.wait_indirect_dma semaphore(%dma_wait3A_550 : memref<!tpu.dma_semaphore, #tpu.memory_space<semaphore_mem>>) src(%dma_wait3A_542 : memref<128x64xf32, #tpu.memory_space<vmem>>) dst(%dma_wait3A_548 : memref<10240x64xf32, #tpu.memory_space<vmem_shared>>)
      %dma_wait3A_551 = arith.constant 2 : i32
      %dma_wait3A_552 = arith.constant 146 : i32
      %dma_wait3A_553 = arith.constant 2 : i32
      %dma_wait3A_554 = arith.constant 0 : i32
      %dma_wait3A_555 = arith.constant 0 : i32
      %dma_wait3A_556 = tpu.memref_slice %arg8[%dma_wait3A_551, %dma_wait3A_554, %dma_wait3A_555] : memref<4x128x64xf32, #tpu.memory_space<vmem>> -> memref<1x128x64xf32, #tpu.memory_space<vmem>>
      %dma_wait3A_557 = tpu.memref_squeeze %dma_wait3A_556 : memref<1x128x64xf32, #tpu.memory_space<vmem>> -> memref<128x64xf32, #tpu.memory_space<vmem>>
      %dma_wait3A_558 = arith.constant 0 : i32
      %dma_wait3A_559 = tpu.memref_slice %arg7[%dma_wait3A_552, %dma_wait3A_558] : memref<148x128xi32, #tpu.memory_space<vmem>> -> memref<1x128xi32, #tpu.memory_space<vmem>>
      %dma_wait3A_560 = tpu.memref_squeeze %dma_wait3A_559 : memref<1x128xi32, #tpu.memory_space<vmem>> -> memref<128xi32, #tpu.memory_space<vmem>>
      %dma_wait3A_561 = arith.constant 0 : i32
      %dma_wait3A_562 = arith.constant 0 : i32
      %dma_wait3A_563 = tpu.memref_slice %arg9[%dma_wait3A_561, %dma_wait3A_562] : memref<10240x64xf32, #tpu.memory_space<vmem_shared>> -> memref<10240x64xf32, #tpu.memory_space<vmem_shared>>
      %dma_wait3A_564 = tpu.memref_slice %arg11[%dma_wait3A_553] : memref<4x!tpu.dma_semaphore, #tpu.memory_space<semaphore_mem>> -> memref<1x!tpu.dma_semaphore, #tpu.memory_space<semaphore_mem>>
      %dma_wait3A_565 = tpu.memref_squeeze %dma_wait3A_564 : memref<1x!tpu.dma_semaphore, #tpu.memory_space<semaphore_mem>> -> memref<!tpu.dma_semaphore, #tpu.memory_space<semaphore_mem>>
      tpu.wait_indirect_dma semaphore(%dma_wait3A_565 : memref<!tpu.dma_semaphore, #tpu.memory_space<semaphore_mem>>) src(%dma_wait3A_557 : memref<128x64xf32, #tpu.memory_space<vmem>>) dst(%dma_wait3A_563 : memref<10240x64xf32, #tpu.memory_space<vmem_shared>>)
      %dma_wait3A_566 = arith.constant 3 : i32
      %dma_wait3A_567 = arith.constant 147 : i32
      %dma_wait3A_568 = arith.constant 3 : i32
      %dma_wait3A_569 = arith.constant 0 : i32
      %dma_wait3A_570 = arith.constant 0 : i32
      %dma_wait3A_571 = tpu.memref_slice %arg8[%dma_wait3A_566, %dma_wait3A_569, %dma_wait3A_570] : memref<4x128x64xf32, #tpu.memory_space<vmem>> -> memref<1x128x64xf32, #tpu.memory_space<vmem>>
      %dma_wait3A_572 = tpu.memref_squeeze %dma_wait3A_571 : memref<1x128x64xf32, #tpu.memory_space<vmem>> -> memref<128x64xf32, #tpu.memory_space<vmem>>
      %dma_wait3A_573 = arith.constant 0 : i32
      %dma_wait3A_574 = tpu.memref_slice %arg7[%dma_wait3A_567, %dma_wait3A_573] : memref<148x128xi32, #tpu.memory_space<vmem>> -> memref<1x128xi32, #tpu.memory_space<vmem>>
      %dma_wait3A_575 = tpu.memref_squeeze %dma_wait3A_574 : memref<1x128xi32, #tpu.memory_space<vmem>> -> memref<128xi32, #tpu.memory_space<vmem>>
      %dma_wait3A_576 = arith.constant 0 : i32
      %dma_wait3A_577 = arith.constant 0 : i32
      %dma_wait3A_578 = tpu.memref_slice %arg9[%dma_wait3A_576, %dma_wait3A_577] : memref<10240x64xf32, #tpu.memory_space<vmem_shared>> -> memref<10240x64xf32, #tpu.memory_space<vmem_shared>>
      %dma_wait3A_579 = tpu.memref_slice %arg11[%dma_wait3A_568] : memref<4x!tpu.dma_semaphore, #tpu.memory_space<semaphore_mem>> -> memref<1x!tpu.dma_semaphore, #tpu.memory_space<semaphore_mem>>
      %dma_wait3A_580 = tpu.memref_squeeze %dma_wait3A_579 : memref<1x!tpu.dma_semaphore, #tpu.memory_space<semaphore_mem>> -> memref<!tpu.dma_semaphore, #tpu.memory_space<semaphore_mem>>
      tpu.wait_indirect_dma semaphore(%dma_wait3A_580 : memref<!tpu.dma_semaphore, #tpu.memory_space<semaphore_mem>>) src(%dma_wait3A_572 : memref<128x64xf32, #tpu.memory_space<vmem>>) dst(%dma_wait3A_578 : memref<10240x64xf32, #tpu.memory_space<vmem_shared>>)
    } else {
    }
    %eq3A_31 = arith.constant 1 : i32
    %eq3A_32 = arith.cmpi eq, %arg0, %eq3A_31 : i32
    %convert_element_type3A_33 = arith.extui %eq3A_32 : i1 to i32
    %cond3A_34 = arith.constant 0 : i32
    %cond3A_35 = arith.cmpi ne, %convert_element_type3A_33, %cond3A_34 : i32
    scf.if %cond3A_35 {
      %dma_start3A_455 = arith.constant 0 : i32
      %dma_start3A_456 = arith.constant 0 : i32
      %dma_start3A_457 = arith.constant 0 : i32
      %dma_start3A_458 = arith.constant 0 : i32
      %dma_start3A_459 = arith.constant 0 : i32
      %dma_start3A_460 = tpu.memref_slice %arg8[%dma_start3A_456, %dma_start3A_458, %dma_start3A_459] : memref<4x128x64xf32, #tpu.memory_space<vmem>> -> memref<1x128x64xf32, #tpu.memory_space<vmem>>
      %dma_start3A_461 = tpu.memref_squeeze %dma_start3A_460 : memref<1x128x64xf32, #tpu.memory_space<vmem>> -> memref<128x64xf32, #tpu.memory_space<vmem>>
      %dma_start3A_462 = arith.constant 0 : i32
      %dma_start3A_463 = tpu.memref_slice %arg6[%dma_start3A_455, %dma_start3A_462] : memref<148x128xi32, #tpu.memory_space<vmem>> -> memref<1x128xi32, #tpu.memory_space<vmem>>
      %dma_start3A_464 = tpu.memref_squeeze %dma_start3A_463 : memref<1x128xi32, #tpu.memory_space<vmem>> -> memref<128xi32, #tpu.memory_space<vmem>>
      %dma_start3A_465 = arith.constant 0 : i32
      %dma_start3A_466 = arith.constant 0 : i32
      %dma_start3A_467 = tpu.memref_slice %arg2[%dma_start3A_465, %dma_start3A_466] : memref<10240x64xf32, #tpu.memory_space<hbm>> -> memref<10240x64xf32, #tpu.memory_space<hbm>>
      %dma_start3A_468 = tpu.memref_slice %arg10[%dma_start3A_457] : memref<4x!tpu.dma_semaphore, #tpu.memory_space<semaphore_mem>> -> memref<1x!tpu.dma_semaphore, #tpu.memory_space<semaphore_mem>>
      %dma_start3A_469 = tpu.memref_squeeze %dma_start3A_468 : memref<1x!tpu.dma_semaphore, #tpu.memory_space<semaphore_mem>> -> memref<!tpu.dma_semaphore, #tpu.memory_space<semaphore_mem>>
      tpu.enqueue_indirect_dma source(%dma_start3A_467 : memref<10240x64xf32, #tpu.memory_space<hbm>>) target(%dma_start3A_461 : memref<128x64xf32, #tpu.memory_space<vmem>>) offsets(%dma_start3A_464 : memref<128xi32, #tpu.memory_space<vmem>>) semaphore(%dma_start3A_469 : memref<!tpu.dma_semaphore, #tpu.memory_space<semaphore_mem>>)
      %dma_start3A_470 = arith.constant 1 : i32
      %dma_start3A_471 = arith.constant 1 : i32
      %dma_start3A_472 = arith.constant 1 : i32
      %dma_start3A_473 = arith.constant 0 : i32
      %dma_start3A_474 = arith.constant 0 : i32
      %dma_start3A_475 = tpu.memref_slice %arg8[%dma_start3A_471, %dma_start3A_473, %dma_start3A_474] : memref<4x128x64xf32, #tpu.memory_space<vmem>> -> memref<1x128x64xf32, #tpu.memory_space<vmem>>
      %dma_start3A_476 = tpu.memref_squeeze %dma_start3A_475 : memref<1x128x64xf32, #tpu.memory_space<vmem>> -> memref<128x64xf32, #tpu.memory_space<vmem>>
      %dma_start3A_477 = arith.constant 0 : i32
      %dma_start3A_478 = tpu.memref_slice %arg6[%dma_start3A_470, %dma_start3A_477] : memref<148x128xi32, #tpu.memory_space<vmem>> -> memref<1x128xi32, #tpu.memory_space<vmem>>
      %dma_start3A_479 = tpu.memref_squeeze %dma_start3A_478 : memref<1x128xi32, #tpu.memory_space<vmem>> -> memref<128xi32, #tpu.memory_space<vmem>>
      %dma_start3A_480 = arith.constant 0 : i32
      %dma_start3A_481 = arith.constant 0 : i32
      %dma_start3A_482 = tpu.memref_slice %arg2[%dma_start3A_480, %dma_start3A_481] : memref<10240x64xf32, #tpu.memory_space<hbm>> -> memref<10240x64xf32, #tpu.memory_space<hbm>>
      %dma_start3A_483 = tpu.memref_slice %arg10[%dma_start3A_472] : memref<4x!tpu.dma_semaphore, #tpu.memory_space<semaphore_mem>> -> memref<1x!tpu.dma_semaphore, #tpu.memory_space<semaphore_mem>>
      %dma_start3A_484 = tpu.memref_squeeze %dma_start3A_483 : memref<1x!tpu.dma_semaphore, #tpu.memory_space<semaphore_mem>> -> memref<!tpu.dma_semaphore, #tpu.memory_space<semaphore_mem>>
      tpu.enqueue_indirect_dma source(%dma_start3A_482 : memref<10240x64xf32, #tpu.memory_space<hbm>>) target(%dma_start3A_476 : memref<128x64xf32, #tpu.memory_space<vmem>>) offsets(%dma_start3A_479 : memref<128xi32, #tpu.memory_space<vmem>>) semaphore(%dma_start3A_484 : memref<!tpu.dma_semaphore, #tpu.memory_space<semaphore_mem>>)
      %dma_start3A_485 = arith.constant 2 : i32
      %dma_start3A_486 = arith.constant 2 : i32
      %dma_start3A_487 = arith.constant 2 : i32
      %dma_start3A_488 = arith.constant 0 : i32
      %dma_start3A_489 = arith.constant 0 : i32
      %dma_start3A_490 = tpu.memref_slice %arg8[%dma_start3A_486, %dma_start3A_488, %dma_start3A_489] : memref<4x128x64xf32, #tpu.memory_space<vmem>> -> memref<1x128x64xf32, #tpu.memory_space<vmem>>
      %dma_start3A_491 = tpu.memref_squeeze %dma_start3A_490 : memref<1x128x64xf32, #tpu.memory_space<vmem>> -> memref<128x64xf32, #tpu.memory_space<vmem>>
      %dma_start3A_492 = arith.constant 0 : i32
      %dma_start3A_493 = tpu.memref_slice %arg6[%dma_start3A_485, %dma_start3A_492] : memref<148x128xi32, #tpu.memory_space<vmem>> -> memref<1x128xi32, #tpu.memory_space<vmem>>
      %dma_start3A_494 = tpu.memref_squeeze %dma_start3A_493 : memref<1x128xi32, #tpu.memory_space<vmem>> -> memref<128xi32, #tpu.memory_space<vmem>>
      %dma_start3A_495 = arith.constant 0 : i32
      %dma_start3A_496 = arith.constant 0 : i32
      %dma_start3A_497 = tpu.memref_slice %arg2[%dma_start3A_495, %dma_start3A_496] : memref<10240x64xf32, #tpu.memory_space<hbm>> -> memref<10240x64xf32, #tpu.memory_space<hbm>>
      %dma_start3A_498 = tpu.memref_slice %arg10[%dma_start3A_487] : memref<4x!tpu.dma_semaphore, #tpu.memory_space<semaphore_mem>> -> memref<1x!tpu.dma_semaphore, #tpu.memory_space<semaphore_mem>>
      %dma_start3A_499 = tpu.memref_squeeze %dma_start3A_498 : memref<1x!tpu.dma_semaphore, #tpu.memory_space<semaphore_mem>> -> memref<!tpu.dma_semaphore, #tpu.memory_space<semaphore_mem>>
      tpu.enqueue_indirect_dma source(%dma_start3A_497 : memref<10240x64xf32, #tpu.memory_space<hbm>>) target(%dma_start3A_491 : memref<128x64xf32, #tpu.memory_space<vmem>>) offsets(%dma_start3A_494 : memref<128xi32, #tpu.memory_space<vmem>>) semaphore(%dma_start3A_499 : memref<!tpu.dma_semaphore, #tpu.memory_space<semaphore_mem>>)
      %dma_start3A_500 = arith.constant 3 : i32
      %dma_start3A_501 = arith.constant 3 : i32
      %dma_start3A_502 = arith.constant 3 : i32
      %dma_start3A_503 = arith.constant 0 : i32
      %dma_start3A_504 = arith.constant 0 : i32
      %dma_start3A_505 = tpu.memref_slice %arg8[%dma_start3A_501, %dma_start3A_503, %dma_start3A_504] : memref<4x128x64xf32, #tpu.memory_space<vmem>> -> memref<1x128x64xf32, #tpu.memory_space<vmem>>
      %dma_start3A_506 = tpu.memref_squeeze %dma_start3A_505 : memref<1x128x64xf32, #tpu.memory_space<vmem>> -> memref<128x64xf32, #tpu.memory_space<vmem>>
      %dma_start3A_507 = arith.constant 0 : i32
      %dma_start3A_508 = tpu.memref_slice %arg6[%dma_start3A_500, %dma_start3A_507] : memref<148x128xi32, #tpu.memory_space<vmem>> -> memref<1x128xi32, #tpu.memory_space<vmem>>
      %dma_start3A_509 = tpu.memref_squeeze %dma_start3A_508 : memref<1x128xi32, #tpu.memory_space<vmem>> -> memref<128xi32, #tpu.memory_space<vmem>>
      %dma_start3A_510 = arith.constant 0 : i32
      %dma_start3A_511 = arith.constant 0 : i32
      %dma_start3A_512 = tpu.memref_slice %arg2[%dma_start3A_510, %dma_start3A_511] : memref<10240x64xf32, #tpu.memory_space<hbm>> -> memref<10240x64xf32, #tpu.memory_space<hbm>>
      %dma_start3A_513 = tpu.memref_slice %arg10[%dma_start3A_502] : memref<4x!tpu.dma_semaphore, #tpu.memory_space<semaphore_mem>> -> memref<1x!tpu.dma_semaphore, #tpu.memory_space<semaphore_mem>>
      %dma_start3A_514 = tpu.memref_squeeze %dma_start3A_513 : memref<1x!tpu.dma_semaphore, #tpu.memory_space<semaphore_mem>> -> memref<!tpu.dma_semaphore, #tpu.memory_space<semaphore_mem>>
      tpu.enqueue_indirect_dma source(%dma_start3A_512 : memref<10240x64xf32, #tpu.memory_space<hbm>>) target(%dma_start3A_506 : memref<128x64xf32, #tpu.memory_space<vmem>>) offsets(%dma_start3A_509 : memref<128xi32, #tpu.memory_space<vmem>>) semaphore(%dma_start3A_514 : memref<!tpu.dma_semaphore, #tpu.memory_space<semaphore_mem>>)
      %scan3A_515 = arith.constant 0 : i32
      %scan3A_516 = arith.constant 0 : i32
      %scan3A_517 = arith.constant 3 : i32
      %scan3A_518 = arith.addi %scan3A_516, %scan3A_517 : i32
      %scan3A_519 = arith.constant 1 : i32
      scf.for %scan3A_581 = %scan3A_516 to %scan3A_518 step %scan3A_519  : i32 {
        %mul3A_582 = arith.constant 4 : i32
        %mul3A_583 = arith.muli %scan3A_581, %mul3A_582 : i32
        %add3A_584 = arith.constant 0 : i32
        %add3A_585 = arith.addi %mul3A_583, %add3A_584 : i32
        %dma_wait3A_586 = arith.constant 0 : i32
        %dma_wait3A_587 = arith.constant 0 : i32
        %dma_wait3A_588 = arith.constant 0 : i32
        %dma_wait3A_589 = arith.constant 0 : i32
        %dma_wait3A_590 = tpu.memref_slice %arg8[%dma_wait3A_586, %dma_wait3A_588, %dma_wait3A_589] : memref<4x128x64xf32, #tpu.memory_space<vmem>> -> memref<1x128x64xf32, #tpu.memory_space<vmem>>
        %dma_wait3A_591 = tpu.memref_squeeze %dma_wait3A_590 : memref<1x128x64xf32, #tpu.memory_space<vmem>> -> memref<128x64xf32, #tpu.memory_space<vmem>>
        %dma_wait3A_592 = arith.constant 0 : i32
        %dma_wait3A_593 = tpu.memref_slice %arg6[%add3A_585, %dma_wait3A_592] : memref<148x128xi32, #tpu.memory_space<vmem>> -> memref<1x128xi32, #tpu.memory_space<vmem>>
        %dma_wait3A_594 = tpu.memref_squeeze %dma_wait3A_593 : memref<1x128xi32, #tpu.memory_space<vmem>> -> memref<128xi32, #tpu.memory_space<vmem>>
        %dma_wait3A_595 = arith.constant 0 : i32
        %dma_wait3A_596 = arith.constant 0 : i32
        %dma_wait3A_597 = tpu.memref_slice %arg2[%dma_wait3A_595, %dma_wait3A_596] : memref<10240x64xf32, #tpu.memory_space<hbm>> -> memref<10240x64xf32, #tpu.memory_space<hbm>>
        %dma_wait3A_598 = tpu.memref_slice %arg10[%dma_wait3A_587] : memref<4x!tpu.dma_semaphore, #tpu.memory_space<semaphore_mem>> -> memref<1x!tpu.dma_semaphore, #tpu.memory_space<semaphore_mem>>
        %dma_wait3A_599 = tpu.memref_squeeze %dma_wait3A_598 : memref<1x!tpu.dma_semaphore, #tpu.memory_space<semaphore_mem>> -> memref<!tpu.dma_semaphore, #tpu.memory_space<semaphore_mem>>
        tpu.wait_indirect_dma semaphore(%dma_wait3A_599 : memref<!tpu.dma_semaphore, #tpu.memory_space<semaphore_mem>>) src(%dma_wait3A_597 : memref<10240x64xf32, #tpu.memory_space<hbm>>) dst(%dma_wait3A_591 : memref<128x64xf32, #tpu.memory_space<vmem>>)
        %mul3A_600 = arith.constant 4 : i32
        %mul3A_601 = arith.muli %scan3A_581, %mul3A_600 : i32
        %add3A_602 = arith.constant 0 : i32
        %add3A_603 = arith.addi %mul3A_601, %add3A_602 : i32
        %dma_start3A_604 = arith.constant 0 : i32
        %dma_start3A_605 = arith.constant 0 : i32
        %dma_start3A_606 = arith.constant 0 : i32
        %dma_start3A_607 = arith.constant 0 : i32
        %dma_start3A_608 = tpu.memref_slice %arg8[%dma_start3A_604, %dma_start3A_606, %dma_start3A_607] : memref<4x128x64xf32, #tpu.memory_space<vmem>> -> memref<1x128x64xf32, #tpu.memory_space<vmem>>
        %dma_start3A_609 = tpu.memref_squeeze %dma_start3A_608 : memref<1x128x64xf32, #tpu.memory_space<vmem>> -> memref<128x64xf32, #tpu.memory_space<vmem>>
        %dma_start3A_610 = arith.constant 0 : i32
        %dma_start3A_611 = tpu.memref_slice %arg7[%add3A_603, %dma_start3A_610] : memref<148x128xi32, #tpu.memory_space<vmem>> -> memref<1x128xi32, #tpu.memory_space<vmem>>
        %dma_start3A_612 = tpu.memref_squeeze %dma_start3A_611 : memref<1x128xi32, #tpu.memory_space<vmem>> -> memref<128xi32, #tpu.memory_space<vmem>>
        %dma_start3A_613 = arith.constant 0 : i32
        %dma_start3A_614 = arith.constant 0 : i32
        %dma_start3A_615 = tpu.memref_slice %arg9[%dma_start3A_613, %dma_start3A_614] : memref<10240x64xf32, #tpu.memory_space<vmem_shared>> -> memref<10240x64xf32, #tpu.memory_space<vmem_shared>>
        %dma_start3A_616 = tpu.memref_slice %arg11[%dma_start3A_605] : memref<4x!tpu.dma_semaphore, #tpu.memory_space<semaphore_mem>> -> memref<1x!tpu.dma_semaphore, #tpu.memory_space<semaphore_mem>>
        %dma_start3A_617 = tpu.memref_squeeze %dma_start3A_616 : memref<1x!tpu.dma_semaphore, #tpu.memory_space<semaphore_mem>> -> memref<!tpu.dma_semaphore, #tpu.memory_space<semaphore_mem>>
        tpu.enqueue_indirect_dma source(%dma_start3A_609 : memref<128x64xf32, #tpu.memory_space<vmem>>) target(%dma_start3A_615 : memref<10240x64xf32, #tpu.memory_space<vmem_shared>>) offsets(%dma_start3A_612 : memref<128xi32, #tpu.memory_space<vmem>>) semaphore(%dma_start3A_617 : memref<!tpu.dma_semaphore, #tpu.memory_space<semaphore_mem>>) {add = true}
        %mul3A_618 = arith.constant 4 : i32
        %mul3A_619 = arith.muli %scan3A_581, %mul3A_618 : i32
        %add3A_620 = arith.constant 1 : i32
        %add3A_621 = arith.addi %mul3A_619, %add3A_620 : i32
        %dma_wait3A_622 = arith.constant 1 : i32
        %dma_wait3A_623 = arith.constant 1 : i32
        %dma_wait3A_624 = arith.constant 0 : i32
        %dma_wait3A_625 = arith.constant 0 : i32
        %dma_wait3A_626 = tpu.memref_slice %arg8[%dma_wait3A_622, %dma_wait3A_624, %dma_wait3A_625] : memref<4x128x64xf32, #tpu.memory_space<vmem>> -> memref<1x128x64xf32, #tpu.memory_space<vmem>>
        %dma_wait3A_627 = tpu.memref_squeeze %dma_wait3A_626 : memref<1x128x64xf32, #tpu.memory_space<vmem>> -> memref<128x64xf32, #tpu.memory_space<vmem>>
        %dma_wait3A_628 = arith.constant 0 : i32
        %dma_wait3A_629 = tpu.memref_slice %arg6[%add3A_621, %dma_wait3A_628] : memref<148x128xi32, #tpu.memory_space<vmem>> -> memref<1x128xi32, #tpu.memory_space<vmem>>
        %dma_wait3A_630 = tpu.memref_squeeze %dma_wait3A_629 : memref<1x128xi32, #tpu.memory_space<vmem>> -> memref<128xi32, #tpu.memory_space<vmem>>
        %dma_wait3A_631 = arith.constant 0 : i32
        %dma_wait3A_632 = arith.constant 0 : i32
        %dma_wait3A_633 = tpu.memref_slice %arg2[%dma_wait3A_631, %dma_wait3A_632] : memref<10240x64xf32, #tpu.memory_space<hbm>> -> memref<10240x64xf32, #tpu.memory_space<hbm>>
        %dma_wait3A_634 = tpu.memref_slice %arg10[%dma_wait3A_623] : memref<4x!tpu.dma_semaphore, #tpu.memory_space<semaphore_mem>> -> memref<1x!tpu.dma_semaphore, #tpu.memory_space<semaphore_mem>>
        %dma_wait3A_635 = tpu.memref_squeeze %dma_wait3A_634 : memref<1x!tpu.dma_semaphore, #tpu.memory_space<semaphore_mem>> -> memref<!tpu.dma_semaphore, #tpu.memory_space<semaphore_mem>>
        tpu.wait_indirect_dma semaphore(%dma_wait3A_635 : memref<!tpu.dma_semaphore, #tpu.memory_space<semaphore_mem>>) src(%dma_wait3A_633 : memref<10240x64xf32, #tpu.memory_space<hbm>>) dst(%dma_wait3A_627 : memref<128x64xf32, #tpu.memory_space<vmem>>)
        %mul3A_636 = arith.constant 4 : i32
        %mul3A_637 = arith.muli %scan3A_581, %mul3A_636 : i32
        %add3A_638 = arith.constant 1 : i32
        %add3A_639 = arith.addi %mul3A_637, %add3A_638 : i32
        %dma_start3A_640 = arith.constant 1 : i32
        %dma_start3A_641 = arith.constant 1 : i32
        %dma_start3A_642 = arith.constant 0 : i32
        %dma_start3A_643 = arith.constant 0 : i32
        %dma_start3A_644 = tpu.memref_slice %arg8[%dma_start3A_640, %dma_start3A_642, %dma_start3A_643] : memref<4x128x64xf32, #tpu.memory_space<vmem>> -> memref<1x128x64xf32, #tpu.memory_space<vmem>>
        %dma_start3A_645 = tpu.memref_squeeze %dma_start3A_644 : memref<1x128x64xf32, #tpu.memory_space<vmem>> -> memref<128x64xf32, #tpu.memory_space<vmem>>
        %dma_start3A_646 = arith.constant 0 : i32
        %dma_start3A_647 = tpu.memref_slice %arg7[%add3A_639, %dma_start3A_646] : memref<148x128xi32, #tpu.memory_space<vmem>> -> memref<1x128xi32, #tpu.memory_space<vmem>>
        %dma_start3A_648 = tpu.memref_squeeze %dma_start3A_647 : memref<1x128xi32, #tpu.memory_space<vmem>> -> memref<128xi32, #tpu.memory_space<vmem>>
        %dma_start3A_649 = arith.constant 0 : i32
        %dma_start3A_650 = arith.constant 0 : i32
        %dma_start3A_651 = tpu.memref_slice %arg9[%dma_start3A_649, %dma_start3A_650] : memref<10240x64xf32, #tpu.memory_space<vmem_shared>> -> memref<10240x64xf32, #tpu.memory_space<vmem_shared>>
        %dma_start3A_652 = tpu.memref_slice %arg11[%dma_start3A_641] : memref<4x!tpu.dma_semaphore, #tpu.memory_space<semaphore_mem>> -> memref<1x!tpu.dma_semaphore, #tpu.memory_space<semaphore_mem>>
        %dma_start3A_653 = tpu.memref_squeeze %dma_start3A_652 : memref<1x!tpu.dma_semaphore, #tpu.memory_space<semaphore_mem>> -> memref<!tpu.dma_semaphore, #tpu.memory_space<semaphore_mem>>
        tpu.enqueue_indirect_dma source(%dma_start3A_645 : memref<128x64xf32, #tpu.memory_space<vmem>>) target(%dma_start3A_651 : memref<10240x64xf32, #tpu.memory_space<vmem_shared>>) offsets(%dma_start3A_648 : memref<128xi32, #tpu.memory_space<vmem>>) semaphore(%dma_start3A_653 : memref<!tpu.dma_semaphore, #tpu.memory_space<semaphore_mem>>) {add = true}
        %mul3A_654 = arith.constant 4 : i32
        %mul3A_655 = arith.muli %scan3A_581, %mul3A_654 : i32
        %add3A_656 = arith.constant 2 : i32
        %add3A_657 = arith.addi %mul3A_655, %add3A_656 : i32
        %dma_wait3A_658 = arith.constant 2 : i32
        %dma_wait3A_659 = arith.constant 2 : i32
        %dma_wait3A_660 = arith.constant 0 : i32
        %dma_wait3A_661 = arith.constant 0 : i32
        %dma_wait3A_662 = tpu.memref_slice %arg8[%dma_wait3A_658, %dma_wait3A_660, %dma_wait3A_661] : memref<4x128x64xf32, #tpu.memory_space<vmem>> -> memref<1x128x64xf32, #tpu.memory_space<vmem>>
        %dma_wait3A_663 = tpu.memref_squeeze %dma_wait3A_662 : memref<1x128x64xf32, #tpu.memory_space<vmem>> -> memref<128x64xf32, #tpu.memory_space<vmem>>
        %dma_wait3A_664 = arith.constant 0 : i32
        %dma_wait3A_665 = tpu.memref_slice %arg6[%add3A_657, %dma_wait3A_664] : memref<148x128xi32, #tpu.memory_space<vmem>> -> memref<1x128xi32, #tpu.memory_space<vmem>>
        %dma_wait3A_666 = tpu.memref_squeeze %dma_wait3A_665 : memref<1x128xi32, #tpu.memory_space<vmem>> -> memref<128xi32, #tpu.memory_space<vmem>>
        %dma_wait3A_667 = arith.constant 0 : i32
        %dma_wait3A_668 = arith.constant 0 : i32
        %dma_wait3A_669 = tpu.memref_slice %arg2[%dma_wait3A_667, %dma_wait3A_668] : memref<10240x64xf32, #tpu.memory_space<hbm>> -> memref<10240x64xf32, #tpu.memory_space<hbm>>
        %dma_wait3A_670 = tpu.memref_slice %arg10[%dma_wait3A_659] : memref<4x!tpu.dma_semaphore, #tpu.memory_space<semaphore_mem>> -> memref<1x!tpu.dma_semaphore, #tpu.memory_space<semaphore_mem>>
        %dma_wait3A_671 = tpu.memref_squeeze %dma_wait3A_670 : memref<1x!tpu.dma_semaphore, #tpu.memory_space<semaphore_mem>> -> memref<!tpu.dma_semaphore, #tpu.memory_space<semaphore_mem>>
        tpu.wait_indirect_dma semaphore(%dma_wait3A_671 : memref<!tpu.dma_semaphore, #tpu.memory_space<semaphore_mem>>) src(%dma_wait3A_669 : memref<10240x64xf32, #tpu.memory_space<hbm>>) dst(%dma_wait3A_663 : memref<128x64xf32, #tpu.memory_space<vmem>>)
        %mul3A_672 = arith.constant 4 : i32
        %mul3A_673 = arith.muli %scan3A_581, %mul3A_672 : i32
        %add3A_674 = arith.constant 2 : i32
        %add3A_675 = arith.addi %mul3A_673, %add3A_674 : i32
        %dma_start3A_676 = arith.constant 2 : i32
        %dma_start3A_677 = arith.constant 2 : i32
        %dma_start3A_678 = arith.constant 0 : i32
        %dma_start3A_679 = arith.constant 0 : i32
        %dma_start3A_680 = tpu.memref_slice %arg8[%dma_start3A_676, %dma_start3A_678, %dma_start3A_679] : memref<4x128x64xf32, #tpu.memory_space<vmem>> -> memref<1x128x64xf32, #tpu.memory_space<vmem>>
        %dma_start3A_681 = tpu.memref_squeeze %dma_start3A_680 : memref<1x128x64xf32, #tpu.memory_space<vmem>> -> memref<128x64xf32, #tpu.memory_space<vmem>>
        %dma_start3A_682 = arith.constant 0 : i32
        %dma_start3A_683 = tpu.memref_slice %arg7[%add3A_675, %dma_start3A_682] : memref<148x128xi32, #tpu.memory_space<vmem>> -> memref<1x128xi32, #tpu.memory_space<vmem>>
        %dma_start3A_684 = tpu.memref_squeeze %dma_start3A_683 : memref<1x128xi32, #tpu.memory_space<vmem>> -> memref<128xi32, #tpu.memory_space<vmem>>
        %dma_start3A_685 = arith.constant 0 : i32
        %dma_start3A_686 = arith.constant 0 : i32
        %dma_start3A_687 = tpu.memref_slice %arg9[%dma_start3A_685, %dma_start3A_686] : memref<10240x64xf32, #tpu.memory_space<vmem_shared>> -> memref<10240x64xf32, #tpu.memory_space<vmem_shared>>
        %dma_start3A_688 = tpu.memref_slice %arg11[%dma_start3A_677] : memref<4x!tpu.dma_semaphore, #tpu.memory_space<semaphore_mem>> -> memref<1x!tpu.dma_semaphore, #tpu.memory_space<semaphore_mem>>
        %dma_start3A_689 = tpu.memref_squeeze %dma_start3A_688 : memref<1x!tpu.dma_semaphore, #tpu.memory_space<semaphore_mem>> -> memref<!tpu.dma_semaphore, #tpu.memory_space<semaphore_mem>>
        tpu.enqueue_indirect_dma source(%dma_start3A_681 : memref<128x64xf32, #tpu.memory_space<vmem>>) target(%dma_start3A_687 : memref<10240x64xf32, #tpu.memory_space<vmem_shared>>) offsets(%dma_start3A_684 : memref<128xi32, #tpu.memory_space<vmem>>) semaphore(%dma_start3A_689 : memref<!tpu.dma_semaphore, #tpu.memory_space<semaphore_mem>>) {add = true}
        %mul3A_690 = arith.constant 4 : i32
        %mul3A_691 = arith.muli %scan3A_581, %mul3A_690 : i32
        %add3A_692 = arith.constant 3 : i32
        %add3A_693 = arith.addi %mul3A_691, %add3A_692 : i32
        %dma_wait3A_694 = arith.constant 3 : i32
        %dma_wait3A_695 = arith.constant 3 : i32
        %dma_wait3A_696 = arith.constant 0 : i32
        %dma_wait3A_697 = arith.constant 0 : i32
        %dma_wait3A_698 = tpu.memref_slice %arg8[%dma_wait3A_694, %dma_wait3A_696, %dma_wait3A_697] : memref<4x128x64xf32, #tpu.memory_space<vmem>> -> memref<1x128x64xf32, #tpu.memory_space<vmem>>
        %dma_wait3A_699 = tpu.memref_squeeze %dma_wait3A_698 : memref<1x128x64xf32, #tpu.memory_space<vmem>> -> memref<128x64xf32, #tpu.memory_space<vmem>>
        %dma_wait3A_700 = arith.constant 0 : i32
        %dma_wait3A_701 = tpu.memref_slice %arg6[%add3A_693, %dma_wait3A_700] : memref<148x128xi32, #tpu.memory_space<vmem>> -> memref<1x128xi32, #tpu.memory_space<vmem>>
        %dma_wait3A_702 = tpu.memref_squeeze %dma_wait3A_701 : memref<1x128xi32, #tpu.memory_space<vmem>> -> memref<128xi32, #tpu.memory_space<vmem>>
        %dma_wait3A_703 = arith.constant 0 : i32
        %dma_wait3A_704 = arith.constant 0 : i32
        %dma_wait3A_705 = tpu.memref_slice %arg2[%dma_wait3A_703, %dma_wait3A_704] : memref<10240x64xf32, #tpu.memory_space<hbm>> -> memref<10240x64xf32, #tpu.memory_space<hbm>>
        %dma_wait3A_706 = tpu.memref_slice %arg10[%dma_wait3A_695] : memref<4x!tpu.dma_semaphore, #tpu.memory_space<semaphore_mem>> -> memref<1x!tpu.dma_semaphore, #tpu.memory_space<semaphore_mem>>
        %dma_wait3A_707 = tpu.memref_squeeze %dma_wait3A_706 : memref<1x!tpu.dma_semaphore, #tpu.memory_space<semaphore_mem>> -> memref<!tpu.dma_semaphore, #tpu.memory_space<semaphore_mem>>
        tpu.wait_indirect_dma semaphore(%dma_wait3A_707 : memref<!tpu.dma_semaphore, #tpu.memory_space<semaphore_mem>>) src(%dma_wait3A_705 : memref<10240x64xf32, #tpu.memory_space<hbm>>) dst(%dma_wait3A_699 : memref<128x64xf32, #tpu.memory_space<vmem>>)
        %mul3A_708 = arith.constant 4 : i32
        %mul3A_709 = arith.muli %scan3A_581, %mul3A_708 : i32
        %add3A_710 = arith.constant 3 : i32
        %add3A_711 = arith.addi %mul3A_709, %add3A_710 : i32
        %dma_start3A_712 = arith.constant 3 : i32
        %dma_start3A_713 = arith.constant 3 : i32
        %dma_start3A_714 = arith.constant 0 : i32
        %dma_start3A_715 = arith.constant 0 : i32
        %dma_start3A_716 = tpu.memref_slice %arg8[%dma_start3A_712, %dma_start3A_714, %dma_start3A_715] : memref<4x128x64xf32, #tpu.memory_space<vmem>> -> memref<1x128x64xf32, #tpu.memory_space<vmem>>
        %dma_start3A_717 = tpu.memref_squeeze %dma_start3A_716 : memref<1x128x64xf32, #tpu.memory_space<vmem>> -> memref<128x64xf32, #tpu.memory_space<vmem>>
        %dma_start3A_718 = arith.constant 0 : i32
        %dma_start3A_719 = tpu.memref_slice %arg7[%add3A_711, %dma_start3A_718] : memref<148x128xi32, #tpu.memory_space<vmem>> -> memref<1x128xi32, #tpu.memory_space<vmem>>
        %dma_start3A_720 = tpu.memref_squeeze %dma_start3A_719 : memref<1x128xi32, #tpu.memory_space<vmem>> -> memref<128xi32, #tpu.memory_space<vmem>>
        %dma_start3A_721 = arith.constant 0 : i32
        %dma_start3A_722 = arith.constant 0 : i32
        %dma_start3A_723 = tpu.memref_slice %arg9[%dma_start3A_721, %dma_start3A_722] : memref<10240x64xf32, #tpu.memory_space<vmem_shared>> -> memref<10240x64xf32, #tpu.memory_space<vmem_shared>>
        %dma_start3A_724 = tpu.memref_slice %arg11[%dma_start3A_713] : memref<4x!tpu.dma_semaphore, #tpu.memory_space<semaphore_mem>> -> memref<1x!tpu.dma_semaphore, #tpu.memory_space<semaphore_mem>>
        %dma_start3A_725 = tpu.memref_squeeze %dma_start3A_724 : memref<1x!tpu.dma_semaphore, #tpu.memory_space<semaphore_mem>> -> memref<!tpu.dma_semaphore, #tpu.memory_space<semaphore_mem>>
        tpu.enqueue_indirect_dma source(%dma_start3A_717 : memref<128x64xf32, #tpu.memory_space<vmem>>) target(%dma_start3A_723 : memref<10240x64xf32, #tpu.memory_space<vmem_shared>>) offsets(%dma_start3A_720 : memref<128xi32, #tpu.memory_space<vmem>>) semaphore(%dma_start3A_725 : memref<!tpu.dma_semaphore, #tpu.memory_space<semaphore_mem>>) {add = true}
        %lt3A = arith.constant 2 : i32
        %lt3A_726 = arith.cmpi slt, %scan3A_581, %lt3A : i32
        %convert_element_type3A_727 = arith.extui %lt3A_726 : i1 to i32
        %cond3A_728 = arith.constant 0 : i32
        %cond3A_729 = arith.cmpi ne, %convert_element_type3A_727, %cond3A_728 : i32
        scf.if %cond3A_729 {
          %mul3A_730 = arith.constant 4 : i32
          %mul3A_731 = arith.muli %scan3A_581, %mul3A_730 : i32
          %add3A_732 = arith.constant 0 : i32
          %add3A_733 = arith.addi %mul3A_731, %add3A_732 : i32
          %dma_wait3A_734 = arith.constant 0 : i32
          %dma_wait3A_735 = arith.constant 0 : i32
          %dma_wait3A_736 = arith.constant 0 : i32
          %dma_wait3A_737 = arith.constant 0 : i32
          %dma_wait3A_738 = tpu.memref_slice %arg8[%dma_wait3A_734, %dma_wait3A_736, %dma_wait3A_737] : memref<4x128x64xf32, #tpu.memory_space<vmem>> -> memref<1x128x64xf32, #tpu.memory_space<vmem>>
          %dma_wait3A_739 = tpu.memref_squeeze %dma_wait3A_738 : memref<1x128x64xf32, #tpu.memory_space<vmem>> -> memref<128x64xf32, #tpu.memory_space<vmem>>
          %dma_wait3A_740 = arith.constant 0 : i32
          %dma_wait3A_741 = tpu.memref_slice %arg7[%add3A_733, %dma_wait3A_740] : memref<148x128xi32, #tpu.memory_space<vmem>> -> memref<1x128xi32, #tpu.memory_space<vmem>>
          %dma_wait3A_742 = tpu.memref_squeeze %dma_wait3A_741 : memref<1x128xi32, #tpu.memory_space<vmem>> -> memref<128xi32, #tpu.memory_space<vmem>>
          %dma_wait3A_743 = arith.constant 0 : i32
          %dma_wait3A_744 = arith.constant 0 : i32
          %dma_wait3A_745 = tpu.memref_slice %arg9[%dma_wait3A_743, %dma_wait3A_744] : memref<10240x64xf32, #tpu.memory_space<vmem_shared>> -> memref<10240x64xf32, #tpu.memory_space<vmem_shared>>
          %dma_wait3A_746 = tpu.memref_slice %arg11[%dma_wait3A_735] : memref<4x!tpu.dma_semaphore, #tpu.memory_space<semaphore_mem>> -> memref<1x!tpu.dma_semaphore, #tpu.memory_space<semaphore_mem>>
          %dma_wait3A_747 = tpu.memref_squeeze %dma_wait3A_746 : memref<1x!tpu.dma_semaphore, #tpu.memory_space<semaphore_mem>> -> memref<!tpu.dma_semaphore, #tpu.memory_space<semaphore_mem>>
          tpu.wait_indirect_dma semaphore(%dma_wait3A_747 : memref<!tpu.dma_semaphore, #tpu.memory_space<semaphore_mem>>) src(%dma_wait3A_739 : memref<128x64xf32, #tpu.memory_space<vmem>>) dst(%dma_wait3A_745 : memref<10240x64xf32, #tpu.memory_space<vmem_shared>>)
          %add3A_748 = arith.constant 1 : i32
          %add3A_749 = arith.addi %scan3A_581, %add3A_748 : i32
          %mul3A_750 = arith.constant 4 : i32
          %mul3A_751 = arith.muli %add3A_749, %mul3A_750 : i32
          %add3A_752 = arith.constant 0 : i32
          %add3A_753 = arith.addi %mul3A_751, %add3A_752 : i32
          %dma_start3A_754 = arith.constant 0 : i32
          %dma_start3A_755 = arith.constant 0 : i32
          %dma_start3A_756 = arith.constant 0 : i32
          %dma_start3A_757 = arith.constant 0 : i32
          %dma_start3A_758 = tpu.memref_slice %arg8[%dma_start3A_754, %dma_start3A_756, %dma_start3A_757] : memref<4x128x64xf32, #tpu.memory_space<vmem>> -> memref<1x128x64xf32, #tpu.memory_space<vmem>>
          %dma_start3A_759 = tpu.memref_squeeze %dma_start3A_758 : memref<1x128x64xf32, #tpu.memory_space<vmem>> -> memref<128x64xf32, #tpu.memory_space<vmem>>
          %dma_start3A_760 = arith.constant 0 : i32
          %dma_start3A_761 = tpu.memref_slice %arg6[%add3A_753, %dma_start3A_760] : memref<148x128xi32, #tpu.memory_space<vmem>> -> memref<1x128xi32, #tpu.memory_space<vmem>>
          %dma_start3A_762 = tpu.memref_squeeze %dma_start3A_761 : memref<1x128xi32, #tpu.memory_space<vmem>> -> memref<128xi32, #tpu.memory_space<vmem>>
          %dma_start3A_763 = arith.constant 0 : i32
          %dma_start3A_764 = arith.constant 0 : i32
          %dma_start3A_765 = tpu.memref_slice %arg2[%dma_start3A_763, %dma_start3A_764] : memref<10240x64xf32, #tpu.memory_space<hbm>> -> memref<10240x64xf32, #tpu.memory_space<hbm>>
          %dma_start3A_766 = tpu.memref_slice %arg10[%dma_start3A_755] : memref<4x!tpu.dma_semaphore, #tpu.memory_space<semaphore_mem>> -> memref<1x!tpu.dma_semaphore, #tpu.memory_space<semaphore_mem>>
          %dma_start3A_767 = tpu.memref_squeeze %dma_start3A_766 : memref<1x!tpu.dma_semaphore, #tpu.memory_space<semaphore_mem>> -> memref<!tpu.dma_semaphore, #tpu.memory_space<semaphore_mem>>
          tpu.enqueue_indirect_dma source(%dma_start3A_765 : memref<10240x64xf32, #tpu.memory_space<hbm>>) target(%dma_start3A_759 : memref<128x64xf32, #tpu.memory_space<vmem>>) offsets(%dma_start3A_762 : memref<128xi32, #tpu.memory_space<vmem>>) semaphore(%dma_start3A_767 : memref<!tpu.dma_semaphore, #tpu.memory_space<semaphore_mem>>)
          %mul3A_768 = arith.constant 4 : i32
          %mul3A_769 = arith.muli %scan3A_581, %mul3A_768 : i32
          %add3A_770 = arith.constant 1 : i32
          %add3A_771 = arith.addi %mul3A_769, %add3A_770 : i32
          %dma_wait3A_772 = arith.constant 1 : i32
          %dma_wait3A_773 = arith.constant 1 : i32
          %dma_wait3A_774 = arith.constant 0 : i32
          %dma_wait3A_775 = arith.constant 0 : i32
          %dma_wait3A_776 = tpu.memref_slice %arg8[%dma_wait3A_772, %dma_wait3A_774, %dma_wait3A_775] : memref<4x128x64xf32, #tpu.memory_space<vmem>> -> memref<1x128x64xf32, #tpu.memory_space<vmem>>
          %dma_wait3A_777 = tpu.memref_squeeze %dma_wait3A_776 : memref<1x128x64xf32, #tpu.memory_space<vmem>> -> memref<128x64xf32, #tpu.memory_space<vmem>>
          %dma_wait3A_778 = arith.constant 0 : i32
          %dma_wait3A_779 = tpu.memref_slice %arg7[%add3A_771, %dma_wait3A_778] : memref<148x128xi32, #tpu.memory_space<vmem>> -> memref<1x128xi32, #tpu.memory_space<vmem>>
          %dma_wait3A_780 = tpu.memref_squeeze %dma_wait3A_779 : memref<1x128xi32, #tpu.memory_space<vmem>> -> memref<128xi32, #tpu.memory_space<vmem>>
          %dma_wait3A_781 = arith.constant 0 : i32
          %dma_wait3A_782 = arith.constant 0 : i32
          %dma_wait3A_783 = tpu.memref_slice %arg9[%dma_wait3A_781, %dma_wait3A_782] : memref<10240x64xf32, #tpu.memory_space<vmem_shared>> -> memref<10240x64xf32, #tpu.memory_space<vmem_shared>>
          %dma_wait3A_784 = tpu.memref_slice %arg11[%dma_wait3A_773] : memref<4x!tpu.dma_semaphore, #tpu.memory_space<semaphore_mem>> -> memref<1x!tpu.dma_semaphore, #tpu.memory_space<semaphore_mem>>
          %dma_wait3A_785 = tpu.memref_squeeze %dma_wait3A_784 : memref<1x!tpu.dma_semaphore, #tpu.memory_space<semaphore_mem>> -> memref<!tpu.dma_semaphore, #tpu.memory_space<semaphore_mem>>
          tpu.wait_indirect_dma semaphore(%dma_wait3A_785 : memref<!tpu.dma_semaphore, #tpu.memory_space<semaphore_mem>>) src(%dma_wait3A_777 : memref<128x64xf32, #tpu.memory_space<vmem>>) dst(%dma_wait3A_783 : memref<10240x64xf32, #tpu.memory_space<vmem_shared>>)
          %add3A_786 = arith.constant 1 : i32
          %add3A_787 = arith.addi %scan3A_581, %add3A_786 : i32
          %mul3A_788 = arith.constant 4 : i32
          %mul3A_789 = arith.muli %add3A_787, %mul3A_788 : i32
          %add3A_790 = arith.constant 1 : i32
          %add3A_791 = arith.addi %mul3A_789, %add3A_790 : i32
          %dma_start3A_792 = arith.constant 1 : i32
          %dma_start3A_793 = arith.constant 1 : i32
          %dma_start3A_794 = arith.constant 0 : i32
          %dma_start3A_795 = arith.constant 0 : i32
          %dma_start3A_796 = tpu.memref_slice %arg8[%dma_start3A_792, %dma_start3A_794, %dma_start3A_795] : memref<4x128x64xf32, #tpu.memory_space<vmem>> -> memref<1x128x64xf32, #tpu.memory_space<vmem>>
          %dma_start3A_797 = tpu.memref_squeeze %dma_start3A_796 : memref<1x128x64xf32, #tpu.memory_space<vmem>> -> memref<128x64xf32, #tpu.memory_space<vmem>>
          %dma_start3A_798 = arith.constant 0 : i32
          %dma_start3A_799 = tpu.memref_slice %arg6[%add3A_791, %dma_start3A_798] : memref<148x128xi32, #tpu.memory_space<vmem>> -> memref<1x128xi32, #tpu.memory_space<vmem>>
          %dma_start3A_800 = tpu.memref_squeeze %dma_start3A_799 : memref<1x128xi32, #tpu.memory_space<vmem>> -> memref<128xi32, #tpu.memory_space<vmem>>
          %dma_start3A_801 = arith.constant 0 : i32
          %dma_start3A_802 = arith.constant 0 : i32
          %dma_start3A_803 = tpu.memref_slice %arg2[%dma_start3A_801, %dma_start3A_802] : memref<10240x64xf32, #tpu.memory_space<hbm>> -> memref<10240x64xf32, #tpu.memory_space<hbm>>
          %dma_start3A_804 = tpu.memref_slice %arg10[%dma_start3A_793] : memref<4x!tpu.dma_semaphore, #tpu.memory_space<semaphore_mem>> -> memref<1x!tpu.dma_semaphore, #tpu.memory_space<semaphore_mem>>
          %dma_start3A_805 = tpu.memref_squeeze %dma_start3A_804 : memref<1x!tpu.dma_semaphore, #tpu.memory_space<semaphore_mem>> -> memref<!tpu.dma_semaphore, #tpu.memory_space<semaphore_mem>>
          tpu.enqueue_indirect_dma source(%dma_start3A_803 : memref<10240x64xf32, #tpu.memory_space<hbm>>) target(%dma_start3A_797 : memref<128x64xf32, #tpu.memory_space<vmem>>) offsets(%dma_start3A_800 : memref<128xi32, #tpu.memory_space<vmem>>) semaphore(%dma_start3A_805 : memref<!tpu.dma_semaphore, #tpu.memory_space<semaphore_mem>>)
          %mul3A_806 = arith.constant 4 : i32
          %mul3A_807 = arith.muli %scan3A_581, %mul3A_806 : i32
          %add3A_808 = arith.constant 2 : i32
          %add3A_809 = arith.addi %mul3A_807, %add3A_808 : i32
          %dma_wait3A_810 = arith.constant 2 : i32
          %dma_wait3A_811 = arith.constant 2 : i32
          %dma_wait3A_812 = arith.constant 0 : i32
          %dma_wait3A_813 = arith.constant 0 : i32
          %dma_wait3A_814 = tpu.memref_slice %arg8[%dma_wait3A_810, %dma_wait3A_812, %dma_wait3A_813] : memref<4x128x64xf32, #tpu.memory_space<vmem>> -> memref<1x128x64xf32, #tpu.memory_space<vmem>>
          %dma_wait3A_815 = tpu.memref_squeeze %dma_wait3A_814 : memref<1x128x64xf32, #tpu.memory_space<vmem>> -> memref<128x64xf32, #tpu.memory_space<vmem>>
          %dma_wait3A_816 = arith.constant 0 : i32
          %dma_wait3A_817 = tpu.memref_slice %arg7[%add3A_809, %dma_wait3A_816] : memref<148x128xi32, #tpu.memory_space<vmem>> -> memref<1x128xi32, #tpu.memory_space<vmem>>
          %dma_wait3A_818 = tpu.memref_squeeze %dma_wait3A_817 : memref<1x128xi32, #tpu.memory_space<vmem>> -> memref<128xi32, #tpu.memory_space<vmem>>
          %dma_wait3A_819 = arith.constant 0 : i32
          %dma_wait3A_820 = arith.constant 0 : i32
          %dma_wait3A_821 = tpu.memref_slice %arg9[%dma_wait3A_819, %dma_wait3A_820] : memref<10240x64xf32, #tpu.memory_space<vmem_shared>> -> memref<10240x64xf32, #tpu.memory_space<vmem_shared>>
          %dma_wait3A_822 = tpu.memref_slice %arg11[%dma_wait3A_811] : memref<4x!tpu.dma_semaphore, #tpu.memory_space<semaphore_mem>> -> memref<1x!tpu.dma_semaphore, #tpu.memory_space<semaphore_mem>>
          %dma_wait3A_823 = tpu.memref_squeeze %dma_wait3A_822 : memref<1x!tpu.dma_semaphore, #tpu.memory_space<semaphore_mem>> -> memref<!tpu.dma_semaphore, #tpu.memory_space<semaphore_mem>>
          tpu.wait_indirect_dma semaphore(%dma_wait3A_823 : memref<!tpu.dma_semaphore, #tpu.memory_space<semaphore_mem>>) src(%dma_wait3A_815 : memref<128x64xf32, #tpu.memory_space<vmem>>) dst(%dma_wait3A_821 : memref<10240x64xf32, #tpu.memory_space<vmem_shared>>)
          %add3A_824 = arith.constant 1 : i32
          %add3A_825 = arith.addi %scan3A_581, %add3A_824 : i32
          %mul3A_826 = arith.constant 4 : i32
          %mul3A_827 = arith.muli %add3A_825, %mul3A_826 : i32
          %add3A_828 = arith.constant 2 : i32
          %add3A_829 = arith.addi %mul3A_827, %add3A_828 : i32
          %dma_start3A_830 = arith.constant 2 : i32
          %dma_start3A_831 = arith.constant 2 : i32
          %dma_start3A_832 = arith.constant 0 : i32
          %dma_start3A_833 = arith.constant 0 : i32
          %dma_start3A_834 = tpu.memref_slice %arg8[%dma_start3A_830, %dma_start3A_832, %dma_start3A_833] : memref<4x128x64xf32, #tpu.memory_space<vmem>> -> memref<1x128x64xf32, #tpu.memory_space<vmem>>
          %dma_start3A_835 = tpu.memref_squeeze %dma_start3A_834 : memref<1x128x64xf32, #tpu.memory_space<vmem>> -> memref<128x64xf32, #tpu.memory_space<vmem>>
          %dma_start3A_836 = arith.constant 0 : i32
          %dma_start3A_837 = tpu.memref_slice %arg6[%add3A_829, %dma_start3A_836] : memref<148x128xi32, #tpu.memory_space<vmem>> -> memref<1x128xi32, #tpu.memory_space<vmem>>
          %dma_start3A_838 = tpu.memref_squeeze %dma_start3A_837 : memref<1x128xi32, #tpu.memory_space<vmem>> -> memref<128xi32, #tpu.memory_space<vmem>>
          %dma_start3A_839 = arith.constant 0 : i32
          %dma_start3A_840 = arith.constant 0 : i32
          %dma_start3A_841 = tpu.memref_slice %arg2[%dma_start3A_839, %dma_start3A_840] : memref<10240x64xf32, #tpu.memory_space<hbm>> -> memref<10240x64xf32, #tpu.memory_space<hbm>>
          %dma_start3A_842 = tpu.memref_slice %arg10[%dma_start3A_831] : memref<4x!tpu.dma_semaphore, #tpu.memory_space<semaphore_mem>> -> memref<1x!tpu.dma_semaphore, #tpu.memory_space<semaphore_mem>>
          %dma_start3A_843 = tpu.memref_squeeze %dma_start3A_842 : memref<1x!tpu.dma_semaphore, #tpu.memory_space<semaphore_mem>> -> memref<!tpu.dma_semaphore, #tpu.memory_space<semaphore_mem>>
          tpu.enqueue_indirect_dma source(%dma_start3A_841 : memref<10240x64xf32, #tpu.memory_space<hbm>>) target(%dma_start3A_835 : memref<128x64xf32, #tpu.memory_space<vmem>>) offsets(%dma_start3A_838 : memref<128xi32, #tpu.memory_space<vmem>>) semaphore(%dma_start3A_843 : memref<!tpu.dma_semaphore, #tpu.memory_space<semaphore_mem>>)
          %mul3A_844 = arith.constant 4 : i32
          %mul3A_845 = arith.muli %scan3A_581, %mul3A_844 : i32
          %add3A_846 = arith.constant 3 : i32
          %add3A_847 = arith.addi %mul3A_845, %add3A_846 : i32
          %dma_wait3A_848 = arith.constant 3 : i32
          %dma_wait3A_849 = arith.constant 3 : i32
          %dma_wait3A_850 = arith.constant 0 : i32
          %dma_wait3A_851 = arith.constant 0 : i32
          %dma_wait3A_852 = tpu.memref_slice %arg8[%dma_wait3A_848, %dma_wait3A_850, %dma_wait3A_851] : memref<4x128x64xf32, #tpu.memory_space<vmem>> -> memref<1x128x64xf32, #tpu.memory_space<vmem>>
          %dma_wait3A_853 = tpu.memref_squeeze %dma_wait3A_852 : memref<1x128x64xf32, #tpu.memory_space<vmem>> -> memref<128x64xf32, #tpu.memory_space<vmem>>
          %dma_wait3A_854 = arith.constant 0 : i32
          %dma_wait3A_855 = tpu.memref_slice %arg7[%add3A_847, %dma_wait3A_854] : memref<148x128xi32, #tpu.memory_space<vmem>> -> memref<1x128xi32, #tpu.memory_space<vmem>>
          %dma_wait3A_856 = tpu.memref_squeeze %dma_wait3A_855 : memref<1x128xi32, #tpu.memory_space<vmem>> -> memref<128xi32, #tpu.memory_space<vmem>>
          %dma_wait3A_857 = arith.constant 0 : i32
          %dma_wait3A_858 = arith.constant 0 : i32
          %dma_wait3A_859 = tpu.memref_slice %arg9[%dma_wait3A_857, %dma_wait3A_858] : memref<10240x64xf32, #tpu.memory_space<vmem_shared>> -> memref<10240x64xf32, #tpu.memory_space<vmem_shared>>
          %dma_wait3A_860 = tpu.memref_slice %arg11[%dma_wait3A_849] : memref<4x!tpu.dma_semaphore, #tpu.memory_space<semaphore_mem>> -> memref<1x!tpu.dma_semaphore, #tpu.memory_space<semaphore_mem>>
          %dma_wait3A_861 = tpu.memref_squeeze %dma_wait3A_860 : memref<1x!tpu.dma_semaphore, #tpu.memory_space<semaphore_mem>> -> memref<!tpu.dma_semaphore, #tpu.memory_space<semaphore_mem>>
          tpu.wait_indirect_dma semaphore(%dma_wait3A_861 : memref<!tpu.dma_semaphore, #tpu.memory_space<semaphore_mem>>) src(%dma_wait3A_853 : memref<128x64xf32, #tpu.memory_space<vmem>>) dst(%dma_wait3A_859 : memref<10240x64xf32, #tpu.memory_space<vmem_shared>>)
          %add3A_862 = arith.constant 1 : i32
          %add3A_863 = arith.addi %scan3A_581, %add3A_862 : i32
          %mul3A_864 = arith.constant 4 : i32
          %mul3A_865 = arith.muli %add3A_863, %mul3A_864 : i32
          %add3A_866 = arith.constant 3 : i32
          %add3A_867 = arith.addi %mul3A_865, %add3A_866 : i32
          %dma_start3A_868 = arith.constant 3 : i32
          %dma_start3A_869 = arith.constant 3 : i32
          %dma_start3A_870 = arith.constant 0 : i32
          %dma_start3A_871 = arith.constant 0 : i32
          %dma_start3A_872 = tpu.memref_slice %arg8[%dma_start3A_868, %dma_start3A_870, %dma_start3A_871] : memref<4x128x64xf32, #tpu.memory_space<vmem>> -> memref<1x128x64xf32, #tpu.memory_space<vmem>>
          %dma_start3A_873 = tpu.memref_squeeze %dma_start3A_872 : memref<1x128x64xf32, #tpu.memory_space<vmem>> -> memref<128x64xf32, #tpu.memory_space<vmem>>
          %dma_start3A_874 = arith.constant 0 : i32
          %dma_start3A_875 = tpu.memref_slice %arg6[%add3A_867, %dma_start3A_874] : memref<148x128xi32, #tpu.memory_space<vmem>> -> memref<1x128xi32, #tpu.memory_space<vmem>>
          %dma_start3A_876 = tpu.memref_squeeze %dma_start3A_875 : memref<1x128xi32, #tpu.memory_space<vmem>> -> memref<128xi32, #tpu.memory_space<vmem>>
          %dma_start3A_877 = arith.constant 0 : i32
          %dma_start3A_878 = arith.constant 0 : i32
          %dma_start3A_879 = tpu.memref_slice %arg2[%dma_start3A_877, %dma_start3A_878] : memref<10240x64xf32, #tpu.memory_space<hbm>> -> memref<10240x64xf32, #tpu.memory_space<hbm>>
          %dma_start3A_880 = tpu.memref_slice %arg10[%dma_start3A_869] : memref<4x!tpu.dma_semaphore, #tpu.memory_space<semaphore_mem>> -> memref<1x!tpu.dma_semaphore, #tpu.memory_space<semaphore_mem>>
          %dma_start3A_881 = tpu.memref_squeeze %dma_start3A_880 : memref<1x!tpu.dma_semaphore, #tpu.memory_space<semaphore_mem>> -> memref<!tpu.dma_semaphore, #tpu.memory_space<semaphore_mem>>
          tpu.enqueue_indirect_dma source(%dma_start3A_879 : memref<10240x64xf32, #tpu.memory_space<hbm>>) target(%dma_start3A_873 : memref<128x64xf32, #tpu.memory_space<vmem>>) offsets(%dma_start3A_876 : memref<128xi32, #tpu.memory_space<vmem>>) semaphore(%dma_start3A_881 : memref<!tpu.dma_semaphore, #tpu.memory_space<semaphore_mem>>)
        } else {
        }
      }
      %scan3A_520 = arith.constant 3 : i32
      %dma_wait3A_521 = arith.constant 0 : i32
      %dma_wait3A_522 = arith.constant 8 : i32
      %dma_wait3A_523 = arith.constant 0 : i32
      %dma_wait3A_524 = arith.constant 0 : i32
      %dma_wait3A_525 = arith.constant 0 : i32
      %dma_wait3A_526 = tpu.memref_slice %arg8[%dma_wait3A_521, %dma_wait3A_524, %dma_wait3A_525] : memref<4x128x64xf32, #tpu.memory_space<vmem>> -> memref<1x128x64xf32, #tpu.memory_space<vmem>>
      %dma_wait3A_527 = tpu.memref_squeeze %dma_wait3A_526 : memref<1x128x64xf32, #tpu.memory_space<vmem>> -> memref<128x64xf32, #tpu.memory_space<vmem>>
      %dma_wait3A_528 = arith.constant 0 : i32
      %dma_wait3A_529 = tpu.memref_slice %arg7[%dma_wait3A_522, %dma_wait3A_528] : memref<148x128xi32, #tpu.memory_space<vmem>> -> memref<1x128xi32, #tpu.memory_space<vmem>>
      %dma_wait3A_530 = tpu.memref_squeeze %dma_wait3A_529 : memref<1x128xi32, #tpu.memory_space<vmem>> -> memref<128xi32, #tpu.memory_space<vmem>>
      %dma_wait3A_531 = arith.constant 0 : i32
      %dma_wait3A_532 = arith.constant 0 : i32
      %dma_wait3A_533 = tpu.memref_slice %arg9[%dma_wait3A_531, %dma_wait3A_532] : memref<10240x64xf32, #tpu.memory_space<vmem_shared>> -> memref<10240x64xf32, #tpu.memory_space<vmem_shared>>
      %dma_wait3A_534 = tpu.memref_slice %arg11[%dma_wait3A_523] : memref<4x!tpu.dma_semaphore, #tpu.memory_space<semaphore_mem>> -> memref<1x!tpu.dma_semaphore, #tpu.memory_space<semaphore_mem>>
      %dma_wait3A_535 = tpu.memref_squeeze %dma_wait3A_534 : memref<1x!tpu.dma_semaphore, #tpu.memory_space<semaphore_mem>> -> memref<!tpu.dma_semaphore, #tpu.memory_space<semaphore_mem>>
      tpu.wait_indirect_dma semaphore(%dma_wait3A_535 : memref<!tpu.dma_semaphore, #tpu.memory_space<semaphore_mem>>) src(%dma_wait3A_527 : memref<128x64xf32, #tpu.memory_space<vmem>>) dst(%dma_wait3A_533 : memref<10240x64xf32, #tpu.memory_space<vmem_shared>>)
      %dma_wait3A_536 = arith.constant 1 : i32
      %dma_wait3A_537 = arith.constant 9 : i32
      %dma_wait3A_538 = arith.constant 1 : i32
      %dma_wait3A_539 = arith.constant 0 : i32
      %dma_wait3A_540 = arith.constant 0 : i32
      %dma_wait3A_541 = tpu.memref_slice %arg8[%dma_wait3A_536, %dma_wait3A_539, %dma_wait3A_540] : memref<4x128x64xf32, #tpu.memory_space<vmem>> -> memref<1x128x64xf32, #tpu.memory_space<vmem>>
      %dma_wait3A_542 = tpu.memref_squeeze %dma_wait3A_541 : memref<1x128x64xf32, #tpu.memory_space<vmem>> -> memref<128x64xf32, #tpu.memory_space<vmem>>
      %dma_wait3A_543 = arith.constant 0 : i32
      %dma_wait3A_544 = tpu.memref_slice %arg7[%dma_wait3A_537, %dma_wait3A_543] : memref<148x128xi32, #tpu.memory_space<vmem>> -> memref<1x128xi32, #tpu.memory_space<vmem>>
      %dma_wait3A_545 = tpu.memref_squeeze %dma_wait3A_544 : memref<1x128xi32, #tpu.memory_space<vmem>> -> memref<128xi32, #tpu.memory_space<vmem>>
      %dma_wait3A_546 = arith.constant 0 : i32
      %dma_wait3A_547 = arith.constant 0 : i32
      %dma_wait3A_548 = tpu.memref_slice %arg9[%dma_wait3A_546, %dma_wait3A_547] : memref<10240x64xf32, #tpu.memory_space<vmem_shared>> -> memref<10240x64xf32, #tpu.memory_space<vmem_shared>>
      %dma_wait3A_549 = tpu.memref_slice %arg11[%dma_wait3A_538] : memref<4x!tpu.dma_semaphore, #tpu.memory_space<semaphore_mem>> -> memref<1x!tpu.dma_semaphore, #tpu.memory_space<semaphore_mem>>
      %dma_wait3A_550 = tpu.memref_squeeze %dma_wait3A_549 : memref<1x!tpu.dma_semaphore, #tpu.memory_space<semaphore_mem>> -> memref<!tpu.dma_semaphore, #tpu.memory_space<semaphore_mem>>
      tpu.wait_indirect_dma semaphore(%dma_wait3A_550 : memref<!tpu.dma_semaphore, #tpu.memory_space<semaphore_mem>>) src(%dma_wait3A_542 : memref<128x64xf32, #tpu.memory_space<vmem>>) dst(%dma_wait3A_548 : memref<10240x64xf32, #tpu.memory_space<vmem_shared>>)
      %dma_wait3A_551 = arith.constant 2 : i32
      %dma_wait3A_552 = arith.constant 10 : i32
      %dma_wait3A_553 = arith.constant 2 : i32
      %dma_wait3A_554 = arith.constant 0 : i32
      %dma_wait3A_555 = arith.constant 0 : i32
      %dma_wait3A_556 = tpu.memref_slice %arg8[%dma_wait3A_551, %dma_wait3A_554, %dma_wait3A_555] : memref<4x128x64xf32, #tpu.memory_space<vmem>> -> memref<1x128x64xf32, #tpu.memory_space<vmem>>
      %dma_wait3A_557 = tpu.memref_squeeze %dma_wait3A_556 : memref<1x128x64xf32, #tpu.memory_space<vmem>> -> memref<128x64xf32, #tpu.memory_space<vmem>>
      %dma_wait3A_558 = arith.constant 0 : i32
      %dma_wait3A_559 = tpu.memref_slice %arg7[%dma_wait3A_552, %dma_wait3A_558] : memref<148x128xi32, #tpu.memory_space<vmem>> -> memref<1x128xi32, #tpu.memory_space<vmem>>
      %dma_wait3A_560 = tpu.memref_squeeze %dma_wait3A_559 : memref<1x128xi32, #tpu.memory_space<vmem>> -> memref<128xi32, #tpu.memory_space<vmem>>
      %dma_wait3A_561 = arith.constant 0 : i32
      %dma_wait3A_562 = arith.constant 0 : i32
      %dma_wait3A_563 = tpu.memref_slice %arg9[%dma_wait3A_561, %dma_wait3A_562] : memref<10240x64xf32, #tpu.memory_space<vmem_shared>> -> memref<10240x64xf32, #tpu.memory_space<vmem_shared>>
      %dma_wait3A_564 = tpu.memref_slice %arg11[%dma_wait3A_553] : memref<4x!tpu.dma_semaphore, #tpu.memory_space<semaphore_mem>> -> memref<1x!tpu.dma_semaphore, #tpu.memory_space<semaphore_mem>>
      %dma_wait3A_565 = tpu.memref_squeeze %dma_wait3A_564 : memref<1x!tpu.dma_semaphore, #tpu.memory_space<semaphore_mem>> -> memref<!tpu.dma_semaphore, #tpu.memory_space<semaphore_mem>>
      tpu.wait_indirect_dma semaphore(%dma_wait3A_565 : memref<!tpu.dma_semaphore, #tpu.memory_space<semaphore_mem>>) src(%dma_wait3A_557 : memref<128x64xf32, #tpu.memory_space<vmem>>) dst(%dma_wait3A_563 : memref<10240x64xf32, #tpu.memory_space<vmem_shared>>)
      %dma_wait3A_566 = arith.constant 3 : i32
      %dma_wait3A_567 = arith.constant 11 : i32
      %dma_wait3A_568 = arith.constant 3 : i32
      %dma_wait3A_569 = arith.constant 0 : i32
      %dma_wait3A_570 = arith.constant 0 : i32
      %dma_wait3A_571 = tpu.memref_slice %arg8[%dma_wait3A_566, %dma_wait3A_569, %dma_wait3A_570] : memref<4x128x64xf32, #tpu.memory_space<vmem>> -> memref<1x128x64xf32, #tpu.memory_space<vmem>>
      %dma_wait3A_572 = tpu.memref_squeeze %dma_wait3A_571 : memref<1x128x64xf32, #tpu.memory_space<vmem>> -> memref<128x64xf32, #tpu.memory_space<vmem>>
      %dma_wait3A_573 = arith.constant 0 : i32
      %dma_wait3A_574 = tpu.memref_slice %arg7[%dma_wait3A_567, %dma_wait3A_573] : memref<148x128xi32, #tpu.memory_space<vmem>> -> memref<1x128xi32, #tpu.memory_space<vmem>>
      %dma_wait3A_575 = tpu.memref_squeeze %dma_wait3A_574 : memref<1x128xi32, #tpu.memory_space<vmem>> -> memref<128xi32, #tpu.memory_space<vmem>>
      %dma_wait3A_576 = arith.constant 0 : i32
      %dma_wait3A_577 = arith.constant 0 : i32
      %dma_wait3A_578 = tpu.memref_slice %arg9[%dma_wait3A_576, %dma_wait3A_577] : memref<10240x64xf32, #tpu.memory_space<vmem_shared>> -> memref<10240x64xf32, #tpu.memory_space<vmem_shared>>
      %dma_wait3A_579 = tpu.memref_slice %arg11[%dma_wait3A_568] : memref<4x!tpu.dma_semaphore, #tpu.memory_space<semaphore_mem>> -> memref<1x!tpu.dma_semaphore, #tpu.memory_space<semaphore_mem>>
      %dma_wait3A_580 = tpu.memref_squeeze %dma_wait3A_579 : memref<1x!tpu.dma_semaphore, #tpu.memory_space<semaphore_mem>> -> memref<!tpu.dma_semaphore, #tpu.memory_space<semaphore_mem>>
      tpu.wait_indirect_dma semaphore(%dma_wait3A_580 : memref<!tpu.dma_semaphore, #tpu.memory_space<semaphore_mem>>) src(%dma_wait3A_572 : memref<128x64xf32, #tpu.memory_space<vmem>>) dst(%dma_wait3A_578 : memref<10240x64xf32, #tpu.memory_space<vmem_shared>>)
    } else {
    }
    %barrier3A_36 = arith.constant 0 : index
    tpu.barrier barrier_id(%barrier3A_36)
    %add3A_37 = arith.constant 0 : i32
    %add3A_38 = arith.addi %mul3A_0, %add3A_37 : i32
    %dma_start3A = arith.constant 0 : i32
    %dma_start3A_39 = arith.constant 0 : i32
    %dma_start3A_40 = arith.constant 0 : i32
    %dma_start3A_41 = arith.constant 0 : i32
    %dma_start3A_42 = tpu.memref_slice %arg8[%dma_start3A, %dma_start3A_40, %dma_start3A_41] : memref<4x128x64xf32, #tpu.memory_space<vmem>> -> memref<1x128x64xf32, #tpu.memory_space<vmem>>
    %dma_start3A_43 = tpu.memref_squeeze %dma_start3A_42 : memref<1x128x64xf32, #tpu.memory_space<vmem>> -> memref<128x64xf32, #tpu.memory_space<vmem>>
    %dma_start3A_44 = arith.constant 0 : i32
    %dma_start3A_45 = tpu.memref_slice %arg9[%add3A_38, %dma_start3A_44] : memref<10240x64xf32, #tpu.memory_space<vmem_shared>> -> memref<128x64xf32, #tpu.memory_space<vmem_shared>>
    %dma_start3A_46 = tpu.memref_slice %arg10[%dma_start3A_39] : memref<4x!tpu.dma_semaphore, #tpu.memory_space<semaphore_mem>> -> memref<1x!tpu.dma_semaphore, #tpu.memory_space<semaphore_mem>>
    %dma_start3A_47 = tpu.memref_squeeze %dma_start3A_46 : memref<1x!tpu.dma_semaphore, #tpu.memory_space<semaphore_mem>> -> memref<!tpu.dma_semaphore, #tpu.memory_space<semaphore_mem>>
    %dma_start3A_48 = arith.constant 0 : i32
    %dma_start3A_49 = arith.constant 0 : i32
    %dma_start3A_50 = tpu.memref_slice %arg8[%dma_start3A, %dma_start3A_48, %dma_start3A_49] : memref<4x128x64xf32, #tpu.memory_space<vmem>> -> memref<1x128x64xf32, #tpu.memory_space<vmem>>
    %dma_start3A_51 = tpu.memref_squeeze %dma_start3A_50 : memref<1x128x64xf32, #tpu.memory_space<vmem>> -> memref<128x64xf32, #tpu.memory_space<vmem>>
    %dma_start3A_52 = arith.constant 0 : i32
    %dma_start3A_53 = tpu.memref_slice %arg9[%add3A_38, %dma_start3A_52] : memref<10240x64xf32, #tpu.memory_space<vmem_shared>> -> memref<128x64xf32, #tpu.memory_space<vmem_shared>>
    tpu.enqueue_dma source(%dma_start3A_53 : memref<128x64xf32, #tpu.memory_space<vmem_shared>>) target(%dma_start3A_51 : memref<128x64xf32, #tpu.memory_space<vmem>>) target_semaphore(%dma_start3A_47 : memref<!tpu.dma_semaphore, #tpu.memory_space<semaphore_mem>>)
    %dma_wait3A = arith.constant 0 : i32
    %dma_wait3A_54 = arith.constant 0 : i32
    %dma_wait3A_55 = arith.constant 0 : i32
    %dma_wait3A_56 = arith.constant 0 : i32
    %dma_wait3A_57 = tpu.memref_slice %arg8[%dma_wait3A, %dma_wait3A_55, %dma_wait3A_56] : memref<4x128x64xf32, #tpu.memory_space<vmem>> -> memref<1x128x64xf32, #tpu.memory_space<vmem>>
    %dma_wait3A_58 = tpu.memref_squeeze %dma_wait3A_57 : memref<1x128x64xf32, #tpu.memory_space<vmem>> -> memref<128x64xf32, #tpu.memory_space<vmem>>
    %dma_wait3A_59 = arith.constant 0 : i32
    %dma_wait3A_60 = tpu.memref_slice %arg9[%add3A_38, %dma_wait3A_59] : memref<10240x64xf32, #tpu.memory_space<vmem_shared>> -> memref<128x64xf32, #tpu.memory_space<vmem_shared>>
    %dma_wait3A_61 = tpu.memref_slice %arg10[%dma_wait3A_54] : memref<4x!tpu.dma_semaphore, #tpu.memory_space<semaphore_mem>> -> memref<1x!tpu.dma_semaphore, #tpu.memory_space<semaphore_mem>>
    %dma_wait3A_62 = tpu.memref_squeeze %dma_wait3A_61 : memref<1x!tpu.dma_semaphore, #tpu.memory_space<semaphore_mem>> -> memref<!tpu.dma_semaphore, #tpu.memory_space<semaphore_mem>>
    %dma_wait3A_63 = arith.constant 0 : i32
    %dma_wait3A_64 = arith.constant 0 : i32
    %dma_wait3A_65 = tpu.memref_slice %arg8[%dma_wait3A, %dma_wait3A_63, %dma_wait3A_64] : memref<4x128x64xf32, #tpu.memory_space<vmem>> -> memref<1x128x64xf32, #tpu.memory_space<vmem>>
    %dma_wait3A_66 = tpu.memref_squeeze %dma_wait3A_65 : memref<1x128x64xf32, #tpu.memory_space<vmem>> -> memref<128x64xf32, #tpu.memory_space<vmem>>
    %dma_wait3A_67 = arith.constant 0 : i32
    %dma_wait3A_68 = tpu.memref_slice %arg9[%add3A_38, %dma_wait3A_67] : memref<10240x64xf32, #tpu.memory_space<vmem_shared>> -> memref<128x64xf32, #tpu.memory_space<vmem_shared>>
    tpu.wait_dma2 semaphore(%dma_wait3A_62 : memref<!tpu.dma_semaphore, #tpu.memory_space<semaphore_mem>>) src(%dma_wait3A_68 : memref<128x64xf32, #tpu.memory_space<vmem_shared>>) dst(%dma_wait3A_66 : memref<128x64xf32, #tpu.memory_space<vmem>>)
    %add3A_69 = arith.constant 0 : i32
    %add3A_70 = arith.addi %mul3A_0, %add3A_69 : i32
    %dma_start3A_71 = arith.constant 0 : i32
    %dma_start3A_72 = arith.constant 0 : i32
    %dma_start3A_73 = arith.constant 0 : i32
    %dma_start3A_74 = arith.constant 0 : i32
    %dma_start3A_75 = tpu.memref_slice %arg8[%dma_start3A_71, %dma_start3A_73, %dma_start3A_74] : memref<4x128x64xf32, #tpu.memory_space<vmem>> -> memref<1x128x64xf32, #tpu.memory_space<vmem>>
    %dma_start3A_76 = tpu.memref_squeeze %dma_start3A_75 : memref<1x128x64xf32, #tpu.memory_space<vmem>> -> memref<128x64xf32, #tpu.memory_space<vmem>>
    %dma_start3A_77 = arith.constant 0 : i32
    %dma_start3A_78 = arith.constant 0 : i32
    %dma_start3A_79 = tpu.memref_slice %arg5[%arg0, %dma_start3A_77, %dma_start3A_78] : memref<2x10240x64xf32, #tpu.memory_space<hbm>> -> memref<1x10240x64xf32, #tpu.memory_space<hbm>>
    %dma_start3A_80 = tpu.memref_squeeze %dma_start3A_79 : memref<1x10240x64xf32, #tpu.memory_space<hbm>> -> memref<10240x64xf32, #tpu.memory_space<hbm>>
    %dma_start3A_81 = arith.constant 0 : i32
    %dma_start3A_82 = tpu.memref_slice %dma_start3A_80[%add3A_70, %dma_start3A_81] : memref<10240x64xf32, #tpu.memory_space<hbm>> -> memref<128x64xf32, #tpu.memory_space<hbm>>
    %dma_start3A_83 = tpu.memref_slice %arg11[%dma_start3A_72] : memref<4x!tpu.dma_semaphore, #tpu.memory_space<semaphore_mem>> -> memref<1x!tpu.dma_semaphore, #tpu.memory_space<semaphore_mem>>
    %dma_start3A_84 = tpu.memref_squeeze %dma_start3A_83 : memref<1x!tpu.dma_semaphore, #tpu.memory_space<semaphore_mem>> -> memref<!tpu.dma_semaphore, #tpu.memory_space<semaphore_mem>>
    %dma_start3A_85 = arith.constant 0 : i32
    %dma_start3A_86 = arith.constant 0 : i32
    %dma_start3A_87 = tpu.memref_slice %arg5[%arg0, %dma_start3A_85, %dma_start3A_86] : memref<2x10240x64xf32, #tpu.memory_space<hbm>> -> memref<1x10240x64xf32, #tpu.memory_space<hbm>>
    %dma_start3A_88 = tpu.memref_squeeze %dma_start3A_87 : memref<1x10240x64xf32, #tpu.memory_space<hbm>> -> memref<10240x64xf32, #tpu.memory_space<hbm>>
    %dma_start3A_89 = arith.constant 0 : i32
    %dma_start3A_90 = tpu.memref_slice %dma_start3A_88[%add3A_70, %dma_start3A_89] : memref<10240x64xf32, #tpu.memory_space<hbm>> -> memref<128x64xf32, #tpu.memory_space<hbm>>
    %dma_start3A_91 = arith.constant 0 : i32
    %dma_start3A_92 = arith.constant 0 : i32
    %dma_start3A_93 = tpu.memref_slice %arg8[%dma_start3A_71, %dma_start3A_91, %dma_start3A_92] : memref<4x128x64xf32, #tpu.memory_space<vmem>> -> memref<1x128x64xf32, #tpu.memory_space<vmem>>
    %dma_start3A_94 = tpu.memref_squeeze %dma_start3A_93 : memref<1x128x64xf32, #tpu.memory_space<vmem>> -> memref<128x64xf32, #tpu.memory_space<vmem>>
    tpu.enqueue_dma source(%dma_start3A_94 : memref<128x64xf32, #tpu.memory_space<vmem>>) target(%dma_start3A_90 : memref<128x64xf32, #tpu.memory_space<hbm>>) target_semaphore(%dma_start3A_84 : memref<!tpu.dma_semaphore, #tpu.memory_space<semaphore_mem>>)
    %add3A_95 = arith.constant 128 : i32
    %add3A_96 = arith.addi %mul3A_0, %add3A_95 : i32
    %dma_start3A_97 = arith.constant 1 : i32
    %dma_start3A_98 = arith.constant 1 : i32
    %dma_start3A_99 = arith.constant 0 : i32
    %dma_start3A_100 = arith.constant 0 : i32
    %dma_start3A_101 = tpu.memref_slice %arg8[%dma_start3A_97, %dma_start3A_99, %dma_start3A_100] : memref<4x128x64xf32, #tpu.memory_space<vmem>> -> memref<1x128x64xf32, #tpu.memory_space<vmem>>
    %dma_start3A_102 = tpu.memref_squeeze %dma_start3A_101 : memref<1x128x64xf32, #tpu.memory_space<vmem>> -> memref<128x64xf32, #tpu.memory_space<vmem>>
    %dma_start3A_103 = arith.constant 0 : i32
    %dma_start3A_104 = tpu.memref_slice %arg9[%add3A_96, %dma_start3A_103] : memref<10240x64xf32, #tpu.memory_space<vmem_shared>> -> memref<128x64xf32, #tpu.memory_space<vmem_shared>>
    %dma_start3A_105 = tpu.memref_slice %arg10[%dma_start3A_98] : memref<4x!tpu.dma_semaphore, #tpu.memory_space<semaphore_mem>> -> memref<1x!tpu.dma_semaphore, #tpu.memory_space<semaphore_mem>>
    %dma_start3A_106 = tpu.memref_squeeze %dma_start3A_105 : memref<1x!tpu.dma_semaphore, #tpu.memory_space<semaphore_mem>> -> memref<!tpu.dma_semaphore, #tpu.memory_space<semaphore_mem>>
    %dma_start3A_107 = arith.constant 0 : i32
    %dma_start3A_108 = arith.constant 0 : i32
    %dma_start3A_109 = tpu.memref_slice %arg8[%dma_start3A_97, %dma_start3A_107, %dma_start3A_108] : memref<4x128x64xf32, #tpu.memory_space<vmem>> -> memref<1x128x64xf32, #tpu.memory_space<vmem>>
    %dma_start3A_110 = tpu.memref_squeeze %dma_start3A_109 : memref<1x128x64xf32, #tpu.memory_space<vmem>> -> memref<128x64xf32, #tpu.memory_space<vmem>>
    %dma_start3A_111 = arith.constant 0 : i32
    %dma_start3A_112 = tpu.memref_slice %arg9[%add3A_96, %dma_start3A_111] : memref<10240x64xf32, #tpu.memory_space<vmem_shared>> -> memref<128x64xf32, #tpu.memory_space<vmem_shared>>
    tpu.enqueue_dma source(%dma_start3A_112 : memref<128x64xf32, #tpu.memory_space<vmem_shared>>) target(%dma_start3A_110 : memref<128x64xf32, #tpu.memory_space<vmem>>) target_semaphore(%dma_start3A_106 : memref<!tpu.dma_semaphore, #tpu.memory_space<semaphore_mem>>)
    %dma_wait3A_113 = arith.constant 1 : i32
    %dma_wait3A_114 = arith.constant 1 : i32
    %dma_wait3A_115 = arith.constant 0 : i32
    %dma_wait3A_116 = arith.constant 0 : i32
    %dma_wait3A_117 = tpu.memref_slice %arg8[%dma_wait3A_113, %dma_wait3A_115, %dma_wait3A_116] : memref<4x128x64xf32, #tpu.memory_space<vmem>> -> memref<1x128x64xf32, #tpu.memory_space<vmem>>
    %dma_wait3A_118 = tpu.memref_squeeze %dma_wait3A_117 : memref<1x128x64xf32, #tpu.memory_space<vmem>> -> memref<128x64xf32, #tpu.memory_space<vmem>>
    %dma_wait3A_119 = arith.constant 0 : i32
    %dma_wait3A_120 = tpu.memref_slice %arg9[%add3A_96, %dma_wait3A_119] : memref<10240x64xf32, #tpu.memory_space<vmem_shared>> -> memref<128x64xf32, #tpu.memory_space<vmem_shared>>
    %dma_wait3A_121 = tpu.memref_slice %arg10[%dma_wait3A_114] : memref<4x!tpu.dma_semaphore, #tpu.memory_space<semaphore_mem>> -> memref<1x!tpu.dma_semaphore, #tpu.memory_space<semaphore_mem>>
    %dma_wait3A_122 = tpu.memref_squeeze %dma_wait3A_121 : memref<1x!tpu.dma_semaphore, #tpu.memory_space<semaphore_mem>> -> memref<!tpu.dma_semaphore, #tpu.memory_space<semaphore_mem>>
    %dma_wait3A_123 = arith.constant 0 : i32
    %dma_wait3A_124 = arith.constant 0 : i32
    %dma_wait3A_125 = tpu.memref_slice %arg8[%dma_wait3A_113, %dma_wait3A_123, %dma_wait3A_124] : memref<4x128x64xf32, #tpu.memory_space<vmem>> -> memref<1x128x64xf32, #tpu.memory_space<vmem>>
    %dma_wait3A_126 = tpu.memref_squeeze %dma_wait3A_125 : memref<1x128x64xf32, #tpu.memory_space<vmem>> -> memref<128x64xf32, #tpu.memory_space<vmem>>
    %dma_wait3A_127 = arith.constant 0 : i32
    %dma_wait3A_128 = tpu.memref_slice %arg9[%add3A_96, %dma_wait3A_127] : memref<10240x64xf32, #tpu.memory_space<vmem_shared>> -> memref<128x64xf32, #tpu.memory_space<vmem_shared>>
    tpu.wait_dma2 semaphore(%dma_wait3A_122 : memref<!tpu.dma_semaphore, #tpu.memory_space<semaphore_mem>>) src(%dma_wait3A_128 : memref<128x64xf32, #tpu.memory_space<vmem_shared>>) dst(%dma_wait3A_126 : memref<128x64xf32, #tpu.memory_space<vmem>>)
    %add3A_129 = arith.constant 128 : i32
    %add3A_130 = arith.addi %mul3A_0, %add3A_129 : i32
    %dma_start3A_131 = arith.constant 1 : i32
    %dma_start3A_132 = arith.constant 1 : i32
    %dma_start3A_133 = arith.constant 0 : i32
    %dma_start3A_134 = arith.constant 0 : i32
    %dma_start3A_135 = tpu.memref_slice %arg8[%dma_start3A_131, %dma_start3A_133, %dma_start3A_134] : memref<4x128x64xf32, #tpu.memory_space<vmem>> -> memref<1x128x64xf32, #tpu.memory_space<vmem>>
    %dma_start3A_136 = tpu.memref_squeeze %dma_start3A_135 : memref<1x128x64xf32, #tpu.memory_space<vmem>> -> memref<128x64xf32, #tpu.memory_space<vmem>>
    %dma_start3A_137 = arith.constant 0 : i32
    %dma_start3A_138 = arith.constant 0 : i32
    %dma_start3A_139 = tpu.memref_slice %arg5[%arg0, %dma_start3A_137, %dma_start3A_138] : memref<2x10240x64xf32, #tpu.memory_space<hbm>> -> memref<1x10240x64xf32, #tpu.memory_space<hbm>>
    %dma_start3A_140 = tpu.memref_squeeze %dma_start3A_139 : memref<1x10240x64xf32, #tpu.memory_space<hbm>> -> memref<10240x64xf32, #tpu.memory_space<hbm>>
    %dma_start3A_141 = arith.constant 0 : i32
    %dma_start3A_142 = tpu.memref_slice %dma_start3A_140[%add3A_130, %dma_start3A_141] : memref<10240x64xf32, #tpu.memory_space<hbm>> -> memref<128x64xf32, #tpu.memory_space<hbm>>
    %dma_start3A_143 = tpu.memref_slice %arg11[%dma_start3A_132] : memref<4x!tpu.dma_semaphore, #tpu.memory_space<semaphore_mem>> -> memref<1x!tpu.dma_semaphore, #tpu.memory_space<semaphore_mem>>
    %dma_start3A_144 = tpu.memref_squeeze %dma_start3A_143 : memref<1x!tpu.dma_semaphore, #tpu.memory_space<semaphore_mem>> -> memref<!tpu.dma_semaphore, #tpu.memory_space<semaphore_mem>>
    %dma_start3A_145 = arith.constant 0 : i32
    %dma_start3A_146 = arith.constant 0 : i32
    %dma_start3A_147 = tpu.memref_slice %arg5[%arg0, %dma_start3A_145, %dma_start3A_146] : memref<2x10240x64xf32, #tpu.memory_space<hbm>> -> memref<1x10240x64xf32, #tpu.memory_space<hbm>>
    %dma_start3A_148 = tpu.memref_squeeze %dma_start3A_147 : memref<1x10240x64xf32, #tpu.memory_space<hbm>> -> memref<10240x64xf32, #tpu.memory_space<hbm>>
    %dma_start3A_149 = arith.constant 0 : i32
    %dma_start3A_150 = tpu.memref_slice %dma_start3A_148[%add3A_130, %dma_start3A_149] : memref<10240x64xf32, #tpu.memory_space<hbm>> -> memref<128x64xf32, #tpu.memory_space<hbm>>
    %dma_start3A_151 = arith.constant 0 : i32
    %dma_start3A_152 = arith.constant 0 : i32
    %dma_start3A_153 = tpu.memref_slice %arg8[%dma_start3A_131, %dma_start3A_151, %dma_start3A_152] : memref<4x128x64xf32, #tpu.memory_space<vmem>> -> memref<1x128x64xf32, #tpu.memory_space<vmem>>
    %dma_start3A_154 = tpu.memref_squeeze %dma_start3A_153 : memref<1x128x64xf32, #tpu.memory_space<vmem>> -> memref<128x64xf32, #tpu.memory_space<vmem>>
    tpu.enqueue_dma source(%dma_start3A_154 : memref<128x64xf32, #tpu.memory_space<vmem>>) target(%dma_start3A_150 : memref<128x64xf32, #tpu.memory_space<hbm>>) target_semaphore(%dma_start3A_144 : memref<!tpu.dma_semaphore, #tpu.memory_space<semaphore_mem>>)
    %add3A_155 = arith.constant 256 : i32
    %add3A_156 = arith.addi %mul3A_0, %add3A_155 : i32
    %dma_start3A_157 = arith.constant 2 : i32
    %dma_start3A_158 = arith.constant 2 : i32
    %dma_start3A_159 = arith.constant 0 : i32
    %dma_start3A_160 = arith.constant 0 : i32
    %dma_start3A_161 = tpu.memref_slice %arg8[%dma_start3A_157, %dma_start3A_159, %dma_start3A_160] : memref<4x128x64xf32, #tpu.memory_space<vmem>> -> memref<1x128x64xf32, #tpu.memory_space<vmem>>
    %dma_start3A_162 = tpu.memref_squeeze %dma_start3A_161 : memref<1x128x64xf32, #tpu.memory_space<vmem>> -> memref<128x64xf32, #tpu.memory_space<vmem>>
    %dma_start3A_163 = arith.constant 0 : i32
    %dma_start3A_164 = tpu.memref_slice %arg9[%add3A_156, %dma_start3A_163] : memref<10240x64xf32, #tpu.memory_space<vmem_shared>> -> memref<128x64xf32, #tpu.memory_space<vmem_shared>>
    %dma_start3A_165 = tpu.memref_slice %arg10[%dma_start3A_158] : memref<4x!tpu.dma_semaphore, #tpu.memory_space<semaphore_mem>> -> memref<1x!tpu.dma_semaphore, #tpu.memory_space<semaphore_mem>>
    %dma_start3A_166 = tpu.memref_squeeze %dma_start3A_165 : memref<1x!tpu.dma_semaphore, #tpu.memory_space<semaphore_mem>> -> memref<!tpu.dma_semaphore, #tpu.memory_space<semaphore_mem>>
    %dma_start3A_167 = arith.constant 0 : i32
    %dma_start3A_168 = arith.constant 0 : i32
    %dma_start3A_169 = tpu.memref_slice %arg8[%dma_start3A_157, %dma_start3A_167, %dma_start3A_168] : memref<4x128x64xf32, #tpu.memory_space<vmem>> -> memref<1x128x64xf32, #tpu.memory_space<vmem>>
    %dma_start3A_170 = tpu.memref_squeeze %dma_start3A_169 : memref<1x128x64xf32, #tpu.memory_space<vmem>> -> memref<128x64xf32, #tpu.memory_space<vmem>>
    %dma_start3A_171 = arith.constant 0 : i32
    %dma_start3A_172 = tpu.memref_slice %arg9[%add3A_156, %dma_start3A_171] : memref<10240x64xf32, #tpu.memory_space<vmem_shared>> -> memref<128x64xf32, #tpu.memory_space<vmem_shared>>
    tpu.enqueue_dma source(%dma_start3A_172 : memref<128x64xf32, #tpu.memory_space<vmem_shared>>) target(%dma_start3A_170 : memref<128x64xf32, #tpu.memory_space<vmem>>) target_semaphore(%dma_start3A_166 : memref<!tpu.dma_semaphore, #tpu.memory_space<semaphore_mem>>)
    %dma_wait3A_173 = arith.constant 2 : i32
    %dma_wait3A_174 = arith.constant 2 : i32
    %dma_wait3A_175 = arith.constant 0 : i32
    %dma_wait3A_176 = arith.constant 0 : i32
    %dma_wait3A_177 = tpu.memref_slice %arg8[%dma_wait3A_173, %dma_wait3A_175, %dma_wait3A_176] : memref<4x128x64xf32, #tpu.memory_space<vmem>> -> memref<1x128x64xf32, #tpu.memory_space<vmem>>
    %dma_wait3A_178 = tpu.memref_squeeze %dma_wait3A_177 : memref<1x128x64xf32, #tpu.memory_space<vmem>> -> memref<128x64xf32, #tpu.memory_space<vmem>>
    %dma_wait3A_179 = arith.constant 0 : i32
    %dma_wait3A_180 = tpu.memref_slice %arg9[%add3A_156, %dma_wait3A_179] : memref<10240x64xf32, #tpu.memory_space<vmem_shared>> -> memref<128x64xf32, #tpu.memory_space<vmem_shared>>
    %dma_wait3A_181 = tpu.memref_slice %arg10[%dma_wait3A_174] : memref<4x!tpu.dma_semaphore, #tpu.memory_space<semaphore_mem>> -> memref<1x!tpu.dma_semaphore, #tpu.memory_space<semaphore_mem>>
    %dma_wait3A_182 = tpu.memref_squeeze %dma_wait3A_181 : memref<1x!tpu.dma_semaphore, #tpu.memory_space<semaphore_mem>> -> memref<!tpu.dma_semaphore, #tpu.memory_space<semaphore_mem>>
    %dma_wait3A_183 = arith.constant 0 : i32
    %dma_wait3A_184 = arith.constant 0 : i32
    %dma_wait3A_185 = tpu.memref_slice %arg8[%dma_wait3A_173, %dma_wait3A_183, %dma_wait3A_184] : memref<4x128x64xf32, #tpu.memory_space<vmem>> -> memref<1x128x64xf32, #tpu.memory_space<vmem>>
    %dma_wait3A_186 = tpu.memref_squeeze %dma_wait3A_185 : memref<1x128x64xf32, #tpu.memory_space<vmem>> -> memref<128x64xf32, #tpu.memory_space<vmem>>
    %dma_wait3A_187 = arith.constant 0 : i32
    %dma_wait3A_188 = tpu.memref_slice %arg9[%add3A_156, %dma_wait3A_187] : memref<10240x64xf32, #tpu.memory_space<vmem_shared>> -> memref<128x64xf32, #tpu.memory_space<vmem_shared>>
    tpu.wait_dma2 semaphore(%dma_wait3A_182 : memref<!tpu.dma_semaphore, #tpu.memory_space<semaphore_mem>>) src(%dma_wait3A_188 : memref<128x64xf32, #tpu.memory_space<vmem_shared>>) dst(%dma_wait3A_186 : memref<128x64xf32, #tpu.memory_space<vmem>>)
    %add3A_189 = arith.constant 256 : i32
    %add3A_190 = arith.addi %mul3A_0, %add3A_189 : i32
    %dma_start3A_191 = arith.constant 2 : i32
    %dma_start3A_192 = arith.constant 2 : i32
    %dma_start3A_193 = arith.constant 0 : i32
    %dma_start3A_194 = arith.constant 0 : i32
    %dma_start3A_195 = tpu.memref_slice %arg8[%dma_start3A_191, %dma_start3A_193, %dma_start3A_194] : memref<4x128x64xf32, #tpu.memory_space<vmem>> -> memref<1x128x64xf32, #tpu.memory_space<vmem>>
    %dma_start3A_196 = tpu.memref_squeeze %dma_start3A_195 : memref<1x128x64xf32, #tpu.memory_space<vmem>> -> memref<128x64xf32, #tpu.memory_space<vmem>>
    %dma_start3A_197 = arith.constant 0 : i32
    %dma_start3A_198 = arith.constant 0 : i32
    %dma_start3A_199 = tpu.memref_slice %arg5[%arg0, %dma_start3A_197, %dma_start3A_198] : memref<2x10240x64xf32, #tpu.memory_space<hbm>> -> memref<1x10240x64xf32, #tpu.memory_space<hbm>>
    %dma_start3A_200 = tpu.memref_squeeze %dma_start3A_199 : memref<1x10240x64xf32, #tpu.memory_space<hbm>> -> memref<10240x64xf32, #tpu.memory_space<hbm>>
    %dma_start3A_201 = arith.constant 0 : i32
    %dma_start3A_202 = tpu.memref_slice %dma_start3A_200[%add3A_190, %dma_start3A_201] : memref<10240x64xf32, #tpu.memory_space<hbm>> -> memref<128x64xf32, #tpu.memory_space<hbm>>
    %dma_start3A_203 = tpu.memref_slice %arg11[%dma_start3A_192] : memref<4x!tpu.dma_semaphore, #tpu.memory_space<semaphore_mem>> -> memref<1x!tpu.dma_semaphore, #tpu.memory_space<semaphore_mem>>
    %dma_start3A_204 = tpu.memref_squeeze %dma_start3A_203 : memref<1x!tpu.dma_semaphore, #tpu.memory_space<semaphore_mem>> -> memref<!tpu.dma_semaphore, #tpu.memory_space<semaphore_mem>>
    %dma_start3A_205 = arith.constant 0 : i32
    %dma_start3A_206 = arith.constant 0 : i32
    %dma_start3A_207 = tpu.memref_slice %arg5[%arg0, %dma_start3A_205, %dma_start3A_206] : memref<2x10240x64xf32, #tpu.memory_space<hbm>> -> memref<1x10240x64xf32, #tpu.memory_space<hbm>>
    %dma_start3A_208 = tpu.memref_squeeze %dma_start3A_207 : memref<1x10240x64xf32, #tpu.memory_space<hbm>> -> memref<10240x64xf32, #tpu.memory_space<hbm>>
    %dma_start3A_209 = arith.constant 0 : i32
    %dma_start3A_210 = tpu.memref_slice %dma_start3A_208[%add3A_190, %dma_start3A_209] : memref<10240x64xf32, #tpu.memory_space<hbm>> -> memref<128x64xf32, #tpu.memory_space<hbm>>
    %dma_start3A_211 = arith.constant 0 : i32
    %dma_start3A_212 = arith.constant 0 : i32
    %dma_start3A_213 = tpu.memref_slice %arg8[%dma_start3A_191, %dma_start3A_211, %dma_start3A_212] : memref<4x128x64xf32, #tpu.memory_space<vmem>> -> memref<1x128x64xf32, #tpu.memory_space<vmem>>
    %dma_start3A_214 = tpu.memref_squeeze %dma_start3A_213 : memref<1x128x64xf32, #tpu.memory_space<vmem>> -> memref<128x64xf32, #tpu.memory_space<vmem>>
    tpu.enqueue_dma source(%dma_start3A_214 : memref<128x64xf32, #tpu.memory_space<vmem>>) target(%dma_start3A_210 : memref<128x64xf32, #tpu.memory_space<hbm>>) target_semaphore(%dma_start3A_204 : memref<!tpu.dma_semaphore, #tpu.memory_space<semaphore_mem>>)
    %add3A_215 = arith.constant 384 : i32
    %add3A_216 = arith.addi %mul3A_0, %add3A_215 : i32
    %dma_start3A_217 = arith.constant 3 : i32
    %dma_start3A_218 = arith.constant 3 : i32
    %dma_start3A_219 = arith.constant 0 : i32
    %dma_start3A_220 = arith.constant 0 : i32
    %dma_start3A_221 = tpu.memref_slice %arg8[%dma_start3A_217, %dma_start3A_219, %dma_start3A_220] : memref<4x128x64xf32, #tpu.memory_space<vmem>> -> memref<1x128x64xf32, #tpu.memory_space<vmem>>
    %dma_start3A_222 = tpu.memref_squeeze %dma_start3A_221 : memref<1x128x64xf32, #tpu.memory_space<vmem>> -> memref<128x64xf32, #tpu.memory_space<vmem>>
    %dma_start3A_223 = arith.constant 0 : i32
    %dma_start3A_224 = tpu.memref_slice %arg9[%add3A_216, %dma_start3A_223] : memref<10240x64xf32, #tpu.memory_space<vmem_shared>> -> memref<128x64xf32, #tpu.memory_space<vmem_shared>>
    %dma_start3A_225 = tpu.memref_slice %arg10[%dma_start3A_218] : memref<4x!tpu.dma_semaphore, #tpu.memory_space<semaphore_mem>> -> memref<1x!tpu.dma_semaphore, #tpu.memory_space<semaphore_mem>>
    %dma_start3A_226 = tpu.memref_squeeze %dma_start3A_225 : memref<1x!tpu.dma_semaphore, #tpu.memory_space<semaphore_mem>> -> memref<!tpu.dma_semaphore, #tpu.memory_space<semaphore_mem>>
    %dma_start3A_227 = arith.constant 0 : i32
    %dma_start3A_228 = arith.constant 0 : i32
    %dma_start3A_229 = tpu.memref_slice %arg8[%dma_start3A_217, %dma_start3A_227, %dma_start3A_228] : memref<4x128x64xf32, #tpu.memory_space<vmem>> -> memref<1x128x64xf32, #tpu.memory_space<vmem>>
    %dma_start3A_230 = tpu.memref_squeeze %dma_start3A_229 : memref<1x128x64xf32, #tpu.memory_space<vmem>> -> memref<128x64xf32, #tpu.memory_space<vmem>>
    %dma_start3A_231 = arith.constant 0 : i32
    %dma_start3A_232 = tpu.memref_slice %arg9[%add3A_216, %dma_start3A_231] : memref<10240x64xf32, #tpu.memory_space<vmem_shared>> -> memref<128x64xf32, #tpu.memory_space<vmem_shared>>
    tpu.enqueue_dma source(%dma_start3A_232 : memref<128x64xf32, #tpu.memory_space<vmem_shared>>) target(%dma_start3A_230 : memref<128x64xf32, #tpu.memory_space<vmem>>) target_semaphore(%dma_start3A_226 : memref<!tpu.dma_semaphore, #tpu.memory_space<semaphore_mem>>)
    %dma_wait3A_233 = arith.constant 3 : i32
    %dma_wait3A_234 = arith.constant 3 : i32
    %dma_wait3A_235 = arith.constant 0 : i32
    %dma_wait3A_236 = arith.constant 0 : i32
    %dma_wait3A_237 = tpu.memref_slice %arg8[%dma_wait3A_233, %dma_wait3A_235, %dma_wait3A_236] : memref<4x128x64xf32, #tpu.memory_space<vmem>> -> memref<1x128x64xf32, #tpu.memory_space<vmem>>
    %dma_wait3A_238 = tpu.memref_squeeze %dma_wait3A_237 : memref<1x128x64xf32, #tpu.memory_space<vmem>> -> memref<128x64xf32, #tpu.memory_space<vmem>>
    %dma_wait3A_239 = arith.constant 0 : i32
    %dma_wait3A_240 = tpu.memref_slice %arg9[%add3A_216, %dma_wait3A_239] : memref<10240x64xf32, #tpu.memory_space<vmem_shared>> -> memref<128x64xf32, #tpu.memory_space<vmem_shared>>
    %dma_wait3A_241 = tpu.memref_slice %arg10[%dma_wait3A_234] : memref<4x!tpu.dma_semaphore, #tpu.memory_space<semaphore_mem>> -> memref<1x!tpu.dma_semaphore, #tpu.memory_space<semaphore_mem>>
    %dma_wait3A_242 = tpu.memref_squeeze %dma_wait3A_241 : memref<1x!tpu.dma_semaphore, #tpu.memory_space<semaphore_mem>> -> memref<!tpu.dma_semaphore, #tpu.memory_space<semaphore_mem>>
    %dma_wait3A_243 = arith.constant 0 : i32
    %dma_wait3A_244 = arith.constant 0 : i32
    %dma_wait3A_245 = tpu.memref_slice %arg8[%dma_wait3A_233, %dma_wait3A_243, %dma_wait3A_244] : memref<4x128x64xf32, #tpu.memory_space<vmem>> -> memref<1x128x64xf32, #tpu.memory_space<vmem>>
    %dma_wait3A_246 = tpu.memref_squeeze %dma_wait3A_245 : memref<1x128x64xf32, #tpu.memory_space<vmem>> -> memref<128x64xf32, #tpu.memory_space<vmem>>
    %dma_wait3A_247 = arith.constant 0 : i32
    %dma_wait3A_248 = tpu.memref_slice %arg9[%add3A_216, %dma_wait3A_247] : memref<10240x64xf32, #tpu.memory_space<vmem_shared>> -> memref<128x64xf32, #tpu.memory_space<vmem_shared>>
    tpu.wait_dma2 semaphore(%dma_wait3A_242 : memref<!tpu.dma_semaphore, #tpu.memory_space<semaphore_mem>>) src(%dma_wait3A_248 : memref<128x64xf32, #tpu.memory_space<vmem_shared>>) dst(%dma_wait3A_246 : memref<128x64xf32, #tpu.memory_space<vmem>>)
    %add3A_249 = arith.constant 384 : i32
    %add3A_250 = arith.addi %mul3A_0, %add3A_249 : i32
    %dma_start3A_251 = arith.constant 3 : i32
    %dma_start3A_252 = arith.constant 3 : i32
    %dma_start3A_253 = arith.constant 0 : i32
    %dma_start3A_254 = arith.constant 0 : i32
    %dma_start3A_255 = tpu.memref_slice %arg8[%dma_start3A_251, %dma_start3A_253, %dma_start3A_254] : memref<4x128x64xf32, #tpu.memory_space<vmem>> -> memref<1x128x64xf32, #tpu.memory_space<vmem>>
    %dma_start3A_256 = tpu.memref_squeeze %dma_start3A_255 : memref<1x128x64xf32, #tpu.memory_space<vmem>> -> memref<128x64xf32, #tpu.memory_space<vmem>>
    %dma_start3A_257 = arith.constant 0 : i32
    %dma_start3A_258 = arith.constant 0 : i32
    %dma_start3A_259 = tpu.memref_slice %arg5[%arg0, %dma_start3A_257, %dma_start3A_258] : memref<2x10240x64xf32, #tpu.memory_space<hbm>> -> memref<1x10240x64xf32, #tpu.memory_space<hbm>>
    %dma_start3A_260 = tpu.memref_squeeze %dma_start3A_259 : memref<1x10240x64xf32, #tpu.memory_space<hbm>> -> memref<10240x64xf32, #tpu.memory_space<hbm>>
    %dma_start3A_261 = arith.constant 0 : i32
    %dma_start3A_262 = tpu.memref_slice %dma_start3A_260[%add3A_250, %dma_start3A_261] : memref<10240x64xf32, #tpu.memory_space<hbm>> -> memref<128x64xf32, #tpu.memory_space<hbm>>
    %dma_start3A_263 = tpu.memref_slice %arg11[%dma_start3A_252] : memref<4x!tpu.dma_semaphore, #tpu.memory_space<semaphore_mem>> -> memref<1x!tpu.dma_semaphore, #tpu.memory_space<semaphore_mem>>
    %dma_start3A_264 = tpu.memref_squeeze %dma_start3A_263 : memref<1x!tpu.dma_semaphore, #tpu.memory_space<semaphore_mem>> -> memref<!tpu.dma_semaphore, #tpu.memory_space<semaphore_mem>>
    %dma_start3A_265 = arith.constant 0 : i32
    %dma_start3A_266 = arith.constant 0 : i32
    %dma_start3A_267 = tpu.memref_slice %arg5[%arg0, %dma_start3A_265, %dma_start3A_266] : memref<2x10240x64xf32, #tpu.memory_space<hbm>> -> memref<1x10240x64xf32, #tpu.memory_space<hbm>>
    %dma_start3A_268 = tpu.memref_squeeze %dma_start3A_267 : memref<1x10240x64xf32, #tpu.memory_space<hbm>> -> memref<10240x64xf32, #tpu.memory_space<hbm>>
    %dma_start3A_269 = arith.constant 0 : i32
    %dma_start3A_270 = tpu.memref_slice %dma_start3A_268[%add3A_250, %dma_start3A_269] : memref<10240x64xf32, #tpu.memory_space<hbm>> -> memref<128x64xf32, #tpu.memory_space<hbm>>
    %dma_start3A_271 = arith.constant 0 : i32
    %dma_start3A_272 = arith.constant 0 : i32
    %dma_start3A_273 = tpu.memref_slice %arg8[%dma_start3A_251, %dma_start3A_271, %dma_start3A_272] : memref<4x128x64xf32, #tpu.memory_space<vmem>> -> memref<1x128x64xf32, #tpu.memory_space<vmem>>
    %dma_start3A_274 = tpu.memref_squeeze %dma_start3A_273 : memref<1x128x64xf32, #tpu.memory_space<vmem>> -> memref<128x64xf32, #tpu.memory_space<vmem>>
    tpu.enqueue_dma source(%dma_start3A_274 : memref<128x64xf32, #tpu.memory_space<vmem>>) target(%dma_start3A_270 : memref<128x64xf32, #tpu.memory_space<hbm>>) target_semaphore(%dma_start3A_264 : memref<!tpu.dma_semaphore, #tpu.memory_space<semaphore_mem>>)
    %dma_wait3A_275 = arith.constant 0 : i32
    %dma_wait3A_276 = arith.constant 0 : i32
    %dma_wait3A_277 = arith.constant 0 : i32
    %dma_wait3A_278 = arith.constant 0 : i32
    %dma_wait3A_279 = tpu.memref_slice %arg8[%dma_wait3A_275, %dma_wait3A_277, %dma_wait3A_278] : memref<4x128x64xf32, #tpu.memory_space<vmem>> -> memref<1x128x64xf32, #tpu.memory_space<vmem>>
    %dma_wait3A_280 = tpu.memref_squeeze %dma_wait3A_279 : memref<1x128x64xf32, #tpu.memory_space<vmem>> -> memref<128x64xf32, #tpu.memory_space<vmem>>
    %dma_wait3A_281 = arith.constant 0 : i32
    %dma_wait3A_282 = arith.constant 0 : i32
    %dma_wait3A_283 = tpu.memref_slice %arg5[%arg0, %dma_wait3A_281, %dma_wait3A_282] : memref<2x10240x64xf32, #tpu.memory_space<hbm>> -> memref<1x10240x64xf32, #tpu.memory_space<hbm>>
    %dma_wait3A_284 = tpu.memref_squeeze %dma_wait3A_283 : memref<1x10240x64xf32, #tpu.memory_space<hbm>> -> memref<10240x64xf32, #tpu.memory_space<hbm>>
    %dma_wait3A_285 = arith.constant 0 : i32
    %dma_wait3A_286 = tpu.memref_slice %dma_wait3A_284[%add3A_70, %dma_wait3A_285] : memref<10240x64xf32, #tpu.memory_space<hbm>> -> memref<128x64xf32, #tpu.memory_space<hbm>>
    %dma_wait3A_287 = tpu.memref_slice %arg11[%dma_wait3A_276] : memref<4x!tpu.dma_semaphore, #tpu.memory_space<semaphore_mem>> -> memref<1x!tpu.dma_semaphore, #tpu.memory_space<semaphore_mem>>
    %dma_wait3A_288 = tpu.memref_squeeze %dma_wait3A_287 : memref<1x!tpu.dma_semaphore, #tpu.memory_space<semaphore_mem>> -> memref<!tpu.dma_semaphore, #tpu.memory_space<semaphore_mem>>
    %dma_wait3A_289 = arith.constant 0 : i32
    %dma_wait3A_290 = arith.constant 0 : i32
    %dma_wait3A_291 = tpu.memref_slice %arg5[%arg0, %dma_wait3A_289, %dma_wait3A_290] : memref<2x10240x64xf32, #tpu.memory_space<hbm>> -> memref<1x10240x64xf32, #tpu.memory_space<hbm>>
    %dma_wait3A_292 = tpu.memref_squeeze %dma_wait3A_291 : memref<1x10240x64xf32, #tpu.memory_space<hbm>> -> memref<10240x64xf32, #tpu.memory_space<hbm>>
    %dma_wait3A_293 = arith.constant 0 : i32
    %dma_wait3A_294 = tpu.memref_slice %dma_wait3A_292[%add3A_70, %dma_wait3A_293] : memref<10240x64xf32, #tpu.memory_space<hbm>> -> memref<128x64xf32, #tpu.memory_space<hbm>>
    %dma_wait3A_295 = arith.constant 0 : i32
    %dma_wait3A_296 = arith.constant 0 : i32
    %dma_wait3A_297 = tpu.memref_slice %arg8[%dma_wait3A_275, %dma_wait3A_295, %dma_wait3A_296] : memref<4x128x64xf32, #tpu.memory_space<vmem>> -> memref<1x128x64xf32, #tpu.memory_space<vmem>>
    %dma_wait3A_298 = tpu.memref_squeeze %dma_wait3A_297 : memref<1x128x64xf32, #tpu.memory_space<vmem>> -> memref<128x64xf32, #tpu.memory_space<vmem>>
    tpu.wait_dma2 semaphore(%dma_wait3A_288 : memref<!tpu.dma_semaphore, #tpu.memory_space<semaphore_mem>>) src(%dma_wait3A_298 : memref<128x64xf32, #tpu.memory_space<vmem>>) dst(%dma_wait3A_294 : memref<128x64xf32, #tpu.memory_space<hbm>>)
    %add3A_299 = arith.constant 512 : i32
    %add3A_300 = arith.addi %mul3A_0, %add3A_299 : i32
    %dma_start3A_301 = arith.constant 0 : i32
    %dma_start3A_302 = arith.constant 0 : i32
    %dma_start3A_303 = arith.constant 0 : i32
    %dma_start3A_304 = arith.constant 0 : i32
    %dma_start3A_305 = tpu.memref_slice %arg8[%dma_start3A_301, %dma_start3A_303, %dma_start3A_304] : memref<4x128x64xf32, #tpu.memory_space<vmem>> -> memref<1x128x64xf32, #tpu.memory_space<vmem>>
    %dma_start3A_306 = tpu.memref_squeeze %dma_start3A_305 : memref<1x128x64xf32, #tpu.memory_space<vmem>> -> memref<128x64xf32, #tpu.memory_space<vmem>>
    %dma_start3A_307 = arith.constant 0 : i32
    %dma_start3A_308 = tpu.memref_slice %arg9[%add3A_300, %dma_start3A_307] : memref<10240x64xf32, #tpu.memory_space<vmem_shared>> -> memref<128x64xf32, #tpu.memory_space<vmem_shared>>
    %dma_start3A_309 = tpu.memref_slice %arg10[%dma_start3A_302] : memref<4x!tpu.dma_semaphore, #tpu.memory_space<semaphore_mem>> -> memref<1x!tpu.dma_semaphore, #tpu.memory_space<semaphore_mem>>
    %dma_start3A_310 = tpu.memref_squeeze %dma_start3A_309 : memref<1x!tpu.dma_semaphore, #tpu.memory_space<semaphore_mem>> -> memref<!tpu.dma_semaphore, #tpu.memory_space<semaphore_mem>>
    %dma_start3A_311 = arith.constant 0 : i32
    %dma_start3A_312 = arith.constant 0 : i32
    %dma_start3A_313 = tpu.memref_slice %arg8[%dma_start3A_301, %dma_start3A_311, %dma_start3A_312] : memref<4x128x64xf32, #tpu.memory_space<vmem>> -> memref<1x128x64xf32, #tpu.memory_space<vmem>>
    %dma_start3A_314 = tpu.memref_squeeze %dma_start3A_313 : memref<1x128x64xf32, #tpu.memory_space<vmem>> -> memref<128x64xf32, #tpu.memory_space<vmem>>
    %dma_start3A_315 = arith.constant 0 : i32
    %dma_start3A_316 = tpu.memref_slice %arg9[%add3A_300, %dma_start3A_315] : memref<10240x64xf32, #tpu.memory_space<vmem_shared>> -> memref<128x64xf32, #tpu.memory_space<vmem_shared>>
    tpu.enqueue_dma source(%dma_start3A_316 : memref<128x64xf32, #tpu.memory_space<vmem_shared>>) target(%dma_start3A_314 : memref<128x64xf32, #tpu.memory_space<vmem>>) target_semaphore(%dma_start3A_310 : memref<!tpu.dma_semaphore, #tpu.memory_space<semaphore_mem>>)
    %dma_wait3A_317 = arith.constant 0 : i32
    %dma_wait3A_318 = arith.constant 0 : i32
    %dma_wait3A_319 = arith.constant 0 : i32
    %dma_wait3A_320 = arith.constant 0 : i32
    %dma_wait3A_321 = tpu.memref_slice %arg8[%dma_wait3A_317, %dma_wait3A_319, %dma_wait3A_320] : memref<4x128x64xf32, #tpu.memory_space<vmem>> -> memref<1x128x64xf32, #tpu.memory_space<vmem>>
    %dma_wait3A_322 = tpu.memref_squeeze %dma_wait3A_321 : memref<1x128x64xf32, #tpu.memory_space<vmem>> -> memref<128x64xf32, #tpu.memory_space<vmem>>
    %dma_wait3A_323 = arith.constant 0 : i32
    %dma_wait3A_324 = tpu.memref_slice %arg9[%add3A_300, %dma_wait3A_323] : memref<10240x64xf32, #tpu.memory_space<vmem_shared>> -> memref<128x64xf32, #tpu.memory_space<vmem_shared>>
    %dma_wait3A_325 = tpu.memref_slice %arg10[%dma_wait3A_318] : memref<4x!tpu.dma_semaphore, #tpu.memory_space<semaphore_mem>> -> memref<1x!tpu.dma_semaphore, #tpu.memory_space<semaphore_mem>>
    %dma_wait3A_326 = tpu.memref_squeeze %dma_wait3A_325 : memref<1x!tpu.dma_semaphore, #tpu.memory_space<semaphore_mem>> -> memref<!tpu.dma_semaphore, #tpu.memory_space<semaphore_mem>>
    %dma_wait3A_327 = arith.constant 0 : i32
    %dma_wait3A_328 = arith.constant 0 : i32
    %dma_wait3A_329 = tpu.memref_slice %arg8[%dma_wait3A_317, %dma_wait3A_327, %dma_wait3A_328] : memref<4x128x64xf32, #tpu.memory_space<vmem>> -> memref<1x128x64xf32, #tpu.memory_space<vmem>>
    %dma_wait3A_330 = tpu.memref_squeeze %dma_wait3A_329 : memref<1x128x64xf32, #tpu.memory_space<vmem>> -> memref<128x64xf32, #tpu.memory_space<vmem>>
    %dma_wait3A_331 = arith.constant 0 : i32
    %dma_wait3A_332 = tpu.memref_slice %arg9[%add3A_300, %dma_wait3A_331] : memref<10240x64xf32, #tpu.memory_space<vmem_shared>> -> memref<128x64xf32, #tpu.memory_space<vmem_shared>>
    tpu.wait_dma2 semaphore(%dma_wait3A_326 : memref<!tpu.dma_semaphore, #tpu.memory_space<semaphore_mem>>) src(%dma_wait3A_332 : memref<128x64xf32, #tpu.memory_space<vmem_shared>>) dst(%dma_wait3A_330 : memref<128x64xf32, #tpu.memory_space<vmem>>)
    %add3A_333 = arith.constant 512 : i32
    %add3A_334 = arith.addi %mul3A_0, %add3A_333 : i32
    %dma_start3A_335 = arith.constant 0 : i32
    %dma_start3A_336 = arith.constant 0 : i32
    %dma_start3A_337 = arith.constant 0 : i32
    %dma_start3A_338 = arith.constant 0 : i32
    %dma_start3A_339 = tpu.memref_slice %arg8[%dma_start3A_335, %dma_start3A_337, %dma_start3A_338] : memref<4x128x64xf32, #tpu.memory_space<vmem>> -> memref<1x128x64xf32, #tpu.memory_space<vmem>>
    %dma_start3A_340 = tpu.memref_squeeze %dma_start3A_339 : memref<1x128x64xf32, #tpu.memory_space<vmem>> -> memref<128x64xf32, #tpu.memory_space<vmem>>
    %dma_start3A_341 = arith.constant 0 : i32
    %dma_start3A_342 = arith.constant 0 : i32
    %dma_start3A_343 = tpu.memref_slice %arg5[%arg0, %dma_start3A_341, %dma_start3A_342] : memref<2x10240x64xf32, #tpu.memory_space<hbm>> -> memref<1x10240x64xf32, #tpu.memory_space<hbm>>
    %dma_start3A_344 = tpu.memref_squeeze %dma_start3A_343 : memref<1x10240x64xf32, #tpu.memory_space<hbm>> -> memref<10240x64xf32, #tpu.memory_space<hbm>>
    %dma_start3A_345 = arith.constant 0 : i32
    %dma_start3A_346 = tpu.memref_slice %dma_start3A_344[%add3A_334, %dma_start3A_345] : memref<10240x64xf32, #tpu.memory_space<hbm>> -> memref<128x64xf32, #tpu.memory_space<hbm>>
    %dma_start3A_347 = tpu.memref_slice %arg11[%dma_start3A_336] : memref<4x!tpu.dma_semaphore, #tpu.memory_space<semaphore_mem>> -> memref<1x!tpu.dma_semaphore, #tpu.memory_space<semaphore_mem>>
    %dma_start3A_348 = tpu.memref_squeeze %dma_start3A_347 : memref<1x!tpu.dma_semaphore, #tpu.memory_space<semaphore_mem>> -> memref<!tpu.dma_semaphore, #tpu.memory_space<semaphore_mem>>
    %dma_start3A_349 = arith.constant 0 : i32
    %dma_start3A_350 = arith.constant 0 : i32
    %dma_start3A_351 = tpu.memref_slice %arg5[%arg0, %dma_start3A_349, %dma_start3A_350] : memref<2x10240x64xf32, #tpu.memory_space<hbm>> -> memref<1x10240x64xf32, #tpu.memory_space<hbm>>
    %dma_start3A_352 = tpu.memref_squeeze %dma_start3A_351 : memref<1x10240x64xf32, #tpu.memory_space<hbm>> -> memref<10240x64xf32, #tpu.memory_space<hbm>>
    %dma_start3A_353 = arith.constant 0 : i32
    %dma_start3A_354 = tpu.memref_slice %dma_start3A_352[%add3A_334, %dma_start3A_353] : memref<10240x64xf32, #tpu.memory_space<hbm>> -> memref<128x64xf32, #tpu.memory_space<hbm>>
    %dma_start3A_355 = arith.constant 0 : i32
    %dma_start3A_356 = arith.constant 0 : i32
    %dma_start3A_357 = tpu.memref_slice %arg8[%dma_start3A_335, %dma_start3A_355, %dma_start3A_356] : memref<4x128x64xf32, #tpu.memory_space<vmem>> -> memref<1x128x64xf32, #tpu.memory_space<vmem>>
    %dma_start3A_358 = tpu.memref_squeeze %dma_start3A_357 : memref<1x128x64xf32, #tpu.memory_space<vmem>> -> memref<128x64xf32, #tpu.memory_space<vmem>>
    tpu.enqueue_dma source(%dma_start3A_358 : memref<128x64xf32, #tpu.memory_space<vmem>>) target(%dma_start3A_354 : memref<128x64xf32, #tpu.memory_space<hbm>>) target_semaphore(%dma_start3A_348 : memref<!tpu.dma_semaphore, #tpu.memory_space<semaphore_mem>>)
    %dma_wait3A_359 = arith.constant 0 : i32
    %dma_wait3A_360 = arith.constant 0 : i32
    %dma_wait3A_361 = arith.constant 0 : i32
    %dma_wait3A_362 = arith.constant 0 : i32
    %dma_wait3A_363 = tpu.memref_slice %arg8[%dma_wait3A_359, %dma_wait3A_361, %dma_wait3A_362] : memref<4x128x64xf32, #tpu.memory_space<vmem>> -> memref<1x128x64xf32, #tpu.memory_space<vmem>>
    %dma_wait3A_364 = tpu.memref_squeeze %dma_wait3A_363 : memref<1x128x64xf32, #tpu.memory_space<vmem>> -> memref<128x64xf32, #tpu.memory_space<vmem>>
    %dma_wait3A_365 = arith.constant 0 : i32
    %dma_wait3A_366 = arith.constant 0 : i32
    %dma_wait3A_367 = tpu.memref_slice %arg5[%arg0, %dma_wait3A_365, %dma_wait3A_366] : memref<2x10240x64xf32, #tpu.memory_space<hbm>> -> memref<1x10240x64xf32, #tpu.memory_space<hbm>>
    %dma_wait3A_368 = tpu.memref_squeeze %dma_wait3A_367 : memref<1x10240x64xf32, #tpu.memory_space<hbm>> -> memref<10240x64xf32, #tpu.memory_space<hbm>>
    %dma_wait3A_369 = arith.constant 0 : i32
    %dma_wait3A_370 = tpu.memref_slice %dma_wait3A_368[%add3A_334, %dma_wait3A_369] : memref<10240x64xf32, #tpu.memory_space<hbm>> -> memref<128x64xf32, #tpu.memory_space<hbm>>
    %dma_wait3A_371 = tpu.memref_slice %arg11[%dma_wait3A_360] : memref<4x!tpu.dma_semaphore, #tpu.memory_space<semaphore_mem>> -> memref<1x!tpu.dma_semaphore, #tpu.memory_space<semaphore_mem>>
    %dma_wait3A_372 = tpu.memref_squeeze %dma_wait3A_371 : memref<1x!tpu.dma_semaphore, #tpu.memory_space<semaphore_mem>> -> memref<!tpu.dma_semaphore, #tpu.memory_space<semaphore_mem>>
    %dma_wait3A_373 = arith.constant 0 : i32
    %dma_wait3A_374 = arith.constant 0 : i32
    %dma_wait3A_375 = tpu.memref_slice %arg5[%arg0, %dma_wait3A_373, %dma_wait3A_374] : memref<2x10240x64xf32, #tpu.memory_space<hbm>> -> memref<1x10240x64xf32, #tpu.memory_space<hbm>>
    %dma_wait3A_376 = tpu.memref_squeeze %dma_wait3A_375 : memref<1x10240x64xf32, #tpu.memory_space<hbm>> -> memref<10240x64xf32, #tpu.memory_space<hbm>>
    %dma_wait3A_377 = arith.constant 0 : i32
    %dma_wait3A_378 = tpu.memref_slice %dma_wait3A_376[%add3A_334, %dma_wait3A_377] : memref<10240x64xf32, #tpu.memory_space<hbm>> -> memref<128x64xf32, #tpu.memory_space<hbm>>
    %dma_wait3A_379 = arith.constant 0 : i32
    %dma_wait3A_380 = arith.constant 0 : i32
    %dma_wait3A_381 = tpu.memref_slice %arg8[%dma_wait3A_359, %dma_wait3A_379, %dma_wait3A_380] : memref<4x128x64xf32, #tpu.memory_space<vmem>> -> memref<1x128x64xf32, #tpu.memory_space<vmem>>
    %dma_wait3A_382 = tpu.memref_squeeze %dma_wait3A_381 : memref<1x128x64xf32, #tpu.memory_space<vmem>> -> memref<128x64xf32, #tpu.memory_space<vmem>>
    tpu.wait_dma2 semaphore(%dma_wait3A_372 : memref<!tpu.dma_semaphore, #tpu.memory_space<semaphore_mem>>) src(%dma_wait3A_382 : memref<128x64xf32, #tpu.memory_space<vmem>>) dst(%dma_wait3A_378 : memref<128x64xf32, #tpu.memory_space<hbm>>)
    %dma_wait3A_383 = arith.constant 1 : i32
    %dma_wait3A_384 = arith.constant 1 : i32
    %dma_wait3A_385 = arith.constant 0 : i32
    %dma_wait3A_386 = arith.constant 0 : i32
    %dma_wait3A_387 = tpu.memref_slice %arg8[%dma_wait3A_383, %dma_wait3A_385, %dma_wait3A_386] : memref<4x128x64xf32, #tpu.memory_space<vmem>> -> memref<1x128x64xf32, #tpu.memory_space<vmem>>
    %dma_wait3A_388 = tpu.memref_squeeze %dma_wait3A_387 : memref<1x128x64xf32, #tpu.memory_space<vmem>> -> memref<128x64xf32, #tpu.memory_space<vmem>>
    %dma_wait3A_389 = arith.constant 0 : i32
    %dma_wait3A_390 = arith.constant 0 : i32
    %dma_wait3A_391 = tpu.memref_slice %arg5[%arg0, %dma_wait3A_389, %dma_wait3A_390] : memref<2x10240x64xf32, #tpu.memory_space<hbm>> -> memref<1x10240x64xf32, #tpu.memory_space<hbm>>
    %dma_wait3A_392 = tpu.memref_squeeze %dma_wait3A_391 : memref<1x10240x64xf32, #tpu.memory_space<hbm>> -> memref<10240x64xf32, #tpu.memory_space<hbm>>
    %dma_wait3A_393 = arith.constant 0 : i32
    %dma_wait3A_394 = tpu.memref_slice %dma_wait3A_392[%add3A_130, %dma_wait3A_393] : memref<10240x64xf32, #tpu.memory_space<hbm>> -> memref<128x64xf32, #tpu.memory_space<hbm>>
    %dma_wait3A_395 = tpu.memref_slice %arg11[%dma_wait3A_384] : memref<4x!tpu.dma_semaphore, #tpu.memory_space<semaphore_mem>> -> memref<1x!tpu.dma_semaphore, #tpu.memory_space<semaphore_mem>>
    %dma_wait3A_396 = tpu.memref_squeeze %dma_wait3A_395 : memref<1x!tpu.dma_semaphore, #tpu.memory_space<semaphore_mem>> -> memref<!tpu.dma_semaphore, #tpu.memory_space<semaphore_mem>>
    %dma_wait3A_397 = arith.constant 0 : i32
    %dma_wait3A_398 = arith.constant 0 : i32
    %dma_wait3A_399 = tpu.memref_slice %arg5[%arg0, %dma_wait3A_397, %dma_wait3A_398] : memref<2x10240x64xf32, #tpu.memory_space<hbm>> -> memref<1x10240x64xf32, #tpu.memory_space<hbm>>
    %dma_wait3A_400 = tpu.memref_squeeze %dma_wait3A_399 : memref<1x10240x64xf32, #tpu.memory_space<hbm>> -> memref<10240x64xf32, #tpu.memory_space<hbm>>
    %dma_wait3A_401 = arith.constant 0 : i32
    %dma_wait3A_402 = tpu.memref_slice %dma_wait3A_400[%add3A_130, %dma_wait3A_401] : memref<10240x64xf32, #tpu.memory_space<hbm>> -> memref<128x64xf32, #tpu.memory_space<hbm>>
    %dma_wait3A_403 = arith.constant 0 : i32
    %dma_wait3A_404 = arith.constant 0 : i32
    %dma_wait3A_405 = tpu.memref_slice %arg8[%dma_wait3A_383, %dma_wait3A_403, %dma_wait3A_404] : memref<4x128x64xf32, #tpu.memory_space<vmem>> -> memref<1x128x64xf32, #tpu.memory_space<vmem>>
    %dma_wait3A_406 = tpu.memref_squeeze %dma_wait3A_405 : memref<1x128x64xf32, #tpu.memory_space<vmem>> -> memref<128x64xf32, #tpu.memory_space<vmem>>
    tpu.wait_dma2 semaphore(%dma_wait3A_396 : memref<!tpu.dma_semaphore, #tpu.memory_space<semaphore_mem>>) src(%dma_wait3A_406 : memref<128x64xf32, #tpu.memory_space<vmem>>) dst(%dma_wait3A_402 : memref<128x64xf32, #tpu.memory_space<hbm>>)
    %dma_wait3A_407 = arith.constant 2 : i32
    %dma_wait3A_408 = arith.constant 2 : i32
    %dma_wait3A_409 = arith.constant 0 : i32
    %dma_wait3A_410 = arith.constant 0 : i32
    %dma_wait3A_411 = tpu.memref_slice %arg8[%dma_wait3A_407, %dma_wait3A_409, %dma_wait3A_410] : memref<4x128x64xf32, #tpu.memory_space<vmem>> -> memref<1x128x64xf32, #tpu.memory_space<vmem>>
    %dma_wait3A_412 = tpu.memref_squeeze %dma_wait3A_411 : memref<1x128x64xf32, #tpu.memory_space<vmem>> -> memref<128x64xf32, #tpu.memory_space<vmem>>
    %dma_wait3A_413 = arith.constant 0 : i32
    %dma_wait3A_414 = arith.constant 0 : i32
    %dma_wait3A_415 = tpu.memref_slice %arg5[%arg0, %dma_wait3A_413, %dma_wait3A_414] : memref<2x10240x64xf32, #tpu.memory_space<hbm>> -> memref<1x10240x64xf32, #tpu.memory_space<hbm>>
    %dma_wait3A_416 = tpu.memref_squeeze %dma_wait3A_415 : memref<1x10240x64xf32, #tpu.memory_space<hbm>> -> memref<10240x64xf32, #tpu.memory_space<hbm>>
    %dma_wait3A_417 = arith.constant 0 : i32
    %dma_wait3A_418 = tpu.memref_slice %dma_wait3A_416[%add3A_190, %dma_wait3A_417] : memref<10240x64xf32, #tpu.memory_space<hbm>> -> memref<128x64xf32, #tpu.memory_space<hbm>>
    %dma_wait3A_419 = tpu.memref_slice %arg11[%dma_wait3A_408] : memref<4x!tpu.dma_semaphore, #tpu.memory_space<semaphore_mem>> -> memref<1x!tpu.dma_semaphore, #tpu.memory_space<semaphore_mem>>
    %dma_wait3A_420 = tpu.memref_squeeze %dma_wait3A_419 : memref<1x!tpu.dma_semaphore, #tpu.memory_space<semaphore_mem>> -> memref<!tpu.dma_semaphore, #tpu.memory_space<semaphore_mem>>
    %dma_wait3A_421 = arith.constant 0 : i32
    %dma_wait3A_422 = arith.constant 0 : i32
    %dma_wait3A_423 = tpu.memref_slice %arg5[%arg0, %dma_wait3A_421, %dma_wait3A_422] : memref<2x10240x64xf32, #tpu.memory_space<hbm>> -> memref<1x10240x64xf32, #tpu.memory_space<hbm>>
    %dma_wait3A_424 = tpu.memref_squeeze %dma_wait3A_423 : memref<1x10240x64xf32, #tpu.memory_space<hbm>> -> memref<10240x64xf32, #tpu.memory_space<hbm>>
    %dma_wait3A_425 = arith.constant 0 : i32
    %dma_wait3A_426 = tpu.memref_slice %dma_wait3A_424[%add3A_190, %dma_wait3A_425] : memref<10240x64xf32, #tpu.memory_space<hbm>> -> memref<128x64xf32, #tpu.memory_space<hbm>>
    %dma_wait3A_427 = arith.constant 0 : i32
    %dma_wait3A_428 = arith.constant 0 : i32
    %dma_wait3A_429 = tpu.memref_slice %arg8[%dma_wait3A_407, %dma_wait3A_427, %dma_wait3A_428] : memref<4x128x64xf32, #tpu.memory_space<vmem>> -> memref<1x128x64xf32, #tpu.memory_space<vmem>>
    %dma_wait3A_430 = tpu.memref_squeeze %dma_wait3A_429 : memref<1x128x64xf32, #tpu.memory_space<vmem>> -> memref<128x64xf32, #tpu.memory_space<vmem>>
    tpu.wait_dma2 semaphore(%dma_wait3A_420 : memref<!tpu.dma_semaphore, #tpu.memory_space<semaphore_mem>>) src(%dma_wait3A_430 : memref<128x64xf32, #tpu.memory_space<vmem>>) dst(%dma_wait3A_426 : memref<128x64xf32, #tpu.memory_space<hbm>>)
    %dma_wait3A_431 = arith.constant 3 : i32
    %dma_wait3A_432 = arith.constant 3 : i32
    %dma_wait3A_433 = arith.constant 0 : i32
    %dma_wait3A_434 = arith.constant 0 : i32
    %dma_wait3A_435 = tpu.memref_slice %arg8[%dma_wait3A_431, %dma_wait3A_433, %dma_wait3A_434] : memref<4x128x64xf32, #tpu.memory_space<vmem>> -> memref<1x128x64xf32, #tpu.memory_space<vmem>>
    %dma_wait3A_436 = tpu.memref_squeeze %dma_wait3A_435 : memref<1x128x64xf32, #tpu.memory_space<vmem>> -> memref<128x64xf32, #tpu.memory_space<vmem>>
    %dma_wait3A_437 = arith.constant 0 : i32
    %dma_wait3A_438 = arith.constant 0 : i32
    %dma_wait3A_439 = tpu.memref_slice %arg5[%arg0, %dma_wait3A_437, %dma_wait3A_438] : memref<2x10240x64xf32, #tpu.memory_space<hbm>> -> memref<1x10240x64xf32, #tpu.memory_space<hbm>>
    %dma_wait3A_440 = tpu.memref_squeeze %dma_wait3A_439 : memref<1x10240x64xf32, #tpu.memory_space<hbm>> -> memref<10240x64xf32, #tpu.memory_space<hbm>>
    %dma_wait3A_441 = arith.constant 0 : i32
    %dma_wait3A_442 = tpu.memref_slice %dma_wait3A_440[%add3A_250, %dma_wait3A_441] : memref<10240x64xf32, #tpu.memory_space<hbm>> -> memref<128x64xf32, #tpu.memory_space<hbm>>
    %dma_wait3A_443 = tpu.memref_slice %arg11[%dma_wait3A_432] : memref<4x!tpu.dma_semaphore, #tpu.memory_space<semaphore_mem>> -> memref<1x!tpu.dma_semaphore, #tpu.memory_space<semaphore_mem>>
    %dma_wait3A_444 = tpu.memref_squeeze %dma_wait3A_443 : memref<1x!tpu.dma_semaphore, #tpu.memory_space<semaphore_mem>> -> memref<!tpu.dma_semaphore, #tpu.memory_space<semaphore_mem>>
    %dma_wait3A_445 = arith.constant 0 : i32
    %dma_wait3A_446 = arith.constant 0 : i32
    %dma_wait3A_447 = tpu.memref_slice %arg5[%arg0, %dma_wait3A_445, %dma_wait3A_446] : memref<2x10240x64xf32, #tpu.memory_space<hbm>> -> memref<1x10240x64xf32, #tpu.memory_space<hbm>>
    %dma_wait3A_448 = tpu.memref_squeeze %dma_wait3A_447 : memref<1x10240x64xf32, #tpu.memory_space<hbm>> -> memref<10240x64xf32, #tpu.memory_space<hbm>>
    %dma_wait3A_449 = arith.constant 0 : i32
    %dma_wait3A_450 = tpu.memref_slice %dma_wait3A_448[%add3A_250, %dma_wait3A_449] : memref<10240x64xf32, #tpu.memory_space<hbm>> -> memref<128x64xf32, #tpu.memory_space<hbm>>
    %dma_wait3A_451 = arith.constant 0 : i32
    %dma_wait3A_452 = arith.constant 0 : i32
    %dma_wait3A_453 = tpu.memref_slice %arg8[%dma_wait3A_431, %dma_wait3A_451, %dma_wait3A_452] : memref<4x128x64xf32, #tpu.memory_space<vmem>> -> memref<1x128x64xf32, #tpu.memory_space<vmem>>
    %dma_wait3A_454 = tpu.memref_squeeze %dma_wait3A_453 : memref<1x128x64xf32, #tpu.memory_space<vmem>> -> memref<128x64xf32, #tpu.memory_space<vmem>>
    tpu.wait_dma2 semaphore(%dma_wait3A_444 : memref<!tpu.dma_semaphore, #tpu.memory_space<semaphore_mem>>) src(%dma_wait3A_454 : memref<128x64xf32, #tpu.memory_space<vmem>>) dst(%dma_wait3A_450 : memref<128x64xf32, #tpu.memory_space<hbm>>)
    return
  }
}

#map = affine_map<(d0, d1) -> (0, 0)>
#map1 = affine_map<(d0, d1) -> (0, 0, 0)>
module attributes {stable_mosaic.version = 14 : i64} {
  func.func @_deg_kernel(%arg0: i32, %arg1: i32, %arg2: memref<2560x128xi32, #tpu.memory_space<hbm>>, %arg3: memref<128x16xf32, #tpu.memory_space<hbm>>, %arg4: memref<2x10240x16xf32, #tpu.memory_space<hbm>>, %arg5: memref<96x128xi32, #tpu.memory_space<vmem>>, %arg6: memref<128x16xf32, #tpu.memory_space<vmem>>, %arg7: memref<128x16xf32, #tpu.memory_space<vmem>>, %arg8: memref<10240x16xf32, #tpu.memory_space<vmem_shared>>, %arg9: memref<!tpu.dma_semaphore, #tpu.memory_space<semaphore_mem>>) attributes {dimension_semantics = [#tpu.dimension_semantics<core_parallel>, #tpu.dimension_semantics<subcore_parallel>], iteration_bounds = array<i64: 2, 16>, scalar_prefetch = 0 : i64, scratch_operands = 5 : i64, tpu.core_type = #tpu.core_type<sc_vector_subcore>, window_params = [{transform_indices = #map}, {transform_indices = #map}, {transform_indices = #map1}]} {
    %mul3A = arith.constant 640 : i32
    %mul3A_0 = arith.muli %arg1, %mul3A : i32
    %scan3A = arith.constant 0 : i32
    %scan3A_1 = arith.constant 0 : i32
    %scan3A_2 = arith.constant 128 : i32
    %scan3A_3 = arith.addi %scan3A_1, %scan3A_2 : i32
    %scan3A_4 = arith.constant 1 : i32
    scf.for %scan3A_53 = %scan3A_1 to %scan3A_3 step %scan3A_4  : i32 {
      %broadcast_in_dim3A = arith.constant 0.000000e+00 : f32
      %broadcast_in_dim3A_54 = vector.broadcast %broadcast_in_dim3A : f32 to vector<16xf32>
      %swap3A = arith.index_cast %scan3A_53 : i32 to index
      %swap3A_55 = arith.constant 0 : index
      %swap3A_56 = tpu.vector_load %arg7[%swap3A, %swap3A_55] {strides = array<i32>} : memref<128x16xf32, #tpu.memory_space<vmem>>, vector<1x16xf32>,
      %swap3A_57 = vector.shape_cast %swap3A_56 : vector<1x16xf32> to vector<16xf32>
      %swap3A_58 = vector.shape_cast %broadcast_in_dim3A_54 : vector<16xf32> to vector<1x16xf32>
      tpu.vector_store %arg7[%swap3A, %swap3A_55], %swap3A_58 {strides = array<i32>} : memref<128x16xf32, #tpu.memory_space<vmem>>, vector<1x16xf32>,
    }
    %scan3A_5 = arith.constant 128 : i32
    %add3A = arith.constant 0 : i32
    %add3A_6 = arith.addi %mul3A_0, %add3A : i32
    "tpu.region"() ({
      %run_scoped3A = tpu.sem_alloc : memref<!tpu.dma_semaphore, #tpu.memory_space<semaphore_mem>>
      %dma_start3A = arith.constant 0 : i32
      %dma_start3A_53 = tpu.memref_slice %arg8[%add3A_6, %dma_start3A] : memref<10240x16xf32, #tpu.memory_space<vmem_shared>> -> memref<128x16xf32, #tpu.memory_space<vmem_shared>>
      %dma_start3A_54 = arith.constant 0 : i32
      %dma_start3A_55 = tpu.memref_slice %arg8[%add3A_6, %dma_start3A_54] : memref<10240x16xf32, #tpu.memory_space<vmem_shared>> -> memref<128x16xf32, #tpu.memory_space<vmem_shared>>
      tpu.enqueue_dma source(%arg7 : memref<128x16xf32, #tpu.memory_space<vmem>>) target(%dma_start3A_55 : memref<128x16xf32, #tpu.memory_space<vmem_shared>>) target_semaphore(%run_scoped3A : memref<!tpu.dma_semaphore, #tpu.memory_space<semaphore_mem>>)
      %dma_wait3A = arith.constant 0 : i32
      %dma_wait3A_56 = tpu.memref_slice %arg8[%add3A_6, %dma_wait3A] : memref<10240x16xf32, #tpu.memory_space<vmem_shared>> -> memref<128x16xf32, #tpu.memory_space<vmem_shared>>
      %dma_wait3A_57 = arith.constant 0 : i32
      %dma_wait3A_58 = tpu.memref_slice %arg8[%add3A_6, %dma_wait3A_57] : memref<10240x16xf32, #tpu.memory_space<vmem_shared>> -> memref<128x16xf32, #tpu.memory_space<vmem_shared>>
      tpu.wait_dma2 semaphore(%run_scoped3A : memref<!tpu.dma_semaphore, #tpu.memory_space<semaphore_mem>>) src(%arg7 : memref<128x16xf32, #tpu.memory_space<vmem>>) dst(%dma_wait3A_58 : memref<128x16xf32, #tpu.memory_space<vmem_shared>>)
      tpu.yield
    }) : () -> ()
    %add3A_7 = arith.constant 128 : i32
    %add3A_8 = arith.addi %mul3A_0, %add3A_7 : i32
    "tpu.region"() ({
      %run_scoped3A = tpu.sem_alloc : memref<!tpu.dma_semaphore, #tpu.memory_space<semaphore_mem>>
      %dma_start3A = arith.constant 0 : i32
      %dma_start3A_53 = tpu.memref_slice %arg8[%add3A_8, %dma_start3A] : memref<10240x16xf32, #tpu.memory_space<vmem_shared>> -> memref<128x16xf32, #tpu.memory_space<vmem_shared>>
      %dma_start3A_54 = arith.constant 0 : i32
      %dma_start3A_55 = tpu.memref_slice %arg8[%add3A_8, %dma_start3A_54] : memref<10240x16xf32, #tpu.memory_space<vmem_shared>> -> memref<128x16xf32, #tpu.memory_space<vmem_shared>>
      tpu.enqueue_dma source(%arg7 : memref<128x16xf32, #tpu.memory_space<vmem>>) target(%dma_start3A_55 : memref<128x16xf32, #tpu.memory_space<vmem_shared>>) target_semaphore(%run_scoped3A : memref<!tpu.dma_semaphore, #tpu.memory_space<semaphore_mem>>)
      %dma_wait3A = arith.constant 0 : i32
      %dma_wait3A_56 = tpu.memref_slice %arg8[%add3A_8, %dma_wait3A] : memref<10240x16xf32, #tpu.memory_space<vmem_shared>> -> memref<128x16xf32, #tpu.memory_space<vmem_shared>>
      %dma_wait3A_57 = arith.constant 0 : i32
      %dma_wait3A_58 = tpu.memref_slice %arg8[%add3A_8, %dma_wait3A_57] : memref<10240x16xf32, #tpu.memory_space<vmem_shared>> -> memref<128x16xf32, #tpu.memory_space<vmem_shared>>
      tpu.wait_dma2 semaphore(%run_scoped3A : memref<!tpu.dma_semaphore, #tpu.memory_space<semaphore_mem>>) src(%arg7 : memref<128x16xf32, #tpu.memory_space<vmem>>) dst(%dma_wait3A_58 : memref<128x16xf32, #tpu.memory_space<vmem_shared>>)
      tpu.yield
    }) : () -> ()
    %add3A_9 = arith.constant 256 : i32
    %add3A_10 = arith.addi %mul3A_0, %add3A_9 : i32
    "tpu.region"() ({
      %run_scoped3A = tpu.sem_alloc : memref<!tpu.dma_semaphore, #tpu.memory_space<semaphore_mem>>
      %dma_start3A = arith.constant 0 : i32
      %dma_start3A_53 = tpu.memref_slice %arg8[%add3A_10, %dma_start3A] : memref<10240x16xf32, #tpu.memory_space<vmem_shared>> -> memref<128x16xf32, #tpu.memory_space<vmem_shared>>
      %dma_start3A_54 = arith.constant 0 : i32
      %dma_start3A_55 = tpu.memref_slice %arg8[%add3A_10, %dma_start3A_54] : memref<10240x16xf32, #tpu.memory_space<vmem_shared>> -> memref<128x16xf32, #tpu.memory_space<vmem_shared>>
      tpu.enqueue_dma source(%arg7 : memref<128x16xf32, #tpu.memory_space<vmem>>) target(%dma_start3A_55 : memref<128x16xf32, #tpu.memory_space<vmem_shared>>) target_semaphore(%run_scoped3A : memref<!tpu.dma_semaphore, #tpu.memory_space<semaphore_mem>>)
      %dma_wait3A = arith.constant 0 : i32
      %dma_wait3A_56 = tpu.memref_slice %arg8[%add3A_10, %dma_wait3A] : memref<10240x16xf32, #tpu.memory_space<vmem_shared>> -> memref<128x16xf32, #tpu.memory_space<vmem_shared>>
      %dma_wait3A_57 = arith.constant 0 : i32
      %dma_wait3A_58 = tpu.memref_slice %arg8[%add3A_10, %dma_wait3A_57] : memref<10240x16xf32, #tpu.memory_space<vmem_shared>> -> memref<128x16xf32, #tpu.memory_space<vmem_shared>>
      tpu.wait_dma2 semaphore(%run_scoped3A : memref<!tpu.dma_semaphore, #tpu.memory_space<semaphore_mem>>) src(%arg7 : memref<128x16xf32, #tpu.memory_space<vmem>>) dst(%dma_wait3A_58 : memref<128x16xf32, #tpu.memory_space<vmem_shared>>)
      tpu.yield
    }) : () -> ()
    %add3A_11 = arith.constant 384 : i32
    %add3A_12 = arith.addi %mul3A_0, %add3A_11 : i32
    "tpu.region"() ({
      %run_scoped3A = tpu.sem_alloc : memref<!tpu.dma_semaphore, #tpu.memory_space<semaphore_mem>>
      %dma_start3A = arith.constant 0 : i32
      %dma_start3A_53 = tpu.memref_slice %arg8[%add3A_12, %dma_start3A] : memref<10240x16xf32, #tpu.memory_space<vmem_shared>> -> memref<128x16xf32, #tpu.memory_space<vmem_shared>>
      %dma_start3A_54 = arith.constant 0 : i32
      %dma_start3A_55 = tpu.memref_slice %arg8[%add3A_12, %dma_start3A_54] : memref<10240x16xf32, #tpu.memory_space<vmem_shared>> -> memref<128x16xf32, #tpu.memory_space<vmem_shared>>
      tpu.enqueue_dma source(%arg7 : memref<128x16xf32, #tpu.memory_space<vmem>>) target(%dma_start3A_55 : memref<128x16xf32, #tpu.memory_space<vmem_shared>>) target_semaphore(%run_scoped3A : memref<!tpu.dma_semaphore, #tpu.memory_space<semaphore_mem>>)
      %dma_wait3A = arith.constant 0 : i32
      %dma_wait3A_56 = tpu.memref_slice %arg8[%add3A_12, %dma_wait3A] : memref<10240x16xf32, #tpu.memory_space<vmem_shared>> -> memref<128x16xf32, #tpu.memory_space<vmem_shared>>
      %dma_wait3A_57 = arith.constant 0 : i32
      %dma_wait3A_58 = tpu.memref_slice %arg8[%add3A_12, %dma_wait3A_57] : memref<10240x16xf32, #tpu.memory_space<vmem_shared>> -> memref<128x16xf32, #tpu.memory_space<vmem_shared>>
      tpu.wait_dma2 semaphore(%run_scoped3A : memref<!tpu.dma_semaphore, #tpu.memory_space<semaphore_mem>>) src(%arg7 : memref<128x16xf32, #tpu.memory_space<vmem>>) dst(%dma_wait3A_58 : memref<128x16xf32, #tpu.memory_space<vmem_shared>>)
      tpu.yield
    }) : () -> ()
    %add3A_13 = arith.constant 512 : i32
    %add3A_14 = arith.addi %mul3A_0, %add3A_13 : i32
    "tpu.region"() ({
      %run_scoped3A = tpu.sem_alloc : memref<!tpu.dma_semaphore, #tpu.memory_space<semaphore_mem>>
      %dma_start3A = arith.constant 0 : i32
      %dma_start3A_53 = tpu.memref_slice %arg8[%add3A_14, %dma_start3A] : memref<10240x16xf32, #tpu.memory_space<vmem_shared>> -> memref<128x16xf32, #tpu.memory_space<vmem_shared>>
      %dma_start3A_54 = arith.constant 0 : i32
      %dma_start3A_55 = tpu.memref_slice %arg8[%add3A_14, %dma_start3A_54] : memref<10240x16xf32, #tpu.memory_space<vmem_shared>> -> memref<128x16xf32, #tpu.memory_space<vmem_shared>>
      tpu.enqueue_dma source(%arg7 : memref<128x16xf32, #tpu.memory_space<vmem>>) target(%dma_start3A_55 : memref<128x16xf32, #tpu.memory_space<vmem_shared>>) target_semaphore(%run_scoped3A : memref<!tpu.dma_semaphore, #tpu.memory_space<semaphore_mem>>)
      %dma_wait3A = arith.constant 0 : i32
      %dma_wait3A_56 = tpu.memref_slice %arg8[%add3A_14, %dma_wait3A] : memref<10240x16xf32, #tpu.memory_space<vmem_shared>> -> memref<128x16xf32, #tpu.memory_space<vmem_shared>>
      %dma_wait3A_57 = arith.constant 0 : i32
      %dma_wait3A_58 = tpu.memref_slice %arg8[%add3A_14, %dma_wait3A_57] : memref<10240x16xf32, #tpu.memory_space<vmem_shared>> -> memref<128x16xf32, #tpu.memory_space<vmem_shared>>
      tpu.wait_dma2 semaphore(%run_scoped3A : memref<!tpu.dma_semaphore, #tpu.memory_space<semaphore_mem>>) src(%arg7 : memref<128x16xf32, #tpu.memory_space<vmem>>) dst(%dma_wait3A_58 : memref<128x16xf32, #tpu.memory_space<vmem_shared>>)
      tpu.yield
    }) : () -> ()
    "tpu.region"() ({
      %run_scoped3A = tpu.sem_alloc : memref<!tpu.dma_semaphore, #tpu.memory_space<semaphore_mem>>
      tpu.enqueue_dma source(%arg3 : memref<128x16xf32, #tpu.memory_space<hbm>>) target(%arg6 : memref<128x16xf32, #tpu.memory_space<vmem>>) target_semaphore(%run_scoped3A : memref<!tpu.dma_semaphore, #tpu.memory_space<semaphore_mem>>)
      tpu.wait_dma2 semaphore(%run_scoped3A : memref<!tpu.dma_semaphore, #tpu.memory_space<semaphore_mem>>) src(%arg3 : memref<128x16xf32, #tpu.memory_space<hbm>>) dst(%arg6 : memref<128x16xf32, #tpu.memory_space<vmem>>)
      tpu.yield
    }) : () -> ()
    %eq3A = arith.constant 0 : i32
    %eq3A_15 = arith.cmpi eq, %arg0, %eq3A : i32
    %convert_element_type3A = arith.extui %eq3A_15 : i1 to i32
    %cond3A = arith.constant 0 : i32
    %cond3A_16 = arith.cmpi ne, %convert_element_type3A, %cond3A : i32
    scf.if %cond3A_16 {
      %mul3A_53 = arith.constant 96 : i32
      %mul3A_54 = arith.muli %arg1, %mul3A_53 : i32
      "tpu.region"() ({
        %run_scoped3A = tpu.sem_alloc : memref<!tpu.dma_semaphore, #tpu.memory_space<semaphore_mem>>
        %dma_start3A = arith.constant 0 : i32
        %dma_start3A_55 = arith.constant 0 : i32
        %dma_start3A_56 = tpu.memref_slice %arg5[%dma_start3A, %dma_start3A_55] : memref<96x128xi32, #tpu.memory_space<vmem>> -> memref<96x128xi32, #tpu.memory_space<vmem>>
        %dma_start3A_57 = arith.constant 0 : i32
        %dma_start3A_58 = tpu.memref_slice %arg2[%mul3A_54, %dma_start3A_57] : memref<2560x128xi32, #tpu.memory_space<hbm>> -> memref<96x128xi32, #tpu.memory_space<hbm>>
        %dma_start3A_59 = arith.constant 0 : i32
        %dma_start3A_60 = arith.constant 0 : i32
        %dma_start3A_61 = tpu.memref_slice %arg5[%dma_start3A_59, %dma_start3A_60] : memref<96x128xi32, #tpu.memory_space<vmem>> -> memref<96x128xi32, #tpu.memory_space<vmem>>
        %dma_start3A_62 = arith.constant 0 : i32
        %dma_start3A_63 = tpu.memref_slice %arg2[%mul3A_54, %dma_start3A_62] : memref<2560x128xi32, #tpu.memory_space<hbm>> -> memref<96x128xi32, #tpu.memory_space<hbm>>
        tpu.enqueue_dma source(%dma_start3A_63 : memref<96x128xi32, #tpu.memory_space<hbm>>) target(%dma_start3A_61 : memref<96x128xi32, #tpu.memory_space<vmem>>) target_semaphore(%run_scoped3A : memref<!tpu.dma_semaphore, #tpu.memory_space<semaphore_mem>>)
        %dma_wait3A = arith.constant 0 : i32
        %dma_wait3A_64 = arith.constant 0 : i32
        %dma_wait3A_65 = tpu.memref_slice %arg5[%dma_wait3A, %dma_wait3A_64] : memref<96x128xi32, #tpu.memory_space<vmem>> -> memref<96x128xi32, #tpu.memory_space<vmem>>
        %dma_wait3A_66 = arith.constant 0 : i32
        %dma_wait3A_67 = tpu.memref_slice %arg2[%mul3A_54, %dma_wait3A_66] : memref<2560x128xi32, #tpu.memory_space<hbm>> -> memref<96x128xi32, #tpu.memory_space<hbm>>
        %dma_wait3A_68 = arith.constant 0 : i32
        %dma_wait3A_69 = arith.constant 0 : i32
        %dma_wait3A_70 = tpu.memref_slice %arg5[%dma_wait3A_68, %dma_wait3A_69] : memref<96x128xi32, #tpu.memory_space<vmem>> -> memref<96x128xi32, #tpu.memory_space<vmem>>
        %dma_wait3A_71 = arith.constant 0 : i32
        %dma_wait3A_72 = tpu.memref_slice %arg2[%mul3A_54, %dma_wait3A_71] : memref<2560x128xi32, #tpu.memory_space<hbm>> -> memref<96x128xi32, #tpu.memory_space<hbm>>
        tpu.wait_dma2 semaphore(%run_scoped3A : memref<!tpu.dma_semaphore, #tpu.memory_space<semaphore_mem>>) src(%dma_wait3A_72 : memref<96x128xi32, #tpu.memory_space<hbm>>) dst(%dma_wait3A_70 : memref<96x128xi32, #tpu.memory_space<vmem>>)
        tpu.yield
      }) : () -> ()
    } else {
    }
    %eq3A_17 = arith.constant 1 : i32
    %eq3A_18 = arith.cmpi eq, %arg0, %eq3A_17 : i32
    %convert_element_type3A_19 = arith.extui %eq3A_18 : i1 to i32
    %cond3A_20 = arith.constant 0 : i32
    %cond3A_21 = arith.cmpi ne, %convert_element_type3A_19, %cond3A_20 : i32
    scf.if %cond3A_21 {
      %mul3A_53 = arith.constant 64 : i32
      %mul3A_54 = arith.muli %arg1, %mul3A_53 : i32
      %add3A_55 = arith.constant 1536 : i32
      %add3A_56 = arith.addi %add3A_55, %mul3A_54 : i32
      "tpu.region"() ({
        %run_scoped3A = tpu.sem_alloc : memref<!tpu.dma_semaphore, #tpu.memory_space<semaphore_mem>>
        %dma_start3A = arith.constant 0 : i32
        %dma_start3A_57 = arith.constant 0 : i32
        %dma_start3A_58 = tpu.memref_slice %arg5[%dma_start3A, %dma_start3A_57] : memref<96x128xi32, #tpu.memory_space<vmem>> -> memref<64x128xi32, #tpu.memory_space<vmem>>
        %dma_start3A_59 = arith.constant 0 : i32
        %dma_start3A_60 = tpu.memref_slice %arg2[%add3A_56, %dma_start3A_59] : memref<2560x128xi32, #tpu.memory_space<hbm>> -> memref<64x128xi32, #tpu.memory_space<hbm>>
        %dma_start3A_61 = arith.constant 0 : i32
        %dma_start3A_62 = arith.constant 0 : i32
        %dma_start3A_63 = tpu.memref_slice %arg5[%dma_start3A_61, %dma_start3A_62] : memref<96x128xi32, #tpu.memory_space<vmem>> -> memref<64x128xi32, #tpu.memory_space<vmem>>
        %dma_start3A_64 = arith.constant 0 : i32
        %dma_start3A_65 = tpu.memref_slice %arg2[%add3A_56, %dma_start3A_64] : memref<2560x128xi32, #tpu.memory_space<hbm>> -> memref<64x128xi32, #tpu.memory_space<hbm>>
        tpu.enqueue_dma source(%dma_start3A_65 : memref<64x128xi32, #tpu.memory_space<hbm>>) target(%dma_start3A_63 : memref<64x128xi32, #tpu.memory_space<vmem>>) target_semaphore(%run_scoped3A : memref<!tpu.dma_semaphore, #tpu.memory_space<semaphore_mem>>)
        %dma_wait3A = arith.constant 0 : i32
        %dma_wait3A_66 = arith.constant 0 : i32
        %dma_wait3A_67 = tpu.memref_slice %arg5[%dma_wait3A, %dma_wait3A_66] : memref<96x128xi32, #tpu.memory_space<vmem>> -> memref<64x128xi32, #tpu.memory_space<vmem>>
        %dma_wait3A_68 = arith.constant 0 : i32
        %dma_wait3A_69 = tpu.memref_slice %arg2[%add3A_56, %dma_wait3A_68] : memref<2560x128xi32, #tpu.memory_space<hbm>> -> memref<64x128xi32, #tpu.memory_space<hbm>>
        %dma_wait3A_70 = arith.constant 0 : i32
        %dma_wait3A_71 = arith.constant 0 : i32
        %dma_wait3A_72 = tpu.memref_slice %arg5[%dma_wait3A_70, %dma_wait3A_71] : memref<96x128xi32, #tpu.memory_space<vmem>> -> memref<64x128xi32, #tpu.memory_space<vmem>>
        %dma_wait3A_73 = arith.constant 0 : i32
        %dma_wait3A_74 = tpu.memref_slice %arg2[%add3A_56, %dma_wait3A_73] : memref<2560x128xi32, #tpu.memory_space<hbm>> -> memref<64x128xi32, #tpu.memory_space<hbm>>
        tpu.wait_dma2 semaphore(%run_scoped3A : memref<!tpu.dma_semaphore, #tpu.memory_space<semaphore_mem>>) src(%dma_wait3A_74 : memref<64x128xi32, #tpu.memory_space<hbm>>) dst(%dma_wait3A_72 : memref<64x128xi32, #tpu.memory_space<vmem>>)
        tpu.yield
      }) : () -> ()
    } else {
    }
    %barrier3A = arith.constant 0 : index
    tpu.barrier barrier_id(%barrier3A)
    %eq3A_22 = arith.constant 0 : i32
    %eq3A_23 = arith.cmpi eq, %arg0, %eq3A_22 : i32
    %convert_element_type3A_24 = arith.extui %eq3A_23 : i1 to i32
    %cond3A_25 = arith.constant 0 : i32
    %cond3A_26 = arith.cmpi ne, %convert_element_type3A_24, %cond3A_25 : i32
    scf.if %cond3A_26 {
      %scan3A_53 = arith.constant 0 : i32
      %scan3A_54 = arith.constant 0 : i32
      %scan3A_55 = arith.constant 96 : i32
      %scan3A_56 = arith.addi %scan3A_54, %scan3A_55 : i32
      %scan3A_57 = arith.constant 1 : i32
      scf.for %scan3A_65 = %scan3A_54 to %scan3A_56 step %scan3A_57  : i32 {
        %dma_start3A = arith.constant 0 : i32
        %dma_start3A_66 = tpu.memref_slice %arg5[%scan3A_65, %dma_start3A] : memref<96x128xi32, #tpu.memory_space<vmem>> -> memref<1x128xi32, #tpu.memory_space<vmem>>
        %dma_start3A_67 = tpu.memref_squeeze %dma_start3A_66 : memref<1x128xi32, #tpu.memory_space<vmem>> -> memref<128xi32, #tpu.memory_space<vmem>>
        %dma_start3A_68 = arith.constant 0 : i32
        %dma_start3A_69 = arith.constant 0 : i32
        %dma_start3A_70 = tpu.memref_slice %arg8[%dma_start3A_68, %dma_start3A_69] : memref<10240x16xf32, #tpu.memory_space<vmem_shared>> -> memref<10240x16xf32, #tpu.memory_space<vmem_shared>>
        tpu.enqueue_indirect_dma source(%arg6 : memref<128x16xf32, #tpu.memory_space<vmem>>) target(%dma_start3A_70 : memref<10240x16xf32, #tpu.memory_space<vmem_shared>>) offsets(%dma_start3A_67 : memref<128xi32, #tpu.memory_space<vmem>>) semaphore(%arg9 : memref<!tpu.dma_semaphore, #tpu.memory_space<semaphore_mem>>) {add = true}
      }
      %scan3A_58 = arith.constant 96 : i32
      %scan3A_59 = arith.constant 0 : i32
      %scan3A_60 = arith.constant 0 : i32
      %scan3A_61 = arith.constant 96 : i32
      %scan3A_62 = arith.addi %scan3A_60, %scan3A_61 : i32
      %scan3A_63 = arith.constant 1 : i32
      scf.for %scan3A_65 = %scan3A_60 to %scan3A_62 step %scan3A_63  : i32 {
        %dma_wait3A = arith.constant 0 : i32
        %dma_wait3A_66 = tpu.memref_slice %arg5[%scan3A_65, %dma_wait3A] : memref<96x128xi32, #tpu.memory_space<vmem>> -> memref<1x128xi32, #tpu.memory_space<vmem>>
        %dma_wait3A_67 = tpu.memref_squeeze %dma_wait3A_66 : memref<1x128xi32, #tpu.memory_space<vmem>> -> memref<128xi32, #tpu.memory_space<vmem>>
        %dma_wait3A_68 = arith.constant 0 : i32
        %dma_wait3A_69 = arith.constant 0 : i32
        %dma_wait3A_70 = tpu.memref_slice %arg8[%dma_wait3A_68, %dma_wait3A_69] : memref<10240x16xf32, #tpu.memory_space<vmem_shared>> -> memref<10240x16xf32, #tpu.memory_space<vmem_shared>>
        tpu.wait_indirect_dma semaphore(%arg9 : memref<!tpu.dma_semaphore, #tpu.memory_space<semaphore_mem>>) src(%arg6 : memref<128x16xf32, #tpu.memory_space<vmem>>) dst(%dma_wait3A_70 : memref<10240x16xf32, #tpu.memory_space<vmem_shared>>)
      }
      %scan3A_64 = arith.constant 96 : i32
    } else {
    }
    %eq3A_27 = arith.constant 1 : i32
    %eq3A_28 = arith.cmpi eq, %arg0, %eq3A_27 : i32
    %convert_element_type3A_29 = arith.extui %eq3A_28 : i1 to i32
    %cond3A_30 = arith.constant 0 : i32
    %cond3A_31 = arith.cmpi ne, %convert_element_type3A_29, %cond3A_30 : i32
    scf.if %cond3A_31 {
      %scan3A_53 = arith.constant 0 : i32
      %scan3A_54 = arith.constant 0 : i32
      %scan3A_55 = arith.constant 64 : i32
      %scan3A_56 = arith.addi %scan3A_54, %scan3A_55 : i32
      %scan3A_57 = arith.constant 1 : i32
      scf.for %scan3A_65 = %scan3A_54 to %scan3A_56 step %scan3A_57  : i32 {
        %dma_start3A = arith.constant 0 : i32
        %dma_start3A_66 = tpu.memref_slice %arg5[%scan3A_65, %dma_start3A] : memref<96x128xi32, #tpu.memory_space<vmem>> -> memref<1x128xi32, #tpu.memory_space<vmem>>
        %dma_start3A_67 = tpu.memref_squeeze %dma_start3A_66 : memref<1x128xi32, #tpu.memory_space<vmem>> -> memref<128xi32, #tpu.memory_space<vmem>>
        %dma_start3A_68 = arith.constant 0 : i32
        %dma_start3A_69 = arith.constant 0 : i32
        %dma_start3A_70 = tpu.memref_slice %arg8[%dma_start3A_68, %dma_start3A_69] : memref<10240x16xf32, #tpu.memory_space<vmem_shared>> -> memref<10240x16xf32, #tpu.memory_space<vmem_shared>>
        tpu.enqueue_indirect_dma source(%arg6 : memref<128x16xf32, #tpu.memory_space<vmem>>) target(%dma_start3A_70 : memref<10240x16xf32, #tpu.memory_space<vmem_shared>>) offsets(%dma_start3A_67 : memref<128xi32, #tpu.memory_space<vmem>>) semaphore(%arg9 : memref<!tpu.dma_semaphore, #tpu.memory_space<semaphore_mem>>) {add = true}
      }
      %scan3A_58 = arith.constant 64 : i32
      %scan3A_59 = arith.constant 0 : i32
      %scan3A_60 = arith.constant 0 : i32
      %scan3A_61 = arith.constant 64 : i32
      %scan3A_62 = arith.addi %scan3A_60, %scan3A_61 : i32
      %scan3A_63 = arith.constant 1 : i32
      scf.for %scan3A_65 = %scan3A_60 to %scan3A_62 step %scan3A_63  : i32 {
        %dma_wait3A = arith.constant 0 : i32
        %dma_wait3A_66 = tpu.memref_slice %arg5[%scan3A_65, %dma_wait3A] : memref<96x128xi32, #tpu.memory_space<vmem>> -> memref<1x128xi32, #tpu.memory_space<vmem>>
        %dma_wait3A_67 = tpu.memref_squeeze %dma_wait3A_66 : memref<1x128xi32, #tpu.memory_space<vmem>> -> memref<128xi32, #tpu.memory_space<vmem>>
        %dma_wait3A_68 = arith.constant 0 : i32
        %dma_wait3A_69 = arith.constant 0 : i32
        %dma_wait3A_70 = tpu.memref_slice %arg8[%dma_wait3A_68, %dma_wait3A_69] : memref<10240x16xf32, #tpu.memory_space<vmem_shared>> -> memref<10240x16xf32, #tpu.memory_space<vmem_shared>>
        tpu.wait_indirect_dma semaphore(%arg9 : memref<!tpu.dma_semaphore, #tpu.memory_space<semaphore_mem>>) src(%arg6 : memref<128x16xf32, #tpu.memory_space<vmem>>) dst(%dma_wait3A_70 : memref<10240x16xf32, #tpu.memory_space<vmem_shared>>)
      }
      %scan3A_64 = arith.constant 64 : i32
    } else {
    }
    %barrier3A_32 = arith.constant 0 : index
    tpu.barrier barrier_id(%barrier3A_32)
    %add3A_33 = arith.constant 0 : i32
    %add3A_34 = arith.addi %mul3A_0, %add3A_33 : i32
    "tpu.region"() ({
      %run_scoped3A = tpu.sem_alloc : memref<!tpu.dma_semaphore, #tpu.memory_space<semaphore_mem>>
      %dma_start3A = arith.constant 0 : i32
      %dma_start3A_53 = tpu.memref_slice %arg8[%add3A_34, %dma_start3A] : memref<10240x16xf32, #tpu.memory_space<vmem_shared>> -> memref<128x16xf32, #tpu.memory_space<vmem_shared>>
      %dma_start3A_54 = arith.constant 0 : i32
      %dma_start3A_55 = tpu.memref_slice %arg8[%add3A_34, %dma_start3A_54] : memref<10240x16xf32, #tpu.memory_space<vmem_shared>> -> memref<128x16xf32, #tpu.memory_space<vmem_shared>>
      tpu.enqueue_dma source(%dma_start3A_55 : memref<128x16xf32, #tpu.memory_space<vmem_shared>>) target(%arg7 : memref<128x16xf32, #tpu.memory_space<vmem>>) target_semaphore(%run_scoped3A : memref<!tpu.dma_semaphore, #tpu.memory_space<semaphore_mem>>)
      %dma_wait3A = arith.constant 0 : i32
      %dma_wait3A_56 = tpu.memref_slice %arg8[%add3A_34, %dma_wait3A] : memref<10240x16xf32, #tpu.memory_space<vmem_shared>> -> memref<128x16xf32, #tpu.memory_space<vmem_shared>>
      %dma_wait3A_57 = arith.constant 0 : i32
      %dma_wait3A_58 = tpu.memref_slice %arg8[%add3A_34, %dma_wait3A_57] : memref<10240x16xf32, #tpu.memory_space<vmem_shared>> -> memref<128x16xf32, #tpu.memory_space<vmem_shared>>
      tpu.wait_dma2 semaphore(%run_scoped3A : memref<!tpu.dma_semaphore, #tpu.memory_space<semaphore_mem>>) src(%dma_wait3A_58 : memref<128x16xf32, #tpu.memory_space<vmem_shared>>) dst(%arg7 : memref<128x16xf32, #tpu.memory_space<vmem>>)
      tpu.yield
    }) : () -> ()
    %add3A_35 = arith.constant 0 : i32
    %add3A_36 = arith.addi %mul3A_0, %add3A_35 : i32
    "tpu.region"() ({
      %run_scoped3A = tpu.sem_alloc : memref<!tpu.dma_semaphore, #tpu.memory_space<semaphore_mem>>
      %dma_start3A = arith.constant 0 : i32
      %dma_start3A_53 = arith.constant 0 : i32
      %dma_start3A_54 = tpu.memref_slice %arg4[%arg0, %dma_start3A, %dma_start3A_53] : memref<2x10240x16xf32, #tpu.memory_space<hbm>> -> memref<1x10240x16xf32, #tpu.memory_space<hbm>>
      %dma_start3A_55 = tpu.memref_squeeze %dma_start3A_54 : memref<1x10240x16xf32, #tpu.memory_space<hbm>> -> memref<10240x16xf32, #tpu.memory_space<hbm>>
      %dma_start3A_56 = arith.constant 0 : i32
      %dma_start3A_57 = tpu.memref_slice %dma_start3A_55[%add3A_36, %dma_start3A_56] : memref<10240x16xf32, #tpu.memory_space<hbm>> -> memref<128x16xf32, #tpu.memory_space<hbm>>
      %dma_start3A_58 = arith.constant 0 : i32
      %dma_start3A_59 = arith.constant 0 : i32
      %dma_start3A_60 = tpu.memref_slice %arg4[%arg0, %dma_start3A_58, %dma_start3A_59] : memref<2x10240x16xf32, #tpu.memory_space<hbm>> -> memref<1x10240x16xf32, #tpu.memory_space<hbm>>
      %dma_start3A_61 = tpu.memref_squeeze %dma_start3A_60 : memref<1x10240x16xf32, #tpu.memory_space<hbm>> -> memref<10240x16xf32, #tpu.memory_space<hbm>>
      %dma_start3A_62 = arith.constant 0 : i32
      %dma_start3A_63 = tpu.memref_slice %dma_start3A_61[%add3A_36, %dma_start3A_62] : memref<10240x16xf32, #tpu.memory_space<hbm>> -> memref<128x16xf32, #tpu.memory_space<hbm>>
      tpu.enqueue_dma source(%arg7 : memref<128x16xf32, #tpu.memory_space<vmem>>) target(%dma_start3A_63 : memref<128x16xf32, #tpu.memory_space<hbm>>) target_semaphore(%run_scoped3A : memref<!tpu.dma_semaphore, #tpu.memory_space<semaphore_mem>>)
      %dma_wait3A = arith.constant 0 : i32
      %dma_wait3A_64 = arith.constant 0 : i32
      %dma_wait3A_65 = tpu.memref_slice %arg4[%arg0, %dma_wait3A, %dma_wait3A_64] : memref<2x10240x16xf32, #tpu.memory_space<hbm>> -> memref<1x10240x16xf32, #tpu.memory_space<hbm>>
      %dma_wait3A_66 = tpu.memref_squeeze %dma_wait3A_65 : memref<1x10240x16xf32, #tpu.memory_space<hbm>> -> memref<10240x16xf32, #tpu.memory_space<hbm>>
      %dma_wait3A_67 = arith.constant 0 : i32
      %dma_wait3A_68 = tpu.memref_slice %dma_wait3A_66[%add3A_36, %dma_wait3A_67] : memref<10240x16xf32, #tpu.memory_space<hbm>> -> memref<128x16xf32, #tpu.memory_space<hbm>>
      %dma_wait3A_69 = arith.constant 0 : i32
      %dma_wait3A_70 = arith.constant 0 : i32
      %dma_wait3A_71 = tpu.memref_slice %arg4[%arg0, %dma_wait3A_69, %dma_wait3A_70] : memref<2x10240x16xf32, #tpu.memory_space<hbm>> -> memref<1x10240x16xf32, #tpu.memory_space<hbm>>
      %dma_wait3A_72 = tpu.memref_squeeze %dma_wait3A_71 : memref<1x10240x16xf32, #tpu.memory_space<hbm>> -> memref<10240x16xf32, #tpu.memory_space<hbm>>
      %dma_wait3A_73 = arith.constant 0 : i32
      %dma_wait3A_74 = tpu.memref_slice %dma_wait3A_72[%add3A_36, %dma_wait3A_73] : memref<10240x16xf32, #tpu.memory_space<hbm>> -> memref<128x16xf32, #tpu.memory_space<hbm>>
      tpu.wait_dma2 semaphore(%run_scoped3A : memref<!tpu.dma_semaphore, #tpu.memory_space<semaphore_mem>>) src(%arg7 : memref<128x16xf32, #tpu.memory_space<vmem>>) dst(%dma_wait3A_74 : memref<128x16xf32, #tpu.memory_space<hbm>>)
      tpu.yield
    }) : () -> ()
    %add3A_37 = arith.constant 128 : i32
    %add3A_38 = arith.addi %mul3A_0, %add3A_37 : i32
    "tpu.region"() ({
      %run_scoped3A = tpu.sem_alloc : memref<!tpu.dma_semaphore, #tpu.memory_space<semaphore_mem>>
      %dma_start3A = arith.constant 0 : i32
      %dma_start3A_53 = tpu.memref_slice %arg8[%add3A_38, %dma_start3A] : memref<10240x16xf32, #tpu.memory_space<vmem_shared>> -> memref<128x16xf32, #tpu.memory_space<vmem_shared>>
      %dma_start3A_54 = arith.constant 0 : i32
      %dma_start3A_55 = tpu.memref_slice %arg8[%add3A_38, %dma_start3A_54] : memref<10240x16xf32, #tpu.memory_space<vmem_shared>> -> memref<128x16xf32, #tpu.memory_space<vmem_shared>>
      tpu.enqueue_dma source(%dma_start3A_55 : memref<128x16xf32, #tpu.memory_space<vmem_shared>>) target(%arg7 : memref<128x16xf32, #tpu.memory_space<vmem>>) target_semaphore(%run_scoped3A : memref<!tpu.dma_semaphore, #tpu.memory_space<semaphore_mem>>)
      %dma_wait3A = arith.constant 0 : i32
      %dma_wait3A_56 = tpu.memref_slice %arg8[%add3A_38, %dma_wait3A] : memref<10240x16xf32, #tpu.memory_space<vmem_shared>> -> memref<128x16xf32, #tpu.memory_space<vmem_shared>>
      %dma_wait3A_57 = arith.constant 0 : i32
      %dma_wait3A_58 = tpu.memref_slice %arg8[%add3A_38, %dma_wait3A_57] : memref<10240x16xf32, #tpu.memory_space<vmem_shared>> -> memref<128x16xf32, #tpu.memory_space<vmem_shared>>
      tpu.wait_dma2 semaphore(%run_scoped3A : memref<!tpu.dma_semaphore, #tpu.memory_space<semaphore_mem>>) src(%dma_wait3A_58 : memref<128x16xf32, #tpu.memory_space<vmem_shared>>) dst(%arg7 : memref<128x16xf32, #tpu.memory_space<vmem>>)
      tpu.yield
    }) : () -> ()
    %add3A_39 = arith.constant 128 : i32
    %add3A_40 = arith.addi %mul3A_0, %add3A_39 : i32
    "tpu.region"() ({
      %run_scoped3A = tpu.sem_alloc : memref<!tpu.dma_semaphore, #tpu.memory_space<semaphore_mem>>
      %dma_start3A = arith.constant 0 : i32
      %dma_start3A_53 = arith.constant 0 : i32
      %dma_start3A_54 = tpu.memref_slice %arg4[%arg0, %dma_start3A, %dma_start3A_53] : memref<2x10240x16xf32, #tpu.memory_space<hbm>> -> memref<1x10240x16xf32, #tpu.memory_space<hbm>>
      %dma_start3A_55 = tpu.memref_squeeze %dma_start3A_54 : memref<1x10240x16xf32, #tpu.memory_space<hbm>> -> memref<10240x16xf32, #tpu.memory_space<hbm>>
      %dma_start3A_56 = arith.constant 0 : i32
      %dma_start3A_57 = tpu.memref_slice %dma_start3A_55[%add3A_40, %dma_start3A_56] : memref<10240x16xf32, #tpu.memory_space<hbm>> -> memref<128x16xf32, #tpu.memory_space<hbm>>
      %dma_start3A_58 = arith.constant 0 : i32
      %dma_start3A_59 = arith.constant 0 : i32
      %dma_start3A_60 = tpu.memref_slice %arg4[%arg0, %dma_start3A_58, %dma_start3A_59] : memref<2x10240x16xf32, #tpu.memory_space<hbm>> -> memref<1x10240x16xf32, #tpu.memory_space<hbm>>
      %dma_start3A_61 = tpu.memref_squeeze %dma_start3A_60 : memref<1x10240x16xf32, #tpu.memory_space<hbm>> -> memref<10240x16xf32, #tpu.memory_space<hbm>>
      %dma_start3A_62 = arith.constant 0 : i32
      %dma_start3A_63 = tpu.memref_slice %dma_start3A_61[%add3A_40, %dma_start3A_62] : memref<10240x16xf32, #tpu.memory_space<hbm>> -> memref<128x16xf32, #tpu.memory_space<hbm>>
      tpu.enqueue_dma source(%arg7 : memref<128x16xf32, #tpu.memory_space<vmem>>) target(%dma_start3A_63 : memref<128x16xf32, #tpu.memory_space<hbm>>) target_semaphore(%run_scoped3A : memref<!tpu.dma_semaphore, #tpu.memory_space<semaphore_mem>>)
      %dma_wait3A = arith.constant 0 : i32
      %dma_wait3A_64 = arith.constant 0 : i32
      %dma_wait3A_65 = tpu.memref_slice %arg4[%arg0, %dma_wait3A, %dma_wait3A_64] : memref<2x10240x16xf32, #tpu.memory_space<hbm>> -> memref<1x10240x16xf32, #tpu.memory_space<hbm>>
      %dma_wait3A_66 = tpu.memref_squeeze %dma_wait3A_65 : memref<1x10240x16xf32, #tpu.memory_space<hbm>> -> memref<10240x16xf32, #tpu.memory_space<hbm>>
      %dma_wait3A_67 = arith.constant 0 : i32
      %dma_wait3A_68 = tpu.memref_slice %dma_wait3A_66[%add3A_40, %dma_wait3A_67] : memref<10240x16xf32, #tpu.memory_space<hbm>> -> memref<128x16xf32, #tpu.memory_space<hbm>>
      %dma_wait3A_69 = arith.constant 0 : i32
      %dma_wait3A_70 = arith.constant 0 : i32
      %dma_wait3A_71 = tpu.memref_slice %arg4[%arg0, %dma_wait3A_69, %dma_wait3A_70] : memref<2x10240x16xf32, #tpu.memory_space<hbm>> -> memref<1x10240x16xf32, #tpu.memory_space<hbm>>
      %dma_wait3A_72 = tpu.memref_squeeze %dma_wait3A_71 : memref<1x10240x16xf32, #tpu.memory_space<hbm>> -> memref<10240x16xf32, #tpu.memory_space<hbm>>
      %dma_wait3A_73 = arith.constant 0 : i32
      %dma_wait3A_74 = tpu.memref_slice %dma_wait3A_72[%add3A_40, %dma_wait3A_73] : memref<10240x16xf32, #tpu.memory_space<hbm>> -> memref<128x16xf32, #tpu.memory_space<hbm>>
      tpu.wait_dma2 semaphore(%run_scoped3A : memref<!tpu.dma_semaphore, #tpu.memory_space<semaphore_mem>>) src(%arg7 : memref<128x16xf32, #tpu.memory_space<vmem>>) dst(%dma_wait3A_74 : memref<128x16xf32, #tpu.memory_space<hbm>>)
      tpu.yield
    }) : () -> ()
    %add3A_41 = arith.constant 256 : i32
    %add3A_42 = arith.addi %mul3A_0, %add3A_41 : i32
    "tpu.region"() ({
      %run_scoped3A = tpu.sem_alloc : memref<!tpu.dma_semaphore, #tpu.memory_space<semaphore_mem>>
      %dma_start3A = arith.constant 0 : i32
      %dma_start3A_53 = tpu.memref_slice %arg8[%add3A_42, %dma_start3A] : memref<10240x16xf32, #tpu.memory_space<vmem_shared>> -> memref<128x16xf32, #tpu.memory_space<vmem_shared>>
      %dma_start3A_54 = arith.constant 0 : i32
      %dma_start3A_55 = tpu.memref_slice %arg8[%add3A_42, %dma_start3A_54] : memref<10240x16xf32, #tpu.memory_space<vmem_shared>> -> memref<128x16xf32, #tpu.memory_space<vmem_shared>>
      tpu.enqueue_dma source(%dma_start3A_55 : memref<128x16xf32, #tpu.memory_space<vmem_shared>>) target(%arg7 : memref<128x16xf32, #tpu.memory_space<vmem>>) target_semaphore(%run_scoped3A : memref<!tpu.dma_semaphore, #tpu.memory_space<semaphore_mem>>)
      %dma_wait3A = arith.constant 0 : i32
      %dma_wait3A_56 = tpu.memref_slice %arg8[%add3A_42, %dma_wait3A] : memref<10240x16xf32, #tpu.memory_space<vmem_shared>> -> memref<128x16xf32, #tpu.memory_space<vmem_shared>>
      %dma_wait3A_57 = arith.constant 0 : i32
      %dma_wait3A_58 = tpu.memref_slice %arg8[%add3A_42, %dma_wait3A_57] : memref<10240x16xf32, #tpu.memory_space<vmem_shared>> -> memref<128x16xf32, #tpu.memory_space<vmem_shared>>
      tpu.wait_dma2 semaphore(%run_scoped3A : memref<!tpu.dma_semaphore, #tpu.memory_space<semaphore_mem>>) src(%dma_wait3A_58 : memref<128x16xf32, #tpu.memory_space<vmem_shared>>) dst(%arg7 : memref<128x16xf32, #tpu.memory_space<vmem>>)
      tpu.yield
    }) : () -> ()
    %add3A_43 = arith.constant 256 : i32
    %add3A_44 = arith.addi %mul3A_0, %add3A_43 : i32
    "tpu.region"() ({
      %run_scoped3A = tpu.sem_alloc : memref<!tpu.dma_semaphore, #tpu.memory_space<semaphore_mem>>
      %dma_start3A = arith.constant 0 : i32
      %dma_start3A_53 = arith.constant 0 : i32
      %dma_start3A_54 = tpu.memref_slice %arg4[%arg0, %dma_start3A, %dma_start3A_53] : memref<2x10240x16xf32, #tpu.memory_space<hbm>> -> memref<1x10240x16xf32, #tpu.memory_space<hbm>>
      %dma_start3A_55 = tpu.memref_squeeze %dma_start3A_54 : memref<1x10240x16xf32, #tpu.memory_space<hbm>> -> memref<10240x16xf32, #tpu.memory_space<hbm>>
      %dma_start3A_56 = arith.constant 0 : i32
      %dma_start3A_57 = tpu.memref_slice %dma_start3A_55[%add3A_44, %dma_start3A_56] : memref<10240x16xf32, #tpu.memory_space<hbm>> -> memref<128x16xf32, #tpu.memory_space<hbm>>
      %dma_start3A_58 = arith.constant 0 : i32
      %dma_start3A_59 = arith.constant 0 : i32
      %dma_start3A_60 = tpu.memref_slice %arg4[%arg0, %dma_start3A_58, %dma_start3A_59] : memref<2x10240x16xf32, #tpu.memory_space<hbm>> -> memref<1x10240x16xf32, #tpu.memory_space<hbm>>
      %dma_start3A_61 = tpu.memref_squeeze %dma_start3A_60 : memref<1x10240x16xf32, #tpu.memory_space<hbm>> -> memref<10240x16xf32, #tpu.memory_space<hbm>>
      %dma_start3A_62 = arith.constant 0 : i32
      %dma_start3A_63 = tpu.memref_slice %dma_start3A_61[%add3A_44, %dma_start3A_62] : memref<10240x16xf32, #tpu.memory_space<hbm>> -> memref<128x16xf32, #tpu.memory_space<hbm>>
      tpu.enqueue_dma source(%arg7 : memref<128x16xf32, #tpu.memory_space<vmem>>) target(%dma_start3A_63 : memref<128x16xf32, #tpu.memory_space<hbm>>) target_semaphore(%run_scoped3A : memref<!tpu.dma_semaphore, #tpu.memory_space<semaphore_mem>>)
      %dma_wait3A = arith.constant 0 : i32
      %dma_wait3A_64 = arith.constant 0 : i32
      %dma_wait3A_65 = tpu.memref_slice %arg4[%arg0, %dma_wait3A, %dma_wait3A_64] : memref<2x10240x16xf32, #tpu.memory_space<hbm>> -> memref<1x10240x16xf32, #tpu.memory_space<hbm>>
      %dma_wait3A_66 = tpu.memref_squeeze %dma_wait3A_65 : memref<1x10240x16xf32, #tpu.memory_space<hbm>> -> memref<10240x16xf32, #tpu.memory_space<hbm>>
      %dma_wait3A_67 = arith.constant 0 : i32
      %dma_wait3A_68 = tpu.memref_slice %dma_wait3A_66[%add3A_44, %dma_wait3A_67] : memref<10240x16xf32, #tpu.memory_space<hbm>> -> memref<128x16xf32, #tpu.memory_space<hbm>>
      %dma_wait3A_69 = arith.constant 0 : i32
      %dma_wait3A_70 = arith.constant 0 : i32
      %dma_wait3A_71 = tpu.memref_slice %arg4[%arg0, %dma_wait3A_69, %dma_wait3A_70] : memref<2x10240x16xf32, #tpu.memory_space<hbm>> -> memref<1x10240x16xf32, #tpu.memory_space<hbm>>
      %dma_wait3A_72 = tpu.memref_squeeze %dma_wait3A_71 : memref<1x10240x16xf32, #tpu.memory_space<hbm>> -> memref<10240x16xf32, #tpu.memory_space<hbm>>
      %dma_wait3A_73 = arith.constant 0 : i32
      %dma_wait3A_74 = tpu.memref_slice %dma_wait3A_72[%add3A_44, %dma_wait3A_73] : memref<10240x16xf32, #tpu.memory_space<hbm>> -> memref<128x16xf32, #tpu.memory_space<hbm>>
      tpu.wait_dma2 semaphore(%run_scoped3A : memref<!tpu.dma_semaphore, #tpu.memory_space<semaphore_mem>>) src(%arg7 : memref<128x16xf32, #tpu.memory_space<vmem>>) dst(%dma_wait3A_74 : memref<128x16xf32, #tpu.memory_space<hbm>>)
      tpu.yield
    }) : () -> ()
    %add3A_45 = arith.constant 384 : i32
    %add3A_46 = arith.addi %mul3A_0, %add3A_45 : i32
    "tpu.region"() ({
      %run_scoped3A = tpu.sem_alloc : memref<!tpu.dma_semaphore, #tpu.memory_space<semaphore_mem>>
      %dma_start3A = arith.constant 0 : i32
      %dma_start3A_53 = tpu.memref_slice %arg8[%add3A_46, %dma_start3A] : memref<10240x16xf32, #tpu.memory_space<vmem_shared>> -> memref<128x16xf32, #tpu.memory_space<vmem_shared>>
      %dma_start3A_54 = arith.constant 0 : i32
      %dma_start3A_55 = tpu.memref_slice %arg8[%add3A_46, %dma_start3A_54] : memref<10240x16xf32, #tpu.memory_space<vmem_shared>> -> memref<128x16xf32, #tpu.memory_space<vmem_shared>>
      tpu.enqueue_dma source(%dma_start3A_55 : memref<128x16xf32, #tpu.memory_space<vmem_shared>>) target(%arg7 : memref<128x16xf32, #tpu.memory_space<vmem>>) target_semaphore(%run_scoped3A : memref<!tpu.dma_semaphore, #tpu.memory_space<semaphore_mem>>)
      %dma_wait3A = arith.constant 0 : i32
      %dma_wait3A_56 = tpu.memref_slice %arg8[%add3A_46, %dma_wait3A] : memref<10240x16xf32, #tpu.memory_space<vmem_shared>> -> memref<128x16xf32, #tpu.memory_space<vmem_shared>>
      %dma_wait3A_57 = arith.constant 0 : i32
      %dma_wait3A_58 = tpu.memref_slice %arg8[%add3A_46, %dma_wait3A_57] : memref<10240x16xf32, #tpu.memory_space<vmem_shared>> -> memref<128x16xf32, #tpu.memory_space<vmem_shared>>
      tpu.wait_dma2 semaphore(%run_scoped3A : memref<!tpu.dma_semaphore, #tpu.memory_space<semaphore_mem>>) src(%dma_wait3A_58 : memref<128x16xf32, #tpu.memory_space<vmem_shared>>) dst(%arg7 : memref<128x16xf32, #tpu.memory_space<vmem>>)
      tpu.yield
    }) : () -> ()
    %add3A_47 = arith.constant 384 : i32
    %add3A_48 = arith.addi %mul3A_0, %add3A_47 : i32
    "tpu.region"() ({
      %run_scoped3A = tpu.sem_alloc : memref<!tpu.dma_semaphore, #tpu.memory_space<semaphore_mem>>
      %dma_start3A = arith.constant 0 : i32
      %dma_start3A_53 = arith.constant 0 : i32
      %dma_start3A_54 = tpu.memref_slice %arg4[%arg0, %dma_start3A, %dma_start3A_53] : memref<2x10240x16xf32, #tpu.memory_space<hbm>> -> memref<1x10240x16xf32, #tpu.memory_space<hbm>>
      %dma_start3A_55 = tpu.memref_squeeze %dma_start3A_54 : memref<1x10240x16xf32, #tpu.memory_space<hbm>> -> memref<10240x16xf32, #tpu.memory_space<hbm>>
      %dma_start3A_56 = arith.constant 0 : i32
      %dma_start3A_57 = tpu.memref_slice %dma_start3A_55[%add3A_48, %dma_start3A_56] : memref<10240x16xf32, #tpu.memory_space<hbm>> -> memref<128x16xf32, #tpu.memory_space<hbm>>
      %dma_start3A_58 = arith.constant 0 : i32
      %dma_start3A_59 = arith.constant 0 : i32
      %dma_start3A_60 = tpu.memref_slice %arg4[%arg0, %dma_start3A_58, %dma_start3A_59] : memref<2x10240x16xf32, #tpu.memory_space<hbm>> -> memref<1x10240x16xf32, #tpu.memory_space<hbm>>
      %dma_start3A_61 = tpu.memref_squeeze %dma_start3A_60 : memref<1x10240x16xf32, #tpu.memory_space<hbm>> -> memref<10240x16xf32, #tpu.memory_space<hbm>>
      %dma_start3A_62 = arith.constant 0 : i32
      %dma_start3A_63 = tpu.memref_slice %dma_start3A_61[%add3A_48, %dma_start3A_62] : memref<10240x16xf32, #tpu.memory_space<hbm>> -> memref<128x16xf32, #tpu.memory_space<hbm>>
      tpu.enqueue_dma source(%arg7 : memref<128x16xf32, #tpu.memory_space<vmem>>) target(%dma_start3A_63 : memref<128x16xf32, #tpu.memory_space<hbm>>) target_semaphore(%run_scoped3A : memref<!tpu.dma_semaphore, #tpu.memory_space<semaphore_mem>>)
      %dma_wait3A = arith.constant 0 : i32
      %dma_wait3A_64 = arith.constant 0 : i32
      %dma_wait3A_65 = tpu.memref_slice %arg4[%arg0, %dma_wait3A, %dma_wait3A_64] : memref<2x10240x16xf32, #tpu.memory_space<hbm>> -> memref<1x10240x16xf32, #tpu.memory_space<hbm>>
      %dma_wait3A_66 = tpu.memref_squeeze %dma_wait3A_65 : memref<1x10240x16xf32, #tpu.memory_space<hbm>> -> memref<10240x16xf32, #tpu.memory_space<hbm>>
      %dma_wait3A_67 = arith.constant 0 : i32
      %dma_wait3A_68 = tpu.memref_slice %dma_wait3A_66[%add3A_48, %dma_wait3A_67] : memref<10240x16xf32, #tpu.memory_space<hbm>> -> memref<128x16xf32, #tpu.memory_space<hbm>>
      %dma_wait3A_69 = arith.constant 0 : i32
      %dma_wait3A_70 = arith.constant 0 : i32
      %dma_wait3A_71 = tpu.memref_slice %arg4[%arg0, %dma_wait3A_69, %dma_wait3A_70] : memref<2x10240x16xf32, #tpu.memory_space<hbm>> -> memref<1x10240x16xf32, #tpu.memory_space<hbm>>
      %dma_wait3A_72 = tpu.memref_squeeze %dma_wait3A_71 : memref<1x10240x16xf32, #tpu.memory_space<hbm>> -> memref<10240x16xf32, #tpu.memory_space<hbm>>
      %dma_wait3A_73 = arith.constant 0 : i32
      %dma_wait3A_74 = tpu.memref_slice %dma_wait3A_72[%add3A_48, %dma_wait3A_73] : memref<10240x16xf32, #tpu.memory_space<hbm>> -> memref<128x16xf32, #tpu.memory_space<hbm>>
      tpu.wait_dma2 semaphore(%run_scoped3A : memref<!tpu.dma_semaphore, #tpu.memory_space<semaphore_mem>>) src(%arg7 : memref<128x16xf32, #tpu.memory_space<vmem>>) dst(%dma_wait3A_74 : memref<128x16xf32, #tpu.memory_space<hbm>>)
      tpu.yield
    }) : () -> ()
    %add3A_49 = arith.constant 512 : i32
    %add3A_50 = arith.addi %mul3A_0, %add3A_49 : i32
    "tpu.region"() ({
      %run_scoped3A = tpu.sem_alloc : memref<!tpu.dma_semaphore, #tpu.memory_space<semaphore_mem>>
      %dma_start3A = arith.constant 0 : i32
      %dma_start3A_53 = tpu.memref_slice %arg8[%add3A_50, %dma_start3A] : memref<10240x16xf32, #tpu.memory_space<vmem_shared>> -> memref<128x16xf32, #tpu.memory_space<vmem_shared>>
      %dma_start3A_54 = arith.constant 0 : i32
      %dma_start3A_55 = tpu.memref_slice %arg8[%add3A_50, %dma_start3A_54] : memref<10240x16xf32, #tpu.memory_space<vmem_shared>> -> memref<128x16xf32, #tpu.memory_space<vmem_shared>>
      tpu.enqueue_dma source(%dma_start3A_55 : memref<128x16xf32, #tpu.memory_space<vmem_shared>>) target(%arg7 : memref<128x16xf32, #tpu.memory_space<vmem>>) target_semaphore(%run_scoped3A : memref<!tpu.dma_semaphore, #tpu.memory_space<semaphore_mem>>)
      %dma_wait3A = arith.constant 0 : i32
      %dma_wait3A_56 = tpu.memref_slice %arg8[%add3A_50, %dma_wait3A] : memref<10240x16xf32, #tpu.memory_space<vmem_shared>> -> memref<128x16xf32, #tpu.memory_space<vmem_shared>>
      %dma_wait3A_57 = arith.constant 0 : i32
      %dma_wait3A_58 = tpu.memref_slice %arg8[%add3A_50, %dma_wait3A_57] : memref<10240x16xf32, #tpu.memory_space<vmem_shared>> -> memref<128x16xf32, #tpu.memory_space<vmem_shared>>
      tpu.wait_dma2 semaphore(%run_scoped3A : memref<!tpu.dma_semaphore, #tpu.memory_space<semaphore_mem>>) src(%dma_wait3A_58 : memref<128x16xf32, #tpu.memory_space<vmem_shared>>) dst(%arg7 : memref<128x16xf32, #tpu.memory_space<vmem>>)
      tpu.yield
    }) : () -> ()
    %add3A_51 = arith.constant 512 : i32
    %add3A_52 = arith.addi %mul3A_0, %add3A_51 : i32
    "tpu.region"() ({
      %run_scoped3A = tpu.sem_alloc : memref<!tpu.dma_semaphore, #tpu.memory_space<semaphore_mem>>
      %dma_start3A = arith.constant 0 : i32
      %dma_start3A_53 = arith.constant 0 : i32
      %dma_start3A_54 = tpu.memref_slice %arg4[%arg0, %dma_start3A, %dma_start3A_53] : memref<2x10240x16xf32, #tpu.memory_space<hbm>> -> memref<1x10240x16xf32, #tpu.memory_space<hbm>>
      %dma_start3A_55 = tpu.memref_squeeze %dma_start3A_54 : memref<1x10240x16xf32, #tpu.memory_space<hbm>> -> memref<10240x16xf32, #tpu.memory_space<hbm>>
      %dma_start3A_56 = arith.constant 0 : i32
      %dma_start3A_57 = tpu.memref_slice %dma_start3A_55[%add3A_52, %dma_start3A_56] : memref<10240x16xf32, #tpu.memory_space<hbm>> -> memref<128x16xf32, #tpu.memory_space<hbm>>
      %dma_start3A_58 = arith.constant 0 : i32
      %dma_start3A_59 = arith.constant 0 : i32
      %dma_start3A_60 = tpu.memref_slice %arg4[%arg0, %dma_start3A_58, %dma_start3A_59] : memref<2x10240x16xf32, #tpu.memory_space<hbm>> -> memref<1x10240x16xf32, #tpu.memory_space<hbm>>
      %dma_start3A_61 = tpu.memref_squeeze %dma_start3A_60 : memref<1x10240x16xf32, #tpu.memory_space<hbm>> -> memref<10240x16xf32, #tpu.memory_space<hbm>>
      %dma_start3A_62 = arith.constant 0 : i32
      %dma_start3A_63 = tpu.memref_slice %dma_start3A_61[%add3A_52, %dma_start3A_62] : memref<10240x16xf32, #tpu.memory_space<hbm>> -> memref<128x16xf32, #tpu.memory_space<hbm>>
      tpu.enqueue_dma source(%arg7 : memref<128x16xf32, #tpu.memory_space<vmem>>) target(%dma_start3A_63 : memref<128x16xf32, #tpu.memory_space<hbm>>) target_semaphore(%run_scoped3A : memref<!tpu.dma_semaphore, #tpu.memory_space<semaphore_mem>>)
      %dma_wait3A = arith.constant 0 : i32
      %dma_wait3A_64 = arith.constant 0 : i32
      %dma_wait3A_65 = tpu.memref_slice %arg4[%arg0, %dma_wait3A, %dma_wait3A_64] : memref<2x10240x16xf32, #tpu.memory_space<hbm>> -> memref<1x10240x16xf32, #tpu.memory_space<hbm>>
      %dma_wait3A_66 = tpu.memref_squeeze %dma_wait3A_65 : memref<1x10240x16xf32, #tpu.memory_space<hbm>> -> memref<10240x16xf32, #tpu.memory_space<hbm>>
      %dma_wait3A_67 = arith.constant 0 : i32
      %dma_wait3A_68 = tpu.memref_slice %dma_wait3A_66[%add3A_52, %dma_wait3A_67] : memref<10240x16xf32, #tpu.memory_space<hbm>> -> memref<128x16xf32, #tpu.memory_space<hbm>>
      %dma_wait3A_69 = arith.constant 0 : i32
      %dma_wait3A_70 = arith.constant 0 : i32
      %dma_wait3A_71 = tpu.memref_slice %arg4[%arg0, %dma_wait3A_69, %dma_wait3A_70] : memref<2x10240x16xf32, #tpu.memory_space<hbm>> -> memref<1x10240x16xf32, #tpu.memory_space<hbm>>
      %dma_wait3A_72 = tpu.memref_squeeze %dma_wait3A_71 : memref<1x10240x16xf32, #tpu.memory_space<hbm>> -> memref<10240x16xf32, #tpu.memory_space<hbm>>
      %dma_wait3A_73 = arith.constant 0 : i32
      %dma_wait3A_74 = tpu.memref_slice %dma_wait3A_72[%add3A_52, %dma_wait3A_73] : memref<10240x16xf32, #tpu.memory_space<hbm>> -> memref<128x16xf32, #tpu.memory_space<hbm>>
      tpu.wait_dma2 semaphore(%run_scoped3A : memref<!tpu.dma_semaphore, #tpu.memory_space<semaphore_mem>>) src(%arg7 : memref<128x16xf32, #tpu.memory_space<vmem>>) dst(%dma_wait3A_74 : memref<128x16xf32, #tpu.memory_space<hbm>>)
      tpu.yield
    }) : () -> ()
    return
  }
}

#map = affine_map<(d0, d1) -> (0, 0)>
#map1 = affine_map<(d0, d1) -> (0, 0, 0)>
module attributes {stable_mosaic.version = 14 : i64} {
  func.func @edge_kernel(%arg0: i32, %arg1: i32, %arg2: memref<10240x32xf32, #tpu.memory_space<hbm>>, %arg3: memref<2560x128xi32, #tpu.memory_space<hbm>>, %arg4: memref<2560x128xi32, #tpu.memory_space<hbm>>, %arg5: memref<2x10240x32xf32, #tpu.memory_space<hbm>>, %arg6: memref<148x128xi32, #tpu.memory_space<vmem>>, %arg7: memref<148x128xi32, #tpu.memory_space<vmem>>, %arg8: memref<4x128x32xf32, #tpu.memory_space<vmem>>, %arg9: memref<10240x32xf32, #tpu.memory_space<vmem_shared>>, %arg10: memref<4x!tpu.dma_semaphore, #tpu.memory_space<semaphore_mem>>, %arg11: memref<4x!tpu.dma_semaphore, #tpu.memory_space<semaphore_mem>>) attributes {dimension_semantics = [#tpu.dimension_semantics<core_parallel>, #tpu.dimension_semantics<subcore_parallel>], iteration_bounds = array<i64: 2, 16>, scalar_prefetch = 0 : i64, scratch_operands = 6 : i64, tpu.core_type = #tpu.core_type<sc_vector_subcore>, window_params = [{transform_indices = #map}, {transform_indices = #map}, {transform_indices = #map}, {transform_indices = #map1}]} {
    %mul3A = arith.constant 640 : i32
    %mul3A_0 = arith.muli %arg1, %mul3A : i32
    %scan3A = arith.constant 0 : i32
    %scan3A_1 = arith.constant 0 : i32
    %scan3A_2 = arith.constant 128 : i32
    %scan3A_3 = arith.addi %scan3A_1, %scan3A_2 : i32
    %scan3A_4 = arith.constant 1 : i32
    scf.for %scan3A_455 = %scan3A_1 to %scan3A_3 step %scan3A_4  : i32 {
      %broadcast_in_dim3A = arith.constant 0.000000e+00 : f32
      %broadcast_in_dim3A_456 = vector.broadcast %broadcast_in_dim3A : f32 to vector<16xf32>
      %swap3A = arith.constant 0 : i32
      %swap3A_457 = arith.index_cast %swap3A : i32 to index
      %swap3A_458 = arith.index_cast %scan3A_455 : i32 to index
      %swap3A_459 = arith.constant 0 : index
      %swap3A_460 = tpu.vector_load %arg8[%swap3A_457, %swap3A_458, %swap3A_459] {strides = array<i32>} : memref<4x128x32xf32, #tpu.memory_space<vmem>>, vector<1x1x16xf32>,
      %swap3A_461 = vector.shape_cast %swap3A_460 : vector<1x1x16xf32> to vector<16xf32>
      %swap3A_462 = vector.shape_cast %broadcast_in_dim3A_456 : vector<16xf32> to vector<1x1x16xf32>
      tpu.vector_store %arg8[%swap3A_457, %swap3A_458, %swap3A_459], %swap3A_462 {strides = array<i32>} : memref<4x128x32xf32, #tpu.memory_space<vmem>>, vector<1x1x16xf32>,
      %broadcast_in_dim3A_463 = arith.constant 0.000000e+00 : f32
      %broadcast_in_dim3A_464 = vector.broadcast %broadcast_in_dim3A_463 : f32 to vector<16xf32>
      %swap3A_465 = arith.constant 0 : i32
      %swap3A_466 = arith.index_cast %swap3A_465 : i32 to index
      %swap3A_467 = arith.index_cast %scan3A_455 : i32 to index
      %swap3A_468 = arith.constant 16 : index
      %swap3A_469 = tpu.vector_load %arg8[%swap3A_466, %swap3A_467, %swap3A_468] {strides = array<i32>} : memref<4x128x32xf32, #tpu.memory_space<vmem>>, vector<1x1x16xf32>,
      %swap3A_470 = vector.shape_cast %swap3A_469 : vector<1x1x16xf32> to vector<16xf32>
      %swap3A_471 = vector.shape_cast %broadcast_in_dim3A_464 : vector<16xf32> to vector<1x1x16xf32>
      tpu.vector_store %arg8[%swap3A_466, %swap3A_467, %swap3A_468], %swap3A_471 {strides = array<i32>} : memref<4x128x32xf32, #tpu.memory_space<vmem>>, vector<1x1x16xf32>,
    }
    %scan3A_5 = arith.constant 128 : i32
    %add3A = arith.constant 0 : i32
    %add3A_6 = arith.addi %mul3A_0, %add3A : i32
    %run_scoped3A = arith.constant 0 : i32
    "tpu.region"() ({
      %run_scoped3A_455 = tpu.sem_alloc : memref<!tpu.dma_semaphore, #tpu.memory_space<semaphore_mem>>
      %dma_start3A_456 = arith.constant 0 : i32
      %dma_start3A_457 = arith.constant 0 : i32
      %dma_start3A_458 = tpu.memref_slice %arg8[%run_scoped3A, %dma_start3A_456, %dma_start3A_457] : memref<4x128x32xf32, #tpu.memory_space<vmem>> -> memref<1x128x32xf32, #tpu.memory_space<vmem>>
      %dma_start3A_459 = tpu.memref_squeeze %dma_start3A_458 : memref<1x128x32xf32, #tpu.memory_space<vmem>> -> memref<128x32xf32, #tpu.memory_space<vmem>>
      %dma_start3A_460 = arith.constant 0 : i32
      %dma_start3A_461 = tpu.memref_slice %arg9[%add3A_6, %dma_start3A_460] : memref<10240x32xf32, #tpu.memory_space<vmem_shared>> -> memref<128x32xf32, #tpu.memory_space<vmem_shared>>
      %dma_start3A_462 = arith.constant 0 : i32
      %dma_start3A_463 = tpu.memref_slice %arg9[%add3A_6, %dma_start3A_462] : memref<10240x32xf32, #tpu.memory_space<vmem_shared>> -> memref<128x32xf32, #tpu.memory_space<vmem_shared>>
      %dma_start3A_464 = arith.constant 0 : i32
      %dma_start3A_465 = arith.constant 0 : i32
      %dma_start3A_466 = tpu.memref_slice %arg8[%run_scoped3A, %dma_start3A_464, %dma_start3A_465] : memref<4x128x32xf32, #tpu.memory_space<vmem>> -> memref<1x128x32xf32, #tpu.memory_space<vmem>>
      %dma_start3A_467 = tpu.memref_squeeze %dma_start3A_466 : memref<1x128x32xf32, #tpu.memory_space<vmem>> -> memref<128x32xf32, #tpu.memory_space<vmem>>
      tpu.enqueue_dma source(%dma_start3A_467 : memref<128x32xf32, #tpu.memory_space<vmem>>) target(%dma_start3A_463 : memref<128x32xf32, #tpu.memory_space<vmem_shared>>) target_semaphore(%run_scoped3A_455 : memref<!tpu.dma_semaphore, #tpu.memory_space<semaphore_mem>>)
      %dma_wait3A_468 = arith.constant 0 : i32
      %dma_wait3A_469 = arith.constant 0 : i32
      %dma_wait3A_470 = tpu.memref_slice %arg8[%run_scoped3A, %dma_wait3A_468, %dma_wait3A_469] : memref<4x128x32xf32, #tpu.memory_space<vmem>> -> memref<1x128x32xf32, #tpu.memory_space<vmem>>
      %dma_wait3A_471 = tpu.memref_squeeze %dma_wait3A_470 : memref<1x128x32xf32, #tpu.memory_space<vmem>> -> memref<128x32xf32, #tpu.memory_space<vmem>>
      %dma_wait3A_472 = arith.constant 0 : i32
      %dma_wait3A_473 = tpu.memref_slice %arg9[%add3A_6, %dma_wait3A_472] : memref<10240x32xf32, #tpu.memory_space<vmem_shared>> -> memref<128x32xf32, #tpu.memory_space<vmem_shared>>
      %dma_wait3A_474 = arith.constant 0 : i32
      %dma_wait3A_475 = tpu.memref_slice %arg9[%add3A_6, %dma_wait3A_474] : memref<10240x32xf32, #tpu.memory_space<vmem_shared>> -> memref<128x32xf32, #tpu.memory_space<vmem_shared>>
      %dma_wait3A_476 = arith.constant 0 : i32
      %dma_wait3A_477 = arith.constant 0 : i32
      %dma_wait3A_478 = tpu.memref_slice %arg8[%run_scoped3A, %dma_wait3A_476, %dma_wait3A_477] : memref<4x128x32xf32, #tpu.memory_space<vmem>> -> memref<1x128x32xf32, #tpu.memory_space<vmem>>
      %dma_wait3A_479 = tpu.memref_squeeze %dma_wait3A_478 : memref<1x128x32xf32, #tpu.memory_space<vmem>> -> memref<128x32xf32, #tpu.memory_space<vmem>>
      tpu.wait_dma2 semaphore(%run_scoped3A_455 : memref<!tpu.dma_semaphore, #tpu.memory_space<semaphore_mem>>) src(%dma_wait3A_479 : memref<128x32xf32, #tpu.memory_space<vmem>>) dst(%dma_wait3A_475 : memref<128x32xf32, #tpu.memory_space<vmem_shared>>)
      tpu.yield
    }) : () -> ()
    %add3A_7 = arith.constant 128 : i32
    %add3A_8 = arith.addi %mul3A_0, %add3A_7 : i32
    %run_scoped3A_9 = arith.constant 0 : i32
    "tpu.region"() ({
      %run_scoped3A_455 = tpu.sem_alloc : memref<!tpu.dma_semaphore, #tpu.memory_space<semaphore_mem>>
      %dma_start3A_456 = arith.constant 0 : i32
      %dma_start3A_457 = arith.constant 0 : i32
      %dma_start3A_458 = tpu.memref_slice %arg8[%run_scoped3A_9, %dma_start3A_456, %dma_start3A_457] : memref<4x128x32xf32, #tpu.memory_space<vmem>> -> memref<1x128x32xf32, #tpu.memory_space<vmem>>
      %dma_start3A_459 = tpu.memref_squeeze %dma_start3A_458 : memref<1x128x32xf32, #tpu.memory_space<vmem>> -> memref<128x32xf32, #tpu.memory_space<vmem>>
      %dma_start3A_460 = arith.constant 0 : i32
      %dma_start3A_461 = tpu.memref_slice %arg9[%add3A_8, %dma_start3A_460] : memref<10240x32xf32, #tpu.memory_space<vmem_shared>> -> memref<128x32xf32, #tpu.memory_space<vmem_shared>>
      %dma_start3A_462 = arith.constant 0 : i32
      %dma_start3A_463 = tpu.memref_slice %arg9[%add3A_8, %dma_start3A_462] : memref<10240x32xf32, #tpu.memory_space<vmem_shared>> -> memref<128x32xf32, #tpu.memory_space<vmem_shared>>
      %dma_start3A_464 = arith.constant 0 : i32
      %dma_start3A_465 = arith.constant 0 : i32
      %dma_start3A_466 = tpu.memref_slice %arg8[%run_scoped3A_9, %dma_start3A_464, %dma_start3A_465] : memref<4x128x32xf32, #tpu.memory_space<vmem>> -> memref<1x128x32xf32, #tpu.memory_space<vmem>>
      %dma_start3A_467 = tpu.memref_squeeze %dma_start3A_466 : memref<1x128x32xf32, #tpu.memory_space<vmem>> -> memref<128x32xf32, #tpu.memory_space<vmem>>
      tpu.enqueue_dma source(%dma_start3A_467 : memref<128x32xf32, #tpu.memory_space<vmem>>) target(%dma_start3A_463 : memref<128x32xf32, #tpu.memory_space<vmem_shared>>) target_semaphore(%run_scoped3A_455 : memref<!tpu.dma_semaphore, #tpu.memory_space<semaphore_mem>>)
      %dma_wait3A_468 = arith.constant 0 : i32
      %dma_wait3A_469 = arith.constant 0 : i32
      %dma_wait3A_470 = tpu.memref_slice %arg8[%run_scoped3A_9, %dma_wait3A_468, %dma_wait3A_469] : memref<4x128x32xf32, #tpu.memory_space<vmem>> -> memref<1x128x32xf32, #tpu.memory_space<vmem>>
      %dma_wait3A_471 = tpu.memref_squeeze %dma_wait3A_470 : memref<1x128x32xf32, #tpu.memory_space<vmem>> -> memref<128x32xf32, #tpu.memory_space<vmem>>
      %dma_wait3A_472 = arith.constant 0 : i32
      %dma_wait3A_473 = tpu.memref_slice %arg9[%add3A_8, %dma_wait3A_472] : memref<10240x32xf32, #tpu.memory_space<vmem_shared>> -> memref<128x32xf32, #tpu.memory_space<vmem_shared>>
      %dma_wait3A_474 = arith.constant 0 : i32
      %dma_wait3A_475 = tpu.memref_slice %arg9[%add3A_8, %dma_wait3A_474] : memref<10240x32xf32, #tpu.memory_space<vmem_shared>> -> memref<128x32xf32, #tpu.memory_space<vmem_shared>>
      %dma_wait3A_476 = arith.constant 0 : i32
      %dma_wait3A_477 = arith.constant 0 : i32
      %dma_wait3A_478 = tpu.memref_slice %arg8[%run_scoped3A_9, %dma_wait3A_476, %dma_wait3A_477] : memref<4x128x32xf32, #tpu.memory_space<vmem>> -> memref<1x128x32xf32, #tpu.memory_space<vmem>>
      %dma_wait3A_479 = tpu.memref_squeeze %dma_wait3A_478 : memref<1x128x32xf32, #tpu.memory_space<vmem>> -> memref<128x32xf32, #tpu.memory_space<vmem>>
      tpu.wait_dma2 semaphore(%run_scoped3A_455 : memref<!tpu.dma_semaphore, #tpu.memory_space<semaphore_mem>>) src(%dma_wait3A_479 : memref<128x32xf32, #tpu.memory_space<vmem>>) dst(%dma_wait3A_475 : memref<128x32xf32, #tpu.memory_space<vmem_shared>>)
      tpu.yield
    }) : () -> ()
    %add3A_10 = arith.constant 256 : i32
    %add3A_11 = arith.addi %mul3A_0, %add3A_10 : i32
    %run_scoped3A_12 = arith.constant 0 : i32
    "tpu.region"() ({
      %run_scoped3A_455 = tpu.sem_alloc : memref<!tpu.dma_semaphore, #tpu.memory_space<semaphore_mem>>
      %dma_start3A_456 = arith.constant 0 : i32
      %dma_start3A_457 = arith.constant 0 : i32
      %dma_start3A_458 = tpu.memref_slice %arg8[%run_scoped3A_12, %dma_start3A_456, %dma_start3A_457] : memref<4x128x32xf32, #tpu.memory_space<vmem>> -> memref<1x128x32xf32, #tpu.memory_space<vmem>>
      %dma_start3A_459 = tpu.memref_squeeze %dma_start3A_458 : memref<1x128x32xf32, #tpu.memory_space<vmem>> -> memref<128x32xf32, #tpu.memory_space<vmem>>
      %dma_start3A_460 = arith.constant 0 : i32
      %dma_start3A_461 = tpu.memref_slice %arg9[%add3A_11, %dma_start3A_460] : memref<10240x32xf32, #tpu.memory_space<vmem_shared>> -> memref<128x32xf32, #tpu.memory_space<vmem_shared>>
      %dma_start3A_462 = arith.constant 0 : i32
      %dma_start3A_463 = tpu.memref_slice %arg9[%add3A_11, %dma_start3A_462] : memref<10240x32xf32, #tpu.memory_space<vmem_shared>> -> memref<128x32xf32, #tpu.memory_space<vmem_shared>>
      %dma_start3A_464 = arith.constant 0 : i32
      %dma_start3A_465 = arith.constant 0 : i32
      %dma_start3A_466 = tpu.memref_slice %arg8[%run_scoped3A_12, %dma_start3A_464, %dma_start3A_465] : memref<4x128x32xf32, #tpu.memory_space<vmem>> -> memref<1x128x32xf32, #tpu.memory_space<vmem>>
      %dma_start3A_467 = tpu.memref_squeeze %dma_start3A_466 : memref<1x128x32xf32, #tpu.memory_space<vmem>> -> memref<128x32xf32, #tpu.memory_space<vmem>>
      tpu.enqueue_dma source(%dma_start3A_467 : memref<128x32xf32, #tpu.memory_space<vmem>>) target(%dma_start3A_463 : memref<128x32xf32, #tpu.memory_space<vmem_shared>>) target_semaphore(%run_scoped3A_455 : memref<!tpu.dma_semaphore, #tpu.memory_space<semaphore_mem>>)
      %dma_wait3A_468 = arith.constant 0 : i32
      %dma_wait3A_469 = arith.constant 0 : i32
      %dma_wait3A_470 = tpu.memref_slice %arg8[%run_scoped3A_12, %dma_wait3A_468, %dma_wait3A_469] : memref<4x128x32xf32, #tpu.memory_space<vmem>> -> memref<1x128x32xf32, #tpu.memory_space<vmem>>
      %dma_wait3A_471 = tpu.memref_squeeze %dma_wait3A_470 : memref<1x128x32xf32, #tpu.memory_space<vmem>> -> memref<128x32xf32, #tpu.memory_space<vmem>>
      %dma_wait3A_472 = arith.constant 0 : i32
      %dma_wait3A_473 = tpu.memref_slice %arg9[%add3A_11, %dma_wait3A_472] : memref<10240x32xf32, #tpu.memory_space<vmem_shared>> -> memref<128x32xf32, #tpu.memory_space<vmem_shared>>
      %dma_wait3A_474 = arith.constant 0 : i32
      %dma_wait3A_475 = tpu.memref_slice %arg9[%add3A_11, %dma_wait3A_474] : memref<10240x32xf32, #tpu.memory_space<vmem_shared>> -> memref<128x32xf32, #tpu.memory_space<vmem_shared>>
      %dma_wait3A_476 = arith.constant 0 : i32
      %dma_wait3A_477 = arith.constant 0 : i32
      %dma_wait3A_478 = tpu.memref_slice %arg8[%run_scoped3A_12, %dma_wait3A_476, %dma_wait3A_477] : memref<4x128x32xf32, #tpu.memory_space<vmem>> -> memref<1x128x32xf32, #tpu.memory_space<vmem>>
      %dma_wait3A_479 = tpu.memref_squeeze %dma_wait3A_478 : memref<1x128x32xf32, #tpu.memory_space<vmem>> -> memref<128x32xf32, #tpu.memory_space<vmem>>
      tpu.wait_dma2 semaphore(%run_scoped3A_455 : memref<!tpu.dma_semaphore, #tpu.memory_space<semaphore_mem>>) src(%dma_wait3A_479 : memref<128x32xf32, #tpu.memory_space<vmem>>) dst(%dma_wait3A_475 : memref<128x32xf32, #tpu.memory_space<vmem_shared>>)
      tpu.yield
    }) : () -> ()
    %add3A_13 = arith.constant 384 : i32
    %add3A_14 = arith.addi %mul3A_0, %add3A_13 : i32
    %run_scoped3A_15 = arith.constant 0 : i32
    "tpu.region"() ({
      %run_scoped3A_455 = tpu.sem_alloc : memref<!tpu.dma_semaphore, #tpu.memory_space<semaphore_mem>>
      %dma_start3A_456 = arith.constant 0 : i32
      %dma_start3A_457 = arith.constant 0 : i32
      %dma_start3A_458 = tpu.memref_slice %arg8[%run_scoped3A_15, %dma_start3A_456, %dma_start3A_457] : memref<4x128x32xf32, #tpu.memory_space<vmem>> -> memref<1x128x32xf32, #tpu.memory_space<vmem>>
      %dma_start3A_459 = tpu.memref_squeeze %dma_start3A_458 : memref<1x128x32xf32, #tpu.memory_space<vmem>> -> memref<128x32xf32, #tpu.memory_space<vmem>>
      %dma_start3A_460 = arith.constant 0 : i32
      %dma_start3A_461 = tpu.memref_slice %arg9[%add3A_14, %dma_start3A_460] : memref<10240x32xf32, #tpu.memory_space<vmem_shared>> -> memref<128x32xf32, #tpu.memory_space<vmem_shared>>
      %dma_start3A_462 = arith.constant 0 : i32
      %dma_start3A_463 = tpu.memref_slice %arg9[%add3A_14, %dma_start3A_462] : memref<10240x32xf32, #tpu.memory_space<vmem_shared>> -> memref<128x32xf32, #tpu.memory_space<vmem_shared>>
      %dma_start3A_464 = arith.constant 0 : i32
      %dma_start3A_465 = arith.constant 0 : i32
      %dma_start3A_466 = tpu.memref_slice %arg8[%run_scoped3A_15, %dma_start3A_464, %dma_start3A_465] : memref<4x128x32xf32, #tpu.memory_space<vmem>> -> memref<1x128x32xf32, #tpu.memory_space<vmem>>
      %dma_start3A_467 = tpu.memref_squeeze %dma_start3A_466 : memref<1x128x32xf32, #tpu.memory_space<vmem>> -> memref<128x32xf32, #tpu.memory_space<vmem>>
      tpu.enqueue_dma source(%dma_start3A_467 : memref<128x32xf32, #tpu.memory_space<vmem>>) target(%dma_start3A_463 : memref<128x32xf32, #tpu.memory_space<vmem_shared>>) target_semaphore(%run_scoped3A_455 : memref<!tpu.dma_semaphore, #tpu.memory_space<semaphore_mem>>)
      %dma_wait3A_468 = arith.constant 0 : i32
      %dma_wait3A_469 = arith.constant 0 : i32
      %dma_wait3A_470 = tpu.memref_slice %arg8[%run_scoped3A_15, %dma_wait3A_468, %dma_wait3A_469] : memref<4x128x32xf32, #tpu.memory_space<vmem>> -> memref<1x128x32xf32, #tpu.memory_space<vmem>>
      %dma_wait3A_471 = tpu.memref_squeeze %dma_wait3A_470 : memref<1x128x32xf32, #tpu.memory_space<vmem>> -> memref<128x32xf32, #tpu.memory_space<vmem>>
      %dma_wait3A_472 = arith.constant 0 : i32
      %dma_wait3A_473 = tpu.memref_slice %arg9[%add3A_14, %dma_wait3A_472] : memref<10240x32xf32, #tpu.memory_space<vmem_shared>> -> memref<128x32xf32, #tpu.memory_space<vmem_shared>>
      %dma_wait3A_474 = arith.constant 0 : i32
      %dma_wait3A_475 = tpu.memref_slice %arg9[%add3A_14, %dma_wait3A_474] : memref<10240x32xf32, #tpu.memory_space<vmem_shared>> -> memref<128x32xf32, #tpu.memory_space<vmem_shared>>
      %dma_wait3A_476 = arith.constant 0 : i32
      %dma_wait3A_477 = arith.constant 0 : i32
      %dma_wait3A_478 = tpu.memref_slice %arg8[%run_scoped3A_15, %dma_wait3A_476, %dma_wait3A_477] : memref<4x128x32xf32, #tpu.memory_space<vmem>> -> memref<1x128x32xf32, #tpu.memory_space<vmem>>
      %dma_wait3A_479 = tpu.memref_squeeze %dma_wait3A_478 : memref<1x128x32xf32, #tpu.memory_space<vmem>> -> memref<128x32xf32, #tpu.memory_space<vmem>>
      tpu.wait_dma2 semaphore(%run_scoped3A_455 : memref<!tpu.dma_semaphore, #tpu.memory_space<semaphore_mem>>) src(%dma_wait3A_479 : memref<128x32xf32, #tpu.memory_space<vmem>>) dst(%dma_wait3A_475 : memref<128x32xf32, #tpu.memory_space<vmem_shared>>)
      tpu.yield
    }) : () -> ()
    %add3A_16 = arith.constant 512 : i32
    %add3A_17 = arith.addi %mul3A_0, %add3A_16 : i32
    %run_scoped3A_18 = arith.constant 0 : i32
    "tpu.region"() ({
      %run_scoped3A_455 = tpu.sem_alloc : memref<!tpu.dma_semaphore, #tpu.memory_space<semaphore_mem>>
      %dma_start3A_456 = arith.constant 0 : i32
      %dma_start3A_457 = arith.constant 0 : i32
      %dma_start3A_458 = tpu.memref_slice %arg8[%run_scoped3A_18, %dma_start3A_456, %dma_start3A_457] : memref<4x128x32xf32, #tpu.memory_space<vmem>> -> memref<1x128x32xf32, #tpu.memory_space<vmem>>
      %dma_start3A_459 = tpu.memref_squeeze %dma_start3A_458 : memref<1x128x32xf32, #tpu.memory_space<vmem>> -> memref<128x32xf32, #tpu.memory_space<vmem>>
      %dma_start3A_460 = arith.constant 0 : i32
      %dma_start3A_461 = tpu.memref_slice %arg9[%add3A_17, %dma_start3A_460] : memref<10240x32xf32, #tpu.memory_space<vmem_shared>> -> memref<128x32xf32, #tpu.memory_space<vmem_shared>>
      %dma_start3A_462 = arith.constant 0 : i32
      %dma_start3A_463 = tpu.memref_slice %arg9[%add3A_17, %dma_start3A_462] : memref<10240x32xf32, #tpu.memory_space<vmem_shared>> -> memref<128x32xf32, #tpu.memory_space<vmem_shared>>
      %dma_start3A_464 = arith.constant 0 : i32
      %dma_start3A_465 = arith.constant 0 : i32
      %dma_start3A_466 = tpu.memref_slice %arg8[%run_scoped3A_18, %dma_start3A_464, %dma_start3A_465] : memref<4x128x32xf32, #tpu.memory_space<vmem>> -> memref<1x128x32xf32, #tpu.memory_space<vmem>>
      %dma_start3A_467 = tpu.memref_squeeze %dma_start3A_466 : memref<1x128x32xf32, #tpu.memory_space<vmem>> -> memref<128x32xf32, #tpu.memory_space<vmem>>
      tpu.enqueue_dma source(%dma_start3A_467 : memref<128x32xf32, #tpu.memory_space<vmem>>) target(%dma_start3A_463 : memref<128x32xf32, #tpu.memory_space<vmem_shared>>) target_semaphore(%run_scoped3A_455 : memref<!tpu.dma_semaphore, #tpu.memory_space<semaphore_mem>>)
      %dma_wait3A_468 = arith.constant 0 : i32
      %dma_wait3A_469 = arith.constant 0 : i32
      %dma_wait3A_470 = tpu.memref_slice %arg8[%run_scoped3A_18, %dma_wait3A_468, %dma_wait3A_469] : memref<4x128x32xf32, #tpu.memory_space<vmem>> -> memref<1x128x32xf32, #tpu.memory_space<vmem>>
      %dma_wait3A_471 = tpu.memref_squeeze %dma_wait3A_470 : memref<1x128x32xf32, #tpu.memory_space<vmem>> -> memref<128x32xf32, #tpu.memory_space<vmem>>
      %dma_wait3A_472 = arith.constant 0 : i32
      %dma_wait3A_473 = tpu.memref_slice %arg9[%add3A_17, %dma_wait3A_472] : memref<10240x32xf32, #tpu.memory_space<vmem_shared>> -> memref<128x32xf32, #tpu.memory_space<vmem_shared>>
      %dma_wait3A_474 = arith.constant 0 : i32
      %dma_wait3A_475 = tpu.memref_slice %arg9[%add3A_17, %dma_wait3A_474] : memref<10240x32xf32, #tpu.memory_space<vmem_shared>> -> memref<128x32xf32, #tpu.memory_space<vmem_shared>>
      %dma_wait3A_476 = arith.constant 0 : i32
      %dma_wait3A_477 = arith.constant 0 : i32
      %dma_wait3A_478 = tpu.memref_slice %arg8[%run_scoped3A_18, %dma_wait3A_476, %dma_wait3A_477] : memref<4x128x32xf32, #tpu.memory_space<vmem>> -> memref<1x128x32xf32, #tpu.memory_space<vmem>>
      %dma_wait3A_479 = tpu.memref_squeeze %dma_wait3A_478 : memref<1x128x32xf32, #tpu.memory_space<vmem>> -> memref<128x32xf32, #tpu.memory_space<vmem>>
      tpu.wait_dma2 semaphore(%run_scoped3A_455 : memref<!tpu.dma_semaphore, #tpu.memory_space<semaphore_mem>>) src(%dma_wait3A_479 : memref<128x32xf32, #tpu.memory_space<vmem>>) dst(%dma_wait3A_475 : memref<128x32xf32, #tpu.memory_space<vmem_shared>>)
      tpu.yield
    }) : () -> ()
    %eq3A = arith.constant 0 : i32
    %eq3A_19 = arith.cmpi eq, %arg0, %eq3A : i32
    %convert_element_type3A = arith.extui %eq3A_19 : i1 to i32
    %cond3A = arith.constant 0 : i32
    %cond3A_20 = arith.cmpi ne, %convert_element_type3A, %cond3A : i32
    scf.if %cond3A_20 {
      %mul3A_455 = arith.constant 144 : i32
      %mul3A_456 = arith.muli %arg1, %mul3A_455 : i32
      "tpu.region"() ({
        %run_scoped3A_457 = tpu.sem_alloc : memref<!tpu.dma_semaphore, #tpu.memory_space<semaphore_mem>>
        %dma_start3A_458 = arith.constant 0 : i32
        %dma_start3A_459 = arith.constant 0 : i32
        %dma_start3A_460 = tpu.memref_slice %arg6[%dma_start3A_458, %dma_start3A_459] : memref<148x128xi32, #tpu.memory_space<vmem>> -> memref<144x128xi32, #tpu.memory_space<vmem>>
        %dma_start3A_461 = arith.constant 0 : i32
        %dma_start3A_462 = tpu.memref_slice %arg3[%mul3A_456, %dma_start3A_461] : memref<2560x128xi32, #tpu.memory_space<hbm>> -> memref<144x128xi32, #tpu.memory_space<hbm>>
        %dma_start3A_463 = arith.constant 0 : i32
        %dma_start3A_464 = arith.constant 0 : i32
        %dma_start3A_465 = tpu.memref_slice %arg6[%dma_start3A_463, %dma_start3A_464] : memref<148x128xi32, #tpu.memory_space<vmem>> -> memref<144x128xi32, #tpu.memory_space<vmem>>
        %dma_start3A_466 = arith.constant 0 : i32
        %dma_start3A_467 = tpu.memref_slice %arg3[%mul3A_456, %dma_start3A_466] : memref<2560x128xi32, #tpu.memory_space<hbm>> -> memref<144x128xi32, #tpu.memory_space<hbm>>
        tpu.enqueue_dma source(%dma_start3A_467 : memref<144x128xi32, #tpu.memory_space<hbm>>) target(%dma_start3A_465 : memref<144x128xi32, #tpu.memory_space<vmem>>) target_semaphore(%run_scoped3A_457 : memref<!tpu.dma_semaphore, #tpu.memory_space<semaphore_mem>>)
        %dma_wait3A_468 = arith.constant 0 : i32
        %dma_wait3A_469 = arith.constant 0 : i32
        %dma_wait3A_470 = tpu.memref_slice %arg6[%dma_wait3A_468, %dma_wait3A_469] : memref<148x128xi32, #tpu.memory_space<vmem>> -> memref<144x128xi32, #tpu.memory_space<vmem>>
        %dma_wait3A_471 = arith.constant 0 : i32
        %dma_wait3A_472 = tpu.memref_slice %arg3[%mul3A_456, %dma_wait3A_471] : memref<2560x128xi32, #tpu.memory_space<hbm>> -> memref<144x128xi32, #tpu.memory_space<hbm>>
        %dma_wait3A_473 = arith.constant 0 : i32
        %dma_wait3A_474 = arith.constant 0 : i32
        %dma_wait3A_475 = tpu.memref_slice %arg6[%dma_wait3A_473, %dma_wait3A_474] : memref<148x128xi32, #tpu.memory_space<vmem>> -> memref<144x128xi32, #tpu.memory_space<vmem>>
        %dma_wait3A_476 = arith.constant 0 : i32
        %dma_wait3A_477 = tpu.memref_slice %arg3[%mul3A_456, %dma_wait3A_476] : memref<2560x128xi32, #tpu.memory_space<hbm>> -> memref<144x128xi32, #tpu.memory_space<hbm>>
        tpu.wait_dma2 semaphore(%run_scoped3A_457 : memref<!tpu.dma_semaphore, #tpu.memory_space<semaphore_mem>>) src(%dma_wait3A_477 : memref<144x128xi32, #tpu.memory_space<hbm>>) dst(%dma_wait3A_475 : memref<144x128xi32, #tpu.memory_space<vmem>>)
        tpu.yield
      }) : () -> ()
      "tpu.region"() ({
        %run_scoped3A_457 = tpu.sem_alloc : memref<!tpu.dma_semaphore, #tpu.memory_space<semaphore_mem>>
        %dma_start3A_458 = arith.constant 0 : i32
        %dma_start3A_459 = arith.constant 0 : i32
        %dma_start3A_460 = tpu.memref_slice %arg7[%dma_start3A_458, %dma_start3A_459] : memref<148x128xi32, #tpu.memory_space<vmem>> -> memref<144x128xi32, #tpu.memory_space<vmem>>
        %dma_start3A_461 = arith.constant 0 : i32
        %dma_start3A_462 = tpu.memref_slice %arg4[%mul3A_456, %dma_start3A_461] : memref<2560x128xi32, #tpu.memory_space<hbm>> -> memref<144x128xi32, #tpu.memory_space<hbm>>
        %dma_start3A_463 = arith.constant 0 : i32
        %dma_start3A_464 = arith.constant 0 : i32
        %dma_start3A_465 = tpu.memref_slice %arg7[%dma_start3A_463, %dma_start3A_464] : memref<148x128xi32, #tpu.memory_space<vmem>> -> memref<144x128xi32, #tpu.memory_space<vmem>>
        %dma_start3A_466 = arith.constant 0 : i32
        %dma_start3A_467 = tpu.memref_slice %arg4[%mul3A_456, %dma_start3A_466] : memref<2560x128xi32, #tpu.memory_space<hbm>> -> memref<144x128xi32, #tpu.memory_space<hbm>>
        tpu.enqueue_dma source(%dma_start3A_467 : memref<144x128xi32, #tpu.memory_space<hbm>>) target(%dma_start3A_465 : memref<144x128xi32, #tpu.memory_space<vmem>>) target_semaphore(%run_scoped3A_457 : memref<!tpu.dma_semaphore, #tpu.memory_space<semaphore_mem>>)
        %dma_wait3A_468 = arith.constant 0 : i32
        %dma_wait3A_469 = arith.constant 0 : i32
        %dma_wait3A_470 = tpu.memref_slice %arg7[%dma_wait3A_468, %dma_wait3A_469] : memref<148x128xi32, #tpu.memory_space<vmem>> -> memref<144x128xi32, #tpu.memory_space<vmem>>
        %dma_wait3A_471 = arith.constant 0 : i32
        %dma_wait3A_472 = tpu.memref_slice %arg4[%mul3A_456, %dma_wait3A_471] : memref<2560x128xi32, #tpu.memory_space<hbm>> -> memref<144x128xi32, #tpu.memory_space<hbm>>
        %dma_wait3A_473 = arith.constant 0 : i32
        %dma_wait3A_474 = arith.constant 0 : i32
        %dma_wait3A_475 = tpu.memref_slice %arg7[%dma_wait3A_473, %dma_wait3A_474] : memref<148x128xi32, #tpu.memory_space<vmem>> -> memref<144x128xi32, #tpu.memory_space<vmem>>
        %dma_wait3A_476 = arith.constant 0 : i32
        %dma_wait3A_477 = tpu.memref_slice %arg4[%mul3A_456, %dma_wait3A_476] : memref<2560x128xi32, #tpu.memory_space<hbm>> -> memref<144x128xi32, #tpu.memory_space<hbm>>
        tpu.wait_dma2 semaphore(%run_scoped3A_457 : memref<!tpu.dma_semaphore, #tpu.memory_space<semaphore_mem>>) src(%dma_wait3A_477 : memref<144x128xi32, #tpu.memory_space<hbm>>) dst(%dma_wait3A_475 : memref<144x128xi32, #tpu.memory_space<vmem>>)
        tpu.yield
      }) : () -> ()
    } else {
    }
    %eq3A_21 = arith.constant 1 : i32
    %eq3A_22 = arith.cmpi eq, %arg0, %eq3A_21 : i32
    %convert_element_type3A_23 = arith.extui %eq3A_22 : i1 to i32
    %cond3A_24 = arith.constant 0 : i32
    %cond3A_25 = arith.cmpi ne, %convert_element_type3A_23, %cond3A_24 : i32
    scf.if %cond3A_25 {
      %mul3A_455 = arith.constant 16 : i32
      %mul3A_456 = arith.muli %arg1, %mul3A_455 : i32
      %add3A_457 = arith.constant 2304 : i32
      %add3A_458 = arith.addi %add3A_457, %mul3A_456 : i32
      "tpu.region"() ({
        %run_scoped3A_459 = tpu.sem_alloc : memref<!tpu.dma_semaphore, #tpu.memory_space<semaphore_mem>>
        %dma_start3A_460 = arith.constant 0 : i32
        %dma_start3A_461 = arith.constant 0 : i32
        %dma_start3A_462 = tpu.memref_slice %arg6[%dma_start3A_460, %dma_start3A_461] : memref<148x128xi32, #tpu.memory_space<vmem>> -> memref<16x128xi32, #tpu.memory_space<vmem>>
        %dma_start3A_463 = arith.constant 0 : i32
        %dma_start3A_464 = tpu.memref_slice %arg3[%add3A_458, %dma_start3A_463] : memref<2560x128xi32, #tpu.memory_space<hbm>> -> memref<16x128xi32, #tpu.memory_space<hbm>>
        %dma_start3A_465 = arith.constant 0 : i32
        %dma_start3A_466 = arith.constant 0 : i32
        %dma_start3A_467 = tpu.memref_slice %arg6[%dma_start3A_465, %dma_start3A_466] : memref<148x128xi32, #tpu.memory_space<vmem>> -> memref<16x128xi32, #tpu.memory_space<vmem>>
        %dma_start3A_468 = arith.constant 0 : i32
        %dma_start3A_469 = tpu.memref_slice %arg3[%add3A_458, %dma_start3A_468] : memref<2560x128xi32, #tpu.memory_space<hbm>> -> memref<16x128xi32, #tpu.memory_space<hbm>>
        tpu.enqueue_dma source(%dma_start3A_469 : memref<16x128xi32, #tpu.memory_space<hbm>>) target(%dma_start3A_467 : memref<16x128xi32, #tpu.memory_space<vmem>>) target_semaphore(%run_scoped3A_459 : memref<!tpu.dma_semaphore, #tpu.memory_space<semaphore_mem>>)
        %dma_wait3A_470 = arith.constant 0 : i32
        %dma_wait3A_471 = arith.constant 0 : i32
        %dma_wait3A_472 = tpu.memref_slice %arg6[%dma_wait3A_470, %dma_wait3A_471] : memref<148x128xi32, #tpu.memory_space<vmem>> -> memref<16x128xi32, #tpu.memory_space<vmem>>
        %dma_wait3A_473 = arith.constant 0 : i32
        %dma_wait3A_474 = tpu.memref_slice %arg3[%add3A_458, %dma_wait3A_473] : memref<2560x128xi32, #tpu.memory_space<hbm>> -> memref<16x128xi32, #tpu.memory_space<hbm>>
        %dma_wait3A_475 = arith.constant 0 : i32
        %dma_wait3A_476 = arith.constant 0 : i32
        %dma_wait3A_477 = tpu.memref_slice %arg6[%dma_wait3A_475, %dma_wait3A_476] : memref<148x128xi32, #tpu.memory_space<vmem>> -> memref<16x128xi32, #tpu.memory_space<vmem>>
        %dma_wait3A_478 = arith.constant 0 : i32
        %dma_wait3A_479 = tpu.memref_slice %arg3[%add3A_458, %dma_wait3A_478] : memref<2560x128xi32, #tpu.memory_space<hbm>> -> memref<16x128xi32, #tpu.memory_space<hbm>>
        tpu.wait_dma2 semaphore(%run_scoped3A_459 : memref<!tpu.dma_semaphore, #tpu.memory_space<semaphore_mem>>) src(%dma_wait3A_479 : memref<16x128xi32, #tpu.memory_space<hbm>>) dst(%dma_wait3A_477 : memref<16x128xi32, #tpu.memory_space<vmem>>)
        tpu.yield
      }) : () -> ()
      "tpu.region"() ({
        %run_scoped3A_459 = tpu.sem_alloc : memref<!tpu.dma_semaphore, #tpu.memory_space<semaphore_mem>>
        %dma_start3A_460 = arith.constant 0 : i32
        %dma_start3A_461 = arith.constant 0 : i32
        %dma_start3A_462 = tpu.memref_slice %arg7[%dma_start3A_460, %dma_start3A_461] : memref<148x128xi32, #tpu.memory_space<vmem>> -> memref<16x128xi32, #tpu.memory_space<vmem>>
        %dma_start3A_463 = arith.constant 0 : i32
        %dma_start3A_464 = tpu.memref_slice %arg4[%add3A_458, %dma_start3A_463] : memref<2560x128xi32, #tpu.memory_space<hbm>> -> memref<16x128xi32, #tpu.memory_space<hbm>>
        %dma_start3A_465 = arith.constant 0 : i32
        %dma_start3A_466 = arith.constant 0 : i32
        %dma_start3A_467 = tpu.memref_slice %arg7[%dma_start3A_465, %dma_start3A_466] : memref<148x128xi32, #tpu.memory_space<vmem>> -> memref<16x128xi32, #tpu.memory_space<vmem>>
        %dma_start3A_468 = arith.constant 0 : i32
        %dma_start3A_469 = tpu.memref_slice %arg4[%add3A_458, %dma_start3A_468] : memref<2560x128xi32, #tpu.memory_space<hbm>> -> memref<16x128xi32, #tpu.memory_space<hbm>>
        tpu.enqueue_dma source(%dma_start3A_469 : memref<16x128xi32, #tpu.memory_space<hbm>>) target(%dma_start3A_467 : memref<16x128xi32, #tpu.memory_space<vmem>>) target_semaphore(%run_scoped3A_459 : memref<!tpu.dma_semaphore, #tpu.memory_space<semaphore_mem>>)
        %dma_wait3A_470 = arith.constant 0 : i32
        %dma_wait3A_471 = arith.constant 0 : i32
        %dma_wait3A_472 = tpu.memref_slice %arg7[%dma_wait3A_470, %dma_wait3A_471] : memref<148x128xi32, #tpu.memory_space<vmem>> -> memref<16x128xi32, #tpu.memory_space<vmem>>
        %dma_wait3A_473 = arith.constant 0 : i32
        %dma_wait3A_474 = tpu.memref_slice %arg4[%add3A_458, %dma_wait3A_473] : memref<2560x128xi32, #tpu.memory_space<hbm>> -> memref<16x128xi32, #tpu.memory_space<hbm>>
        %dma_wait3A_475 = arith.constant 0 : i32
        %dma_wait3A_476 = arith.constant 0 : i32
        %dma_wait3A_477 = tpu.memref_slice %arg7[%dma_wait3A_475, %dma_wait3A_476] : memref<148x128xi32, #tpu.memory_space<vmem>> -> memref<16x128xi32, #tpu.memory_space<vmem>>
        %dma_wait3A_478 = arith.constant 0 : i32
        %dma_wait3A_479 = tpu.memref_slice %arg4[%add3A_458, %dma_wait3A_478] : memref<2560x128xi32, #tpu.memory_space<hbm>> -> memref<16x128xi32, #tpu.memory_space<hbm>>
        tpu.wait_dma2 semaphore(%run_scoped3A_459 : memref<!tpu.dma_semaphore, #tpu.memory_space<semaphore_mem>>) src(%dma_wait3A_479 : memref<16x128xi32, #tpu.memory_space<hbm>>) dst(%dma_wait3A_477 : memref<16x128xi32, #tpu.memory_space<vmem>>)
        tpu.yield
      }) : () -> ()
    } else {
    }
    %barrier3A = arith.constant 0 : index
    tpu.barrier barrier_id(%barrier3A)
    %eq3A_26 = arith.constant 0 : i32
    %eq3A_27 = arith.cmpi eq, %arg0, %eq3A_26 : i32
    %convert_element_type3A_28 = arith.extui %eq3A_27 : i1 to i32
    %cond3A_29 = arith.constant 0 : i32
    %cond3A_30 = arith.cmpi ne, %convert_element_type3A_28, %cond3A_29 : i32
    scf.if %cond3A_30 {
      %dma_start3A_455 = arith.constant 0 : i32
      %dma_start3A_456 = arith.constant 0 : i32
      %dma_start3A_457 = arith.constant 0 : i32
      %dma_start3A_458 = arith.constant 0 : i32
      %dma_start3A_459 = arith.constant 0 : i32
      %dma_start3A_460 = tpu.memref_slice %arg8[%dma_start3A_456, %dma_start3A_458, %dma_start3A_459] : memref<4x128x32xf32, #tpu.memory_space<vmem>> -> memref<1x128x32xf32, #tpu.memory_space<vmem>>
      %dma_start3A_461 = tpu.memref_squeeze %dma_start3A_460 : memref<1x128x32xf32, #tpu.memory_space<vmem>> -> memref<128x32xf32, #tpu.memory_space<vmem>>
      %dma_start3A_462 = arith.constant 0 : i32
      %dma_start3A_463 = tpu.memref_slice %arg6[%dma_start3A_455, %dma_start3A_462] : memref<148x128xi32, #tpu.memory_space<vmem>> -> memref<1x128xi32, #tpu.memory_space<vmem>>
      %dma_start3A_464 = tpu.memref_squeeze %dma_start3A_463 : memref<1x128xi32, #tpu.memory_space<vmem>> -> memref<128xi32, #tpu.memory_space<vmem>>
      %dma_start3A_465 = arith.constant 0 : i32
      %dma_start3A_466 = arith.constant 0 : i32
      %dma_start3A_467 = tpu.memref_slice %arg2[%dma_start3A_465, %dma_start3A_466] : memref<10240x32xf32, #tpu.memory_space<hbm>> -> memref<10240x32xf32, #tpu.memory_space<hbm>>
      %dma_start3A_468 = tpu.memref_slice %arg10[%dma_start3A_457] : memref<4x!tpu.dma_semaphore, #tpu.memory_space<semaphore_mem>> -> memref<1x!tpu.dma_semaphore, #tpu.memory_space<semaphore_mem>>
      %dma_start3A_469 = tpu.memref_squeeze %dma_start3A_468 : memref<1x!tpu.dma_semaphore, #tpu.memory_space<semaphore_mem>> -> memref<!tpu.dma_semaphore, #tpu.memory_space<semaphore_mem>>
      tpu.enqueue_indirect_dma source(%dma_start3A_467 : memref<10240x32xf32, #tpu.memory_space<hbm>>) target(%dma_start3A_461 : memref<128x32xf32, #tpu.memory_space<vmem>>) offsets(%dma_start3A_464 : memref<128xi32, #tpu.memory_space<vmem>>) semaphore(%dma_start3A_469 : memref<!tpu.dma_semaphore, #tpu.memory_space<semaphore_mem>>)
      %dma_start3A_470 = arith.constant 1 : i32
      %dma_start3A_471 = arith.constant 1 : i32
      %dma_start3A_472 = arith.constant 1 : i32
      %dma_start3A_473 = arith.constant 0 : i32
      %dma_start3A_474 = arith.constant 0 : i32
      %dma_start3A_475 = tpu.memref_slice %arg8[%dma_start3A_471, %dma_start3A_473, %dma_start3A_474] : memref<4x128x32xf32, #tpu.memory_space<vmem>> -> memref<1x128x32xf32, #tpu.memory_space<vmem>>
      %dma_start3A_476 = tpu.memref_squeeze %dma_start3A_475 : memref<1x128x32xf32, #tpu.memory_space<vmem>> -> memref<128x32xf32, #tpu.memory_space<vmem>>
      %dma_start3A_477 = arith.constant 0 : i32
      %dma_start3A_478 = tpu.memref_slice %arg6[%dma_start3A_470, %dma_start3A_477] : memref<148x128xi32, #tpu.memory_space<vmem>> -> memref<1x128xi32, #tpu.memory_space<vmem>>
      %dma_start3A_479 = tpu.memref_squeeze %dma_start3A_478 : memref<1x128xi32, #tpu.memory_space<vmem>> -> memref<128xi32, #tpu.memory_space<vmem>>
      %dma_start3A_480 = arith.constant 0 : i32
      %dma_start3A_481 = arith.constant 0 : i32
      %dma_start3A_482 = tpu.memref_slice %arg2[%dma_start3A_480, %dma_start3A_481] : memref<10240x32xf32, #tpu.memory_space<hbm>> -> memref<10240x32xf32, #tpu.memory_space<hbm>>
      %dma_start3A_483 = tpu.memref_slice %arg10[%dma_start3A_472] : memref<4x!tpu.dma_semaphore, #tpu.memory_space<semaphore_mem>> -> memref<1x!tpu.dma_semaphore, #tpu.memory_space<semaphore_mem>>
      %dma_start3A_484 = tpu.memref_squeeze %dma_start3A_483 : memref<1x!tpu.dma_semaphore, #tpu.memory_space<semaphore_mem>> -> memref<!tpu.dma_semaphore, #tpu.memory_space<semaphore_mem>>
      tpu.enqueue_indirect_dma source(%dma_start3A_482 : memref<10240x32xf32, #tpu.memory_space<hbm>>) target(%dma_start3A_476 : memref<128x32xf32, #tpu.memory_space<vmem>>) offsets(%dma_start3A_479 : memref<128xi32, #tpu.memory_space<vmem>>) semaphore(%dma_start3A_484 : memref<!tpu.dma_semaphore, #tpu.memory_space<semaphore_mem>>)
      %dma_start3A_485 = arith.constant 2 : i32
      %dma_start3A_486 = arith.constant 2 : i32
      %dma_start3A_487 = arith.constant 2 : i32
      %dma_start3A_488 = arith.constant 0 : i32
      %dma_start3A_489 = arith.constant 0 : i32
      %dma_start3A_490 = tpu.memref_slice %arg8[%dma_start3A_486, %dma_start3A_488, %dma_start3A_489] : memref<4x128x32xf32, #tpu.memory_space<vmem>> -> memref<1x128x32xf32, #tpu.memory_space<vmem>>
      %dma_start3A_491 = tpu.memref_squeeze %dma_start3A_490 : memref<1x128x32xf32, #tpu.memory_space<vmem>> -> memref<128x32xf32, #tpu.memory_space<vmem>>
      %dma_start3A_492 = arith.constant 0 : i32
      %dma_start3A_493 = tpu.memref_slice %arg6[%dma_start3A_485, %dma_start3A_492] : memref<148x128xi32, #tpu.memory_space<vmem>> -> memref<1x128xi32, #tpu.memory_space<vmem>>
      %dma_start3A_494 = tpu.memref_squeeze %dma_start3A_493 : memref<1x128xi32, #tpu.memory_space<vmem>> -> memref<128xi32, #tpu.memory_space<vmem>>
      %dma_start3A_495 = arith.constant 0 : i32
      %dma_start3A_496 = arith.constant 0 : i32
      %dma_start3A_497 = tpu.memref_slice %arg2[%dma_start3A_495, %dma_start3A_496] : memref<10240x32xf32, #tpu.memory_space<hbm>> -> memref<10240x32xf32, #tpu.memory_space<hbm>>
      %dma_start3A_498 = tpu.memref_slice %arg10[%dma_start3A_487] : memref<4x!tpu.dma_semaphore, #tpu.memory_space<semaphore_mem>> -> memref<1x!tpu.dma_semaphore, #tpu.memory_space<semaphore_mem>>
      %dma_start3A_499 = tpu.memref_squeeze %dma_start3A_498 : memref<1x!tpu.dma_semaphore, #tpu.memory_space<semaphore_mem>> -> memref<!tpu.dma_semaphore, #tpu.memory_space<semaphore_mem>>
      tpu.enqueue_indirect_dma source(%dma_start3A_497 : memref<10240x32xf32, #tpu.memory_space<hbm>>) target(%dma_start3A_491 : memref<128x32xf32, #tpu.memory_space<vmem>>) offsets(%dma_start3A_494 : memref<128xi32, #tpu.memory_space<vmem>>) semaphore(%dma_start3A_499 : memref<!tpu.dma_semaphore, #tpu.memory_space<semaphore_mem>>)
      %dma_start3A_500 = arith.constant 3 : i32
      %dma_start3A_501 = arith.constant 3 : i32
      %dma_start3A_502 = arith.constant 3 : i32
      %dma_start3A_503 = arith.constant 0 : i32
      %dma_start3A_504 = arith.constant 0 : i32
      %dma_start3A_505 = tpu.memref_slice %arg8[%dma_start3A_501, %dma_start3A_503, %dma_start3A_504] : memref<4x128x32xf32, #tpu.memory_space<vmem>> -> memref<1x128x32xf32, #tpu.memory_space<vmem>>
      %dma_start3A_506 = tpu.memref_squeeze %dma_start3A_505 : memref<1x128x32xf32, #tpu.memory_space<vmem>> -> memref<128x32xf32, #tpu.memory_space<vmem>>
      %dma_start3A_507 = arith.constant 0 : i32
      %dma_start3A_508 = tpu.memref_slice %arg6[%dma_start3A_500, %dma_start3A_507] : memref<148x128xi32, #tpu.memory_space<vmem>> -> memref<1x128xi32, #tpu.memory_space<vmem>>
      %dma_start3A_509 = tpu.memref_squeeze %dma_start3A_508 : memref<1x128xi32, #tpu.memory_space<vmem>> -> memref<128xi32, #tpu.memory_space<vmem>>
      %dma_start3A_510 = arith.constant 0 : i32
      %dma_start3A_511 = arith.constant 0 : i32
      %dma_start3A_512 = tpu.memref_slice %arg2[%dma_start3A_510, %dma_start3A_511] : memref<10240x32xf32, #tpu.memory_space<hbm>> -> memref<10240x32xf32, #tpu.memory_space<hbm>>
      %dma_start3A_513 = tpu.memref_slice %arg10[%dma_start3A_502] : memref<4x!tpu.dma_semaphore, #tpu.memory_space<semaphore_mem>> -> memref<1x!tpu.dma_semaphore, #tpu.memory_space<semaphore_mem>>
      %dma_start3A_514 = tpu.memref_squeeze %dma_start3A_513 : memref<1x!tpu.dma_semaphore, #tpu.memory_space<semaphore_mem>> -> memref<!tpu.dma_semaphore, #tpu.memory_space<semaphore_mem>>
      tpu.enqueue_indirect_dma source(%dma_start3A_512 : memref<10240x32xf32, #tpu.memory_space<hbm>>) target(%dma_start3A_506 : memref<128x32xf32, #tpu.memory_space<vmem>>) offsets(%dma_start3A_509 : memref<128xi32, #tpu.memory_space<vmem>>) semaphore(%dma_start3A_514 : memref<!tpu.dma_semaphore, #tpu.memory_space<semaphore_mem>>)
      %scan3A_515 = arith.constant 0 : i32
      %scan3A_516 = arith.constant 0 : i32
      %scan3A_517 = arith.constant 36 : i32
      %scan3A_518 = arith.addi %scan3A_516, %scan3A_517 : i32
      %scan3A_519 = arith.constant 1 : i32
      scf.for %scan3A_581 = %scan3A_516 to %scan3A_518 step %scan3A_519  : i32 {
        %mul3A_582 = arith.constant 4 : i32
        %mul3A_583 = arith.muli %scan3A_581, %mul3A_582 : i32
        %add3A_584 = arith.constant 0 : i32
        %add3A_585 = arith.addi %mul3A_583, %add3A_584 : i32
        %dma_wait3A_586 = arith.constant 0 : i32
        %dma_wait3A_587 = arith.constant 0 : i32
        %dma_wait3A_588 = arith.constant 0 : i32
        %dma_wait3A_589 = arith.constant 0 : i32
        %dma_wait3A_590 = tpu.memref_slice %arg8[%dma_wait3A_586, %dma_wait3A_588, %dma_wait3A_589] : memref<4x128x32xf32, #tpu.memory_space<vmem>> -> memref<1x128x32xf32, #tpu.memory_space<vmem>>
        %dma_wait3A_591 = tpu.memref_squeeze %dma_wait3A_590 : memref<1x128x32xf32, #tpu.memory_space<vmem>> -> memref<128x32xf32, #tpu.memory_space<vmem>>
        %dma_wait3A_592 = arith.constant 0 : i32
        %dma_wait3A_593 = tpu.memref_slice %arg6[%add3A_585, %dma_wait3A_592] : memref<148x128xi32, #tpu.memory_space<vmem>> -> memref<1x128xi32, #tpu.memory_space<vmem>>
        %dma_wait3A_594 = tpu.memref_squeeze %dma_wait3A_593 : memref<1x128xi32, #tpu.memory_space<vmem>> -> memref<128xi32, #tpu.memory_space<vmem>>
        %dma_wait3A_595 = arith.constant 0 : i32
        %dma_wait3A_596 = arith.constant 0 : i32
        %dma_wait3A_597 = tpu.memref_slice %arg2[%dma_wait3A_595, %dma_wait3A_596] : memref<10240x32xf32, #tpu.memory_space<hbm>> -> memref<10240x32xf32, #tpu.memory_space<hbm>>
        %dma_wait3A_598 = tpu.memref_slice %arg10[%dma_wait3A_587] : memref<4x!tpu.dma_semaphore, #tpu.memory_space<semaphore_mem>> -> memref<1x!tpu.dma_semaphore, #tpu.memory_space<semaphore_mem>>
        %dma_wait3A_599 = tpu.memref_squeeze %dma_wait3A_598 : memref<1x!tpu.dma_semaphore, #tpu.memory_space<semaphore_mem>> -> memref<!tpu.dma_semaphore, #tpu.memory_space<semaphore_mem>>
        tpu.wait_indirect_dma semaphore(%dma_wait3A_599 : memref<!tpu.dma_semaphore, #tpu.memory_space<semaphore_mem>>) src(%dma_wait3A_597 : memref<10240x32xf32, #tpu.memory_space<hbm>>) dst(%dma_wait3A_591 : memref<128x32xf32, #tpu.memory_space<vmem>>)
        %mul3A_600 = arith.constant 4 : i32
        %mul3A_601 = arith.muli %scan3A_581, %mul3A_600 : i32
        %add3A_602 = arith.constant 0 : i32
        %add3A_603 = arith.addi %mul3A_601, %add3A_602 : i32
        %dma_start3A_604 = arith.constant 0 : i32
        %dma_start3A_605 = arith.constant 0 : i32
        %dma_start3A_606 = arith.constant 0 : i32
        %dma_start3A_607 = arith.constant 0 : i32
        %dma_start3A_608 = tpu.memref_slice %arg8[%dma_start3A_604, %dma_start3A_606, %dma_start3A_607] : memref<4x128x32xf32, #tpu.memory_space<vmem>> -> memref<1x128x32xf32, #tpu.memory_space<vmem>>
        %dma_start3A_609 = tpu.memref_squeeze %dma_start3A_608 : memref<1x128x32xf32, #tpu.memory_space<vmem>> -> memref<128x32xf32, #tpu.memory_space<vmem>>
        %dma_start3A_610 = arith.constant 0 : i32
        %dma_start3A_611 = tpu.memref_slice %arg7[%add3A_603, %dma_start3A_610] : memref<148x128xi32, #tpu.memory_space<vmem>> -> memref<1x128xi32, #tpu.memory_space<vmem>>
        %dma_start3A_612 = tpu.memref_squeeze %dma_start3A_611 : memref<1x128xi32, #tpu.memory_space<vmem>> -> memref<128xi32, #tpu.memory_space<vmem>>
        %dma_start3A_613 = arith.constant 0 : i32
        %dma_start3A_614 = arith.constant 0 : i32
        %dma_start3A_615 = tpu.memref_slice %arg9[%dma_start3A_613, %dma_start3A_614] : memref<10240x32xf32, #tpu.memory_space<vmem_shared>> -> memref<10240x32xf32, #tpu.memory_space<vmem_shared>>
        %dma_start3A_616 = tpu.memref_slice %arg11[%dma_start3A_605] : memref<4x!tpu.dma_semaphore, #tpu.memory_space<semaphore_mem>> -> memref<1x!tpu.dma_semaphore, #tpu.memory_space<semaphore_mem>>
        %dma_start3A_617 = tpu.memref_squeeze %dma_start3A_616 : memref<1x!tpu.dma_semaphore, #tpu.memory_space<semaphore_mem>> -> memref<!tpu.dma_semaphore, #tpu.memory_space<semaphore_mem>>
        tpu.enqueue_indirect_dma source(%dma_start3A_609 : memref<128x32xf32, #tpu.memory_space<vmem>>) target(%dma_start3A_615 : memref<10240x32xf32, #tpu.memory_space<vmem_shared>>) offsets(%dma_start3A_612 : memref<128xi32, #tpu.memory_space<vmem>>) semaphore(%dma_start3A_617 : memref<!tpu.dma_semaphore, #tpu.memory_space<semaphore_mem>>) {add = true}
        %mul3A_618 = arith.constant 4 : i32
        %mul3A_619 = arith.muli %scan3A_581, %mul3A_618 : i32
        %add3A_620 = arith.constant 1 : i32
        %add3A_621 = arith.addi %mul3A_619, %add3A_620 : i32
        %dma_wait3A_622 = arith.constant 1 : i32
        %dma_wait3A_623 = arith.constant 1 : i32
        %dma_wait3A_624 = arith.constant 0 : i32
        %dma_wait3A_625 = arith.constant 0 : i32
        %dma_wait3A_626 = tpu.memref_slice %arg8[%dma_wait3A_622, %dma_wait3A_624, %dma_wait3A_625] : memref<4x128x32xf32, #tpu.memory_space<vmem>> -> memref<1x128x32xf32, #tpu.memory_space<vmem>>
        %dma_wait3A_627 = tpu.memref_squeeze %dma_wait3A_626 : memref<1x128x32xf32, #tpu.memory_space<vmem>> -> memref<128x32xf32, #tpu.memory_space<vmem>>
        %dma_wait3A_628 = arith.constant 0 : i32
        %dma_wait3A_629 = tpu.memref_slice %arg6[%add3A_621, %dma_wait3A_628] : memref<148x128xi32, #tpu.memory_space<vmem>> -> memref<1x128xi32, #tpu.memory_space<vmem>>
        %dma_wait3A_630 = tpu.memref_squeeze %dma_wait3A_629 : memref<1x128xi32, #tpu.memory_space<vmem>> -> memref<128xi32, #tpu.memory_space<vmem>>
        %dma_wait3A_631 = arith.constant 0 : i32
        %dma_wait3A_632 = arith.constant 0 : i32
        %dma_wait3A_633 = tpu.memref_slice %arg2[%dma_wait3A_631, %dma_wait3A_632] : memref<10240x32xf32, #tpu.memory_space<hbm>> -> memref<10240x32xf32, #tpu.memory_space<hbm>>
        %dma_wait3A_634 = tpu.memref_slice %arg10[%dma_wait3A_623] : memref<4x!tpu.dma_semaphore, #tpu.memory_space<semaphore_mem>> -> memref<1x!tpu.dma_semaphore, #tpu.memory_space<semaphore_mem>>
        %dma_wait3A_635 = tpu.memref_squeeze %dma_wait3A_634 : memref<1x!tpu.dma_semaphore, #tpu.memory_space<semaphore_mem>> -> memref<!tpu.dma_semaphore, #tpu.memory_space<semaphore_mem>>
        tpu.wait_indirect_dma semaphore(%dma_wait3A_635 : memref<!tpu.dma_semaphore, #tpu.memory_space<semaphore_mem>>) src(%dma_wait3A_633 : memref<10240x32xf32, #tpu.memory_space<hbm>>) dst(%dma_wait3A_627 : memref<128x32xf32, #tpu.memory_space<vmem>>)
        %mul3A_636 = arith.constant 4 : i32
        %mul3A_637 = arith.muli %scan3A_581, %mul3A_636 : i32
        %add3A_638 = arith.constant 1 : i32
        %add3A_639 = arith.addi %mul3A_637, %add3A_638 : i32
        %dma_start3A_640 = arith.constant 1 : i32
        %dma_start3A_641 = arith.constant 1 : i32
        %dma_start3A_642 = arith.constant 0 : i32
        %dma_start3A_643 = arith.constant 0 : i32
        %dma_start3A_644 = tpu.memref_slice %arg8[%dma_start3A_640, %dma_start3A_642, %dma_start3A_643] : memref<4x128x32xf32, #tpu.memory_space<vmem>> -> memref<1x128x32xf32, #tpu.memory_space<vmem>>
        %dma_start3A_645 = tpu.memref_squeeze %dma_start3A_644 : memref<1x128x32xf32, #tpu.memory_space<vmem>> -> memref<128x32xf32, #tpu.memory_space<vmem>>
        %dma_start3A_646 = arith.constant 0 : i32
        %dma_start3A_647 = tpu.memref_slice %arg7[%add3A_639, %dma_start3A_646] : memref<148x128xi32, #tpu.memory_space<vmem>> -> memref<1x128xi32, #tpu.memory_space<vmem>>
        %dma_start3A_648 = tpu.memref_squeeze %dma_start3A_647 : memref<1x128xi32, #tpu.memory_space<vmem>> -> memref<128xi32, #tpu.memory_space<vmem>>
        %dma_start3A_649 = arith.constant 0 : i32
        %dma_start3A_650 = arith.constant 0 : i32
        %dma_start3A_651 = tpu.memref_slice %arg9[%dma_start3A_649, %dma_start3A_650] : memref<10240x32xf32, #tpu.memory_space<vmem_shared>> -> memref<10240x32xf32, #tpu.memory_space<vmem_shared>>
        %dma_start3A_652 = tpu.memref_slice %arg11[%dma_start3A_641] : memref<4x!tpu.dma_semaphore, #tpu.memory_space<semaphore_mem>> -> memref<1x!tpu.dma_semaphore, #tpu.memory_space<semaphore_mem>>
        %dma_start3A_653 = tpu.memref_squeeze %dma_start3A_652 : memref<1x!tpu.dma_semaphore, #tpu.memory_space<semaphore_mem>> -> memref<!tpu.dma_semaphore, #tpu.memory_space<semaphore_mem>>
        tpu.enqueue_indirect_dma source(%dma_start3A_645 : memref<128x32xf32, #tpu.memory_space<vmem>>) target(%dma_start3A_651 : memref<10240x32xf32, #tpu.memory_space<vmem_shared>>) offsets(%dma_start3A_648 : memref<128xi32, #tpu.memory_space<vmem>>) semaphore(%dma_start3A_653 : memref<!tpu.dma_semaphore, #tpu.memory_space<semaphore_mem>>) {add = true}
        %mul3A_654 = arith.constant 4 : i32
        %mul3A_655 = arith.muli %scan3A_581, %mul3A_654 : i32
        %add3A_656 = arith.constant 2 : i32
        %add3A_657 = arith.addi %mul3A_655, %add3A_656 : i32
        %dma_wait3A_658 = arith.constant 2 : i32
        %dma_wait3A_659 = arith.constant 2 : i32
        %dma_wait3A_660 = arith.constant 0 : i32
        %dma_wait3A_661 = arith.constant 0 : i32
        %dma_wait3A_662 = tpu.memref_slice %arg8[%dma_wait3A_658, %dma_wait3A_660, %dma_wait3A_661] : memref<4x128x32xf32, #tpu.memory_space<vmem>> -> memref<1x128x32xf32, #tpu.memory_space<vmem>>
        %dma_wait3A_663 = tpu.memref_squeeze %dma_wait3A_662 : memref<1x128x32xf32, #tpu.memory_space<vmem>> -> memref<128x32xf32, #tpu.memory_space<vmem>>
        %dma_wait3A_664 = arith.constant 0 : i32
        %dma_wait3A_665 = tpu.memref_slice %arg6[%add3A_657, %dma_wait3A_664] : memref<148x128xi32, #tpu.memory_space<vmem>> -> memref<1x128xi32, #tpu.memory_space<vmem>>
        %dma_wait3A_666 = tpu.memref_squeeze %dma_wait3A_665 : memref<1x128xi32, #tpu.memory_space<vmem>> -> memref<128xi32, #tpu.memory_space<vmem>>
        %dma_wait3A_667 = arith.constant 0 : i32
        %dma_wait3A_668 = arith.constant 0 : i32
        %dma_wait3A_669 = tpu.memref_slice %arg2[%dma_wait3A_667, %dma_wait3A_668] : memref<10240x32xf32, #tpu.memory_space<hbm>> -> memref<10240x32xf32, #tpu.memory_space<hbm>>
        %dma_wait3A_670 = tpu.memref_slice %arg10[%dma_wait3A_659] : memref<4x!tpu.dma_semaphore, #tpu.memory_space<semaphore_mem>> -> memref<1x!tpu.dma_semaphore, #tpu.memory_space<semaphore_mem>>
        %dma_wait3A_671 = tpu.memref_squeeze %dma_wait3A_670 : memref<1x!tpu.dma_semaphore, #tpu.memory_space<semaphore_mem>> -> memref<!tpu.dma_semaphore, #tpu.memory_space<semaphore_mem>>
        tpu.wait_indirect_dma semaphore(%dma_wait3A_671 : memref<!tpu.dma_semaphore, #tpu.memory_space<semaphore_mem>>) src(%dma_wait3A_669 : memref<10240x32xf32, #tpu.memory_space<hbm>>) dst(%dma_wait3A_663 : memref<128x32xf32, #tpu.memory_space<vmem>>)
        %mul3A_672 = arith.constant 4 : i32
        %mul3A_673 = arith.muli %scan3A_581, %mul3A_672 : i32
        %add3A_674 = arith.constant 2 : i32
        %add3A_675 = arith.addi %mul3A_673, %add3A_674 : i32
        %dma_start3A_676 = arith.constant 2 : i32
        %dma_start3A_677 = arith.constant 2 : i32
        %dma_start3A_678 = arith.constant 0 : i32
        %dma_start3A_679 = arith.constant 0 : i32
        %dma_start3A_680 = tpu.memref_slice %arg8[%dma_start3A_676, %dma_start3A_678, %dma_start3A_679] : memref<4x128x32xf32, #tpu.memory_space<vmem>> -> memref<1x128x32xf32, #tpu.memory_space<vmem>>
        %dma_start3A_681 = tpu.memref_squeeze %dma_start3A_680 : memref<1x128x32xf32, #tpu.memory_space<vmem>> -> memref<128x32xf32, #tpu.memory_space<vmem>>
        %dma_start3A_682 = arith.constant 0 : i32
        %dma_start3A_683 = tpu.memref_slice %arg7[%add3A_675, %dma_start3A_682] : memref<148x128xi32, #tpu.memory_space<vmem>> -> memref<1x128xi32, #tpu.memory_space<vmem>>
        %dma_start3A_684 = tpu.memref_squeeze %dma_start3A_683 : memref<1x128xi32, #tpu.memory_space<vmem>> -> memref<128xi32, #tpu.memory_space<vmem>>
        %dma_start3A_685 = arith.constant 0 : i32
        %dma_start3A_686 = arith.constant 0 : i32
        %dma_start3A_687 = tpu.memref_slice %arg9[%dma_start3A_685, %dma_start3A_686] : memref<10240x32xf32, #tpu.memory_space<vmem_shared>> -> memref<10240x32xf32, #tpu.memory_space<vmem_shared>>
        %dma_start3A_688 = tpu.memref_slice %arg11[%dma_start3A_677] : memref<4x!tpu.dma_semaphore, #tpu.memory_space<semaphore_mem>> -> memref<1x!tpu.dma_semaphore, #tpu.memory_space<semaphore_mem>>
        %dma_start3A_689 = tpu.memref_squeeze %dma_start3A_688 : memref<1x!tpu.dma_semaphore, #tpu.memory_space<semaphore_mem>> -> memref<!tpu.dma_semaphore, #tpu.memory_space<semaphore_mem>>
        tpu.enqueue_indirect_dma source(%dma_start3A_681 : memref<128x32xf32, #tpu.memory_space<vmem>>) target(%dma_start3A_687 : memref<10240x32xf32, #tpu.memory_space<vmem_shared>>) offsets(%dma_start3A_684 : memref<128xi32, #tpu.memory_space<vmem>>) semaphore(%dma_start3A_689 : memref<!tpu.dma_semaphore, #tpu.memory_space<semaphore_mem>>) {add = true}
        %mul3A_690 = arith.constant 4 : i32
        %mul3A_691 = arith.muli %scan3A_581, %mul3A_690 : i32
        %add3A_692 = arith.constant 3 : i32
        %add3A_693 = arith.addi %mul3A_691, %add3A_692 : i32
        %dma_wait3A_694 = arith.constant 3 : i32
        %dma_wait3A_695 = arith.constant 3 : i32
        %dma_wait3A_696 = arith.constant 0 : i32
        %dma_wait3A_697 = arith.constant 0 : i32
        %dma_wait3A_698 = tpu.memref_slice %arg8[%dma_wait3A_694, %dma_wait3A_696, %dma_wait3A_697] : memref<4x128x32xf32, #tpu.memory_space<vmem>> -> memref<1x128x32xf32, #tpu.memory_space<vmem>>
        %dma_wait3A_699 = tpu.memref_squeeze %dma_wait3A_698 : memref<1x128x32xf32, #tpu.memory_space<vmem>> -> memref<128x32xf32, #tpu.memory_space<vmem>>
        %dma_wait3A_700 = arith.constant 0 : i32
        %dma_wait3A_701 = tpu.memref_slice %arg6[%add3A_693, %dma_wait3A_700] : memref<148x128xi32, #tpu.memory_space<vmem>> -> memref<1x128xi32, #tpu.memory_space<vmem>>
        %dma_wait3A_702 = tpu.memref_squeeze %dma_wait3A_701 : memref<1x128xi32, #tpu.memory_space<vmem>> -> memref<128xi32, #tpu.memory_space<vmem>>
        %dma_wait3A_703 = arith.constant 0 : i32
        %dma_wait3A_704 = arith.constant 0 : i32
        %dma_wait3A_705 = tpu.memref_slice %arg2[%dma_wait3A_703, %dma_wait3A_704] : memref<10240x32xf32, #tpu.memory_space<hbm>> -> memref<10240x32xf32, #tpu.memory_space<hbm>>
        %dma_wait3A_706 = tpu.memref_slice %arg10[%dma_wait3A_695] : memref<4x!tpu.dma_semaphore, #tpu.memory_space<semaphore_mem>> -> memref<1x!tpu.dma_semaphore, #tpu.memory_space<semaphore_mem>>
        %dma_wait3A_707 = tpu.memref_squeeze %dma_wait3A_706 : memref<1x!tpu.dma_semaphore, #tpu.memory_space<semaphore_mem>> -> memref<!tpu.dma_semaphore, #tpu.memory_space<semaphore_mem>>
        tpu.wait_indirect_dma semaphore(%dma_wait3A_707 : memref<!tpu.dma_semaphore, #tpu.memory_space<semaphore_mem>>) src(%dma_wait3A_705 : memref<10240x32xf32, #tpu.memory_space<hbm>>) dst(%dma_wait3A_699 : memref<128x32xf32, #tpu.memory_space<vmem>>)
        %mul3A_708 = arith.constant 4 : i32
        %mul3A_709 = arith.muli %scan3A_581, %mul3A_708 : i32
        %add3A_710 = arith.constant 3 : i32
        %add3A_711 = arith.addi %mul3A_709, %add3A_710 : i32
        %dma_start3A_712 = arith.constant 3 : i32
        %dma_start3A_713 = arith.constant 3 : i32
        %dma_start3A_714 = arith.constant 0 : i32
        %dma_start3A_715 = arith.constant 0 : i32
        %dma_start3A_716 = tpu.memref_slice %arg8[%dma_start3A_712, %dma_start3A_714, %dma_start3A_715] : memref<4x128x32xf32, #tpu.memory_space<vmem>> -> memref<1x128x32xf32, #tpu.memory_space<vmem>>
        %dma_start3A_717 = tpu.memref_squeeze %dma_start3A_716 : memref<1x128x32xf32, #tpu.memory_space<vmem>> -> memref<128x32xf32, #tpu.memory_space<vmem>>
        %dma_start3A_718 = arith.constant 0 : i32
        %dma_start3A_719 = tpu.memref_slice %arg7[%add3A_711, %dma_start3A_718] : memref<148x128xi32, #tpu.memory_space<vmem>> -> memref<1x128xi32, #tpu.memory_space<vmem>>
        %dma_start3A_720 = tpu.memref_squeeze %dma_start3A_719 : memref<1x128xi32, #tpu.memory_space<vmem>> -> memref<128xi32, #tpu.memory_space<vmem>>
        %dma_start3A_721 = arith.constant 0 : i32
        %dma_start3A_722 = arith.constant 0 : i32
        %dma_start3A_723 = tpu.memref_slice %arg9[%dma_start3A_721, %dma_start3A_722] : memref<10240x32xf32, #tpu.memory_space<vmem_shared>> -> memref<10240x32xf32, #tpu.memory_space<vmem_shared>>
        %dma_start3A_724 = tpu.memref_slice %arg11[%dma_start3A_713] : memref<4x!tpu.dma_semaphore, #tpu.memory_space<semaphore_mem>> -> memref<1x!tpu.dma_semaphore, #tpu.memory_space<semaphore_mem>>
        %dma_start3A_725 = tpu.memref_squeeze %dma_start3A_724 : memref<1x!tpu.dma_semaphore, #tpu.memory_space<semaphore_mem>> -> memref<!tpu.dma_semaphore, #tpu.memory_space<semaphore_mem>>
        tpu.enqueue_indirect_dma source(%dma_start3A_717 : memref<128x32xf32, #tpu.memory_space<vmem>>) target(%dma_start3A_723 : memref<10240x32xf32, #tpu.memory_space<vmem_shared>>) offsets(%dma_start3A_720 : memref<128xi32, #tpu.memory_space<vmem>>) semaphore(%dma_start3A_725 : memref<!tpu.dma_semaphore, #tpu.memory_space<semaphore_mem>>) {add = true}
        %lt3A = arith.constant 35 : i32
        %lt3A_726 = arith.cmpi slt, %scan3A_581, %lt3A : i32
        %convert_element_type3A_727 = arith.extui %lt3A_726 : i1 to i32
        %cond3A_728 = arith.constant 0 : i32
        %cond3A_729 = arith.cmpi ne, %convert_element_type3A_727, %cond3A_728 : i32
        scf.if %cond3A_729 {
          %mul3A_730 = arith.constant 4 : i32
          %mul3A_731 = arith.muli %scan3A_581, %mul3A_730 : i32
          %add3A_732 = arith.constant 0 : i32
          %add3A_733 = arith.addi %mul3A_731, %add3A_732 : i32
          %dma_wait3A_734 = arith.constant 0 : i32
          %dma_wait3A_735 = arith.constant 0 : i32
          %dma_wait3A_736 = arith.constant 0 : i32
          %dma_wait3A_737 = arith.constant 0 : i32
          %dma_wait3A_738 = tpu.memref_slice %arg8[%dma_wait3A_734, %dma_wait3A_736, %dma_wait3A_737] : memref<4x128x32xf32, #tpu.memory_space<vmem>> -> memref<1x128x32xf32, #tpu.memory_space<vmem>>
          %dma_wait3A_739 = tpu.memref_squeeze %dma_wait3A_738 : memref<1x128x32xf32, #tpu.memory_space<vmem>> -> memref<128x32xf32, #tpu.memory_space<vmem>>
          %dma_wait3A_740 = arith.constant 0 : i32
          %dma_wait3A_741 = tpu.memref_slice %arg7[%add3A_733, %dma_wait3A_740] : memref<148x128xi32, #tpu.memory_space<vmem>> -> memref<1x128xi32, #tpu.memory_space<vmem>>
          %dma_wait3A_742 = tpu.memref_squeeze %dma_wait3A_741 : memref<1x128xi32, #tpu.memory_space<vmem>> -> memref<128xi32, #tpu.memory_space<vmem>>
          %dma_wait3A_743 = arith.constant 0 : i32
          %dma_wait3A_744 = arith.constant 0 : i32
          %dma_wait3A_745 = tpu.memref_slice %arg9[%dma_wait3A_743, %dma_wait3A_744] : memref<10240x32xf32, #tpu.memory_space<vmem_shared>> -> memref<10240x32xf32, #tpu.memory_space<vmem_shared>>
          %dma_wait3A_746 = tpu.memref_slice %arg11[%dma_wait3A_735] : memref<4x!tpu.dma_semaphore, #tpu.memory_space<semaphore_mem>> -> memref<1x!tpu.dma_semaphore, #tpu.memory_space<semaphore_mem>>
          %dma_wait3A_747 = tpu.memref_squeeze %dma_wait3A_746 : memref<1x!tpu.dma_semaphore, #tpu.memory_space<semaphore_mem>> -> memref<!tpu.dma_semaphore, #tpu.memory_space<semaphore_mem>>
          tpu.wait_indirect_dma semaphore(%dma_wait3A_747 : memref<!tpu.dma_semaphore, #tpu.memory_space<semaphore_mem>>) src(%dma_wait3A_739 : memref<128x32xf32, #tpu.memory_space<vmem>>) dst(%dma_wait3A_745 : memref<10240x32xf32, #tpu.memory_space<vmem_shared>>)
          %add3A_748 = arith.constant 1 : i32
          %add3A_749 = arith.addi %scan3A_581, %add3A_748 : i32
          %mul3A_750 = arith.constant 4 : i32
          %mul3A_751 = arith.muli %add3A_749, %mul3A_750 : i32
          %add3A_752 = arith.constant 0 : i32
          %add3A_753 = arith.addi %mul3A_751, %add3A_752 : i32
          %dma_start3A_754 = arith.constant 0 : i32
          %dma_start3A_755 = arith.constant 0 : i32
          %dma_start3A_756 = arith.constant 0 : i32
          %dma_start3A_757 = arith.constant 0 : i32
          %dma_start3A_758 = tpu.memref_slice %arg8[%dma_start3A_754, %dma_start3A_756, %dma_start3A_757] : memref<4x128x32xf32, #tpu.memory_space<vmem>> -> memref<1x128x32xf32, #tpu.memory_space<vmem>>
          %dma_start3A_759 = tpu.memref_squeeze %dma_start3A_758 : memref<1x128x32xf32, #tpu.memory_space<vmem>> -> memref<128x32xf32, #tpu.memory_space<vmem>>
          %dma_start3A_760 = arith.constant 0 : i32
          %dma_start3A_761 = tpu.memref_slice %arg6[%add3A_753, %dma_start3A_760] : memref<148x128xi32, #tpu.memory_space<vmem>> -> memref<1x128xi32, #tpu.memory_space<vmem>>
          %dma_start3A_762 = tpu.memref_squeeze %dma_start3A_761 : memref<1x128xi32, #tpu.memory_space<vmem>> -> memref<128xi32, #tpu.memory_space<vmem>>
          %dma_start3A_763 = arith.constant 0 : i32
          %dma_start3A_764 = arith.constant 0 : i32
          %dma_start3A_765 = tpu.memref_slice %arg2[%dma_start3A_763, %dma_start3A_764] : memref<10240x32xf32, #tpu.memory_space<hbm>> -> memref<10240x32xf32, #tpu.memory_space<hbm>>
          %dma_start3A_766 = tpu.memref_slice %arg10[%dma_start3A_755] : memref<4x!tpu.dma_semaphore, #tpu.memory_space<semaphore_mem>> -> memref<1x!tpu.dma_semaphore, #tpu.memory_space<semaphore_mem>>
          %dma_start3A_767 = tpu.memref_squeeze %dma_start3A_766 : memref<1x!tpu.dma_semaphore, #tpu.memory_space<semaphore_mem>> -> memref<!tpu.dma_semaphore, #tpu.memory_space<semaphore_mem>>
          tpu.enqueue_indirect_dma source(%dma_start3A_765 : memref<10240x32xf32, #tpu.memory_space<hbm>>) target(%dma_start3A_759 : memref<128x32xf32, #tpu.memory_space<vmem>>) offsets(%dma_start3A_762 : memref<128xi32, #tpu.memory_space<vmem>>) semaphore(%dma_start3A_767 : memref<!tpu.dma_semaphore, #tpu.memory_space<semaphore_mem>>)
          %mul3A_768 = arith.constant 4 : i32
          %mul3A_769 = arith.muli %scan3A_581, %mul3A_768 : i32
          %add3A_770 = arith.constant 1 : i32
          %add3A_771 = arith.addi %mul3A_769, %add3A_770 : i32
          %dma_wait3A_772 = arith.constant 1 : i32
          %dma_wait3A_773 = arith.constant 1 : i32
          %dma_wait3A_774 = arith.constant 0 : i32
          %dma_wait3A_775 = arith.constant 0 : i32
          %dma_wait3A_776 = tpu.memref_slice %arg8[%dma_wait3A_772, %dma_wait3A_774, %dma_wait3A_775] : memref<4x128x32xf32, #tpu.memory_space<vmem>> -> memref<1x128x32xf32, #tpu.memory_space<vmem>>
          %dma_wait3A_777 = tpu.memref_squeeze %dma_wait3A_776 : memref<1x128x32xf32, #tpu.memory_space<vmem>> -> memref<128x32xf32, #tpu.memory_space<vmem>>
          %dma_wait3A_778 = arith.constant 0 : i32
          %dma_wait3A_779 = tpu.memref_slice %arg7[%add3A_771, %dma_wait3A_778] : memref<148x128xi32, #tpu.memory_space<vmem>> -> memref<1x128xi32, #tpu.memory_space<vmem>>
          %dma_wait3A_780 = tpu.memref_squeeze %dma_wait3A_779 : memref<1x128xi32, #tpu.memory_space<vmem>> -> memref<128xi32, #tpu.memory_space<vmem>>
          %dma_wait3A_781 = arith.constant 0 : i32
          %dma_wait3A_782 = arith.constant 0 : i32
          %dma_wait3A_783 = tpu.memref_slice %arg9[%dma_wait3A_781, %dma_wait3A_782] : memref<10240x32xf32, #tpu.memory_space<vmem_shared>> -> memref<10240x32xf32, #tpu.memory_space<vmem_shared>>
          %dma_wait3A_784 = tpu.memref_slice %arg11[%dma_wait3A_773] : memref<4x!tpu.dma_semaphore, #tpu.memory_space<semaphore_mem>> -> memref<1x!tpu.dma_semaphore, #tpu.memory_space<semaphore_mem>>
          %dma_wait3A_785 = tpu.memref_squeeze %dma_wait3A_784 : memref<1x!tpu.dma_semaphore, #tpu.memory_space<semaphore_mem>> -> memref<!tpu.dma_semaphore, #tpu.memory_space<semaphore_mem>>
          tpu.wait_indirect_dma semaphore(%dma_wait3A_785 : memref<!tpu.dma_semaphore, #tpu.memory_space<semaphore_mem>>) src(%dma_wait3A_777 : memref<128x32xf32, #tpu.memory_space<vmem>>) dst(%dma_wait3A_783 : memref<10240x32xf32, #tpu.memory_space<vmem_shared>>)
          %add3A_786 = arith.constant 1 : i32
          %add3A_787 = arith.addi %scan3A_581, %add3A_786 : i32
          %mul3A_788 = arith.constant 4 : i32
          %mul3A_789 = arith.muli %add3A_787, %mul3A_788 : i32
          %add3A_790 = arith.constant 1 : i32
          %add3A_791 = arith.addi %mul3A_789, %add3A_790 : i32
          %dma_start3A_792 = arith.constant 1 : i32
          %dma_start3A_793 = arith.constant 1 : i32
          %dma_start3A_794 = arith.constant 0 : i32
          %dma_start3A_795 = arith.constant 0 : i32
          %dma_start3A_796 = tpu.memref_slice %arg8[%dma_start3A_792, %dma_start3A_794, %dma_start3A_795] : memref<4x128x32xf32, #tpu.memory_space<vmem>> -> memref<1x128x32xf32, #tpu.memory_space<vmem>>
          %dma_start3A_797 = tpu.memref_squeeze %dma_start3A_796 : memref<1x128x32xf32, #tpu.memory_space<vmem>> -> memref<128x32xf32, #tpu.memory_space<vmem>>
          %dma_start3A_798 = arith.constant 0 : i32
          %dma_start3A_799 = tpu.memref_slice %arg6[%add3A_791, %dma_start3A_798] : memref<148x128xi32, #tpu.memory_space<vmem>> -> memref<1x128xi32, #tpu.memory_space<vmem>>
          %dma_start3A_800 = tpu.memref_squeeze %dma_start3A_799 : memref<1x128xi32, #tpu.memory_space<vmem>> -> memref<128xi32, #tpu.memory_space<vmem>>
          %dma_start3A_801 = arith.constant 0 : i32
          %dma_start3A_802 = arith.constant 0 : i32
          %dma_start3A_803 = tpu.memref_slice %arg2[%dma_start3A_801, %dma_start3A_802] : memref<10240x32xf32, #tpu.memory_space<hbm>> -> memref<10240x32xf32, #tpu.memory_space<hbm>>
          %dma_start3A_804 = tpu.memref_slice %arg10[%dma_start3A_793] : memref<4x!tpu.dma_semaphore, #tpu.memory_space<semaphore_mem>> -> memref<1x!tpu.dma_semaphore, #tpu.memory_space<semaphore_mem>>
          %dma_start3A_805 = tpu.memref_squeeze %dma_start3A_804 : memref<1x!tpu.dma_semaphore, #tpu.memory_space<semaphore_mem>> -> memref<!tpu.dma_semaphore, #tpu.memory_space<semaphore_mem>>
          tpu.enqueue_indirect_dma source(%dma_start3A_803 : memref<10240x32xf32, #tpu.memory_space<hbm>>) target(%dma_start3A_797 : memref<128x32xf32, #tpu.memory_space<vmem>>) offsets(%dma_start3A_800 : memref<128xi32, #tpu.memory_space<vmem>>) semaphore(%dma_start3A_805 : memref<!tpu.dma_semaphore, #tpu.memory_space<semaphore_mem>>)
          %mul3A_806 = arith.constant 4 : i32
          %mul3A_807 = arith.muli %scan3A_581, %mul3A_806 : i32
          %add3A_808 = arith.constant 2 : i32
          %add3A_809 = arith.addi %mul3A_807, %add3A_808 : i32
          %dma_wait3A_810 = arith.constant 2 : i32
          %dma_wait3A_811 = arith.constant 2 : i32
          %dma_wait3A_812 = arith.constant 0 : i32
          %dma_wait3A_813 = arith.constant 0 : i32
          %dma_wait3A_814 = tpu.memref_slice %arg8[%dma_wait3A_810, %dma_wait3A_812, %dma_wait3A_813] : memref<4x128x32xf32, #tpu.memory_space<vmem>> -> memref<1x128x32xf32, #tpu.memory_space<vmem>>
          %dma_wait3A_815 = tpu.memref_squeeze %dma_wait3A_814 : memref<1x128x32xf32, #tpu.memory_space<vmem>> -> memref<128x32xf32, #tpu.memory_space<vmem>>
          %dma_wait3A_816 = arith.constant 0 : i32
          %dma_wait3A_817 = tpu.memref_slice %arg7[%add3A_809, %dma_wait3A_816] : memref<148x128xi32, #tpu.memory_space<vmem>> -> memref<1x128xi32, #tpu.memory_space<vmem>>
          %dma_wait3A_818 = tpu.memref_squeeze %dma_wait3A_817 : memref<1x128xi32, #tpu.memory_space<vmem>> -> memref<128xi32, #tpu.memory_space<vmem>>
          %dma_wait3A_819 = arith.constant 0 : i32
          %dma_wait3A_820 = arith.constant 0 : i32
          %dma_wait3A_821 = tpu.memref_slice %arg9[%dma_wait3A_819, %dma_wait3A_820] : memref<10240x32xf32, #tpu.memory_space<vmem_shared>> -> memref<10240x32xf32, #tpu.memory_space<vmem_shared>>
          %dma_wait3A_822 = tpu.memref_slice %arg11[%dma_wait3A_811] : memref<4x!tpu.dma_semaphore, #tpu.memory_space<semaphore_mem>> -> memref<1x!tpu.dma_semaphore, #tpu.memory_space<semaphore_mem>>
          %dma_wait3A_823 = tpu.memref_squeeze %dma_wait3A_822 : memref<1x!tpu.dma_semaphore, #tpu.memory_space<semaphore_mem>> -> memref<!tpu.dma_semaphore, #tpu.memory_space<semaphore_mem>>
          tpu.wait_indirect_dma semaphore(%dma_wait3A_823 : memref<!tpu.dma_semaphore, #tpu.memory_space<semaphore_mem>>) src(%dma_wait3A_815 : memref<128x32xf32, #tpu.memory_space<vmem>>) dst(%dma_wait3A_821 : memref<10240x32xf32, #tpu.memory_space<vmem_shared>>)
          %add3A_824 = arith.constant 1 : i32
          %add3A_825 = arith.addi %scan3A_581, %add3A_824 : i32
          %mul3A_826 = arith.constant 4 : i32
          %mul3A_827 = arith.muli %add3A_825, %mul3A_826 : i32
          %add3A_828 = arith.constant 2 : i32
          %add3A_829 = arith.addi %mul3A_827, %add3A_828 : i32
          %dma_start3A_830 = arith.constant 2 : i32
          %dma_start3A_831 = arith.constant 2 : i32
          %dma_start3A_832 = arith.constant 0 : i32
          %dma_start3A_833 = arith.constant 0 : i32
          %dma_start3A_834 = tpu.memref_slice %arg8[%dma_start3A_830, %dma_start3A_832, %dma_start3A_833] : memref<4x128x32xf32, #tpu.memory_space<vmem>> -> memref<1x128x32xf32, #tpu.memory_space<vmem>>
          %dma_start3A_835 = tpu.memref_squeeze %dma_start3A_834 : memref<1x128x32xf32, #tpu.memory_space<vmem>> -> memref<128x32xf32, #tpu.memory_space<vmem>>
          %dma_start3A_836 = arith.constant 0 : i32
          %dma_start3A_837 = tpu.memref_slice %arg6[%add3A_829, %dma_start3A_836] : memref<148x128xi32, #tpu.memory_space<vmem>> -> memref<1x128xi32, #tpu.memory_space<vmem>>
          %dma_start3A_838 = tpu.memref_squeeze %dma_start3A_837 : memref<1x128xi32, #tpu.memory_space<vmem>> -> memref<128xi32, #tpu.memory_space<vmem>>
          %dma_start3A_839 = arith.constant 0 : i32
          %dma_start3A_840 = arith.constant 0 : i32
          %dma_start3A_841 = tpu.memref_slice %arg2[%dma_start3A_839, %dma_start3A_840] : memref<10240x32xf32, #tpu.memory_space<hbm>> -> memref<10240x32xf32, #tpu.memory_space<hbm>>
          %dma_start3A_842 = tpu.memref_slice %arg10[%dma_start3A_831] : memref<4x!tpu.dma_semaphore, #tpu.memory_space<semaphore_mem>> -> memref<1x!tpu.dma_semaphore, #tpu.memory_space<semaphore_mem>>
          %dma_start3A_843 = tpu.memref_squeeze %dma_start3A_842 : memref<1x!tpu.dma_semaphore, #tpu.memory_space<semaphore_mem>> -> memref<!tpu.dma_semaphore, #tpu.memory_space<semaphore_mem>>
          tpu.enqueue_indirect_dma source(%dma_start3A_841 : memref<10240x32xf32, #tpu.memory_space<hbm>>) target(%dma_start3A_835 : memref<128x32xf32, #tpu.memory_space<vmem>>) offsets(%dma_start3A_838 : memref<128xi32, #tpu.memory_space<vmem>>) semaphore(%dma_start3A_843 : memref<!tpu.dma_semaphore, #tpu.memory_space<semaphore_mem>>)
          %mul3A_844 = arith.constant 4 : i32
          %mul3A_845 = arith.muli %scan3A_581, %mul3A_844 : i32
          %add3A_846 = arith.constant 3 : i32
          %add3A_847 = arith.addi %mul3A_845, %add3A_846 : i32
          %dma_wait3A_848 = arith.constant 3 : i32
          %dma_wait3A_849 = arith.constant 3 : i32
          %dma_wait3A_850 = arith.constant 0 : i32
          %dma_wait3A_851 = arith.constant 0 : i32
          %dma_wait3A_852 = tpu.memref_slice %arg8[%dma_wait3A_848, %dma_wait3A_850, %dma_wait3A_851] : memref<4x128x32xf32, #tpu.memory_space<vmem>> -> memref<1x128x32xf32, #tpu.memory_space<vmem>>
          %dma_wait3A_853 = tpu.memref_squeeze %dma_wait3A_852 : memref<1x128x32xf32, #tpu.memory_space<vmem>> -> memref<128x32xf32, #tpu.memory_space<vmem>>
          %dma_wait3A_854 = arith.constant 0 : i32
          %dma_wait3A_855 = tpu.memref_slice %arg7[%add3A_847, %dma_wait3A_854] : memref<148x128xi32, #tpu.memory_space<vmem>> -> memref<1x128xi32, #tpu.memory_space<vmem>>
          %dma_wait3A_856 = tpu.memref_squeeze %dma_wait3A_855 : memref<1x128xi32, #tpu.memory_space<vmem>> -> memref<128xi32, #tpu.memory_space<vmem>>
          %dma_wait3A_857 = arith.constant 0 : i32
          %dma_wait3A_858 = arith.constant 0 : i32
          %dma_wait3A_859 = tpu.memref_slice %arg9[%dma_wait3A_857, %dma_wait3A_858] : memref<10240x32xf32, #tpu.memory_space<vmem_shared>> -> memref<10240x32xf32, #tpu.memory_space<vmem_shared>>
          %dma_wait3A_860 = tpu.memref_slice %arg11[%dma_wait3A_849] : memref<4x!tpu.dma_semaphore, #tpu.memory_space<semaphore_mem>> -> memref<1x!tpu.dma_semaphore, #tpu.memory_space<semaphore_mem>>
          %dma_wait3A_861 = tpu.memref_squeeze %dma_wait3A_860 : memref<1x!tpu.dma_semaphore, #tpu.memory_space<semaphore_mem>> -> memref<!tpu.dma_semaphore, #tpu.memory_space<semaphore_mem>>
          tpu.wait_indirect_dma semaphore(%dma_wait3A_861 : memref<!tpu.dma_semaphore, #tpu.memory_space<semaphore_mem>>) src(%dma_wait3A_853 : memref<128x32xf32, #tpu.memory_space<vmem>>) dst(%dma_wait3A_859 : memref<10240x32xf32, #tpu.memory_space<vmem_shared>>)
          %add3A_862 = arith.constant 1 : i32
          %add3A_863 = arith.addi %scan3A_581, %add3A_862 : i32
          %mul3A_864 = arith.constant 4 : i32
          %mul3A_865 = arith.muli %add3A_863, %mul3A_864 : i32
          %add3A_866 = arith.constant 3 : i32
          %add3A_867 = arith.addi %mul3A_865, %add3A_866 : i32
          %dma_start3A_868 = arith.constant 3 : i32
          %dma_start3A_869 = arith.constant 3 : i32
          %dma_start3A_870 = arith.constant 0 : i32
          %dma_start3A_871 = arith.constant 0 : i32
          %dma_start3A_872 = tpu.memref_slice %arg8[%dma_start3A_868, %dma_start3A_870, %dma_start3A_871] : memref<4x128x32xf32, #tpu.memory_space<vmem>> -> memref<1x128x32xf32, #tpu.memory_space<vmem>>
          %dma_start3A_873 = tpu.memref_squeeze %dma_start3A_872 : memref<1x128x32xf32, #tpu.memory_space<vmem>> -> memref<128x32xf32, #tpu.memory_space<vmem>>
          %dma_start3A_874 = arith.constant 0 : i32
          %dma_start3A_875 = tpu.memref_slice %arg6[%add3A_867, %dma_start3A_874] : memref<148x128xi32, #tpu.memory_space<vmem>> -> memref<1x128xi32, #tpu.memory_space<vmem>>
          %dma_start3A_876 = tpu.memref_squeeze %dma_start3A_875 : memref<1x128xi32, #tpu.memory_space<vmem>> -> memref<128xi32, #tpu.memory_space<vmem>>
          %dma_start3A_877 = arith.constant 0 : i32
          %dma_start3A_878 = arith.constant 0 : i32
          %dma_start3A_879 = tpu.memref_slice %arg2[%dma_start3A_877, %dma_start3A_878] : memref<10240x32xf32, #tpu.memory_space<hbm>> -> memref<10240x32xf32, #tpu.memory_space<hbm>>
          %dma_start3A_880 = tpu.memref_slice %arg10[%dma_start3A_869] : memref<4x!tpu.dma_semaphore, #tpu.memory_space<semaphore_mem>> -> memref<1x!tpu.dma_semaphore, #tpu.memory_space<semaphore_mem>>
          %dma_start3A_881 = tpu.memref_squeeze %dma_start3A_880 : memref<1x!tpu.dma_semaphore, #tpu.memory_space<semaphore_mem>> -> memref<!tpu.dma_semaphore, #tpu.memory_space<semaphore_mem>>
          tpu.enqueue_indirect_dma source(%dma_start3A_879 : memref<10240x32xf32, #tpu.memory_space<hbm>>) target(%dma_start3A_873 : memref<128x32xf32, #tpu.memory_space<vmem>>) offsets(%dma_start3A_876 : memref<128xi32, #tpu.memory_space<vmem>>) semaphore(%dma_start3A_881 : memref<!tpu.dma_semaphore, #tpu.memory_space<semaphore_mem>>)
        } else {
        }
      }
      %scan3A_520 = arith.constant 36 : i32
      %dma_wait3A_521 = arith.constant 0 : i32
      %dma_wait3A_522 = arith.constant 140 : i32
      %dma_wait3A_523 = arith.constant 0 : i32
      %dma_wait3A_524 = arith.constant 0 : i32
      %dma_wait3A_525 = arith.constant 0 : i32
      %dma_wait3A_526 = tpu.memref_slice %arg8[%dma_wait3A_521, %dma_wait3A_524, %dma_wait3A_525] : memref<4x128x32xf32, #tpu.memory_space<vmem>> -> memref<1x128x32xf32, #tpu.memory_space<vmem>>
      %dma_wait3A_527 = tpu.memref_squeeze %dma_wait3A_526 : memref<1x128x32xf32, #tpu.memory_space<vmem>> -> memref<128x32xf32, #tpu.memory_space<vmem>>
      %dma_wait3A_528 = arith.constant 0 : i32
      %dma_wait3A_529 = tpu.memref_slice %arg7[%dma_wait3A_522, %dma_wait3A_528] : memref<148x128xi32, #tpu.memory_space<vmem>> -> memref<1x128xi32, #tpu.memory_space<vmem>>
      %dma_wait3A_530 = tpu.memref_squeeze %dma_wait3A_529 : memref<1x128xi32, #tpu.memory_space<vmem>> -> memref<128xi32, #tpu.memory_space<vmem>>
      %dma_wait3A_531 = arith.constant 0 : i32
      %dma_wait3A_532 = arith.constant 0 : i32
      %dma_wait3A_533 = tpu.memref_slice %arg9[%dma_wait3A_531, %dma_wait3A_532] : memref<10240x32xf32, #tpu.memory_space<vmem_shared>> -> memref<10240x32xf32, #tpu.memory_space<vmem_shared>>
      %dma_wait3A_534 = tpu.memref_slice %arg11[%dma_wait3A_523] : memref<4x!tpu.dma_semaphore, #tpu.memory_space<semaphore_mem>> -> memref<1x!tpu.dma_semaphore, #tpu.memory_space<semaphore_mem>>
      %dma_wait3A_535 = tpu.memref_squeeze %dma_wait3A_534 : memref<1x!tpu.dma_semaphore, #tpu.memory_space<semaphore_mem>> -> memref<!tpu.dma_semaphore, #tpu.memory_space<semaphore_mem>>
      tpu.wait_indirect_dma semaphore(%dma_wait3A_535 : memref<!tpu.dma_semaphore, #tpu.memory_space<semaphore_mem>>) src(%dma_wait3A_527 : memref<128x32xf32, #tpu.memory_space<vmem>>) dst(%dma_wait3A_533 : memref<10240x32xf32, #tpu.memory_space<vmem_shared>>)
      %dma_wait3A_536 = arith.constant 1 : i32
      %dma_wait3A_537 = arith.constant 141 : i32
      %dma_wait3A_538 = arith.constant 1 : i32
      %dma_wait3A_539 = arith.constant 0 : i32
      %dma_wait3A_540 = arith.constant 0 : i32
      %dma_wait3A_541 = tpu.memref_slice %arg8[%dma_wait3A_536, %dma_wait3A_539, %dma_wait3A_540] : memref<4x128x32xf32, #tpu.memory_space<vmem>> -> memref<1x128x32xf32, #tpu.memory_space<vmem>>
      %dma_wait3A_542 = tpu.memref_squeeze %dma_wait3A_541 : memref<1x128x32xf32, #tpu.memory_space<vmem>> -> memref<128x32xf32, #tpu.memory_space<vmem>>
      %dma_wait3A_543 = arith.constant 0 : i32
      %dma_wait3A_544 = tpu.memref_slice %arg7[%dma_wait3A_537, %dma_wait3A_543] : memref<148x128xi32, #tpu.memory_space<vmem>> -> memref<1x128xi32, #tpu.memory_space<vmem>>
      %dma_wait3A_545 = tpu.memref_squeeze %dma_wait3A_544 : memref<1x128xi32, #tpu.memory_space<vmem>> -> memref<128xi32, #tpu.memory_space<vmem>>
      %dma_wait3A_546 = arith.constant 0 : i32
      %dma_wait3A_547 = arith.constant 0 : i32
      %dma_wait3A_548 = tpu.memref_slice %arg9[%dma_wait3A_546, %dma_wait3A_547] : memref<10240x32xf32, #tpu.memory_space<vmem_shared>> -> memref<10240x32xf32, #tpu.memory_space<vmem_shared>>
      %dma_wait3A_549 = tpu.memref_slice %arg11[%dma_wait3A_538] : memref<4x!tpu.dma_semaphore, #tpu.memory_space<semaphore_mem>> -> memref<1x!tpu.dma_semaphore, #tpu.memory_space<semaphore_mem>>
      %dma_wait3A_550 = tpu.memref_squeeze %dma_wait3A_549 : memref<1x!tpu.dma_semaphore, #tpu.memory_space<semaphore_mem>> -> memref<!tpu.dma_semaphore, #tpu.memory_space<semaphore_mem>>
      tpu.wait_indirect_dma semaphore(%dma_wait3A_550 : memref<!tpu.dma_semaphore, #tpu.memory_space<semaphore_mem>>) src(%dma_wait3A_542 : memref<128x32xf32, #tpu.memory_space<vmem>>) dst(%dma_wait3A_548 : memref<10240x32xf32, #tpu.memory_space<vmem_shared>>)
      %dma_wait3A_551 = arith.constant 2 : i32
      %dma_wait3A_552 = arith.constant 142 : i32
      %dma_wait3A_553 = arith.constant 2 : i32
      %dma_wait3A_554 = arith.constant 0 : i32
      %dma_wait3A_555 = arith.constant 0 : i32
      %dma_wait3A_556 = tpu.memref_slice %arg8[%dma_wait3A_551, %dma_wait3A_554, %dma_wait3A_555] : memref<4x128x32xf32, #tpu.memory_space<vmem>> -> memref<1x128x32xf32, #tpu.memory_space<vmem>>
      %dma_wait3A_557 = tpu.memref_squeeze %dma_wait3A_556 : memref<1x128x32xf32, #tpu.memory_space<vmem>> -> memref<128x32xf32, #tpu.memory_space<vmem>>
      %dma_wait3A_558 = arith.constant 0 : i32
      %dma_wait3A_559 = tpu.memref_slice %arg7[%dma_wait3A_552, %dma_wait3A_558] : memref<148x128xi32, #tpu.memory_space<vmem>> -> memref<1x128xi32, #tpu.memory_space<vmem>>
      %dma_wait3A_560 = tpu.memref_squeeze %dma_wait3A_559 : memref<1x128xi32, #tpu.memory_space<vmem>> -> memref<128xi32, #tpu.memory_space<vmem>>
      %dma_wait3A_561 = arith.constant 0 : i32
      %dma_wait3A_562 = arith.constant 0 : i32
      %dma_wait3A_563 = tpu.memref_slice %arg9[%dma_wait3A_561, %dma_wait3A_562] : memref<10240x32xf32, #tpu.memory_space<vmem_shared>> -> memref<10240x32xf32, #tpu.memory_space<vmem_shared>>
      %dma_wait3A_564 = tpu.memref_slice %arg11[%dma_wait3A_553] : memref<4x!tpu.dma_semaphore, #tpu.memory_space<semaphore_mem>> -> memref<1x!tpu.dma_semaphore, #tpu.memory_space<semaphore_mem>>
      %dma_wait3A_565 = tpu.memref_squeeze %dma_wait3A_564 : memref<1x!tpu.dma_semaphore, #tpu.memory_space<semaphore_mem>> -> memref<!tpu.dma_semaphore, #tpu.memory_space<semaphore_mem>>
      tpu.wait_indirect_dma semaphore(%dma_wait3A_565 : memref<!tpu.dma_semaphore, #tpu.memory_space<semaphore_mem>>) src(%dma_wait3A_557 : memref<128x32xf32, #tpu.memory_space<vmem>>) dst(%dma_wait3A_563 : memref<10240x32xf32, #tpu.memory_space<vmem_shared>>)
      %dma_wait3A_566 = arith.constant 3 : i32
      %dma_wait3A_567 = arith.constant 143 : i32
      %dma_wait3A_568 = arith.constant 3 : i32
      %dma_wait3A_569 = arith.constant 0 : i32
      %dma_wait3A_570 = arith.constant 0 : i32
      %dma_wait3A_571 = tpu.memref_slice %arg8[%dma_wait3A_566, %dma_wait3A_569, %dma_wait3A_570] : memref<4x128x32xf32, #tpu.memory_space<vmem>> -> memref<1x128x32xf32, #tpu.memory_space<vmem>>
      %dma_wait3A_572 = tpu.memref_squeeze %dma_wait3A_571 : memref<1x128x32xf32, #tpu.memory_space<vmem>> -> memref<128x32xf32, #tpu.memory_space<vmem>>
      %dma_wait3A_573 = arith.constant 0 : i32
      %dma_wait3A_574 = tpu.memref_slice %arg7[%dma_wait3A_567, %dma_wait3A_573] : memref<148x128xi32, #tpu.memory_space<vmem>> -> memref<1x128xi32, #tpu.memory_space<vmem>>
      %dma_wait3A_575 = tpu.memref_squeeze %dma_wait3A_574 : memref<1x128xi32, #tpu.memory_space<vmem>> -> memref<128xi32, #tpu.memory_space<vmem>>
      %dma_wait3A_576 = arith.constant 0 : i32
      %dma_wait3A_577 = arith.constant 0 : i32
      %dma_wait3A_578 = tpu.memref_slice %arg9[%dma_wait3A_576, %dma_wait3A_577] : memref<10240x32xf32, #tpu.memory_space<vmem_shared>> -> memref<10240x32xf32, #tpu.memory_space<vmem_shared>>
      %dma_wait3A_579 = tpu.memref_slice %arg11[%dma_wait3A_568] : memref<4x!tpu.dma_semaphore, #tpu.memory_space<semaphore_mem>> -> memref<1x!tpu.dma_semaphore, #tpu.memory_space<semaphore_mem>>
      %dma_wait3A_580 = tpu.memref_squeeze %dma_wait3A_579 : memref<1x!tpu.dma_semaphore, #tpu.memory_space<semaphore_mem>> -> memref<!tpu.dma_semaphore, #tpu.memory_space<semaphore_mem>>
      tpu.wait_indirect_dma semaphore(%dma_wait3A_580 : memref<!tpu.dma_semaphore, #tpu.memory_space<semaphore_mem>>) src(%dma_wait3A_572 : memref<128x32xf32, #tpu.memory_space<vmem>>) dst(%dma_wait3A_578 : memref<10240x32xf32, #tpu.memory_space<vmem_shared>>)
    } else {
    }
    %eq3A_31 = arith.constant 1 : i32
    %eq3A_32 = arith.cmpi eq, %arg0, %eq3A_31 : i32
    %convert_element_type3A_33 = arith.extui %eq3A_32 : i1 to i32
    %cond3A_34 = arith.constant 0 : i32
    %cond3A_35 = arith.cmpi ne, %convert_element_type3A_33, %cond3A_34 : i32
    scf.if %cond3A_35 {
      %dma_start3A_455 = arith.constant 0 : i32
      %dma_start3A_456 = arith.constant 0 : i32
      %dma_start3A_457 = arith.constant 0 : i32
      %dma_start3A_458 = arith.constant 0 : i32
      %dma_start3A_459 = arith.constant 0 : i32
      %dma_start3A_460 = tpu.memref_slice %arg8[%dma_start3A_456, %dma_start3A_458, %dma_start3A_459] : memref<4x128x32xf32, #tpu.memory_space<vmem>> -> memref<1x128x32xf32, #tpu.memory_space<vmem>>
      %dma_start3A_461 = tpu.memref_squeeze %dma_start3A_460 : memref<1x128x32xf32, #tpu.memory_space<vmem>> -> memref<128x32xf32, #tpu.memory_space<vmem>>
      %dma_start3A_462 = arith.constant 0 : i32
      %dma_start3A_463 = tpu.memref_slice %arg6[%dma_start3A_455, %dma_start3A_462] : memref<148x128xi32, #tpu.memory_space<vmem>> -> memref<1x128xi32, #tpu.memory_space<vmem>>
      %dma_start3A_464 = tpu.memref_squeeze %dma_start3A_463 : memref<1x128xi32, #tpu.memory_space<vmem>> -> memref<128xi32, #tpu.memory_space<vmem>>
      %dma_start3A_465 = arith.constant 0 : i32
      %dma_start3A_466 = arith.constant 0 : i32
      %dma_start3A_467 = tpu.memref_slice %arg2[%dma_start3A_465, %dma_start3A_466] : memref<10240x32xf32, #tpu.memory_space<hbm>> -> memref<10240x32xf32, #tpu.memory_space<hbm>>
      %dma_start3A_468 = tpu.memref_slice %arg10[%dma_start3A_457] : memref<4x!tpu.dma_semaphore, #tpu.memory_space<semaphore_mem>> -> memref<1x!tpu.dma_semaphore, #tpu.memory_space<semaphore_mem>>
      %dma_start3A_469 = tpu.memref_squeeze %dma_start3A_468 : memref<1x!tpu.dma_semaphore, #tpu.memory_space<semaphore_mem>> -> memref<!tpu.dma_semaphore, #tpu.memory_space<semaphore_mem>>
      tpu.enqueue_indirect_dma source(%dma_start3A_467 : memref<10240x32xf32, #tpu.memory_space<hbm>>) target(%dma_start3A_461 : memref<128x32xf32, #tpu.memory_space<vmem>>) offsets(%dma_start3A_464 : memref<128xi32, #tpu.memory_space<vmem>>) semaphore(%dma_start3A_469 : memref<!tpu.dma_semaphore, #tpu.memory_space<semaphore_mem>>)
      %dma_start3A_470 = arith.constant 1 : i32
      %dma_start3A_471 = arith.constant 1 : i32
      %dma_start3A_472 = arith.constant 1 : i32
      %dma_start3A_473 = arith.constant 0 : i32
      %dma_start3A_474 = arith.constant 0 : i32
      %dma_start3A_475 = tpu.memref_slice %arg8[%dma_start3A_471, %dma_start3A_473, %dma_start3A_474] : memref<4x128x32xf32, #tpu.memory_space<vmem>> -> memref<1x128x32xf32, #tpu.memory_space<vmem>>
      %dma_start3A_476 = tpu.memref_squeeze %dma_start3A_475 : memref<1x128x32xf32, #tpu.memory_space<vmem>> -> memref<128x32xf32, #tpu.memory_space<vmem>>
      %dma_start3A_477 = arith.constant 0 : i32
      %dma_start3A_478 = tpu.memref_slice %arg6[%dma_start3A_470, %dma_start3A_477] : memref<148x128xi32, #tpu.memory_space<vmem>> -> memref<1x128xi32, #tpu.memory_space<vmem>>
      %dma_start3A_479 = tpu.memref_squeeze %dma_start3A_478 : memref<1x128xi32, #tpu.memory_space<vmem>> -> memref<128xi32, #tpu.memory_space<vmem>>
      %dma_start3A_480 = arith.constant 0 : i32
      %dma_start3A_481 = arith.constant 0 : i32
      %dma_start3A_482 = tpu.memref_slice %arg2[%dma_start3A_480, %dma_start3A_481] : memref<10240x32xf32, #tpu.memory_space<hbm>> -> memref<10240x32xf32, #tpu.memory_space<hbm>>
      %dma_start3A_483 = tpu.memref_slice %arg10[%dma_start3A_472] : memref<4x!tpu.dma_semaphore, #tpu.memory_space<semaphore_mem>> -> memref<1x!tpu.dma_semaphore, #tpu.memory_space<semaphore_mem>>
      %dma_start3A_484 = tpu.memref_squeeze %dma_start3A_483 : memref<1x!tpu.dma_semaphore, #tpu.memory_space<semaphore_mem>> -> memref<!tpu.dma_semaphore, #tpu.memory_space<semaphore_mem>>
      tpu.enqueue_indirect_dma source(%dma_start3A_482 : memref<10240x32xf32, #tpu.memory_space<hbm>>) target(%dma_start3A_476 : memref<128x32xf32, #tpu.memory_space<vmem>>) offsets(%dma_start3A_479 : memref<128xi32, #tpu.memory_space<vmem>>) semaphore(%dma_start3A_484 : memref<!tpu.dma_semaphore, #tpu.memory_space<semaphore_mem>>)
      %dma_start3A_485 = arith.constant 2 : i32
      %dma_start3A_486 = arith.constant 2 : i32
      %dma_start3A_487 = arith.constant 2 : i32
      %dma_start3A_488 = arith.constant 0 : i32
      %dma_start3A_489 = arith.constant 0 : i32
      %dma_start3A_490 = tpu.memref_slice %arg8[%dma_start3A_486, %dma_start3A_488, %dma_start3A_489] : memref<4x128x32xf32, #tpu.memory_space<vmem>> -> memref<1x128x32xf32, #tpu.memory_space<vmem>>
      %dma_start3A_491 = tpu.memref_squeeze %dma_start3A_490 : memref<1x128x32xf32, #tpu.memory_space<vmem>> -> memref<128x32xf32, #tpu.memory_space<vmem>>
      %dma_start3A_492 = arith.constant 0 : i32
      %dma_start3A_493 = tpu.memref_slice %arg6[%dma_start3A_485, %dma_start3A_492] : memref<148x128xi32, #tpu.memory_space<vmem>> -> memref<1x128xi32, #tpu.memory_space<vmem>>
      %dma_start3A_494 = tpu.memref_squeeze %dma_start3A_493 : memref<1x128xi32, #tpu.memory_space<vmem>> -> memref<128xi32, #tpu.memory_space<vmem>>
      %dma_start3A_495 = arith.constant 0 : i32
      %dma_start3A_496 = arith.constant 0 : i32
      %dma_start3A_497 = tpu.memref_slice %arg2[%dma_start3A_495, %dma_start3A_496] : memref<10240x32xf32, #tpu.memory_space<hbm>> -> memref<10240x32xf32, #tpu.memory_space<hbm>>
      %dma_start3A_498 = tpu.memref_slice %arg10[%dma_start3A_487] : memref<4x!tpu.dma_semaphore, #tpu.memory_space<semaphore_mem>> -> memref<1x!tpu.dma_semaphore, #tpu.memory_space<semaphore_mem>>
      %dma_start3A_499 = tpu.memref_squeeze %dma_start3A_498 : memref<1x!tpu.dma_semaphore, #tpu.memory_space<semaphore_mem>> -> memref<!tpu.dma_semaphore, #tpu.memory_space<semaphore_mem>>
      tpu.enqueue_indirect_dma source(%dma_start3A_497 : memref<10240x32xf32, #tpu.memory_space<hbm>>) target(%dma_start3A_491 : memref<128x32xf32, #tpu.memory_space<vmem>>) offsets(%dma_start3A_494 : memref<128xi32, #tpu.memory_space<vmem>>) semaphore(%dma_start3A_499 : memref<!tpu.dma_semaphore, #tpu.memory_space<semaphore_mem>>)
      %dma_start3A_500 = arith.constant 3 : i32
      %dma_start3A_501 = arith.constant 3 : i32
      %dma_start3A_502 = arith.constant 3 : i32
      %dma_start3A_503 = arith.constant 0 : i32
      %dma_start3A_504 = arith.constant 0 : i32
      %dma_start3A_505 = tpu.memref_slice %arg8[%dma_start3A_501, %dma_start3A_503, %dma_start3A_504] : memref<4x128x32xf32, #tpu.memory_space<vmem>> -> memref<1x128x32xf32, #tpu.memory_space<vmem>>
      %dma_start3A_506 = tpu.memref_squeeze %dma_start3A_505 : memref<1x128x32xf32, #tpu.memory_space<vmem>> -> memref<128x32xf32, #tpu.memory_space<vmem>>
      %dma_start3A_507 = arith.constant 0 : i32
      %dma_start3A_508 = tpu.memref_slice %arg6[%dma_start3A_500, %dma_start3A_507] : memref<148x128xi32, #tpu.memory_space<vmem>> -> memref<1x128xi32, #tpu.memory_space<vmem>>
      %dma_start3A_509 = tpu.memref_squeeze %dma_start3A_508 : memref<1x128xi32, #tpu.memory_space<vmem>> -> memref<128xi32, #tpu.memory_space<vmem>>
      %dma_start3A_510 = arith.constant 0 : i32
      %dma_start3A_511 = arith.constant 0 : i32
      %dma_start3A_512 = tpu.memref_slice %arg2[%dma_start3A_510, %dma_start3A_511] : memref<10240x32xf32, #tpu.memory_space<hbm>> -> memref<10240x32xf32, #tpu.memory_space<hbm>>
      %dma_start3A_513 = tpu.memref_slice %arg10[%dma_start3A_502] : memref<4x!tpu.dma_semaphore, #tpu.memory_space<semaphore_mem>> -> memref<1x!tpu.dma_semaphore, #tpu.memory_space<semaphore_mem>>
      %dma_start3A_514 = tpu.memref_squeeze %dma_start3A_513 : memref<1x!tpu.dma_semaphore, #tpu.memory_space<semaphore_mem>> -> memref<!tpu.dma_semaphore, #tpu.memory_space<semaphore_mem>>
      tpu.enqueue_indirect_dma source(%dma_start3A_512 : memref<10240x32xf32, #tpu.memory_space<hbm>>) target(%dma_start3A_506 : memref<128x32xf32, #tpu.memory_space<vmem>>) offsets(%dma_start3A_509 : memref<128xi32, #tpu.memory_space<vmem>>) semaphore(%dma_start3A_514 : memref<!tpu.dma_semaphore, #tpu.memory_space<semaphore_mem>>)
      %scan3A_515 = arith.constant 0 : i32
      %scan3A_516 = arith.constant 0 : i32
      %scan3A_517 = arith.constant 4 : i32
      %scan3A_518 = arith.addi %scan3A_516, %scan3A_517 : i32
      %scan3A_519 = arith.constant 1 : i32
      scf.for %scan3A_581 = %scan3A_516 to %scan3A_518 step %scan3A_519  : i32 {
        %mul3A_582 = arith.constant 4 : i32
        %mul3A_583 = arith.muli %scan3A_581, %mul3A_582 : i32
        %add3A_584 = arith.constant 0 : i32
        %add3A_585 = arith.addi %mul3A_583, %add3A_584 : i32
        %dma_wait3A_586 = arith.constant 0 : i32
        %dma_wait3A_587 = arith.constant 0 : i32
        %dma_wait3A_588 = arith.constant 0 : i32
        %dma_wait3A_589 = arith.constant 0 : i32
        %dma_wait3A_590 = tpu.memref_slice %arg8[%dma_wait3A_586, %dma_wait3A_588, %dma_wait3A_589] : memref<4x128x32xf32, #tpu.memory_space<vmem>> -> memref<1x128x32xf32, #tpu.memory_space<vmem>>
        %dma_wait3A_591 = tpu.memref_squeeze %dma_wait3A_590 : memref<1x128x32xf32, #tpu.memory_space<vmem>> -> memref<128x32xf32, #tpu.memory_space<vmem>>
        %dma_wait3A_592 = arith.constant 0 : i32
        %dma_wait3A_593 = tpu.memref_slice %arg6[%add3A_585, %dma_wait3A_592] : memref<148x128xi32, #tpu.memory_space<vmem>> -> memref<1x128xi32, #tpu.memory_space<vmem>>
        %dma_wait3A_594 = tpu.memref_squeeze %dma_wait3A_593 : memref<1x128xi32, #tpu.memory_space<vmem>> -> memref<128xi32, #tpu.memory_space<vmem>>
        %dma_wait3A_595 = arith.constant 0 : i32
        %dma_wait3A_596 = arith.constant 0 : i32
        %dma_wait3A_597 = tpu.memref_slice %arg2[%dma_wait3A_595, %dma_wait3A_596] : memref<10240x32xf32, #tpu.memory_space<hbm>> -> memref<10240x32xf32, #tpu.memory_space<hbm>>
        %dma_wait3A_598 = tpu.memref_slice %arg10[%dma_wait3A_587] : memref<4x!tpu.dma_semaphore, #tpu.memory_space<semaphore_mem>> -> memref<1x!tpu.dma_semaphore, #tpu.memory_space<semaphore_mem>>
        %dma_wait3A_599 = tpu.memref_squeeze %dma_wait3A_598 : memref<1x!tpu.dma_semaphore, #tpu.memory_space<semaphore_mem>> -> memref<!tpu.dma_semaphore, #tpu.memory_space<semaphore_mem>>
        tpu.wait_indirect_dma semaphore(%dma_wait3A_599 : memref<!tpu.dma_semaphore, #tpu.memory_space<semaphore_mem>>) src(%dma_wait3A_597 : memref<10240x32xf32, #tpu.memory_space<hbm>>) dst(%dma_wait3A_591 : memref<128x32xf32, #tpu.memory_space<vmem>>)
        %mul3A_600 = arith.constant 4 : i32
        %mul3A_601 = arith.muli %scan3A_581, %mul3A_600 : i32
        %add3A_602 = arith.constant 0 : i32
        %add3A_603 = arith.addi %mul3A_601, %add3A_602 : i32
        %dma_start3A_604 = arith.constant 0 : i32
        %dma_start3A_605 = arith.constant 0 : i32
        %dma_start3A_606 = arith.constant 0 : i32
        %dma_start3A_607 = arith.constant 0 : i32
        %dma_start3A_608 = tpu.memref_slice %arg8[%dma_start3A_604, %dma_start3A_606, %dma_start3A_607] : memref<4x128x32xf32, #tpu.memory_space<vmem>> -> memref<1x128x32xf32, #tpu.memory_space<vmem>>
        %dma_start3A_609 = tpu.memref_squeeze %dma_start3A_608 : memref<1x128x32xf32, #tpu.memory_space<vmem>> -> memref<128x32xf32, #tpu.memory_space<vmem>>
        %dma_start3A_610 = arith.constant 0 : i32
        %dma_start3A_611 = tpu.memref_slice %arg7[%add3A_603, %dma_start3A_610] : memref<148x128xi32, #tpu.memory_space<vmem>> -> memref<1x128xi32, #tpu.memory_space<vmem>>
        %dma_start3A_612 = tpu.memref_squeeze %dma_start3A_611 : memref<1x128xi32, #tpu.memory_space<vmem>> -> memref<128xi32, #tpu.memory_space<vmem>>
        %dma_start3A_613 = arith.constant 0 : i32
        %dma_start3A_614 = arith.constant 0 : i32
        %dma_start3A_615 = tpu.memref_slice %arg9[%dma_start3A_613, %dma_start3A_614] : memref<10240x32xf32, #tpu.memory_space<vmem_shared>> -> memref<10240x32xf32, #tpu.memory_space<vmem_shared>>
        %dma_start3A_616 = tpu.memref_slice %arg11[%dma_start3A_605] : memref<4x!tpu.dma_semaphore, #tpu.memory_space<semaphore_mem>> -> memref<1x!tpu.dma_semaphore, #tpu.memory_space<semaphore_mem>>
        %dma_start3A_617 = tpu.memref_squeeze %dma_start3A_616 : memref<1x!tpu.dma_semaphore, #tpu.memory_space<semaphore_mem>> -> memref<!tpu.dma_semaphore, #tpu.memory_space<semaphore_mem>>
        tpu.enqueue_indirect_dma source(%dma_start3A_609 : memref<128x32xf32, #tpu.memory_space<vmem>>) target(%dma_start3A_615 : memref<10240x32xf32, #tpu.memory_space<vmem_shared>>) offsets(%dma_start3A_612 : memref<128xi32, #tpu.memory_space<vmem>>) semaphore(%dma_start3A_617 : memref<!tpu.dma_semaphore, #tpu.memory_space<semaphore_mem>>) {add = true}
        %mul3A_618 = arith.constant 4 : i32
        %mul3A_619 = arith.muli %scan3A_581, %mul3A_618 : i32
        %add3A_620 = arith.constant 1 : i32
        %add3A_621 = arith.addi %mul3A_619, %add3A_620 : i32
        %dma_wait3A_622 = arith.constant 1 : i32
        %dma_wait3A_623 = arith.constant 1 : i32
        %dma_wait3A_624 = arith.constant 0 : i32
        %dma_wait3A_625 = arith.constant 0 : i32
        %dma_wait3A_626 = tpu.memref_slice %arg8[%dma_wait3A_622, %dma_wait3A_624, %dma_wait3A_625] : memref<4x128x32xf32, #tpu.memory_space<vmem>> -> memref<1x128x32xf32, #tpu.memory_space<vmem>>
        %dma_wait3A_627 = tpu.memref_squeeze %dma_wait3A_626 : memref<1x128x32xf32, #tpu.memory_space<vmem>> -> memref<128x32xf32, #tpu.memory_space<vmem>>
        %dma_wait3A_628 = arith.constant 0 : i32
        %dma_wait3A_629 = tpu.memref_slice %arg6[%add3A_621, %dma_wait3A_628] : memref<148x128xi32, #tpu.memory_space<vmem>> -> memref<1x128xi32, #tpu.memory_space<vmem>>
        %dma_wait3A_630 = tpu.memref_squeeze %dma_wait3A_629 : memref<1x128xi32, #tpu.memory_space<vmem>> -> memref<128xi32, #tpu.memory_space<vmem>>
        %dma_wait3A_631 = arith.constant 0 : i32
        %dma_wait3A_632 = arith.constant 0 : i32
        %dma_wait3A_633 = tpu.memref_slice %arg2[%dma_wait3A_631, %dma_wait3A_632] : memref<10240x32xf32, #tpu.memory_space<hbm>> -> memref<10240x32xf32, #tpu.memory_space<hbm>>
        %dma_wait3A_634 = tpu.memref_slice %arg10[%dma_wait3A_623] : memref<4x!tpu.dma_semaphore, #tpu.memory_space<semaphore_mem>> -> memref<1x!tpu.dma_semaphore, #tpu.memory_space<semaphore_mem>>
        %dma_wait3A_635 = tpu.memref_squeeze %dma_wait3A_634 : memref<1x!tpu.dma_semaphore, #tpu.memory_space<semaphore_mem>> -> memref<!tpu.dma_semaphore, #tpu.memory_space<semaphore_mem>>
        tpu.wait_indirect_dma semaphore(%dma_wait3A_635 : memref<!tpu.dma_semaphore, #tpu.memory_space<semaphore_mem>>) src(%dma_wait3A_633 : memref<10240x32xf32, #tpu.memory_space<hbm>>) dst(%dma_wait3A_627 : memref<128x32xf32, #tpu.memory_space<vmem>>)
        %mul3A_636 = arith.constant 4 : i32
        %mul3A_637 = arith.muli %scan3A_581, %mul3A_636 : i32
        %add3A_638 = arith.constant 1 : i32
        %add3A_639 = arith.addi %mul3A_637, %add3A_638 : i32
        %dma_start3A_640 = arith.constant 1 : i32
        %dma_start3A_641 = arith.constant 1 : i32
        %dma_start3A_642 = arith.constant 0 : i32
        %dma_start3A_643 = arith.constant 0 : i32
        %dma_start3A_644 = tpu.memref_slice %arg8[%dma_start3A_640, %dma_start3A_642, %dma_start3A_643] : memref<4x128x32xf32, #tpu.memory_space<vmem>> -> memref<1x128x32xf32, #tpu.memory_space<vmem>>
        %dma_start3A_645 = tpu.memref_squeeze %dma_start3A_644 : memref<1x128x32xf32, #tpu.memory_space<vmem>> -> memref<128x32xf32, #tpu.memory_space<vmem>>
        %dma_start3A_646 = arith.constant 0 : i32
        %dma_start3A_647 = tpu.memref_slice %arg7[%add3A_639, %dma_start3A_646] : memref<148x128xi32, #tpu.memory_space<vmem>> -> memref<1x128xi32, #tpu.memory_space<vmem>>
        %dma_start3A_648 = tpu.memref_squeeze %dma_start3A_647 : memref<1x128xi32, #tpu.memory_space<vmem>> -> memref<128xi32, #tpu.memory_space<vmem>>
        %dma_start3A_649 = arith.constant 0 : i32
        %dma_start3A_650 = arith.constant 0 : i32
        %dma_start3A_651 = tpu.memref_slice %arg9[%dma_start3A_649, %dma_start3A_650] : memref<10240x32xf32, #tpu.memory_space<vmem_shared>> -> memref<10240x32xf32, #tpu.memory_space<vmem_shared>>
        %dma_start3A_652 = tpu.memref_slice %arg11[%dma_start3A_641] : memref<4x!tpu.dma_semaphore, #tpu.memory_space<semaphore_mem>> -> memref<1x!tpu.dma_semaphore, #tpu.memory_space<semaphore_mem>>
        %dma_start3A_653 = tpu.memref_squeeze %dma_start3A_652 : memref<1x!tpu.dma_semaphore, #tpu.memory_space<semaphore_mem>> -> memref<!tpu.dma_semaphore, #tpu.memory_space<semaphore_mem>>
        tpu.enqueue_indirect_dma source(%dma_start3A_645 : memref<128x32xf32, #tpu.memory_space<vmem>>) target(%dma_start3A_651 : memref<10240x32xf32, #tpu.memory_space<vmem_shared>>) offsets(%dma_start3A_648 : memref<128xi32, #tpu.memory_space<vmem>>) semaphore(%dma_start3A_653 : memref<!tpu.dma_semaphore, #tpu.memory_space<semaphore_mem>>) {add = true}
        %mul3A_654 = arith.constant 4 : i32
        %mul3A_655 = arith.muli %scan3A_581, %mul3A_654 : i32
        %add3A_656 = arith.constant 2 : i32
        %add3A_657 = arith.addi %mul3A_655, %add3A_656 : i32
        %dma_wait3A_658 = arith.constant 2 : i32
        %dma_wait3A_659 = arith.constant 2 : i32
        %dma_wait3A_660 = arith.constant 0 : i32
        %dma_wait3A_661 = arith.constant 0 : i32
        %dma_wait3A_662 = tpu.memref_slice %arg8[%dma_wait3A_658, %dma_wait3A_660, %dma_wait3A_661] : memref<4x128x32xf32, #tpu.memory_space<vmem>> -> memref<1x128x32xf32, #tpu.memory_space<vmem>>
        %dma_wait3A_663 = tpu.memref_squeeze %dma_wait3A_662 : memref<1x128x32xf32, #tpu.memory_space<vmem>> -> memref<128x32xf32, #tpu.memory_space<vmem>>
        %dma_wait3A_664 = arith.constant 0 : i32
        %dma_wait3A_665 = tpu.memref_slice %arg6[%add3A_657, %dma_wait3A_664] : memref<148x128xi32, #tpu.memory_space<vmem>> -> memref<1x128xi32, #tpu.memory_space<vmem>>
        %dma_wait3A_666 = tpu.memref_squeeze %dma_wait3A_665 : memref<1x128xi32, #tpu.memory_space<vmem>> -> memref<128xi32, #tpu.memory_space<vmem>>
        %dma_wait3A_667 = arith.constant 0 : i32
        %dma_wait3A_668 = arith.constant 0 : i32
        %dma_wait3A_669 = tpu.memref_slice %arg2[%dma_wait3A_667, %dma_wait3A_668] : memref<10240x32xf32, #tpu.memory_space<hbm>> -> memref<10240x32xf32, #tpu.memory_space<hbm>>
        %dma_wait3A_670 = tpu.memref_slice %arg10[%dma_wait3A_659] : memref<4x!tpu.dma_semaphore, #tpu.memory_space<semaphore_mem>> -> memref<1x!tpu.dma_semaphore, #tpu.memory_space<semaphore_mem>>
        %dma_wait3A_671 = tpu.memref_squeeze %dma_wait3A_670 : memref<1x!tpu.dma_semaphore, #tpu.memory_space<semaphore_mem>> -> memref<!tpu.dma_semaphore, #tpu.memory_space<semaphore_mem>>
        tpu.wait_indirect_dma semaphore(%dma_wait3A_671 : memref<!tpu.dma_semaphore, #tpu.memory_space<semaphore_mem>>) src(%dma_wait3A_669 : memref<10240x32xf32, #tpu.memory_space<hbm>>) dst(%dma_wait3A_663 : memref<128x32xf32, #tpu.memory_space<vmem>>)
        %mul3A_672 = arith.constant 4 : i32
        %mul3A_673 = arith.muli %scan3A_581, %mul3A_672 : i32
        %add3A_674 = arith.constant 2 : i32
        %add3A_675 = arith.addi %mul3A_673, %add3A_674 : i32
        %dma_start3A_676 = arith.constant 2 : i32
        %dma_start3A_677 = arith.constant 2 : i32
        %dma_start3A_678 = arith.constant 0 : i32
        %dma_start3A_679 = arith.constant 0 : i32
        %dma_start3A_680 = tpu.memref_slice %arg8[%dma_start3A_676, %dma_start3A_678, %dma_start3A_679] : memref<4x128x32xf32, #tpu.memory_space<vmem>> -> memref<1x128x32xf32, #tpu.memory_space<vmem>>
        %dma_start3A_681 = tpu.memref_squeeze %dma_start3A_680 : memref<1x128x32xf32, #tpu.memory_space<vmem>> -> memref<128x32xf32, #tpu.memory_space<vmem>>
        %dma_start3A_682 = arith.constant 0 : i32
        %dma_start3A_683 = tpu.memref_slice %arg7[%add3A_675, %dma_start3A_682] : memref<148x128xi32, #tpu.memory_space<vmem>> -> memref<1x128xi32, #tpu.memory_space<vmem>>
        %dma_start3A_684 = tpu.memref_squeeze %dma_start3A_683 : memref<1x128xi32, #tpu.memory_space<vmem>> -> memref<128xi32, #tpu.memory_space<vmem>>
        %dma_start3A_685 = arith.constant 0 : i32
        %dma_start3A_686 = arith.constant 0 : i32
        %dma_start3A_687 = tpu.memref_slice %arg9[%dma_start3A_685, %dma_start3A_686] : memref<10240x32xf32, #tpu.memory_space<vmem_shared>> -> memref<10240x32xf32, #tpu.memory_space<vmem_shared>>
        %dma_start3A_688 = tpu.memref_slice %arg11[%dma_start3A_677] : memref<4x!tpu.dma_semaphore, #tpu.memory_space<semaphore_mem>> -> memref<1x!tpu.dma_semaphore, #tpu.memory_space<semaphore_mem>>
        %dma_start3A_689 = tpu.memref_squeeze %dma_start3A_688 : memref<1x!tpu.dma_semaphore, #tpu.memory_space<semaphore_mem>> -> memref<!tpu.dma_semaphore, #tpu.memory_space<semaphore_mem>>
        tpu.enqueue_indirect_dma source(%dma_start3A_681 : memref<128x32xf32, #tpu.memory_space<vmem>>) target(%dma_start3A_687 : memref<10240x32xf32, #tpu.memory_space<vmem_shared>>) offsets(%dma_start3A_684 : memref<128xi32, #tpu.memory_space<vmem>>) semaphore(%dma_start3A_689 : memref<!tpu.dma_semaphore, #tpu.memory_space<semaphore_mem>>) {add = true}
        %mul3A_690 = arith.constant 4 : i32
        %mul3A_691 = arith.muli %scan3A_581, %mul3A_690 : i32
        %add3A_692 = arith.constant 3 : i32
        %add3A_693 = arith.addi %mul3A_691, %add3A_692 : i32
        %dma_wait3A_694 = arith.constant 3 : i32
        %dma_wait3A_695 = arith.constant 3 : i32
        %dma_wait3A_696 = arith.constant 0 : i32
        %dma_wait3A_697 = arith.constant 0 : i32
        %dma_wait3A_698 = tpu.memref_slice %arg8[%dma_wait3A_694, %dma_wait3A_696, %dma_wait3A_697] : memref<4x128x32xf32, #tpu.memory_space<vmem>> -> memref<1x128x32xf32, #tpu.memory_space<vmem>>
        %dma_wait3A_699 = tpu.memref_squeeze %dma_wait3A_698 : memref<1x128x32xf32, #tpu.memory_space<vmem>> -> memref<128x32xf32, #tpu.memory_space<vmem>>
        %dma_wait3A_700 = arith.constant 0 : i32
        %dma_wait3A_701 = tpu.memref_slice %arg6[%add3A_693, %dma_wait3A_700] : memref<148x128xi32, #tpu.memory_space<vmem>> -> memref<1x128xi32, #tpu.memory_space<vmem>>
        %dma_wait3A_702 = tpu.memref_squeeze %dma_wait3A_701 : memref<1x128xi32, #tpu.memory_space<vmem>> -> memref<128xi32, #tpu.memory_space<vmem>>
        %dma_wait3A_703 = arith.constant 0 : i32
        %dma_wait3A_704 = arith.constant 0 : i32
        %dma_wait3A_705 = tpu.memref_slice %arg2[%dma_wait3A_703, %dma_wait3A_704] : memref<10240x32xf32, #tpu.memory_space<hbm>> -> memref<10240x32xf32, #tpu.memory_space<hbm>>
        %dma_wait3A_706 = tpu.memref_slice %arg10[%dma_wait3A_695] : memref<4x!tpu.dma_semaphore, #tpu.memory_space<semaphore_mem>> -> memref<1x!tpu.dma_semaphore, #tpu.memory_space<semaphore_mem>>
        %dma_wait3A_707 = tpu.memref_squeeze %dma_wait3A_706 : memref<1x!tpu.dma_semaphore, #tpu.memory_space<semaphore_mem>> -> memref<!tpu.dma_semaphore, #tpu.memory_space<semaphore_mem>>
        tpu.wait_indirect_dma semaphore(%dma_wait3A_707 : memref<!tpu.dma_semaphore, #tpu.memory_space<semaphore_mem>>) src(%dma_wait3A_705 : memref<10240x32xf32, #tpu.memory_space<hbm>>) dst(%dma_wait3A_699 : memref<128x32xf32, #tpu.memory_space<vmem>>)
        %mul3A_708 = arith.constant 4 : i32
        %mul3A_709 = arith.muli %scan3A_581, %mul3A_708 : i32
        %add3A_710 = arith.constant 3 : i32
        %add3A_711 = arith.addi %mul3A_709, %add3A_710 : i32
        %dma_start3A_712 = arith.constant 3 : i32
        %dma_start3A_713 = arith.constant 3 : i32
        %dma_start3A_714 = arith.constant 0 : i32
        %dma_start3A_715 = arith.constant 0 : i32
        %dma_start3A_716 = tpu.memref_slice %arg8[%dma_start3A_712, %dma_start3A_714, %dma_start3A_715] : memref<4x128x32xf32, #tpu.memory_space<vmem>> -> memref<1x128x32xf32, #tpu.memory_space<vmem>>
        %dma_start3A_717 = tpu.memref_squeeze %dma_start3A_716 : memref<1x128x32xf32, #tpu.memory_space<vmem>> -> memref<128x32xf32, #tpu.memory_space<vmem>>
        %dma_start3A_718 = arith.constant 0 : i32
        %dma_start3A_719 = tpu.memref_slice %arg7[%add3A_711, %dma_start3A_718] : memref<148x128xi32, #tpu.memory_space<vmem>> -> memref<1x128xi32, #tpu.memory_space<vmem>>
        %dma_start3A_720 = tpu.memref_squeeze %dma_start3A_719 : memref<1x128xi32, #tpu.memory_space<vmem>> -> memref<128xi32, #tpu.memory_space<vmem>>
        %dma_start3A_721 = arith.constant 0 : i32
        %dma_start3A_722 = arith.constant 0 : i32
        %dma_start3A_723 = tpu.memref_slice %arg9[%dma_start3A_721, %dma_start3A_722] : memref<10240x32xf32, #tpu.memory_space<vmem_shared>> -> memref<10240x32xf32, #tpu.memory_space<vmem_shared>>
        %dma_start3A_724 = tpu.memref_slice %arg11[%dma_start3A_713] : memref<4x!tpu.dma_semaphore, #tpu.memory_space<semaphore_mem>> -> memref<1x!tpu.dma_semaphore, #tpu.memory_space<semaphore_mem>>
        %dma_start3A_725 = tpu.memref_squeeze %dma_start3A_724 : memref<1x!tpu.dma_semaphore, #tpu.memory_space<semaphore_mem>> -> memref<!tpu.dma_semaphore, #tpu.memory_space<semaphore_mem>>
        tpu.enqueue_indirect_dma source(%dma_start3A_717 : memref<128x32xf32, #tpu.memory_space<vmem>>) target(%dma_start3A_723 : memref<10240x32xf32, #tpu.memory_space<vmem_shared>>) offsets(%dma_start3A_720 : memref<128xi32, #tpu.memory_space<vmem>>) semaphore(%dma_start3A_725 : memref<!tpu.dma_semaphore, #tpu.memory_space<semaphore_mem>>) {add = true}
        %lt3A = arith.constant 3 : i32
        %lt3A_726 = arith.cmpi slt, %scan3A_581, %lt3A : i32
        %convert_element_type3A_727 = arith.extui %lt3A_726 : i1 to i32
        %cond3A_728 = arith.constant 0 : i32
        %cond3A_729 = arith.cmpi ne, %convert_element_type3A_727, %cond3A_728 : i32
        scf.if %cond3A_729 {
          %mul3A_730 = arith.constant 4 : i32
          %mul3A_731 = arith.muli %scan3A_581, %mul3A_730 : i32
          %add3A_732 = arith.constant 0 : i32
          %add3A_733 = arith.addi %mul3A_731, %add3A_732 : i32
          %dma_wait3A_734 = arith.constant 0 : i32
          %dma_wait3A_735 = arith.constant 0 : i32
          %dma_wait3A_736 = arith.constant 0 : i32
          %dma_wait3A_737 = arith.constant 0 : i32
          %dma_wait3A_738 = tpu.memref_slice %arg8[%dma_wait3A_734, %dma_wait3A_736, %dma_wait3A_737] : memref<4x128x32xf32, #tpu.memory_space<vmem>> -> memref<1x128x32xf32, #tpu.memory_space<vmem>>
          %dma_wait3A_739 = tpu.memref_squeeze %dma_wait3A_738 : memref<1x128x32xf32, #tpu.memory_space<vmem>> -> memref<128x32xf32, #tpu.memory_space<vmem>>
          %dma_wait3A_740 = arith.constant 0 : i32
          %dma_wait3A_741 = tpu.memref_slice %arg7[%add3A_733, %dma_wait3A_740] : memref<148x128xi32, #tpu.memory_space<vmem>> -> memref<1x128xi32, #tpu.memory_space<vmem>>
          %dma_wait3A_742 = tpu.memref_squeeze %dma_wait3A_741 : memref<1x128xi32, #tpu.memory_space<vmem>> -> memref<128xi32, #tpu.memory_space<vmem>>
          %dma_wait3A_743 = arith.constant 0 : i32
          %dma_wait3A_744 = arith.constant 0 : i32
          %dma_wait3A_745 = tpu.memref_slice %arg9[%dma_wait3A_743, %dma_wait3A_744] : memref<10240x32xf32, #tpu.memory_space<vmem_shared>> -> memref<10240x32xf32, #tpu.memory_space<vmem_shared>>
          %dma_wait3A_746 = tpu.memref_slice %arg11[%dma_wait3A_735] : memref<4x!tpu.dma_semaphore, #tpu.memory_space<semaphore_mem>> -> memref<1x!tpu.dma_semaphore, #tpu.memory_space<semaphore_mem>>
          %dma_wait3A_747 = tpu.memref_squeeze %dma_wait3A_746 : memref<1x!tpu.dma_semaphore, #tpu.memory_space<semaphore_mem>> -> memref<!tpu.dma_semaphore, #tpu.memory_space<semaphore_mem>>
          tpu.wait_indirect_dma semaphore(%dma_wait3A_747 : memref<!tpu.dma_semaphore, #tpu.memory_space<semaphore_mem>>) src(%dma_wait3A_739 : memref<128x32xf32, #tpu.memory_space<vmem>>) dst(%dma_wait3A_745 : memref<10240x32xf32, #tpu.memory_space<vmem_shared>>)
          %add3A_748 = arith.constant 1 : i32
          %add3A_749 = arith.addi %scan3A_581, %add3A_748 : i32
          %mul3A_750 = arith.constant 4 : i32
          %mul3A_751 = arith.muli %add3A_749, %mul3A_750 : i32
          %add3A_752 = arith.constant 0 : i32
          %add3A_753 = arith.addi %mul3A_751, %add3A_752 : i32
          %dma_start3A_754 = arith.constant 0 : i32
          %dma_start3A_755 = arith.constant 0 : i32
          %dma_start3A_756 = arith.constant 0 : i32
          %dma_start3A_757 = arith.constant 0 : i32
          %dma_start3A_758 = tpu.memref_slice %arg8[%dma_start3A_754, %dma_start3A_756, %dma_start3A_757] : memref<4x128x32xf32, #tpu.memory_space<vmem>> -> memref<1x128x32xf32, #tpu.memory_space<vmem>>
          %dma_start3A_759 = tpu.memref_squeeze %dma_start3A_758 : memref<1x128x32xf32, #tpu.memory_space<vmem>> -> memref<128x32xf32, #tpu.memory_space<vmem>>
          %dma_start3A_760 = arith.constant 0 : i32
          %dma_start3A_761 = tpu.memref_slice %arg6[%add3A_753, %dma_start3A_760] : memref<148x128xi32, #tpu.memory_space<vmem>> -> memref<1x128xi32, #tpu.memory_space<vmem>>
          %dma_start3A_762 = tpu.memref_squeeze %dma_start3A_761 : memref<1x128xi32, #tpu.memory_space<vmem>> -> memref<128xi32, #tpu.memory_space<vmem>>
          %dma_start3A_763 = arith.constant 0 : i32
          %dma_start3A_764 = arith.constant 0 : i32
          %dma_start3A_765 = tpu.memref_slice %arg2[%dma_start3A_763, %dma_start3A_764] : memref<10240x32xf32, #tpu.memory_space<hbm>> -> memref<10240x32xf32, #tpu.memory_space<hbm>>
          %dma_start3A_766 = tpu.memref_slice %arg10[%dma_start3A_755] : memref<4x!tpu.dma_semaphore, #tpu.memory_space<semaphore_mem>> -> memref<1x!tpu.dma_semaphore, #tpu.memory_space<semaphore_mem>>
          %dma_start3A_767 = tpu.memref_squeeze %dma_start3A_766 : memref<1x!tpu.dma_semaphore, #tpu.memory_space<semaphore_mem>> -> memref<!tpu.dma_semaphore, #tpu.memory_space<semaphore_mem>>
          tpu.enqueue_indirect_dma source(%dma_start3A_765 : memref<10240x32xf32, #tpu.memory_space<hbm>>) target(%dma_start3A_759 : memref<128x32xf32, #tpu.memory_space<vmem>>) offsets(%dma_start3A_762 : memref<128xi32, #tpu.memory_space<vmem>>) semaphore(%dma_start3A_767 : memref<!tpu.dma_semaphore, #tpu.memory_space<semaphore_mem>>)
          %mul3A_768 = arith.constant 4 : i32
          %mul3A_769 = arith.muli %scan3A_581, %mul3A_768 : i32
          %add3A_770 = arith.constant 1 : i32
          %add3A_771 = arith.addi %mul3A_769, %add3A_770 : i32
          %dma_wait3A_772 = arith.constant 1 : i32
          %dma_wait3A_773 = arith.constant 1 : i32
          %dma_wait3A_774 = arith.constant 0 : i32
          %dma_wait3A_775 = arith.constant 0 : i32
          %dma_wait3A_776 = tpu.memref_slice %arg8[%dma_wait3A_772, %dma_wait3A_774, %dma_wait3A_775] : memref<4x128x32xf32, #tpu.memory_space<vmem>> -> memref<1x128x32xf32, #tpu.memory_space<vmem>>
          %dma_wait3A_777 = tpu.memref_squeeze %dma_wait3A_776 : memref<1x128x32xf32, #tpu.memory_space<vmem>> -> memref<128x32xf32, #tpu.memory_space<vmem>>
          %dma_wait3A_778 = arith.constant 0 : i32
          %dma_wait3A_779 = tpu.memref_slice %arg7[%add3A_771, %dma_wait3A_778] : memref<148x128xi32, #tpu.memory_space<vmem>> -> memref<1x128xi32, #tpu.memory_space<vmem>>
          %dma_wait3A_780 = tpu.memref_squeeze %dma_wait3A_779 : memref<1x128xi32, #tpu.memory_space<vmem>> -> memref<128xi32, #tpu.memory_space<vmem>>
          %dma_wait3A_781 = arith.constant 0 : i32
          %dma_wait3A_782 = arith.constant 0 : i32
          %dma_wait3A_783 = tpu.memref_slice %arg9[%dma_wait3A_781, %dma_wait3A_782] : memref<10240x32xf32, #tpu.memory_space<vmem_shared>> -> memref<10240x32xf32, #tpu.memory_space<vmem_shared>>
          %dma_wait3A_784 = tpu.memref_slice %arg11[%dma_wait3A_773] : memref<4x!tpu.dma_semaphore, #tpu.memory_space<semaphore_mem>> -> memref<1x!tpu.dma_semaphore, #tpu.memory_space<semaphore_mem>>
          %dma_wait3A_785 = tpu.memref_squeeze %dma_wait3A_784 : memref<1x!tpu.dma_semaphore, #tpu.memory_space<semaphore_mem>> -> memref<!tpu.dma_semaphore, #tpu.memory_space<semaphore_mem>>
          tpu.wait_indirect_dma semaphore(%dma_wait3A_785 : memref<!tpu.dma_semaphore, #tpu.memory_space<semaphore_mem>>) src(%dma_wait3A_777 : memref<128x32xf32, #tpu.memory_space<vmem>>) dst(%dma_wait3A_783 : memref<10240x32xf32, #tpu.memory_space<vmem_shared>>)
          %add3A_786 = arith.constant 1 : i32
          %add3A_787 = arith.addi %scan3A_581, %add3A_786 : i32
          %mul3A_788 = arith.constant 4 : i32
          %mul3A_789 = arith.muli %add3A_787, %mul3A_788 : i32
          %add3A_790 = arith.constant 1 : i32
          %add3A_791 = arith.addi %mul3A_789, %add3A_790 : i32
          %dma_start3A_792 = arith.constant 1 : i32
          %dma_start3A_793 = arith.constant 1 : i32
          %dma_start3A_794 = arith.constant 0 : i32
          %dma_start3A_795 = arith.constant 0 : i32
          %dma_start3A_796 = tpu.memref_slice %arg8[%dma_start3A_792, %dma_start3A_794, %dma_start3A_795] : memref<4x128x32xf32, #tpu.memory_space<vmem>> -> memref<1x128x32xf32, #tpu.memory_space<vmem>>
          %dma_start3A_797 = tpu.memref_squeeze %dma_start3A_796 : memref<1x128x32xf32, #tpu.memory_space<vmem>> -> memref<128x32xf32, #tpu.memory_space<vmem>>
          %dma_start3A_798 = arith.constant 0 : i32
          %dma_start3A_799 = tpu.memref_slice %arg6[%add3A_791, %dma_start3A_798] : memref<148x128xi32, #tpu.memory_space<vmem>> -> memref<1x128xi32, #tpu.memory_space<vmem>>
          %dma_start3A_800 = tpu.memref_squeeze %dma_start3A_799 : memref<1x128xi32, #tpu.memory_space<vmem>> -> memref<128xi32, #tpu.memory_space<vmem>>
          %dma_start3A_801 = arith.constant 0 : i32
          %dma_start3A_802 = arith.constant 0 : i32
          %dma_start3A_803 = tpu.memref_slice %arg2[%dma_start3A_801, %dma_start3A_802] : memref<10240x32xf32, #tpu.memory_space<hbm>> -> memref<10240x32xf32, #tpu.memory_space<hbm>>
          %dma_start3A_804 = tpu.memref_slice %arg10[%dma_start3A_793] : memref<4x!tpu.dma_semaphore, #tpu.memory_space<semaphore_mem>> -> memref<1x!tpu.dma_semaphore, #tpu.memory_space<semaphore_mem>>
          %dma_start3A_805 = tpu.memref_squeeze %dma_start3A_804 : memref<1x!tpu.dma_semaphore, #tpu.memory_space<semaphore_mem>> -> memref<!tpu.dma_semaphore, #tpu.memory_space<semaphore_mem>>
          tpu.enqueue_indirect_dma source(%dma_start3A_803 : memref<10240x32xf32, #tpu.memory_space<hbm>>) target(%dma_start3A_797 : memref<128x32xf32, #tpu.memory_space<vmem>>) offsets(%dma_start3A_800 : memref<128xi32, #tpu.memory_space<vmem>>) semaphore(%dma_start3A_805 : memref<!tpu.dma_semaphore, #tpu.memory_space<semaphore_mem>>)
          %mul3A_806 = arith.constant 4 : i32
          %mul3A_807 = arith.muli %scan3A_581, %mul3A_806 : i32
          %add3A_808 = arith.constant 2 : i32
          %add3A_809 = arith.addi %mul3A_807, %add3A_808 : i32
          %dma_wait3A_810 = arith.constant 2 : i32
          %dma_wait3A_811 = arith.constant 2 : i32
          %dma_wait3A_812 = arith.constant 0 : i32
          %dma_wait3A_813 = arith.constant 0 : i32
          %dma_wait3A_814 = tpu.memref_slice %arg8[%dma_wait3A_810, %dma_wait3A_812, %dma_wait3A_813] : memref<4x128x32xf32, #tpu.memory_space<vmem>> -> memref<1x128x32xf32, #tpu.memory_space<vmem>>
          %dma_wait3A_815 = tpu.memref_squeeze %dma_wait3A_814 : memref<1x128x32xf32, #tpu.memory_space<vmem>> -> memref<128x32xf32, #tpu.memory_space<vmem>>
          %dma_wait3A_816 = arith.constant 0 : i32
          %dma_wait3A_817 = tpu.memref_slice %arg7[%add3A_809, %dma_wait3A_816] : memref<148x128xi32, #tpu.memory_space<vmem>> -> memref<1x128xi32, #tpu.memory_space<vmem>>
          %dma_wait3A_818 = tpu.memref_squeeze %dma_wait3A_817 : memref<1x128xi32, #tpu.memory_space<vmem>> -> memref<128xi32, #tpu.memory_space<vmem>>
          %dma_wait3A_819 = arith.constant 0 : i32
          %dma_wait3A_820 = arith.constant 0 : i32
          %dma_wait3A_821 = tpu.memref_slice %arg9[%dma_wait3A_819, %dma_wait3A_820] : memref<10240x32xf32, #tpu.memory_space<vmem_shared>> -> memref<10240x32xf32, #tpu.memory_space<vmem_shared>>
          %dma_wait3A_822 = tpu.memref_slice %arg11[%dma_wait3A_811] : memref<4x!tpu.dma_semaphore, #tpu.memory_space<semaphore_mem>> -> memref<1x!tpu.dma_semaphore, #tpu.memory_space<semaphore_mem>>
          %dma_wait3A_823 = tpu.memref_squeeze %dma_wait3A_822 : memref<1x!tpu.dma_semaphore, #tpu.memory_space<semaphore_mem>> -> memref<!tpu.dma_semaphore, #tpu.memory_space<semaphore_mem>>
          tpu.wait_indirect_dma semaphore(%dma_wait3A_823 : memref<!tpu.dma_semaphore, #tpu.memory_space<semaphore_mem>>) src(%dma_wait3A_815 : memref<128x32xf32, #tpu.memory_space<vmem>>) dst(%dma_wait3A_821 : memref<10240x32xf32, #tpu.memory_space<vmem_shared>>)
          %add3A_824 = arith.constant 1 : i32
          %add3A_825 = arith.addi %scan3A_581, %add3A_824 : i32
          %mul3A_826 = arith.constant 4 : i32
          %mul3A_827 = arith.muli %add3A_825, %mul3A_826 : i32
          %add3A_828 = arith.constant 2 : i32
          %add3A_829 = arith.addi %mul3A_827, %add3A_828 : i32
          %dma_start3A_830 = arith.constant 2 : i32
          %dma_start3A_831 = arith.constant 2 : i32
          %dma_start3A_832 = arith.constant 0 : i32
          %dma_start3A_833 = arith.constant 0 : i32
          %dma_start3A_834 = tpu.memref_slice %arg8[%dma_start3A_830, %dma_start3A_832, %dma_start3A_833] : memref<4x128x32xf32, #tpu.memory_space<vmem>> -> memref<1x128x32xf32, #tpu.memory_space<vmem>>
          %dma_start3A_835 = tpu.memref_squeeze %dma_start3A_834 : memref<1x128x32xf32, #tpu.memory_space<vmem>> -> memref<128x32xf32, #tpu.memory_space<vmem>>
          %dma_start3A_836 = arith.constant 0 : i32
          %dma_start3A_837 = tpu.memref_slice %arg6[%add3A_829, %dma_start3A_836] : memref<148x128xi32, #tpu.memory_space<vmem>> -> memref<1x128xi32, #tpu.memory_space<vmem>>
          %dma_start3A_838 = tpu.memref_squeeze %dma_start3A_837 : memref<1x128xi32, #tpu.memory_space<vmem>> -> memref<128xi32, #tpu.memory_space<vmem>>
          %dma_start3A_839 = arith.constant 0 : i32
          %dma_start3A_840 = arith.constant 0 : i32
          %dma_start3A_841 = tpu.memref_slice %arg2[%dma_start3A_839, %dma_start3A_840] : memref<10240x32xf32, #tpu.memory_space<hbm>> -> memref<10240x32xf32, #tpu.memory_space<hbm>>
          %dma_start3A_842 = tpu.memref_slice %arg10[%dma_start3A_831] : memref<4x!tpu.dma_semaphore, #tpu.memory_space<semaphore_mem>> -> memref<1x!tpu.dma_semaphore, #tpu.memory_space<semaphore_mem>>
          %dma_start3A_843 = tpu.memref_squeeze %dma_start3A_842 : memref<1x!tpu.dma_semaphore, #tpu.memory_space<semaphore_mem>> -> memref<!tpu.dma_semaphore, #tpu.memory_space<semaphore_mem>>
          tpu.enqueue_indirect_dma source(%dma_start3A_841 : memref<10240x32xf32, #tpu.memory_space<hbm>>) target(%dma_start3A_835 : memref<128x32xf32, #tpu.memory_space<vmem>>) offsets(%dma_start3A_838 : memref<128xi32, #tpu.memory_space<vmem>>) semaphore(%dma_start3A_843 : memref<!tpu.dma_semaphore, #tpu.memory_space<semaphore_mem>>)
          %mul3A_844 = arith.constant 4 : i32
          %mul3A_845 = arith.muli %scan3A_581, %mul3A_844 : i32
          %add3A_846 = arith.constant 3 : i32
          %add3A_847 = arith.addi %mul3A_845, %add3A_846 : i32
          %dma_wait3A_848 = arith.constant 3 : i32
          %dma_wait3A_849 = arith.constant 3 : i32
          %dma_wait3A_850 = arith.constant 0 : i32
          %dma_wait3A_851 = arith.constant 0 : i32
          %dma_wait3A_852 = tpu.memref_slice %arg8[%dma_wait3A_848, %dma_wait3A_850, %dma_wait3A_851] : memref<4x128x32xf32, #tpu.memory_space<vmem>> -> memref<1x128x32xf32, #tpu.memory_space<vmem>>
          %dma_wait3A_853 = tpu.memref_squeeze %dma_wait3A_852 : memref<1x128x32xf32, #tpu.memory_space<vmem>> -> memref<128x32xf32, #tpu.memory_space<vmem>>
          %dma_wait3A_854 = arith.constant 0 : i32
          %dma_wait3A_855 = tpu.memref_slice %arg7[%add3A_847, %dma_wait3A_854] : memref<148x128xi32, #tpu.memory_space<vmem>> -> memref<1x128xi32, #tpu.memory_space<vmem>>
          %dma_wait3A_856 = tpu.memref_squeeze %dma_wait3A_855 : memref<1x128xi32, #tpu.memory_space<vmem>> -> memref<128xi32, #tpu.memory_space<vmem>>
          %dma_wait3A_857 = arith.constant 0 : i32
          %dma_wait3A_858 = arith.constant 0 : i32
          %dma_wait3A_859 = tpu.memref_slice %arg9[%dma_wait3A_857, %dma_wait3A_858] : memref<10240x32xf32, #tpu.memory_space<vmem_shared>> -> memref<10240x32xf32, #tpu.memory_space<vmem_shared>>
          %dma_wait3A_860 = tpu.memref_slice %arg11[%dma_wait3A_849] : memref<4x!tpu.dma_semaphore, #tpu.memory_space<semaphore_mem>> -> memref<1x!tpu.dma_semaphore, #tpu.memory_space<semaphore_mem>>
          %dma_wait3A_861 = tpu.memref_squeeze %dma_wait3A_860 : memref<1x!tpu.dma_semaphore, #tpu.memory_space<semaphore_mem>> -> memref<!tpu.dma_semaphore, #tpu.memory_space<semaphore_mem>>
          tpu.wait_indirect_dma semaphore(%dma_wait3A_861 : memref<!tpu.dma_semaphore, #tpu.memory_space<semaphore_mem>>) src(%dma_wait3A_853 : memref<128x32xf32, #tpu.memory_space<vmem>>) dst(%dma_wait3A_859 : memref<10240x32xf32, #tpu.memory_space<vmem_shared>>)
          %add3A_862 = arith.constant 1 : i32
          %add3A_863 = arith.addi %scan3A_581, %add3A_862 : i32
          %mul3A_864 = arith.constant 4 : i32
          %mul3A_865 = arith.muli %add3A_863, %mul3A_864 : i32
          %add3A_866 = arith.constant 3 : i32
          %add3A_867 = arith.addi %mul3A_865, %add3A_866 : i32
          %dma_start3A_868 = arith.constant 3 : i32
          %dma_start3A_869 = arith.constant 3 : i32
          %dma_start3A_870 = arith.constant 0 : i32
          %dma_start3A_871 = arith.constant 0 : i32
          %dma_start3A_872 = tpu.memref_slice %arg8[%dma_start3A_868, %dma_start3A_870, %dma_start3A_871] : memref<4x128x32xf32, #tpu.memory_space<vmem>> -> memref<1x128x32xf32, #tpu.memory_space<vmem>>
          %dma_start3A_873 = tpu.memref_squeeze %dma_start3A_872 : memref<1x128x32xf32, #tpu.memory_space<vmem>> -> memref<128x32xf32, #tpu.memory_space<vmem>>
          %dma_start3A_874 = arith.constant 0 : i32
          %dma_start3A_875 = tpu.memref_slice %arg6[%add3A_867, %dma_start3A_874] : memref<148x128xi32, #tpu.memory_space<vmem>> -> memref<1x128xi32, #tpu.memory_space<vmem>>
          %dma_start3A_876 = tpu.memref_squeeze %dma_start3A_875 : memref<1x128xi32, #tpu.memory_space<vmem>> -> memref<128xi32, #tpu.memory_space<vmem>>
          %dma_start3A_877 = arith.constant 0 : i32
          %dma_start3A_878 = arith.constant 0 : i32
          %dma_start3A_879 = tpu.memref_slice %arg2[%dma_start3A_877, %dma_start3A_878] : memref<10240x32xf32, #tpu.memory_space<hbm>> -> memref<10240x32xf32, #tpu.memory_space<hbm>>
          %dma_start3A_880 = tpu.memref_slice %arg10[%dma_start3A_869] : memref<4x!tpu.dma_semaphore, #tpu.memory_space<semaphore_mem>> -> memref<1x!tpu.dma_semaphore, #tpu.memory_space<semaphore_mem>>
          %dma_start3A_881 = tpu.memref_squeeze %dma_start3A_880 : memref<1x!tpu.dma_semaphore, #tpu.memory_space<semaphore_mem>> -> memref<!tpu.dma_semaphore, #tpu.memory_space<semaphore_mem>>
          tpu.enqueue_indirect_dma source(%dma_start3A_879 : memref<10240x32xf32, #tpu.memory_space<hbm>>) target(%dma_start3A_873 : memref<128x32xf32, #tpu.memory_space<vmem>>) offsets(%dma_start3A_876 : memref<128xi32, #tpu.memory_space<vmem>>) semaphore(%dma_start3A_881 : memref<!tpu.dma_semaphore, #tpu.memory_space<semaphore_mem>>)
        } else {
        }
      }
      %scan3A_520 = arith.constant 4 : i32
      %dma_wait3A_521 = arith.constant 0 : i32
      %dma_wait3A_522 = arith.constant 12 : i32
      %dma_wait3A_523 = arith.constant 0 : i32
      %dma_wait3A_524 = arith.constant 0 : i32
      %dma_wait3A_525 = arith.constant 0 : i32
      %dma_wait3A_526 = tpu.memref_slice %arg8[%dma_wait3A_521, %dma_wait3A_524, %dma_wait3A_525] : memref<4x128x32xf32, #tpu.memory_space<vmem>> -> memref<1x128x32xf32, #tpu.memory_space<vmem>>
      %dma_wait3A_527 = tpu.memref_squeeze %dma_wait3A_526 : memref<1x128x32xf32, #tpu.memory_space<vmem>> -> memref<128x32xf32, #tpu.memory_space<vmem>>
      %dma_wait3A_528 = arith.constant 0 : i32
      %dma_wait3A_529 = tpu.memref_slice %arg7[%dma_wait3A_522, %dma_wait3A_528] : memref<148x128xi32, #tpu.memory_space<vmem>> -> memref<1x128xi32, #tpu.memory_space<vmem>>
      %dma_wait3A_530 = tpu.memref_squeeze %dma_wait3A_529 : memref<1x128xi32, #tpu.memory_space<vmem>> -> memref<128xi32, #tpu.memory_space<vmem>>
      %dma_wait3A_531 = arith.constant 0 : i32
      %dma_wait3A_532 = arith.constant 0 : i32
      %dma_wait3A_533 = tpu.memref_slice %arg9[%dma_wait3A_531, %dma_wait3A_532] : memref<10240x32xf32, #tpu.memory_space<vmem_shared>> -> memref<10240x32xf32, #tpu.memory_space<vmem_shared>>
      %dma_wait3A_534 = tpu.memref_slice %arg11[%dma_wait3A_523] : memref<4x!tpu.dma_semaphore, #tpu.memory_space<semaphore_mem>> -> memref<1x!tpu.dma_semaphore, #tpu.memory_space<semaphore_mem>>
      %dma_wait3A_535 = tpu.memref_squeeze %dma_wait3A_534 : memref<1x!tpu.dma_semaphore, #tpu.memory_space<semaphore_mem>> -> memref<!tpu.dma_semaphore, #tpu.memory_space<semaphore_mem>>
      tpu.wait_indirect_dma semaphore(%dma_wait3A_535 : memref<!tpu.dma_semaphore, #tpu.memory_space<semaphore_mem>>) src(%dma_wait3A_527 : memref<128x32xf32, #tpu.memory_space<vmem>>) dst(%dma_wait3A_533 : memref<10240x32xf32, #tpu.memory_space<vmem_shared>>)
      %dma_wait3A_536 = arith.constant 1 : i32
      %dma_wait3A_537 = arith.constant 13 : i32
      %dma_wait3A_538 = arith.constant 1 : i32
      %dma_wait3A_539 = arith.constant 0 : i32
      %dma_wait3A_540 = arith.constant 0 : i32
      %dma_wait3A_541 = tpu.memref_slice %arg8[%dma_wait3A_536, %dma_wait3A_539, %dma_wait3A_540] : memref<4x128x32xf32, #tpu.memory_space<vmem>> -> memref<1x128x32xf32, #tpu.memory_space<vmem>>
      %dma_wait3A_542 = tpu.memref_squeeze %dma_wait3A_541 : memref<1x128x32xf32, #tpu.memory_space<vmem>> -> memref<128x32xf32, #tpu.memory_space<vmem>>
      %dma_wait3A_543 = arith.constant 0 : i32
      %dma_wait3A_544 = tpu.memref_slice %arg7[%dma_wait3A_537, %dma_wait3A_543] : memref<148x128xi32, #tpu.memory_space<vmem>> -> memref<1x128xi32, #tpu.memory_space<vmem>>
      %dma_wait3A_545 = tpu.memref_squeeze %dma_wait3A_544 : memref<1x128xi32, #tpu.memory_space<vmem>> -> memref<128xi32, #tpu.memory_space<vmem>>
      %dma_wait3A_546 = arith.constant 0 : i32
      %dma_wait3A_547 = arith.constant 0 : i32
      %dma_wait3A_548 = tpu.memref_slice %arg9[%dma_wait3A_546, %dma_wait3A_547] : memref<10240x32xf32, #tpu.memory_space<vmem_shared>> -> memref<10240x32xf32, #tpu.memory_space<vmem_shared>>
      %dma_wait3A_549 = tpu.memref_slice %arg11[%dma_wait3A_538] : memref<4x!tpu.dma_semaphore, #tpu.memory_space<semaphore_mem>> -> memref<1x!tpu.dma_semaphore, #tpu.memory_space<semaphore_mem>>
      %dma_wait3A_550 = tpu.memref_squeeze %dma_wait3A_549 : memref<1x!tpu.dma_semaphore, #tpu.memory_space<semaphore_mem>> -> memref<!tpu.dma_semaphore, #tpu.memory_space<semaphore_mem>>
      tpu.wait_indirect_dma semaphore(%dma_wait3A_550 : memref<!tpu.dma_semaphore, #tpu.memory_space<semaphore_mem>>) src(%dma_wait3A_542 : memref<128x32xf32, #tpu.memory_space<vmem>>) dst(%dma_wait3A_548 : memref<10240x32xf32, #tpu.memory_space<vmem_shared>>)
      %dma_wait3A_551 = arith.constant 2 : i32
      %dma_wait3A_552 = arith.constant 14 : i32
      %dma_wait3A_553 = arith.constant 2 : i32
      %dma_wait3A_554 = arith.constant 0 : i32
      %dma_wait3A_555 = arith.constant 0 : i32
      %dma_wait3A_556 = tpu.memref_slice %arg8[%dma_wait3A_551, %dma_wait3A_554, %dma_wait3A_555] : memref<4x128x32xf32, #tpu.memory_space<vmem>> -> memref<1x128x32xf32, #tpu.memory_space<vmem>>
      %dma_wait3A_557 = tpu.memref_squeeze %dma_wait3A_556 : memref<1x128x32xf32, #tpu.memory_space<vmem>> -> memref<128x32xf32, #tpu.memory_space<vmem>>
      %dma_wait3A_558 = arith.constant 0 : i32
      %dma_wait3A_559 = tpu.memref_slice %arg7[%dma_wait3A_552, %dma_wait3A_558] : memref<148x128xi32, #tpu.memory_space<vmem>> -> memref<1x128xi32, #tpu.memory_space<vmem>>
      %dma_wait3A_560 = tpu.memref_squeeze %dma_wait3A_559 : memref<1x128xi32, #tpu.memory_space<vmem>> -> memref<128xi32, #tpu.memory_space<vmem>>
      %dma_wait3A_561 = arith.constant 0 : i32
      %dma_wait3A_562 = arith.constant 0 : i32
      %dma_wait3A_563 = tpu.memref_slice %arg9[%dma_wait3A_561, %dma_wait3A_562] : memref<10240x32xf32, #tpu.memory_space<vmem_shared>> -> memref<10240x32xf32, #tpu.memory_space<vmem_shared>>
      %dma_wait3A_564 = tpu.memref_slice %arg11[%dma_wait3A_553] : memref<4x!tpu.dma_semaphore, #tpu.memory_space<semaphore_mem>> -> memref<1x!tpu.dma_semaphore, #tpu.memory_space<semaphore_mem>>
      %dma_wait3A_565 = tpu.memref_squeeze %dma_wait3A_564 : memref<1x!tpu.dma_semaphore, #tpu.memory_space<semaphore_mem>> -> memref<!tpu.dma_semaphore, #tpu.memory_space<semaphore_mem>>
      tpu.wait_indirect_dma semaphore(%dma_wait3A_565 : memref<!tpu.dma_semaphore, #tpu.memory_space<semaphore_mem>>) src(%dma_wait3A_557 : memref<128x32xf32, #tpu.memory_space<vmem>>) dst(%dma_wait3A_563 : memref<10240x32xf32, #tpu.memory_space<vmem_shared>>)
      %dma_wait3A_566 = arith.constant 3 : i32
      %dma_wait3A_567 = arith.constant 15 : i32
      %dma_wait3A_568 = arith.constant 3 : i32
      %dma_wait3A_569 = arith.constant 0 : i32
      %dma_wait3A_570 = arith.constant 0 : i32
      %dma_wait3A_571 = tpu.memref_slice %arg8[%dma_wait3A_566, %dma_wait3A_569, %dma_wait3A_570] : memref<4x128x32xf32, #tpu.memory_space<vmem>> -> memref<1x128x32xf32, #tpu.memory_space<vmem>>
      %dma_wait3A_572 = tpu.memref_squeeze %dma_wait3A_571 : memref<1x128x32xf32, #tpu.memory_space<vmem>> -> memref<128x32xf32, #tpu.memory_space<vmem>>
      %dma_wait3A_573 = arith.constant 0 : i32
      %dma_wait3A_574 = tpu.memref_slice %arg7[%dma_wait3A_567, %dma_wait3A_573] : memref<148x128xi32, #tpu.memory_space<vmem>> -> memref<1x128xi32, #tpu.memory_space<vmem>>
      %dma_wait3A_575 = tpu.memref_squeeze %dma_wait3A_574 : memref<1x128xi32, #tpu.memory_space<vmem>> -> memref<128xi32, #tpu.memory_space<vmem>>
      %dma_wait3A_576 = arith.constant 0 : i32
      %dma_wait3A_577 = arith.constant 0 : i32
      %dma_wait3A_578 = tpu.memref_slice %arg9[%dma_wait3A_576, %dma_wait3A_577] : memref<10240x32xf32, #tpu.memory_space<vmem_shared>> -> memref<10240x32xf32, #tpu.memory_space<vmem_shared>>
      %dma_wait3A_579 = tpu.memref_slice %arg11[%dma_wait3A_568] : memref<4x!tpu.dma_semaphore, #tpu.memory_space<semaphore_mem>> -> memref<1x!tpu.dma_semaphore, #tpu.memory_space<semaphore_mem>>
      %dma_wait3A_580 = tpu.memref_squeeze %dma_wait3A_579 : memref<1x!tpu.dma_semaphore, #tpu.memory_space<semaphore_mem>> -> memref<!tpu.dma_semaphore, #tpu.memory_space<semaphore_mem>>
      tpu.wait_indirect_dma semaphore(%dma_wait3A_580 : memref<!tpu.dma_semaphore, #tpu.memory_space<semaphore_mem>>) src(%dma_wait3A_572 : memref<128x32xf32, #tpu.memory_space<vmem>>) dst(%dma_wait3A_578 : memref<10240x32xf32, #tpu.memory_space<vmem_shared>>)
    } else {
    }
    %barrier3A_36 = arith.constant 0 : index
    tpu.barrier barrier_id(%barrier3A_36)
    %add3A_37 = arith.constant 0 : i32
    %add3A_38 = arith.addi %mul3A_0, %add3A_37 : i32
    %dma_start3A = arith.constant 0 : i32
    %dma_start3A_39 = arith.constant 0 : i32
    %dma_start3A_40 = arith.constant 0 : i32
    %dma_start3A_41 = arith.constant 0 : i32
    %dma_start3A_42 = tpu.memref_slice %arg8[%dma_start3A, %dma_start3A_40, %dma_start3A_41] : memref<4x128x32xf32, #tpu.memory_space<vmem>> -> memref<1x128x32xf32, #tpu.memory_space<vmem>>
    %dma_start3A_43 = tpu.memref_squeeze %dma_start3A_42 : memref<1x128x32xf32, #tpu.memory_space<vmem>> -> memref<128x32xf32, #tpu.memory_space<vmem>>
    %dma_start3A_44 = arith.constant 0 : i32
    %dma_start3A_45 = tpu.memref_slice %arg9[%add3A_38, %dma_start3A_44] : memref<10240x32xf32, #tpu.memory_space<vmem_shared>> -> memref<128x32xf32, #tpu.memory_space<vmem_shared>>
    %dma_start3A_46 = tpu.memref_slice %arg10[%dma_start3A_39] : memref<4x!tpu.dma_semaphore, #tpu.memory_space<semaphore_mem>> -> memref<1x!tpu.dma_semaphore, #tpu.memory_space<semaphore_mem>>
    %dma_start3A_47 = tpu.memref_squeeze %dma_start3A_46 : memref<1x!tpu.dma_semaphore, #tpu.memory_space<semaphore_mem>> -> memref<!tpu.dma_semaphore, #tpu.memory_space<semaphore_mem>>
    %dma_start3A_48 = arith.constant 0 : i32
    %dma_start3A_49 = arith.constant 0 : i32
    %dma_start3A_50 = tpu.memref_slice %arg8[%dma_start3A, %dma_start3A_48, %dma_start3A_49] : memref<4x128x32xf32, #tpu.memory_space<vmem>> -> memref<1x128x32xf32, #tpu.memory_space<vmem>>
    %dma_start3A_51 = tpu.memref_squeeze %dma_start3A_50 : memref<1x128x32xf32, #tpu.memory_space<vmem>> -> memref<128x32xf32, #tpu.memory_space<vmem>>
    %dma_start3A_52 = arith.constant 0 : i32
    %dma_start3A_53 = tpu.memref_slice %arg9[%add3A_38, %dma_start3A_52] : memref<10240x32xf32, #tpu.memory_space<vmem_shared>> -> memref<128x32xf32, #tpu.memory_space<vmem_shared>>
    tpu.enqueue_dma source(%dma_start3A_53 : memref<128x32xf32, #tpu.memory_space<vmem_shared>>) target(%dma_start3A_51 : memref<128x32xf32, #tpu.memory_space<vmem>>) target_semaphore(%dma_start3A_47 : memref<!tpu.dma_semaphore, #tpu.memory_space<semaphore_mem>>)
    %dma_wait3A = arith.constant 0 : i32
    %dma_wait3A_54 = arith.constant 0 : i32
    %dma_wait3A_55 = arith.constant 0 : i32
    %dma_wait3A_56 = arith.constant 0 : i32
    %dma_wait3A_57 = tpu.memref_slice %arg8[%dma_wait3A, %dma_wait3A_55, %dma_wait3A_56] : memref<4x128x32xf32, #tpu.memory_space<vmem>> -> memref<1x128x32xf32, #tpu.memory_space<vmem>>
    %dma_wait3A_58 = tpu.memref_squeeze %dma_wait3A_57 : memref<1x128x32xf32, #tpu.memory_space<vmem>> -> memref<128x32xf32, #tpu.memory_space<vmem>>
    %dma_wait3A_59 = arith.constant 0 : i32
    %dma_wait3A_60 = tpu.memref_slice %arg9[%add3A_38, %dma_wait3A_59] : memref<10240x32xf32, #tpu.memory_space<vmem_shared>> -> memref<128x32xf32, #tpu.memory_space<vmem_shared>>
    %dma_wait3A_61 = tpu.memref_slice %arg10[%dma_wait3A_54] : memref<4x!tpu.dma_semaphore, #tpu.memory_space<semaphore_mem>> -> memref<1x!tpu.dma_semaphore, #tpu.memory_space<semaphore_mem>>
    %dma_wait3A_62 = tpu.memref_squeeze %dma_wait3A_61 : memref<1x!tpu.dma_semaphore, #tpu.memory_space<semaphore_mem>> -> memref<!tpu.dma_semaphore, #tpu.memory_space<semaphore_mem>>
    %dma_wait3A_63 = arith.constant 0 : i32
    %dma_wait3A_64 = arith.constant 0 : i32
    %dma_wait3A_65 = tpu.memref_slice %arg8[%dma_wait3A, %dma_wait3A_63, %dma_wait3A_64] : memref<4x128x32xf32, #tpu.memory_space<vmem>> -> memref<1x128x32xf32, #tpu.memory_space<vmem>>
    %dma_wait3A_66 = tpu.memref_squeeze %dma_wait3A_65 : memref<1x128x32xf32, #tpu.memory_space<vmem>> -> memref<128x32xf32, #tpu.memory_space<vmem>>
    %dma_wait3A_67 = arith.constant 0 : i32
    %dma_wait3A_68 = tpu.memref_slice %arg9[%add3A_38, %dma_wait3A_67] : memref<10240x32xf32, #tpu.memory_space<vmem_shared>> -> memref<128x32xf32, #tpu.memory_space<vmem_shared>>
    tpu.wait_dma2 semaphore(%dma_wait3A_62 : memref<!tpu.dma_semaphore, #tpu.memory_space<semaphore_mem>>) src(%dma_wait3A_68 : memref<128x32xf32, #tpu.memory_space<vmem_shared>>) dst(%dma_wait3A_66 : memref<128x32xf32, #tpu.memory_space<vmem>>)
    %add3A_69 = arith.constant 0 : i32
    %add3A_70 = arith.addi %mul3A_0, %add3A_69 : i32
    %dma_start3A_71 = arith.constant 0 : i32
    %dma_start3A_72 = arith.constant 0 : i32
    %dma_start3A_73 = arith.constant 0 : i32
    %dma_start3A_74 = arith.constant 0 : i32
    %dma_start3A_75 = tpu.memref_slice %arg8[%dma_start3A_71, %dma_start3A_73, %dma_start3A_74] : memref<4x128x32xf32, #tpu.memory_space<vmem>> -> memref<1x128x32xf32, #tpu.memory_space<vmem>>
    %dma_start3A_76 = tpu.memref_squeeze %dma_start3A_75 : memref<1x128x32xf32, #tpu.memory_space<vmem>> -> memref<128x32xf32, #tpu.memory_space<vmem>>
    %dma_start3A_77 = arith.constant 0 : i32
    %dma_start3A_78 = arith.constant 0 : i32
    %dma_start3A_79 = tpu.memref_slice %arg5[%arg0, %dma_start3A_77, %dma_start3A_78] : memref<2x10240x32xf32, #tpu.memory_space<hbm>> -> memref<1x10240x32xf32, #tpu.memory_space<hbm>>
    %dma_start3A_80 = tpu.memref_squeeze %dma_start3A_79 : memref<1x10240x32xf32, #tpu.memory_space<hbm>> -> memref<10240x32xf32, #tpu.memory_space<hbm>>
    %dma_start3A_81 = arith.constant 0 : i32
    %dma_start3A_82 = tpu.memref_slice %dma_start3A_80[%add3A_70, %dma_start3A_81] : memref<10240x32xf32, #tpu.memory_space<hbm>> -> memref<128x32xf32, #tpu.memory_space<hbm>>
    %dma_start3A_83 = tpu.memref_slice %arg11[%dma_start3A_72] : memref<4x!tpu.dma_semaphore, #tpu.memory_space<semaphore_mem>> -> memref<1x!tpu.dma_semaphore, #tpu.memory_space<semaphore_mem>>
    %dma_start3A_84 = tpu.memref_squeeze %dma_start3A_83 : memref<1x!tpu.dma_semaphore, #tpu.memory_space<semaphore_mem>> -> memref<!tpu.dma_semaphore, #tpu.memory_space<semaphore_mem>>
    %dma_start3A_85 = arith.constant 0 : i32
    %dma_start3A_86 = arith.constant 0 : i32
    %dma_start3A_87 = tpu.memref_slice %arg5[%arg0, %dma_start3A_85, %dma_start3A_86] : memref<2x10240x32xf32, #tpu.memory_space<hbm>> -> memref<1x10240x32xf32, #tpu.memory_space<hbm>>
    %dma_start3A_88 = tpu.memref_squeeze %dma_start3A_87 : memref<1x10240x32xf32, #tpu.memory_space<hbm>> -> memref<10240x32xf32, #tpu.memory_space<hbm>>
    %dma_start3A_89 = arith.constant 0 : i32
    %dma_start3A_90 = tpu.memref_slice %dma_start3A_88[%add3A_70, %dma_start3A_89] : memref<10240x32xf32, #tpu.memory_space<hbm>> -> memref<128x32xf32, #tpu.memory_space<hbm>>
    %dma_start3A_91 = arith.constant 0 : i32
    %dma_start3A_92 = arith.constant 0 : i32
    %dma_start3A_93 = tpu.memref_slice %arg8[%dma_start3A_71, %dma_start3A_91, %dma_start3A_92] : memref<4x128x32xf32, #tpu.memory_space<vmem>> -> memref<1x128x32xf32, #tpu.memory_space<vmem>>
    %dma_start3A_94 = tpu.memref_squeeze %dma_start3A_93 : memref<1x128x32xf32, #tpu.memory_space<vmem>> -> memref<128x32xf32, #tpu.memory_space<vmem>>
    tpu.enqueue_dma source(%dma_start3A_94 : memref<128x32xf32, #tpu.memory_space<vmem>>) target(%dma_start3A_90 : memref<128x32xf32, #tpu.memory_space<hbm>>) target_semaphore(%dma_start3A_84 : memref<!tpu.dma_semaphore, #tpu.memory_space<semaphore_mem>>)
    %add3A_95 = arith.constant 128 : i32
    %add3A_96 = arith.addi %mul3A_0, %add3A_95 : i32
    %dma_start3A_97 = arith.constant 1 : i32
    %dma_start3A_98 = arith.constant 1 : i32
    %dma_start3A_99 = arith.constant 0 : i32
    %dma_start3A_100 = arith.constant 0 : i32
    %dma_start3A_101 = tpu.memref_slice %arg8[%dma_start3A_97, %dma_start3A_99, %dma_start3A_100] : memref<4x128x32xf32, #tpu.memory_space<vmem>> -> memref<1x128x32xf32, #tpu.memory_space<vmem>>
    %dma_start3A_102 = tpu.memref_squeeze %dma_start3A_101 : memref<1x128x32xf32, #tpu.memory_space<vmem>> -> memref<128x32xf32, #tpu.memory_space<vmem>>
    %dma_start3A_103 = arith.constant 0 : i32
    %dma_start3A_104 = tpu.memref_slice %arg9[%add3A_96, %dma_start3A_103] : memref<10240x32xf32, #tpu.memory_space<vmem_shared>> -> memref<128x32xf32, #tpu.memory_space<vmem_shared>>
    %dma_start3A_105 = tpu.memref_slice %arg10[%dma_start3A_98] : memref<4x!tpu.dma_semaphore, #tpu.memory_space<semaphore_mem>> -> memref<1x!tpu.dma_semaphore, #tpu.memory_space<semaphore_mem>>
    %dma_start3A_106 = tpu.memref_squeeze %dma_start3A_105 : memref<1x!tpu.dma_semaphore, #tpu.memory_space<semaphore_mem>> -> memref<!tpu.dma_semaphore, #tpu.memory_space<semaphore_mem>>
    %dma_start3A_107 = arith.constant 0 : i32
    %dma_start3A_108 = arith.constant 0 : i32
    %dma_start3A_109 = tpu.memref_slice %arg8[%dma_start3A_97, %dma_start3A_107, %dma_start3A_108] : memref<4x128x32xf32, #tpu.memory_space<vmem>> -> memref<1x128x32xf32, #tpu.memory_space<vmem>>
    %dma_start3A_110 = tpu.memref_squeeze %dma_start3A_109 : memref<1x128x32xf32, #tpu.memory_space<vmem>> -> memref<128x32xf32, #tpu.memory_space<vmem>>
    %dma_start3A_111 = arith.constant 0 : i32
    %dma_start3A_112 = tpu.memref_slice %arg9[%add3A_96, %dma_start3A_111] : memref<10240x32xf32, #tpu.memory_space<vmem_shared>> -> memref<128x32xf32, #tpu.memory_space<vmem_shared>>
    tpu.enqueue_dma source(%dma_start3A_112 : memref<128x32xf32, #tpu.memory_space<vmem_shared>>) target(%dma_start3A_110 : memref<128x32xf32, #tpu.memory_space<vmem>>) target_semaphore(%dma_start3A_106 : memref<!tpu.dma_semaphore, #tpu.memory_space<semaphore_mem>>)
    %dma_wait3A_113 = arith.constant 1 : i32
    %dma_wait3A_114 = arith.constant 1 : i32
    %dma_wait3A_115 = arith.constant 0 : i32
    %dma_wait3A_116 = arith.constant 0 : i32
    %dma_wait3A_117 = tpu.memref_slice %arg8[%dma_wait3A_113, %dma_wait3A_115, %dma_wait3A_116] : memref<4x128x32xf32, #tpu.memory_space<vmem>> -> memref<1x128x32xf32, #tpu.memory_space<vmem>>
    %dma_wait3A_118 = tpu.memref_squeeze %dma_wait3A_117 : memref<1x128x32xf32, #tpu.memory_space<vmem>> -> memref<128x32xf32, #tpu.memory_space<vmem>>
    %dma_wait3A_119 = arith.constant 0 : i32
    %dma_wait3A_120 = tpu.memref_slice %arg9[%add3A_96, %dma_wait3A_119] : memref<10240x32xf32, #tpu.memory_space<vmem_shared>> -> memref<128x32xf32, #tpu.memory_space<vmem_shared>>
    %dma_wait3A_121 = tpu.memref_slice %arg10[%dma_wait3A_114] : memref<4x!tpu.dma_semaphore, #tpu.memory_space<semaphore_mem>> -> memref<1x!tpu.dma_semaphore, #tpu.memory_space<semaphore_mem>>
    %dma_wait3A_122 = tpu.memref_squeeze %dma_wait3A_121 : memref<1x!tpu.dma_semaphore, #tpu.memory_space<semaphore_mem>> -> memref<!tpu.dma_semaphore, #tpu.memory_space<semaphore_mem>>
    %dma_wait3A_123 = arith.constant 0 : i32
    %dma_wait3A_124 = arith.constant 0 : i32
    %dma_wait3A_125 = tpu.memref_slice %arg8[%dma_wait3A_113, %dma_wait3A_123, %dma_wait3A_124] : memref<4x128x32xf32, #tpu.memory_space<vmem>> -> memref<1x128x32xf32, #tpu.memory_space<vmem>>
    %dma_wait3A_126 = tpu.memref_squeeze %dma_wait3A_125 : memref<1x128x32xf32, #tpu.memory_space<vmem>> -> memref<128x32xf32, #tpu.memory_space<vmem>>
    %dma_wait3A_127 = arith.constant 0 : i32
    %dma_wait3A_128 = tpu.memref_slice %arg9[%add3A_96, %dma_wait3A_127] : memref<10240x32xf32, #tpu.memory_space<vmem_shared>> -> memref<128x32xf32, #tpu.memory_space<vmem_shared>>
    tpu.wait_dma2 semaphore(%dma_wait3A_122 : memref<!tpu.dma_semaphore, #tpu.memory_space<semaphore_mem>>) src(%dma_wait3A_128 : memref<128x32xf32, #tpu.memory_space<vmem_shared>>) dst(%dma_wait3A_126 : memref<128x32xf32, #tpu.memory_space<vmem>>)
    %add3A_129 = arith.constant 128 : i32
    %add3A_130 = arith.addi %mul3A_0, %add3A_129 : i32
    %dma_start3A_131 = arith.constant 1 : i32
    %dma_start3A_132 = arith.constant 1 : i32
    %dma_start3A_133 = arith.constant 0 : i32
    %dma_start3A_134 = arith.constant 0 : i32
    %dma_start3A_135 = tpu.memref_slice %arg8[%dma_start3A_131, %dma_start3A_133, %dma_start3A_134] : memref<4x128x32xf32, #tpu.memory_space<vmem>> -> memref<1x128x32xf32, #tpu.memory_space<vmem>>
    %dma_start3A_136 = tpu.memref_squeeze %dma_start3A_135 : memref<1x128x32xf32, #tpu.memory_space<vmem>> -> memref<128x32xf32, #tpu.memory_space<vmem>>
    %dma_start3A_137 = arith.constant 0 : i32
    %dma_start3A_138 = arith.constant 0 : i32
    %dma_start3A_139 = tpu.memref_slice %arg5[%arg0, %dma_start3A_137, %dma_start3A_138] : memref<2x10240x32xf32, #tpu.memory_space<hbm>> -> memref<1x10240x32xf32, #tpu.memory_space<hbm>>
    %dma_start3A_140 = tpu.memref_squeeze %dma_start3A_139 : memref<1x10240x32xf32, #tpu.memory_space<hbm>> -> memref<10240x32xf32, #tpu.memory_space<hbm>>
    %dma_start3A_141 = arith.constant 0 : i32
    %dma_start3A_142 = tpu.memref_slice %dma_start3A_140[%add3A_130, %dma_start3A_141] : memref<10240x32xf32, #tpu.memory_space<hbm>> -> memref<128x32xf32, #tpu.memory_space<hbm>>
    %dma_start3A_143 = tpu.memref_slice %arg11[%dma_start3A_132] : memref<4x!tpu.dma_semaphore, #tpu.memory_space<semaphore_mem>> -> memref<1x!tpu.dma_semaphore, #tpu.memory_space<semaphore_mem>>
    %dma_start3A_144 = tpu.memref_squeeze %dma_start3A_143 : memref<1x!tpu.dma_semaphore, #tpu.memory_space<semaphore_mem>> -> memref<!tpu.dma_semaphore, #tpu.memory_space<semaphore_mem>>
    %dma_start3A_145 = arith.constant 0 : i32
    %dma_start3A_146 = arith.constant 0 : i32
    %dma_start3A_147 = tpu.memref_slice %arg5[%arg0, %dma_start3A_145, %dma_start3A_146] : memref<2x10240x32xf32, #tpu.memory_space<hbm>> -> memref<1x10240x32xf32, #tpu.memory_space<hbm>>
    %dma_start3A_148 = tpu.memref_squeeze %dma_start3A_147 : memref<1x10240x32xf32, #tpu.memory_space<hbm>> -> memref<10240x32xf32, #tpu.memory_space<hbm>>
    %dma_start3A_149 = arith.constant 0 : i32
    %dma_start3A_150 = tpu.memref_slice %dma_start3A_148[%add3A_130, %dma_start3A_149] : memref<10240x32xf32, #tpu.memory_space<hbm>> -> memref<128x32xf32, #tpu.memory_space<hbm>>
    %dma_start3A_151 = arith.constant 0 : i32
    %dma_start3A_152 = arith.constant 0 : i32
    %dma_start3A_153 = tpu.memref_slice %arg8[%dma_start3A_131, %dma_start3A_151, %dma_start3A_152] : memref<4x128x32xf32, #tpu.memory_space<vmem>> -> memref<1x128x32xf32, #tpu.memory_space<vmem>>
    %dma_start3A_154 = tpu.memref_squeeze %dma_start3A_153 : memref<1x128x32xf32, #tpu.memory_space<vmem>> -> memref<128x32xf32, #tpu.memory_space<vmem>>
    tpu.enqueue_dma source(%dma_start3A_154 : memref<128x32xf32, #tpu.memory_space<vmem>>) target(%dma_start3A_150 : memref<128x32xf32, #tpu.memory_space<hbm>>) target_semaphore(%dma_start3A_144 : memref<!tpu.dma_semaphore, #tpu.memory_space<semaphore_mem>>)
    %add3A_155 = arith.constant 256 : i32
    %add3A_156 = arith.addi %mul3A_0, %add3A_155 : i32
    %dma_start3A_157 = arith.constant 2 : i32
    %dma_start3A_158 = arith.constant 2 : i32
    %dma_start3A_159 = arith.constant 0 : i32
    %dma_start3A_160 = arith.constant 0 : i32
    %dma_start3A_161 = tpu.memref_slice %arg8[%dma_start3A_157, %dma_start3A_159, %dma_start3A_160] : memref<4x128x32xf32, #tpu.memory_space<vmem>> -> memref<1x128x32xf32, #tpu.memory_space<vmem>>
    %dma_start3A_162 = tpu.memref_squeeze %dma_start3A_161 : memref<1x128x32xf32, #tpu.memory_space<vmem>> -> memref<128x32xf32, #tpu.memory_space<vmem>>
    %dma_start3A_163 = arith.constant 0 : i32
    %dma_start3A_164 = tpu.memref_slice %arg9[%add3A_156, %dma_start3A_163] : memref<10240x32xf32, #tpu.memory_space<vmem_shared>> -> memref<128x32xf32, #tpu.memory_space<vmem_shared>>
    %dma_start3A_165 = tpu.memref_slice %arg10[%dma_start3A_158] : memref<4x!tpu.dma_semaphore, #tpu.memory_space<semaphore_mem>> -> memref<1x!tpu.dma_semaphore, #tpu.memory_space<semaphore_mem>>
    %dma_start3A_166 = tpu.memref_squeeze %dma_start3A_165 : memref<1x!tpu.dma_semaphore, #tpu.memory_space<semaphore_mem>> -> memref<!tpu.dma_semaphore, #tpu.memory_space<semaphore_mem>>
    %dma_start3A_167 = arith.constant 0 : i32
    %dma_start3A_168 = arith.constant 0 : i32
    %dma_start3A_169 = tpu.memref_slice %arg8[%dma_start3A_157, %dma_start3A_167, %dma_start3A_168] : memref<4x128x32xf32, #tpu.memory_space<vmem>> -> memref<1x128x32xf32, #tpu.memory_space<vmem>>
    %dma_start3A_170 = tpu.memref_squeeze %dma_start3A_169 : memref<1x128x32xf32, #tpu.memory_space<vmem>> -> memref<128x32xf32, #tpu.memory_space<vmem>>
    %dma_start3A_171 = arith.constant 0 : i32
    %dma_start3A_172 = tpu.memref_slice %arg9[%add3A_156, %dma_start3A_171] : memref<10240x32xf32, #tpu.memory_space<vmem_shared>> -> memref<128x32xf32, #tpu.memory_space<vmem_shared>>
    tpu.enqueue_dma source(%dma_start3A_172 : memref<128x32xf32, #tpu.memory_space<vmem_shared>>) target(%dma_start3A_170 : memref<128x32xf32, #tpu.memory_space<vmem>>) target_semaphore(%dma_start3A_166 : memref<!tpu.dma_semaphore, #tpu.memory_space<semaphore_mem>>)
    %dma_wait3A_173 = arith.constant 2 : i32
    %dma_wait3A_174 = arith.constant 2 : i32
    %dma_wait3A_175 = arith.constant 0 : i32
    %dma_wait3A_176 = arith.constant 0 : i32
    %dma_wait3A_177 = tpu.memref_slice %arg8[%dma_wait3A_173, %dma_wait3A_175, %dma_wait3A_176] : memref<4x128x32xf32, #tpu.memory_space<vmem>> -> memref<1x128x32xf32, #tpu.memory_space<vmem>>
    %dma_wait3A_178 = tpu.memref_squeeze %dma_wait3A_177 : memref<1x128x32xf32, #tpu.memory_space<vmem>> -> memref<128x32xf32, #tpu.memory_space<vmem>>
    %dma_wait3A_179 = arith.constant 0 : i32
    %dma_wait3A_180 = tpu.memref_slice %arg9[%add3A_156, %dma_wait3A_179] : memref<10240x32xf32, #tpu.memory_space<vmem_shared>> -> memref<128x32xf32, #tpu.memory_space<vmem_shared>>
    %dma_wait3A_181 = tpu.memref_slice %arg10[%dma_wait3A_174] : memref<4x!tpu.dma_semaphore, #tpu.memory_space<semaphore_mem>> -> memref<1x!tpu.dma_semaphore, #tpu.memory_space<semaphore_mem>>
    %dma_wait3A_182 = tpu.memref_squeeze %dma_wait3A_181 : memref<1x!tpu.dma_semaphore, #tpu.memory_space<semaphore_mem>> -> memref<!tpu.dma_semaphore, #tpu.memory_space<semaphore_mem>>
    %dma_wait3A_183 = arith.constant 0 : i32
    %dma_wait3A_184 = arith.constant 0 : i32
    %dma_wait3A_185 = tpu.memref_slice %arg8[%dma_wait3A_173, %dma_wait3A_183, %dma_wait3A_184] : memref<4x128x32xf32, #tpu.memory_space<vmem>> -> memref<1x128x32xf32, #tpu.memory_space<vmem>>
    %dma_wait3A_186 = tpu.memref_squeeze %dma_wait3A_185 : memref<1x128x32xf32, #tpu.memory_space<vmem>> -> memref<128x32xf32, #tpu.memory_space<vmem>>
    %dma_wait3A_187 = arith.constant 0 : i32
    %dma_wait3A_188 = tpu.memref_slice %arg9[%add3A_156, %dma_wait3A_187] : memref<10240x32xf32, #tpu.memory_space<vmem_shared>> -> memref<128x32xf32, #tpu.memory_space<vmem_shared>>
    tpu.wait_dma2 semaphore(%dma_wait3A_182 : memref<!tpu.dma_semaphore, #tpu.memory_space<semaphore_mem>>) src(%dma_wait3A_188 : memref<128x32xf32, #tpu.memory_space<vmem_shared>>) dst(%dma_wait3A_186 : memref<128x32xf32, #tpu.memory_space<vmem>>)
    %add3A_189 = arith.constant 256 : i32
    %add3A_190 = arith.addi %mul3A_0, %add3A_189 : i32
    %dma_start3A_191 = arith.constant 2 : i32
    %dma_start3A_192 = arith.constant 2 : i32
    %dma_start3A_193 = arith.constant 0 : i32
    %dma_start3A_194 = arith.constant 0 : i32
    %dma_start3A_195 = tpu.memref_slice %arg8[%dma_start3A_191, %dma_start3A_193, %dma_start3A_194] : memref<4x128x32xf32, #tpu.memory_space<vmem>> -> memref<1x128x32xf32, #tpu.memory_space<vmem>>
    %dma_start3A_196 = tpu.memref_squeeze %dma_start3A_195 : memref<1x128x32xf32, #tpu.memory_space<vmem>> -> memref<128x32xf32, #tpu.memory_space<vmem>>
    %dma_start3A_197 = arith.constant 0 : i32
    %dma_start3A_198 = arith.constant 0 : i32
    %dma_start3A_199 = tpu.memref_slice %arg5[%arg0, %dma_start3A_197, %dma_start3A_198] : memref<2x10240x32xf32, #tpu.memory_space<hbm>> -> memref<1x10240x32xf32, #tpu.memory_space<hbm>>
    %dma_start3A_200 = tpu.memref_squeeze %dma_start3A_199 : memref<1x10240x32xf32, #tpu.memory_space<hbm>> -> memref<10240x32xf32, #tpu.memory_space<hbm>>
    %dma_start3A_201 = arith.constant 0 : i32
    %dma_start3A_202 = tpu.memref_slice %dma_start3A_200[%add3A_190, %dma_start3A_201] : memref<10240x32xf32, #tpu.memory_space<hbm>> -> memref<128x32xf32, #tpu.memory_space<hbm>>
    %dma_start3A_203 = tpu.memref_slice %arg11[%dma_start3A_192] : memref<4x!tpu.dma_semaphore, #tpu.memory_space<semaphore_mem>> -> memref<1x!tpu.dma_semaphore, #tpu.memory_space<semaphore_mem>>
    %dma_start3A_204 = tpu.memref_squeeze %dma_start3A_203 : memref<1x!tpu.dma_semaphore, #tpu.memory_space<semaphore_mem>> -> memref<!tpu.dma_semaphore, #tpu.memory_space<semaphore_mem>>
    %dma_start3A_205 = arith.constant 0 : i32
    %dma_start3A_206 = arith.constant 0 : i32
    %dma_start3A_207 = tpu.memref_slice %arg5[%arg0, %dma_start3A_205, %dma_start3A_206] : memref<2x10240x32xf32, #tpu.memory_space<hbm>> -> memref<1x10240x32xf32, #tpu.memory_space<hbm>>
    %dma_start3A_208 = tpu.memref_squeeze %dma_start3A_207 : memref<1x10240x32xf32, #tpu.memory_space<hbm>> -> memref<10240x32xf32, #tpu.memory_space<hbm>>
    %dma_start3A_209 = arith.constant 0 : i32
    %dma_start3A_210 = tpu.memref_slice %dma_start3A_208[%add3A_190, %dma_start3A_209] : memref<10240x32xf32, #tpu.memory_space<hbm>> -> memref<128x32xf32, #tpu.memory_space<hbm>>
    %dma_start3A_211 = arith.constant 0 : i32
    %dma_start3A_212 = arith.constant 0 : i32
    %dma_start3A_213 = tpu.memref_slice %arg8[%dma_start3A_191, %dma_start3A_211, %dma_start3A_212] : memref<4x128x32xf32, #tpu.memory_space<vmem>> -> memref<1x128x32xf32, #tpu.memory_space<vmem>>
    %dma_start3A_214 = tpu.memref_squeeze %dma_start3A_213 : memref<1x128x32xf32, #tpu.memory_space<vmem>> -> memref<128x32xf32, #tpu.memory_space<vmem>>
    tpu.enqueue_dma source(%dma_start3A_214 : memref<128x32xf32, #tpu.memory_space<vmem>>) target(%dma_start3A_210 : memref<128x32xf32, #tpu.memory_space<hbm>>) target_semaphore(%dma_start3A_204 : memref<!tpu.dma_semaphore, #tpu.memory_space<semaphore_mem>>)
    %add3A_215 = arith.constant 384 : i32
    %add3A_216 = arith.addi %mul3A_0, %add3A_215 : i32
    %dma_start3A_217 = arith.constant 3 : i32
    %dma_start3A_218 = arith.constant 3 : i32
    %dma_start3A_219 = arith.constant 0 : i32
    %dma_start3A_220 = arith.constant 0 : i32
    %dma_start3A_221 = tpu.memref_slice %arg8[%dma_start3A_217, %dma_start3A_219, %dma_start3A_220] : memref<4x128x32xf32, #tpu.memory_space<vmem>> -> memref<1x128x32xf32, #tpu.memory_space<vmem>>
    %dma_start3A_222 = tpu.memref_squeeze %dma_start3A_221 : memref<1x128x32xf32, #tpu.memory_space<vmem>> -> memref<128x32xf32, #tpu.memory_space<vmem>>
    %dma_start3A_223 = arith.constant 0 : i32
    %dma_start3A_224 = tpu.memref_slice %arg9[%add3A_216, %dma_start3A_223] : memref<10240x32xf32, #tpu.memory_space<vmem_shared>> -> memref<128x32xf32, #tpu.memory_space<vmem_shared>>
    %dma_start3A_225 = tpu.memref_slice %arg10[%dma_start3A_218] : memref<4x!tpu.dma_semaphore, #tpu.memory_space<semaphore_mem>> -> memref<1x!tpu.dma_semaphore, #tpu.memory_space<semaphore_mem>>
    %dma_start3A_226 = tpu.memref_squeeze %dma_start3A_225 : memref<1x!tpu.dma_semaphore, #tpu.memory_space<semaphore_mem>> -> memref<!tpu.dma_semaphore, #tpu.memory_space<semaphore_mem>>
    %dma_start3A_227 = arith.constant 0 : i32
    %dma_start3A_228 = arith.constant 0 : i32
    %dma_start3A_229 = tpu.memref_slice %arg8[%dma_start3A_217, %dma_start3A_227, %dma_start3A_228] : memref<4x128x32xf32, #tpu.memory_space<vmem>> -> memref<1x128x32xf32, #tpu.memory_space<vmem>>
    %dma_start3A_230 = tpu.memref_squeeze %dma_start3A_229 : memref<1x128x32xf32, #tpu.memory_space<vmem>> -> memref<128x32xf32, #tpu.memory_space<vmem>>
    %dma_start3A_231 = arith.constant 0 : i32
    %dma_start3A_232 = tpu.memref_slice %arg9[%add3A_216, %dma_start3A_231] : memref<10240x32xf32, #tpu.memory_space<vmem_shared>> -> memref<128x32xf32, #tpu.memory_space<vmem_shared>>
    tpu.enqueue_dma source(%dma_start3A_232 : memref<128x32xf32, #tpu.memory_space<vmem_shared>>) target(%dma_start3A_230 : memref<128x32xf32, #tpu.memory_space<vmem>>) target_semaphore(%dma_start3A_226 : memref<!tpu.dma_semaphore, #tpu.memory_space<semaphore_mem>>)
    %dma_wait3A_233 = arith.constant 3 : i32
    %dma_wait3A_234 = arith.constant 3 : i32
    %dma_wait3A_235 = arith.constant 0 : i32
    %dma_wait3A_236 = arith.constant 0 : i32
    %dma_wait3A_237 = tpu.memref_slice %arg8[%dma_wait3A_233, %dma_wait3A_235, %dma_wait3A_236] : memref<4x128x32xf32, #tpu.memory_space<vmem>> -> memref<1x128x32xf32, #tpu.memory_space<vmem>>
    %dma_wait3A_238 = tpu.memref_squeeze %dma_wait3A_237 : memref<1x128x32xf32, #tpu.memory_space<vmem>> -> memref<128x32xf32, #tpu.memory_space<vmem>>
    %dma_wait3A_239 = arith.constant 0 : i32
    %dma_wait3A_240 = tpu.memref_slice %arg9[%add3A_216, %dma_wait3A_239] : memref<10240x32xf32, #tpu.memory_space<vmem_shared>> -> memref<128x32xf32, #tpu.memory_space<vmem_shared>>
    %dma_wait3A_241 = tpu.memref_slice %arg10[%dma_wait3A_234] : memref<4x!tpu.dma_semaphore, #tpu.memory_space<semaphore_mem>> -> memref<1x!tpu.dma_semaphore, #tpu.memory_space<semaphore_mem>>
    %dma_wait3A_242 = tpu.memref_squeeze %dma_wait3A_241 : memref<1x!tpu.dma_semaphore, #tpu.memory_space<semaphore_mem>> -> memref<!tpu.dma_semaphore, #tpu.memory_space<semaphore_mem>>
    %dma_wait3A_243 = arith.constant 0 : i32
    %dma_wait3A_244 = arith.constant 0 : i32
    %dma_wait3A_245 = tpu.memref_slice %arg8[%dma_wait3A_233, %dma_wait3A_243, %dma_wait3A_244] : memref<4x128x32xf32, #tpu.memory_space<vmem>> -> memref<1x128x32xf32, #tpu.memory_space<vmem>>
    %dma_wait3A_246 = tpu.memref_squeeze %dma_wait3A_245 : memref<1x128x32xf32, #tpu.memory_space<vmem>> -> memref<128x32xf32, #tpu.memory_space<vmem>>
    %dma_wait3A_247 = arith.constant 0 : i32
    %dma_wait3A_248 = tpu.memref_slice %arg9[%add3A_216, %dma_wait3A_247] : memref<10240x32xf32, #tpu.memory_space<vmem_shared>> -> memref<128x32xf32, #tpu.memory_space<vmem_shared>>
    tpu.wait_dma2 semaphore(%dma_wait3A_242 : memref<!tpu.dma_semaphore, #tpu.memory_space<semaphore_mem>>) src(%dma_wait3A_248 : memref<128x32xf32, #tpu.memory_space<vmem_shared>>) dst(%dma_wait3A_246 : memref<128x32xf32, #tpu.memory_space<vmem>>)
    %add3A_249 = arith.constant 384 : i32
    %add3A_250 = arith.addi %mul3A_0, %add3A_249 : i32
    %dma_start3A_251 = arith.constant 3 : i32
    %dma_start3A_252 = arith.constant 3 : i32
    %dma_start3A_253 = arith.constant 0 : i32
    %dma_start3A_254 = arith.constant 0 : i32
    %dma_start3A_255 = tpu.memref_slice %arg8[%dma_start3A_251, %dma_start3A_253, %dma_start3A_254] : memref<4x128x32xf32, #tpu.memory_space<vmem>> -> memref<1x128x32xf32, #tpu.memory_space<vmem>>
    %dma_start3A_256 = tpu.memref_squeeze %dma_start3A_255 : memref<1x128x32xf32, #tpu.memory_space<vmem>> -> memref<128x32xf32, #tpu.memory_space<vmem>>
    %dma_start3A_257 = arith.constant 0 : i32
    %dma_start3A_258 = arith.constant 0 : i32
    %dma_start3A_259 = tpu.memref_slice %arg5[%arg0, %dma_start3A_257, %dma_start3A_258] : memref<2x10240x32xf32, #tpu.memory_space<hbm>> -> memref<1x10240x32xf32, #tpu.memory_space<hbm>>
    %dma_start3A_260 = tpu.memref_squeeze %dma_start3A_259 : memref<1x10240x32xf32, #tpu.memory_space<hbm>> -> memref<10240x32xf32, #tpu.memory_space<hbm>>
    %dma_start3A_261 = arith.constant 0 : i32
    %dma_start3A_262 = tpu.memref_slice %dma_start3A_260[%add3A_250, %dma_start3A_261] : memref<10240x32xf32, #tpu.memory_space<hbm>> -> memref<128x32xf32, #tpu.memory_space<hbm>>
    %dma_start3A_263 = tpu.memref_slice %arg11[%dma_start3A_252] : memref<4x!tpu.dma_semaphore, #tpu.memory_space<semaphore_mem>> -> memref<1x!tpu.dma_semaphore, #tpu.memory_space<semaphore_mem>>
    %dma_start3A_264 = tpu.memref_squeeze %dma_start3A_263 : memref<1x!tpu.dma_semaphore, #tpu.memory_space<semaphore_mem>> -> memref<!tpu.dma_semaphore, #tpu.memory_space<semaphore_mem>>
    %dma_start3A_265 = arith.constant 0 : i32
    %dma_start3A_266 = arith.constant 0 : i32
    %dma_start3A_267 = tpu.memref_slice %arg5[%arg0, %dma_start3A_265, %dma_start3A_266] : memref<2x10240x32xf32, #tpu.memory_space<hbm>> -> memref<1x10240x32xf32, #tpu.memory_space<hbm>>
    %dma_start3A_268 = tpu.memref_squeeze %dma_start3A_267 : memref<1x10240x32xf32, #tpu.memory_space<hbm>> -> memref<10240x32xf32, #tpu.memory_space<hbm>>
    %dma_start3A_269 = arith.constant 0 : i32
    %dma_start3A_270 = tpu.memref_slice %dma_start3A_268[%add3A_250, %dma_start3A_269] : memref<10240x32xf32, #tpu.memory_space<hbm>> -> memref<128x32xf32, #tpu.memory_space<hbm>>
    %dma_start3A_271 = arith.constant 0 : i32
    %dma_start3A_272 = arith.constant 0 : i32
    %dma_start3A_273 = tpu.memref_slice %arg8[%dma_start3A_251, %dma_start3A_271, %dma_start3A_272] : memref<4x128x32xf32, #tpu.memory_space<vmem>> -> memref<1x128x32xf32, #tpu.memory_space<vmem>>
    %dma_start3A_274 = tpu.memref_squeeze %dma_start3A_273 : memref<1x128x32xf32, #tpu.memory_space<vmem>> -> memref<128x32xf32, #tpu.memory_space<vmem>>
    tpu.enqueue_dma source(%dma_start3A_274 : memref<128x32xf32, #tpu.memory_space<vmem>>) target(%dma_start3A_270 : memref<128x32xf32, #tpu.memory_space<hbm>>) target_semaphore(%dma_start3A_264 : memref<!tpu.dma_semaphore, #tpu.memory_space<semaphore_mem>>)
    %dma_wait3A_275 = arith.constant 0 : i32
    %dma_wait3A_276 = arith.constant 0 : i32
    %dma_wait3A_277 = arith.constant 0 : i32
    %dma_wait3A_278 = arith.constant 0 : i32
    %dma_wait3A_279 = tpu.memref_slice %arg8[%dma_wait3A_275, %dma_wait3A_277, %dma_wait3A_278] : memref<4x128x32xf32, #tpu.memory_space<vmem>> -> memref<1x128x32xf32, #tpu.memory_space<vmem>>
    %dma_wait3A_280 = tpu.memref_squeeze %dma_wait3A_279 : memref<1x128x32xf32, #tpu.memory_space<vmem>> -> memref<128x32xf32, #tpu.memory_space<vmem>>
    %dma_wait3A_281 = arith.constant 0 : i32
    %dma_wait3A_282 = arith.constant 0 : i32
    %dma_wait3A_283 = tpu.memref_slice %arg5[%arg0, %dma_wait3A_281, %dma_wait3A_282] : memref<2x10240x32xf32, #tpu.memory_space<hbm>> -> memref<1x10240x32xf32, #tpu.memory_space<hbm>>
    %dma_wait3A_284 = tpu.memref_squeeze %dma_wait3A_283 : memref<1x10240x32xf32, #tpu.memory_space<hbm>> -> memref<10240x32xf32, #tpu.memory_space<hbm>>
    %dma_wait3A_285 = arith.constant 0 : i32
    %dma_wait3A_286 = tpu.memref_slice %dma_wait3A_284[%add3A_70, %dma_wait3A_285] : memref<10240x32xf32, #tpu.memory_space<hbm>> -> memref<128x32xf32, #tpu.memory_space<hbm>>
    %dma_wait3A_287 = tpu.memref_slice %arg11[%dma_wait3A_276] : memref<4x!tpu.dma_semaphore, #tpu.memory_space<semaphore_mem>> -> memref<1x!tpu.dma_semaphore, #tpu.memory_space<semaphore_mem>>
    %dma_wait3A_288 = tpu.memref_squeeze %dma_wait3A_287 : memref<1x!tpu.dma_semaphore, #tpu.memory_space<semaphore_mem>> -> memref<!tpu.dma_semaphore, #tpu.memory_space<semaphore_mem>>
    %dma_wait3A_289 = arith.constant 0 : i32
    %dma_wait3A_290 = arith.constant 0 : i32
    %dma_wait3A_291 = tpu.memref_slice %arg5[%arg0, %dma_wait3A_289, %dma_wait3A_290] : memref<2x10240x32xf32, #tpu.memory_space<hbm>> -> memref<1x10240x32xf32, #tpu.memory_space<hbm>>
    %dma_wait3A_292 = tpu.memref_squeeze %dma_wait3A_291 : memref<1x10240x32xf32, #tpu.memory_space<hbm>> -> memref<10240x32xf32, #tpu.memory_space<hbm>>
    %dma_wait3A_293 = arith.constant 0 : i32
    %dma_wait3A_294 = tpu.memref_slice %dma_wait3A_292[%add3A_70, %dma_wait3A_293] : memref<10240x32xf32, #tpu.memory_space<hbm>> -> memref<128x32xf32, #tpu.memory_space<hbm>>
    %dma_wait3A_295 = arith.constant 0 : i32
    %dma_wait3A_296 = arith.constant 0 : i32
    %dma_wait3A_297 = tpu.memref_slice %arg8[%dma_wait3A_275, %dma_wait3A_295, %dma_wait3A_296] : memref<4x128x32xf32, #tpu.memory_space<vmem>> -> memref<1x128x32xf32, #tpu.memory_space<vmem>>
    %dma_wait3A_298 = tpu.memref_squeeze %dma_wait3A_297 : memref<1x128x32xf32, #tpu.memory_space<vmem>> -> memref<128x32xf32, #tpu.memory_space<vmem>>
    tpu.wait_dma2 semaphore(%dma_wait3A_288 : memref<!tpu.dma_semaphore, #tpu.memory_space<semaphore_mem>>) src(%dma_wait3A_298 : memref<128x32xf32, #tpu.memory_space<vmem>>) dst(%dma_wait3A_294 : memref<128x32xf32, #tpu.memory_space<hbm>>)
    %add3A_299 = arith.constant 512 : i32
    %add3A_300 = arith.addi %mul3A_0, %add3A_299 : i32
    %dma_start3A_301 = arith.constant 0 : i32
    %dma_start3A_302 = arith.constant 0 : i32
    %dma_start3A_303 = arith.constant 0 : i32
    %dma_start3A_304 = arith.constant 0 : i32
    %dma_start3A_305 = tpu.memref_slice %arg8[%dma_start3A_301, %dma_start3A_303, %dma_start3A_304] : memref<4x128x32xf32, #tpu.memory_space<vmem>> -> memref<1x128x32xf32, #tpu.memory_space<vmem>>
    %dma_start3A_306 = tpu.memref_squeeze %dma_start3A_305 : memref<1x128x32xf32, #tpu.memory_space<vmem>> -> memref<128x32xf32, #tpu.memory_space<vmem>>
    %dma_start3A_307 = arith.constant 0 : i32
    %dma_start3A_308 = tpu.memref_slice %arg9[%add3A_300, %dma_start3A_307] : memref<10240x32xf32, #tpu.memory_space<vmem_shared>> -> memref<128x32xf32, #tpu.memory_space<vmem_shared>>
    %dma_start3A_309 = tpu.memref_slice %arg10[%dma_start3A_302] : memref<4x!tpu.dma_semaphore, #tpu.memory_space<semaphore_mem>> -> memref<1x!tpu.dma_semaphore, #tpu.memory_space<semaphore_mem>>
    %dma_start3A_310 = tpu.memref_squeeze %dma_start3A_309 : memref<1x!tpu.dma_semaphore, #tpu.memory_space<semaphore_mem>> -> memref<!tpu.dma_semaphore, #tpu.memory_space<semaphore_mem>>
    %dma_start3A_311 = arith.constant 0 : i32
    %dma_start3A_312 = arith.constant 0 : i32
    %dma_start3A_313 = tpu.memref_slice %arg8[%dma_start3A_301, %dma_start3A_311, %dma_start3A_312] : memref<4x128x32xf32, #tpu.memory_space<vmem>> -> memref<1x128x32xf32, #tpu.memory_space<vmem>>
    %dma_start3A_314 = tpu.memref_squeeze %dma_start3A_313 : memref<1x128x32xf32, #tpu.memory_space<vmem>> -> memref<128x32xf32, #tpu.memory_space<vmem>>
    %dma_start3A_315 = arith.constant 0 : i32
    %dma_start3A_316 = tpu.memref_slice %arg9[%add3A_300, %dma_start3A_315] : memref<10240x32xf32, #tpu.memory_space<vmem_shared>> -> memref<128x32xf32, #tpu.memory_space<vmem_shared>>
    tpu.enqueue_dma source(%dma_start3A_316 : memref<128x32xf32, #tpu.memory_space<vmem_shared>>) target(%dma_start3A_314 : memref<128x32xf32, #tpu.memory_space<vmem>>) target_semaphore(%dma_start3A_310 : memref<!tpu.dma_semaphore, #tpu.memory_space<semaphore_mem>>)
    %dma_wait3A_317 = arith.constant 0 : i32
    %dma_wait3A_318 = arith.constant 0 : i32
    %dma_wait3A_319 = arith.constant 0 : i32
    %dma_wait3A_320 = arith.constant 0 : i32
    %dma_wait3A_321 = tpu.memref_slice %arg8[%dma_wait3A_317, %dma_wait3A_319, %dma_wait3A_320] : memref<4x128x32xf32, #tpu.memory_space<vmem>> -> memref<1x128x32xf32, #tpu.memory_space<vmem>>
    %dma_wait3A_322 = tpu.memref_squeeze %dma_wait3A_321 : memref<1x128x32xf32, #tpu.memory_space<vmem>> -> memref<128x32xf32, #tpu.memory_space<vmem>>
    %dma_wait3A_323 = arith.constant 0 : i32
    %dma_wait3A_324 = tpu.memref_slice %arg9[%add3A_300, %dma_wait3A_323] : memref<10240x32xf32, #tpu.memory_space<vmem_shared>> -> memref<128x32xf32, #tpu.memory_space<vmem_shared>>
    %dma_wait3A_325 = tpu.memref_slice %arg10[%dma_wait3A_318] : memref<4x!tpu.dma_semaphore, #tpu.memory_space<semaphore_mem>> -> memref<1x!tpu.dma_semaphore, #tpu.memory_space<semaphore_mem>>
    %dma_wait3A_326 = tpu.memref_squeeze %dma_wait3A_325 : memref<1x!tpu.dma_semaphore, #tpu.memory_space<semaphore_mem>> -> memref<!tpu.dma_semaphore, #tpu.memory_space<semaphore_mem>>
    %dma_wait3A_327 = arith.constant 0 : i32
    %dma_wait3A_328 = arith.constant 0 : i32
    %dma_wait3A_329 = tpu.memref_slice %arg8[%dma_wait3A_317, %dma_wait3A_327, %dma_wait3A_328] : memref<4x128x32xf32, #tpu.memory_space<vmem>> -> memref<1x128x32xf32, #tpu.memory_space<vmem>>
    %dma_wait3A_330 = tpu.memref_squeeze %dma_wait3A_329 : memref<1x128x32xf32, #tpu.memory_space<vmem>> -> memref<128x32xf32, #tpu.memory_space<vmem>>
    %dma_wait3A_331 = arith.constant 0 : i32
    %dma_wait3A_332 = tpu.memref_slice %arg9[%add3A_300, %dma_wait3A_331] : memref<10240x32xf32, #tpu.memory_space<vmem_shared>> -> memref<128x32xf32, #tpu.memory_space<vmem_shared>>
    tpu.wait_dma2 semaphore(%dma_wait3A_326 : memref<!tpu.dma_semaphore, #tpu.memory_space<semaphore_mem>>) src(%dma_wait3A_332 : memref<128x32xf32, #tpu.memory_space<vmem_shared>>) dst(%dma_wait3A_330 : memref<128x32xf32, #tpu.memory_space<vmem>>)
    %add3A_333 = arith.constant 512 : i32
    %add3A_334 = arith.addi %mul3A_0, %add3A_333 : i32
    %dma_start3A_335 = arith.constant 0 : i32
    %dma_start3A_336 = arith.constant 0 : i32
    %dma_start3A_337 = arith.constant 0 : i32
    %dma_start3A_338 = arith.constant 0 : i32
    %dma_start3A_339 = tpu.memref_slice %arg8[%dma_start3A_335, %dma_start3A_337, %dma_start3A_338] : memref<4x128x32xf32, #tpu.memory_space<vmem>> -> memref<1x128x32xf32, #tpu.memory_space<vmem>>
    %dma_start3A_340 = tpu.memref_squeeze %dma_start3A_339 : memref<1x128x32xf32, #tpu.memory_space<vmem>> -> memref<128x32xf32, #tpu.memory_space<vmem>>
    %dma_start3A_341 = arith.constant 0 : i32
    %dma_start3A_342 = arith.constant 0 : i32
    %dma_start3A_343 = tpu.memref_slice %arg5[%arg0, %dma_start3A_341, %dma_start3A_342] : memref<2x10240x32xf32, #tpu.memory_space<hbm>> -> memref<1x10240x32xf32, #tpu.memory_space<hbm>>
    %dma_start3A_344 = tpu.memref_squeeze %dma_start3A_343 : memref<1x10240x32xf32, #tpu.memory_space<hbm>> -> memref<10240x32xf32, #tpu.memory_space<hbm>>
    %dma_start3A_345 = arith.constant 0 : i32
    %dma_start3A_346 = tpu.memref_slice %dma_start3A_344[%add3A_334, %dma_start3A_345] : memref<10240x32xf32, #tpu.memory_space<hbm>> -> memref<128x32xf32, #tpu.memory_space<hbm>>
    %dma_start3A_347 = tpu.memref_slice %arg11[%dma_start3A_336] : memref<4x!tpu.dma_semaphore, #tpu.memory_space<semaphore_mem>> -> memref<1x!tpu.dma_semaphore, #tpu.memory_space<semaphore_mem>>
    %dma_start3A_348 = tpu.memref_squeeze %dma_start3A_347 : memref<1x!tpu.dma_semaphore, #tpu.memory_space<semaphore_mem>> -> memref<!tpu.dma_semaphore, #tpu.memory_space<semaphore_mem>>
    %dma_start3A_349 = arith.constant 0 : i32
    %dma_start3A_350 = arith.constant 0 : i32
    %dma_start3A_351 = tpu.memref_slice %arg5[%arg0, %dma_start3A_349, %dma_start3A_350] : memref<2x10240x32xf32, #tpu.memory_space<hbm>> -> memref<1x10240x32xf32, #tpu.memory_space<hbm>>
    %dma_start3A_352 = tpu.memref_squeeze %dma_start3A_351 : memref<1x10240x32xf32, #tpu.memory_space<hbm>> -> memref<10240x32xf32, #tpu.memory_space<hbm>>
    %dma_start3A_353 = arith.constant 0 : i32
    %dma_start3A_354 = tpu.memref_slice %dma_start3A_352[%add3A_334, %dma_start3A_353] : memref<10240x32xf32, #tpu.memory_space<hbm>> -> memref<128x32xf32, #tpu.memory_space<hbm>>
    %dma_start3A_355 = arith.constant 0 : i32
    %dma_start3A_356 = arith.constant 0 : i32
    %dma_start3A_357 = tpu.memref_slice %arg8[%dma_start3A_335, %dma_start3A_355, %dma_start3A_356] : memref<4x128x32xf32, #tpu.memory_space<vmem>> -> memref<1x128x32xf32, #tpu.memory_space<vmem>>
    %dma_start3A_358 = tpu.memref_squeeze %dma_start3A_357 : memref<1x128x32xf32, #tpu.memory_space<vmem>> -> memref<128x32xf32, #tpu.memory_space<vmem>>
    tpu.enqueue_dma source(%dma_start3A_358 : memref<128x32xf32, #tpu.memory_space<vmem>>) target(%dma_start3A_354 : memref<128x32xf32, #tpu.memory_space<hbm>>) target_semaphore(%dma_start3A_348 : memref<!tpu.dma_semaphore, #tpu.memory_space<semaphore_mem>>)
    %dma_wait3A_359 = arith.constant 0 : i32
    %dma_wait3A_360 = arith.constant 0 : i32
    %dma_wait3A_361 = arith.constant 0 : i32
    %dma_wait3A_362 = arith.constant 0 : i32
    %dma_wait3A_363 = tpu.memref_slice %arg8[%dma_wait3A_359, %dma_wait3A_361, %dma_wait3A_362] : memref<4x128x32xf32, #tpu.memory_space<vmem>> -> memref<1x128x32xf32, #tpu.memory_space<vmem>>
    %dma_wait3A_364 = tpu.memref_squeeze %dma_wait3A_363 : memref<1x128x32xf32, #tpu.memory_space<vmem>> -> memref<128x32xf32, #tpu.memory_space<vmem>>
    %dma_wait3A_365 = arith.constant 0 : i32
    %dma_wait3A_366 = arith.constant 0 : i32
    %dma_wait3A_367 = tpu.memref_slice %arg5[%arg0, %dma_wait3A_365, %dma_wait3A_366] : memref<2x10240x32xf32, #tpu.memory_space<hbm>> -> memref<1x10240x32xf32, #tpu.memory_space<hbm>>
    %dma_wait3A_368 = tpu.memref_squeeze %dma_wait3A_367 : memref<1x10240x32xf32, #tpu.memory_space<hbm>> -> memref<10240x32xf32, #tpu.memory_space<hbm>>
    %dma_wait3A_369 = arith.constant 0 : i32
    %dma_wait3A_370 = tpu.memref_slice %dma_wait3A_368[%add3A_334, %dma_wait3A_369] : memref<10240x32xf32, #tpu.memory_space<hbm>> -> memref<128x32xf32, #tpu.memory_space<hbm>>
    %dma_wait3A_371 = tpu.memref_slice %arg11[%dma_wait3A_360] : memref<4x!tpu.dma_semaphore, #tpu.memory_space<semaphore_mem>> -> memref<1x!tpu.dma_semaphore, #tpu.memory_space<semaphore_mem>>
    %dma_wait3A_372 = tpu.memref_squeeze %dma_wait3A_371 : memref<1x!tpu.dma_semaphore, #tpu.memory_space<semaphore_mem>> -> memref<!tpu.dma_semaphore, #tpu.memory_space<semaphore_mem>>
    %dma_wait3A_373 = arith.constant 0 : i32
    %dma_wait3A_374 = arith.constant 0 : i32
    %dma_wait3A_375 = tpu.memref_slice %arg5[%arg0, %dma_wait3A_373, %dma_wait3A_374] : memref<2x10240x32xf32, #tpu.memory_space<hbm>> -> memref<1x10240x32xf32, #tpu.memory_space<hbm>>
    %dma_wait3A_376 = tpu.memref_squeeze %dma_wait3A_375 : memref<1x10240x32xf32, #tpu.memory_space<hbm>> -> memref<10240x32xf32, #tpu.memory_space<hbm>>
    %dma_wait3A_377 = arith.constant 0 : i32
    %dma_wait3A_378 = tpu.memref_slice %dma_wait3A_376[%add3A_334, %dma_wait3A_377] : memref<10240x32xf32, #tpu.memory_space<hbm>> -> memref<128x32xf32, #tpu.memory_space<hbm>>
    %dma_wait3A_379 = arith.constant 0 : i32
    %dma_wait3A_380 = arith.constant 0 : i32
    %dma_wait3A_381 = tpu.memref_slice %arg8[%dma_wait3A_359, %dma_wait3A_379, %dma_wait3A_380] : memref<4x128x32xf32, #tpu.memory_space<vmem>> -> memref<1x128x32xf32, #tpu.memory_space<vmem>>
    %dma_wait3A_382 = tpu.memref_squeeze %dma_wait3A_381 : memref<1x128x32xf32, #tpu.memory_space<vmem>> -> memref<128x32xf32, #tpu.memory_space<vmem>>
    tpu.wait_dma2 semaphore(%dma_wait3A_372 : memref<!tpu.dma_semaphore, #tpu.memory_space<semaphore_mem>>) src(%dma_wait3A_382 : memref<128x32xf32, #tpu.memory_space<vmem>>) dst(%dma_wait3A_378 : memref<128x32xf32, #tpu.memory_space<hbm>>)
    %dma_wait3A_383 = arith.constant 1 : i32
    %dma_wait3A_384 = arith.constant 1 : i32
    %dma_wait3A_385 = arith.constant 0 : i32
    %dma_wait3A_386 = arith.constant 0 : i32
    %dma_wait3A_387 = tpu.memref_slice %arg8[%dma_wait3A_383, %dma_wait3A_385, %dma_wait3A_386] : memref<4x128x32xf32, #tpu.memory_space<vmem>> -> memref<1x128x32xf32, #tpu.memory_space<vmem>>
    %dma_wait3A_388 = tpu.memref_squeeze %dma_wait3A_387 : memref<1x128x32xf32, #tpu.memory_space<vmem>> -> memref<128x32xf32, #tpu.memory_space<vmem>>
    %dma_wait3A_389 = arith.constant 0 : i32
    %dma_wait3A_390 = arith.constant 0 : i32
    %dma_wait3A_391 = tpu.memref_slice %arg5[%arg0, %dma_wait3A_389, %dma_wait3A_390] : memref<2x10240x32xf32, #tpu.memory_space<hbm>> -> memref<1x10240x32xf32, #tpu.memory_space<hbm>>
    %dma_wait3A_392 = tpu.memref_squeeze %dma_wait3A_391 : memref<1x10240x32xf32, #tpu.memory_space<hbm>> -> memref<10240x32xf32, #tpu.memory_space<hbm>>
    %dma_wait3A_393 = arith.constant 0 : i32
    %dma_wait3A_394 = tpu.memref_slice %dma_wait3A_392[%add3A_130, %dma_wait3A_393] : memref<10240x32xf32, #tpu.memory_space<hbm>> -> memref<128x32xf32, #tpu.memory_space<hbm>>
    %dma_wait3A_395 = tpu.memref_slice %arg11[%dma_wait3A_384] : memref<4x!tpu.dma_semaphore, #tpu.memory_space<semaphore_mem>> -> memref<1x!tpu.dma_semaphore, #tpu.memory_space<semaphore_mem>>
    %dma_wait3A_396 = tpu.memref_squeeze %dma_wait3A_395 : memref<1x!tpu.dma_semaphore, #tpu.memory_space<semaphore_mem>> -> memref<!tpu.dma_semaphore, #tpu.memory_space<semaphore_mem>>
    %dma_wait3A_397 = arith.constant 0 : i32
    %dma_wait3A_398 = arith.constant 0 : i32
    %dma_wait3A_399 = tpu.memref_slice %arg5[%arg0, %dma_wait3A_397, %dma_wait3A_398] : memref<2x10240x32xf32, #tpu.memory_space<hbm>> -> memref<1x10240x32xf32, #tpu.memory_space<hbm>>
    %dma_wait3A_400 = tpu.memref_squeeze %dma_wait3A_399 : memref<1x10240x32xf32, #tpu.memory_space<hbm>> -> memref<10240x32xf32, #tpu.memory_space<hbm>>
    %dma_wait3A_401 = arith.constant 0 : i32
    %dma_wait3A_402 = tpu.memref_slice %dma_wait3A_400[%add3A_130, %dma_wait3A_401] : memref<10240x32xf32, #tpu.memory_space<hbm>> -> memref<128x32xf32, #tpu.memory_space<hbm>>
    %dma_wait3A_403 = arith.constant 0 : i32
    %dma_wait3A_404 = arith.constant 0 : i32
    %dma_wait3A_405 = tpu.memref_slice %arg8[%dma_wait3A_383, %dma_wait3A_403, %dma_wait3A_404] : memref<4x128x32xf32, #tpu.memory_space<vmem>> -> memref<1x128x32xf32, #tpu.memory_space<vmem>>
    %dma_wait3A_406 = tpu.memref_squeeze %dma_wait3A_405 : memref<1x128x32xf32, #tpu.memory_space<vmem>> -> memref<128x32xf32, #tpu.memory_space<vmem>>
    tpu.wait_dma2 semaphore(%dma_wait3A_396 : memref<!tpu.dma_semaphore, #tpu.memory_space<semaphore_mem>>) src(%dma_wait3A_406 : memref<128x32xf32, #tpu.memory_space<vmem>>) dst(%dma_wait3A_402 : memref<128x32xf32, #tpu.memory_space<hbm>>)
    %dma_wait3A_407 = arith.constant 2 : i32
    %dma_wait3A_408 = arith.constant 2 : i32
    %dma_wait3A_409 = arith.constant 0 : i32
    %dma_wait3A_410 = arith.constant 0 : i32
    %dma_wait3A_411 = tpu.memref_slice %arg8[%dma_wait3A_407, %dma_wait3A_409, %dma_wait3A_410] : memref<4x128x32xf32, #tpu.memory_space<vmem>> -> memref<1x128x32xf32, #tpu.memory_space<vmem>>
    %dma_wait3A_412 = tpu.memref_squeeze %dma_wait3A_411 : memref<1x128x32xf32, #tpu.memory_space<vmem>> -> memref<128x32xf32, #tpu.memory_space<vmem>>
    %dma_wait3A_413 = arith.constant 0 : i32
    %dma_wait3A_414 = arith.constant 0 : i32
    %dma_wait3A_415 = tpu.memref_slice %arg5[%arg0, %dma_wait3A_413, %dma_wait3A_414] : memref<2x10240x32xf32, #tpu.memory_space<hbm>> -> memref<1x10240x32xf32, #tpu.memory_space<hbm>>
    %dma_wait3A_416 = tpu.memref_squeeze %dma_wait3A_415 : memref<1x10240x32xf32, #tpu.memory_space<hbm>> -> memref<10240x32xf32, #tpu.memory_space<hbm>>
    %dma_wait3A_417 = arith.constant 0 : i32
    %dma_wait3A_418 = tpu.memref_slice %dma_wait3A_416[%add3A_190, %dma_wait3A_417] : memref<10240x32xf32, #tpu.memory_space<hbm>> -> memref<128x32xf32, #tpu.memory_space<hbm>>
    %dma_wait3A_419 = tpu.memref_slice %arg11[%dma_wait3A_408] : memref<4x!tpu.dma_semaphore, #tpu.memory_space<semaphore_mem>> -> memref<1x!tpu.dma_semaphore, #tpu.memory_space<semaphore_mem>>
    %dma_wait3A_420 = tpu.memref_squeeze %dma_wait3A_419 : memref<1x!tpu.dma_semaphore, #tpu.memory_space<semaphore_mem>> -> memref<!tpu.dma_semaphore, #tpu.memory_space<semaphore_mem>>
    %dma_wait3A_421 = arith.constant 0 : i32
    %dma_wait3A_422 = arith.constant 0 : i32
    %dma_wait3A_423 = tpu.memref_slice %arg5[%arg0, %dma_wait3A_421, %dma_wait3A_422] : memref<2x10240x32xf32, #tpu.memory_space<hbm>> -> memref<1x10240x32xf32, #tpu.memory_space<hbm>>
    %dma_wait3A_424 = tpu.memref_squeeze %dma_wait3A_423 : memref<1x10240x32xf32, #tpu.memory_space<hbm>> -> memref<10240x32xf32, #tpu.memory_space<hbm>>
    %dma_wait3A_425 = arith.constant 0 : i32
    %dma_wait3A_426 = tpu.memref_slice %dma_wait3A_424[%add3A_190, %dma_wait3A_425] : memref<10240x32xf32, #tpu.memory_space<hbm>> -> memref<128x32xf32, #tpu.memory_space<hbm>>
    %dma_wait3A_427 = arith.constant 0 : i32
    %dma_wait3A_428 = arith.constant 0 : i32
    %dma_wait3A_429 = tpu.memref_slice %arg8[%dma_wait3A_407, %dma_wait3A_427, %dma_wait3A_428] : memref<4x128x32xf32, #tpu.memory_space<vmem>> -> memref<1x128x32xf32, #tpu.memory_space<vmem>>
    %dma_wait3A_430 = tpu.memref_squeeze %dma_wait3A_429 : memref<1x128x32xf32, #tpu.memory_space<vmem>> -> memref<128x32xf32, #tpu.memory_space<vmem>>
    tpu.wait_dma2 semaphore(%dma_wait3A_420 : memref<!tpu.dma_semaphore, #tpu.memory_space<semaphore_mem>>) src(%dma_wait3A_430 : memref<128x32xf32, #tpu.memory_space<vmem>>) dst(%dma_wait3A_426 : memref<128x32xf32, #tpu.memory_space<hbm>>)
    %dma_wait3A_431 = arith.constant 3 : i32
    %dma_wait3A_432 = arith.constant 3 : i32
    %dma_wait3A_433 = arith.constant 0 : i32
    %dma_wait3A_434 = arith.constant 0 : i32
    %dma_wait3A_435 = tpu.memref_slice %arg8[%dma_wait3A_431, %dma_wait3A_433, %dma_wait3A_434] : memref<4x128x32xf32, #tpu.memory_space<vmem>> -> memref<1x128x32xf32, #tpu.memory_space<vmem>>
    %dma_wait3A_436 = tpu.memref_squeeze %dma_wait3A_435 : memref<1x128x32xf32, #tpu.memory_space<vmem>> -> memref<128x32xf32, #tpu.memory_space<vmem>>
    %dma_wait3A_437 = arith.constant 0 : i32
    %dma_wait3A_438 = arith.constant 0 : i32
    %dma_wait3A_439 = tpu.memref_slice %arg5[%arg0, %dma_wait3A_437, %dma_wait3A_438] : memref<2x10240x32xf32, #tpu.memory_space<hbm>> -> memref<1x10240x32xf32, #tpu.memory_space<hbm>>
    %dma_wait3A_440 = tpu.memref_squeeze %dma_wait3A_439 : memref<1x10240x32xf32, #tpu.memory_space<hbm>> -> memref<10240x32xf32, #tpu.memory_space<hbm>>
    %dma_wait3A_441 = arith.constant 0 : i32
    %dma_wait3A_442 = tpu.memref_slice %dma_wait3A_440[%add3A_250, %dma_wait3A_441] : memref<10240x32xf32, #tpu.memory_space<hbm>> -> memref<128x32xf32, #tpu.memory_space<hbm>>
    %dma_wait3A_443 = tpu.memref_slice %arg11[%dma_wait3A_432] : memref<4x!tpu.dma_semaphore, #tpu.memory_space<semaphore_mem>> -> memref<1x!tpu.dma_semaphore, #tpu.memory_space<semaphore_mem>>
    %dma_wait3A_444 = tpu.memref_squeeze %dma_wait3A_443 : memref<1x!tpu.dma_semaphore, #tpu.memory_space<semaphore_mem>> -> memref<!tpu.dma_semaphore, #tpu.memory_space<semaphore_mem>>
    %dma_wait3A_445 = arith.constant 0 : i32
    %dma_wait3A_446 = arith.constant 0 : i32
    %dma_wait3A_447 = tpu.memref_slice %arg5[%arg0, %dma_wait3A_445, %dma_wait3A_446] : memref<2x10240x32xf32, #tpu.memory_space<hbm>> -> memref<1x10240x32xf32, #tpu.memory_space<hbm>>
    %dma_wait3A_448 = tpu.memref_squeeze %dma_wait3A_447 : memref<1x10240x32xf32, #tpu.memory_space<hbm>> -> memref<10240x32xf32, #tpu.memory_space<hbm>>
    %dma_wait3A_449 = arith.constant 0 : i32
    %dma_wait3A_450 = tpu.memref_slice %dma_wait3A_448[%add3A_250, %dma_wait3A_449] : memref<10240x32xf32, #tpu.memory_space<hbm>> -> memref<128x32xf32, #tpu.memory_space<hbm>>
    %dma_wait3A_451 = arith.constant 0 : i32
    %dma_wait3A_452 = arith.constant 0 : i32
    %dma_wait3A_453 = tpu.memref_slice %arg8[%dma_wait3A_431, %dma_wait3A_451, %dma_wait3A_452] : memref<4x128x32xf32, #tpu.memory_space<vmem>> -> memref<1x128x32xf32, #tpu.memory_space<vmem>>
    %dma_wait3A_454 = tpu.memref_squeeze %dma_wait3A_453 : memref<1x128x32xf32, #tpu.memory_space<vmem>> -> memref<128x32xf32, #tpu.memory_space<vmem>>
    tpu.wait_dma2 semaphore(%dma_wait3A_444 : memref<!tpu.dma_semaphore, #tpu.memory_space<semaphore_mem>>) src(%dma_wait3A_454 : memref<128x32xf32, #tpu.memory_space<vmem>>) dst(%dma_wait3A_450 : memref<128x32xf32, #tpu.memory_space<hbm>>)
    return
  }
}

module attributes {stable_mosaic.version = 14 : i64} {
  func.func @_tc1_body(%arg0: i32, %arg1: memref<2560x128xf32, #tpu.memory_space<vmem>>, %arg2: memref<128x64xf32, #tpu.memory_space<vmem>>, %arg3: memref<2x2560x16xf32, #tpu.memory_space<vmem>>, %arg4: memref<2560x64xf32, #tpu.memory_space<vmem>>) attributes {dimension_semantics = [#tpu.dimension_semantics<arbitrary>], iteration_bounds = array<i64: 4>, scalar_prefetch = 0 : i64, scratch_operands = 0 : i64, tpu.core_type = #tpu.core_type<tc>, window_params = [{transform_indices = @transform_0, window_bounds = array<i64: 2560, 128>}, {pipeline_mode = #tpu.pipeline_mode<synchronous>, transform_indices = @transform_1, window_bounds = array<i64: 128, 64>}, {transform_indices = @transform_2, window_bounds = array<i64: 2, 2560, 16>}, {transform_indices = @transform_3, window_bounds = array<i64: 2560, 64>}]} {
    %get3A = arith.constant 0 : index
    %get3A_0 = arith.constant 0 : index
    %get3A_1 = arith.constant 0 : index
    %get3A_2 = vector.load %arg3[%get3A, %get3A_0, %get3A_1] : memref<2x2560x16xf32, #tpu.memory_space<vmem>>, vector<2x2560x16xf32>
    %slice3A = vector.extract_strided_slice %get3A_2 {offsets = [0, 0, 0], sizes = [1, 2560, 1], strides = [1, 1, 1]} : vector<2x2560x16xf32> to vector<1x2560x1xf32>
    %squeeze3A = vector.shape_cast %slice3A : vector<1x2560x1xf32> to vector<2560x1xf32>
    %slice3A_3 = vector.extract_strided_slice %get3A_2 {offsets = [1, 0, 0], sizes = [1, 2560, 1], strides = [1, 1, 1]} : vector<2x2560x16xf32> to vector<1x2560x1xf32>
    %squeeze3A_4 = vector.shape_cast %slice3A_3 : vector<1x2560x1xf32> to vector<2560x1xf32>
    %add3A = arith.addf %squeeze3A, %squeeze3A_4 : vector<2560x1xf32>
    %add3A_5 = arith.constant 1.000000e+00 : f32
    %add3A_6 = vector.broadcast %add3A_5 : f32 to vector<2560x1xf32>
    %add3A_7 = arith.addf %add3A, %add3A_6 : vector<2560x1xf32>
    %rsqrt3A = math.rsqrt %add3A_7 : vector<2560x1xf32>
    %get3A_8 = arith.constant 0 : index
    %get3A_9 = arith.constant 0 : index
    %get3A_10 = vector.load %arg1[%get3A_8, %get3A_9] : memref<2560x128xf32, #tpu.memory_space<vmem>>, vector<2560x128xf32>
    %get3A_11 = arith.constant 0 : index
    %get3A_12 = arith.constant 0 : index
    %get3A_13 = vector.load %arg2[%get3A_11, %get3A_12] : memref<128x64xf32, #tpu.memory_space<vmem>>, vector<128x64xf32>
    %dot_general3A = arith.constant dense<0.000000e+00> : vector<2560x64xf32>
    %dot_general3A_14 = tpu.matmul %get3A_10, %get3A_13, %dot_general3A {dimension_numbers = #tpu.dot_dimension_numbers<[1], [0], [0], [1], [0, 0, 1, 1], [], []>, transpose_lhs_hint = false} : vector<2560x128xf32>, vector<128x64xf32>, vector<2560x64xf32> -> vector<2560x64xf32>
    %mul3A = vector.broadcast %rsqrt3A : vector<2560x1xf32> to vector<2560x64xf32>
    %mul3A_15 = arith.mulf %dot_general3A_14, %mul3A : vector<2560x64xf32>
    %swap3A = arith.constant 0 : index
    %swap3A_16 = arith.constant 0 : index
    %swap3A_17 = vector.load %arg4[%swap3A, %swap3A_16] : memref<2560x64xf32, #tpu.memory_space<vmem>>, vector<2560x64xf32>
    tpu.vector_store %arg4[%swap3A, %swap3A_16], %mul3A_15 {strides = array<i32>} : memref<2560x64xf32, #tpu.memory_space<vmem>>, vector<2560x64xf32>,
    return
  }
  func.func @transform_0(%arg0: i32) -> (i32, i32) {
    %c0_i32 = arith.constant 0 : i32
    %c0_i32_0 = arith.constant 0 : i32
    return %arg0, %c0_i32 : i32, i32
  }
  func.func @transform_1(%arg0: i32) -> (i32, i32) {
    %c0_i32 = arith.constant 0 : i32
    %c0_i32_0 = arith.constant 0 : i32
    %c0_i32_1 = arith.constant 0 : i32
    return %c0_i32, %c0_i32_0 : i32, i32
  }
  func.func @transform_2(%arg0: i32) -> (i32, i32, i32) {
    %c0_i32 = arith.constant 0 : i32
    %c0_i32_0 = arith.constant 0 : i32
    %c0_i32_1 = arith.constant 0 : i32
    return %c0_i32, %arg0, %c0_i32_0 : i32, i32, i32
  }
  func.func @transform_3(%arg0: i32) -> (i32, i32) {
    %c0_i32 = arith.constant 0 : i32
    %c0_i32_0 = arith.constant 0 : i32
    return %arg0, %c0_i32 : i32, i32
  }
}

module attributes {stable_mosaic.version = 14 : i64} {
  func.func @_tc2_body(%arg0: i32, %arg1: memref<2x2560x64xf32, #tpu.memory_space<vmem>>, %arg2: memref<2560x64xf32, #tpu.memory_space<vmem>>, %arg3: memref<2x2560x16xf32, #tpu.memory_space<vmem>>, %arg4: memref<1x64xf32, #tpu.memory_space<vmem>>, %arg5: memref<64x32xf32, #tpu.memory_space<vmem>>, %arg6: memref<2560x32xf32, #tpu.memory_space<vmem>>) attributes {dimension_semantics = [#tpu.dimension_semantics<arbitrary>], iteration_bounds = array<i64: 4>, scalar_prefetch = 0 : i64, scratch_operands = 0 : i64, tpu.core_type = #tpu.core_type<tc>, window_params = [{transform_indices = @transform_0, window_bounds = array<i64: 2, 2560, 64>}, {transform_indices = @transform_1, window_bounds = array<i64: 2560, 64>}, {transform_indices = @transform_2, window_bounds = array<i64: 2, 2560, 16>}, {pipeline_mode = #tpu.pipeline_mode<synchronous>, transform_indices = @transform_3, window_bounds = array<i64: 1, 64>}, {pipeline_mode = #tpu.pipeline_mode<synchronous>, transform_indices = @transform_4, window_bounds = array<i64: 64, 32>}, {transform_indices = @transform_5, window_bounds = array<i64: 2560, 32>}]} {
    %get3A = arith.constant 0 : index
    %get3A_0 = arith.constant 0 : index
    %get3A_1 = arith.constant 0 : index
    %get3A_2 = vector.load %arg3[%get3A, %get3A_0, %get3A_1] : memref<2x2560x16xf32, #tpu.memory_space<vmem>>, vector<2x2560x16xf32>
    %slice3A = vector.extract_strided_slice %get3A_2 {offsets = [0, 0, 0], sizes = [1, 2560, 1], strides = [1, 1, 1]} : vector<2x2560x16xf32> to vector<1x2560x1xf32>
    %squeeze3A = vector.shape_cast %slice3A : vector<1x2560x1xf32> to vector<2560x1xf32>
    %slice3A_3 = vector.extract_strided_slice %get3A_2 {offsets = [1, 0, 0], sizes = [1, 2560, 1], strides = [1, 1, 1]} : vector<2x2560x16xf32> to vector<1x2560x1xf32>
    %squeeze3A_4 = vector.shape_cast %slice3A_3 : vector<1x2560x1xf32> to vector<2560x1xf32>
    %add3A = arith.addf %squeeze3A, %squeeze3A_4 : vector<2560x1xf32>
    %add3A_5 = arith.constant 1.000000e+00 : f32
    %add3A_6 = vector.broadcast %add3A_5 : f32 to vector<2560x1xf32>
    %add3A_7 = arith.addf %add3A, %add3A_6 : vector<2560x1xf32>
    %rsqrt3A = math.rsqrt %add3A_7 : vector<2560x1xf32>
    %get3A_8 = arith.constant 0 : index
    %get3A_9 = arith.constant 0 : index
    %get3A_10 = arith.constant 0 : index
    %get3A_11 = vector.load %arg1[%get3A_8, %get3A_9, %get3A_10] : memref<2x2560x64xf32, #tpu.memory_space<vmem>>, vector<2x2560x64xf32>
    %slice3A_12 = vector.extract_strided_slice %get3A_11 {offsets = [0, 0, 0], sizes = [1, 2560, 64], strides = [1, 1, 1]} : vector<2x2560x64xf32> to vector<1x2560x64xf32>
    %squeeze3A_13 = vector.shape_cast %slice3A_12 : vector<1x2560x64xf32> to vector<2560x64xf32>
    %slice3A_14 = vector.extract_strided_slice %get3A_11 {offsets = [1, 0, 0], sizes = [1, 2560, 64], strides = [1, 1, 1]} : vector<2x2560x64xf32> to vector<1x2560x64xf32>
    %squeeze3A_15 = vector.shape_cast %slice3A_14 : vector<1x2560x64xf32> to vector<2560x64xf32>
    %add3A_16 = arith.addf %squeeze3A_13, %squeeze3A_15 : vector<2560x64xf32>
    %get3A_17 = arith.constant 0 : index
    %get3A_18 = arith.constant 0 : index
    %get3A_19 = vector.load %arg2[%get3A_17, %get3A_18] : memref<2560x64xf32, #tpu.memory_space<vmem>>, vector<2560x64xf32>
    %add3A_20 = arith.addf %add3A_16, %get3A_19 : vector<2560x64xf32>
    %mul3A = vector.broadcast %rsqrt3A : vector<2560x1xf32> to vector<2560x64xf32>
    %mul3A_21 = arith.mulf %add3A_20, %mul3A : vector<2560x64xf32>
    %get3A_22 = arith.constant 0 : index
    %get3A_23 = arith.constant 0 : index
    %get3A_24 = vector.load %arg4[%get3A_22, %get3A_23] : memref<1x64xf32, #tpu.memory_space<vmem>>, vector<1x64xf32>
    %add3A_25 = vector.broadcast %get3A_24 : vector<1x64xf32> to vector<2560x64xf32>
    %add3A_26 = arith.addf %mul3A_21, %add3A_25 : vector<2560x64xf32>
    %max3A = arith.constant 0.000000e+00 : f32
    %max3A_27 = vector.broadcast %max3A : f32 to vector<2560x64xf32>
    %max3A_28 = arith.maximumf %add3A_26, %max3A_27 : vector<2560x64xf32>
    %get3A_29 = arith.constant 0 : index
    %get3A_30 = arith.constant 0 : index
    %get3A_31 = vector.load %arg5[%get3A_29, %get3A_30] : memref<64x32xf32, #tpu.memory_space<vmem>>, vector<64x32xf32>
    %dot_general3A = arith.constant dense<0.000000e+00> : vector<2560x32xf32>
    %dot_general3A_32 = tpu.matmul %max3A_28, %get3A_31, %dot_general3A {dimension_numbers = #tpu.dot_dimension_numbers<[1], [0], [0], [1], [0, 0, 1, 1], [], []>, transpose_lhs_hint = false} : vector<2560x64xf32>, vector<64x32xf32>, vector<2560x32xf32> -> vector<2560x32xf32>
    %mul3A_33 = vector.broadcast %rsqrt3A : vector<2560x1xf32> to vector<2560x32xf32>
    %mul3A_34 = arith.mulf %dot_general3A_32, %mul3A_33 : vector<2560x32xf32>
    %swap3A = arith.constant 0 : index
    %swap3A_35 = arith.constant 0 : index
    %swap3A_36 = vector.load %arg6[%swap3A, %swap3A_35] : memref<2560x32xf32, #tpu.memory_space<vmem>>, vector<2560x32xf32>
    tpu.vector_store %arg6[%swap3A, %swap3A_35], %mul3A_34 {strides = array<i32>} : memref<2560x32xf32, #tpu.memory_space<vmem>>, vector<2560x32xf32>,
    return
  }
  func.func @transform_0(%arg0: i32) -> (i32, i32, i32) {
    %c0_i32 = arith.constant 0 : i32
    %c0_i32_0 = arith.constant 0 : i32
    %c0_i32_1 = arith.constant 0 : i32
    return %c0_i32, %arg0, %c0_i32_0 : i32, i32, i32
  }
  func.func @transform_1(%arg0: i32) -> (i32, i32) {
    %c0_i32 = arith.constant 0 : i32
    %c0_i32_0 = arith.constant 0 : i32
    return %arg0, %c0_i32 : i32, i32
  }
  func.func @transform_2(%arg0: i32) -> (i32, i32, i32) {
    %c0_i32 = arith.constant 0 : i32
    %c0_i32_0 = arith.constant 0 : i32
    %c0_i32_1 = arith.constant 0 : i32
    return %c0_i32, %arg0, %c0_i32_0 : i32, i32, i32
  }
  func.func @transform_3(%arg0: i32) -> (i32, i32) {
    %c0_i32 = arith.constant 0 : i32
    %c0_i32_0 = arith.constant 0 : i32
    %c0_i32_1 = arith.constant 0 : i32
    return %c0_i32, %c0_i32_0 : i32, i32
  }
  func.func @transform_4(%arg0: i32) -> (i32, i32) {
    %c0_i32 = arith.constant 0 : i32
    %c0_i32_0 = arith.constant 0 : i32
    %c0_i32_1 = arith.constant 0 : i32
    return %c0_i32, %c0_i32_0 : i32, i32
  }
  func.func @transform_5(%arg0: i32) -> (i32, i32) {
    %c0_i32 = arith.constant 0 : i32
    %c0_i32_0 = arith.constant 0 : i32
    return %arg0, %c0_i32 : i32, i32
  }
}

module attributes {stable_mosaic.version = 14 : i64} {
  func.func @_tc3_body(%arg0: i32, %arg1: memref<2x2560x32xf32, #tpu.memory_space<vmem>>, %arg2: memref<2560x32xf32, #tpu.memory_space<vmem>>, %arg3: memref<2x2560x16xf32, #tpu.memory_space<vmem>>, %arg4: memref<1x32xf32, #tpu.memory_space<vmem>>, %arg5: memref<2560x32xf32, #tpu.memory_space<vmem>>) attributes {dimension_semantics = [#tpu.dimension_semantics<arbitrary>], iteration_bounds = array<i64: 4>, scalar_prefetch = 0 : i64, scratch_operands = 0 : i64, tpu.core_type = #tpu.core_type<tc>, window_params = [{transform_indices = @transform_0, window_bounds = array<i64: 2, 2560, 32>}, {transform_indices = @transform_1, window_bounds = array<i64: 2560, 32>}, {transform_indices = @transform_2, window_bounds = array<i64: 2, 2560, 16>}, {pipeline_mode = #tpu.pipeline_mode<synchronous>, transform_indices = @transform_3, window_bounds = array<i64: 1, 32>}, {transform_indices = @transform_4, window_bounds = array<i64: 2560, 32>}]} {
    %get3A = arith.constant 0 : index
    %get3A_0 = arith.constant 0 : index
    %get3A_1 = arith.constant 0 : index
    %get3A_2 = vector.load %arg3[%get3A, %get3A_0, %get3A_1] : memref<2x2560x16xf32, #tpu.memory_space<vmem>>, vector<2x2560x16xf32>
    %slice3A = vector.extract_strided_slice %get3A_2 {offsets = [0, 0, 0], sizes = [1, 2560, 1], strides = [1, 1, 1]} : vector<2x2560x16xf32> to vector<1x2560x1xf32>
    %squeeze3A = vector.shape_cast %slice3A : vector<1x2560x1xf32> to vector<2560x1xf32>
    %slice3A_3 = vector.extract_strided_slice %get3A_2 {offsets = [1, 0, 0], sizes = [1, 2560, 1], strides = [1, 1, 1]} : vector<2x2560x16xf32> to vector<1x2560x1xf32>
    %squeeze3A_4 = vector.shape_cast %slice3A_3 : vector<1x2560x1xf32> to vector<2560x1xf32>
    %add3A = arith.addf %squeeze3A, %squeeze3A_4 : vector<2560x1xf32>
    %add3A_5 = arith.constant 1.000000e+00 : f32
    %add3A_6 = vector.broadcast %add3A_5 : f32 to vector<2560x1xf32>
    %add3A_7 = arith.addf %add3A, %add3A_6 : vector<2560x1xf32>
    %rsqrt3A = math.rsqrt %add3A_7 : vector<2560x1xf32>
    %get3A_8 = arith.constant 0 : index
    %get3A_9 = arith.constant 0 : index
    %get3A_10 = arith.constant 0 : index
    %get3A_11 = vector.load %arg1[%get3A_8, %get3A_9, %get3A_10] : memref<2x2560x32xf32, #tpu.memory_space<vmem>>, vector<2x2560x32xf32>
    %slice3A_12 = vector.extract_strided_slice %get3A_11 {offsets = [0, 0, 0], sizes = [1, 2560, 32], strides = [1, 1, 1]} : vector<2x2560x32xf32> to vector<1x2560x32xf32>
    %squeeze3A_13 = vector.shape_cast %slice3A_12 : vector<1x2560x32xf32> to vector<2560x32xf32>
    %slice3A_14 = vector.extract_strided_slice %get3A_11 {offsets = [1, 0, 0], sizes = [1, 2560, 32], strides = [1, 1, 1]} : vector<2x2560x32xf32> to vector<1x2560x32xf32>
    %squeeze3A_15 = vector.shape_cast %slice3A_14 : vector<1x2560x32xf32> to vector<2560x32xf32>
    %add3A_16 = arith.addf %squeeze3A_13, %squeeze3A_15 : vector<2560x32xf32>
    %get3A_17 = arith.constant 0 : index
    %get3A_18 = arith.constant 0 : index
    %get3A_19 = vector.load %arg2[%get3A_17, %get3A_18] : memref<2560x32xf32, #tpu.memory_space<vmem>>, vector<2560x32xf32>
    %add3A_20 = arith.addf %add3A_16, %get3A_19 : vector<2560x32xf32>
    %mul3A = vector.broadcast %rsqrt3A : vector<2560x1xf32> to vector<2560x32xf32>
    %mul3A_21 = arith.mulf %add3A_20, %mul3A : vector<2560x32xf32>
    %get3A_22 = arith.constant 0 : index
    %get3A_23 = arith.constant 0 : index
    %get3A_24 = vector.load %arg4[%get3A_22, %get3A_23] : memref<1x32xf32, #tpu.memory_space<vmem>>, vector<1x32xf32>
    %add3A_25 = vector.broadcast %get3A_24 : vector<1x32xf32> to vector<2560x32xf32>
    %add3A_26 = arith.addf %mul3A_21, %add3A_25 : vector<2560x32xf32>
    %swap3A = arith.constant 0 : index
    %swap3A_27 = arith.constant 0 : index
    %swap3A_28 = vector.load %arg5[%swap3A, %swap3A_27] : memref<2560x32xf32, #tpu.memory_space<vmem>>, vector<2560x32xf32>
    tpu.vector_store %arg5[%swap3A, %swap3A_27], %add3A_26 {strides = array<i32>} : memref<2560x32xf32, #tpu.memory_space<vmem>>, vector<2560x32xf32>,
    return
  }
  func.func @transform_0(%arg0: i32) -> (i32, i32, i32) {
    %c0_i32 = arith.constant 0 : i32
    %c0_i32_0 = arith.constant 0 : i32
    %c0_i32_1 = arith.constant 0 : i32
    return %c0_i32, %arg0, %c0_i32_0 : i32, i32, i32
  }
  func.func @transform_1(%arg0: i32) -> (i32, i32) {
    %c0_i32 = arith.constant 0 : i32
    %c0_i32_0 = arith.constant 0 : i32
    return %arg0, %c0_i32 : i32, i32
  }
  func.func @transform_2(%arg0: i32) -> (i32, i32, i32) {
    %c0_i32 = arith.constant 0 : i32
    %c0_i32_0 = arith.constant 0 : i32
    %c0_i32_1 = arith.constant 0 : i32
    return %c0_i32, %arg0, %c0_i32_0 : i32, i32, i32
  }
  func.func @transform_3(%arg0: i32) -> (i32, i32) {
    %c0_i32 = arith.constant 0 : i32
    %c0_i32_0 = arith.constant 0 : i32
    %c0_i32_1 = arith.constant 0 : i32
    return %c0_i32, %c0_i32_0 : i32, i32
  }
  func.func @transform_4(%arg0: i32) -> (i32, i32) {
    %c0_i32 = arith.constant 0 : i32
    %c0_i32_0 = arith.constant 0 : i32
    return %arg0, %c0_i32 : i32, i32
  }
}

</mosaic_0001>

<sc_bundles>
// kernel: kernel.11.cloned.1.call-start
scs
__scs_entry_jumppad:
0x0: {  	(pc) =	sbr.rel $0x88, $3  }
0x1: {  	(tag) =	ssettag $0x0;
	lr =	simm.s32 $0x1  }
0x2: {  	[smem:$0x3F9B] =	sst lr;
	_ =	strace $0xD0000000  }
0x3: {  	_ = 	snop  }
0x4: {  	_ = 	snop  }
0x5: {  	_ = 	snop  }
0x6: {  	_ = 	snop  }
0x7: {  	_ = 	snop  }
__scs_overlays_trampoline_lowered:
0x8: {  	[smem:$0x3FAA] =	sst s0  }
0x9: {  	[smem:$0x3FAB] =	sst s1  }
0xa: {  	[smem:$0x3FAC] =	sst s2  }
0xb: {  	[smem:$0x3FAD] =	sst s3  }
0xc: {  	[smem:$0x3FAE] =	sst s4  }
0xd: {  	[smem:$0x3FAF] =	sst s5  }
0xe: {  	[smem:$0x3FB0] =	sst s6  }
0xf: {  	[smem:$0x3FB1] =	sst s7  }
0x10: {  	[smem:$0x3FB2] =	sst s8  }
0x11: {  	[smem:$0x3FB3] =	sst s9;
	s0 =	simm.s32 @!p0 $0x0  }
0x12: {  	s1 =	sld [smem:$0x3F99];
	s0 =	simm.s32 @p0 $0x1  }
0x13: {  	[smem:$0x3FB4] =	sst s0;
	s0 =	simm.s32 @!p1 $0x0  }
0x14: {  	s2 =	sld [smem:$0x3F98];
	s0 =	simm.s32 @p1 $0x1  }
0x15: {  	[smem:$0x3FB5] =	sst s0;
	s0 =	simm.s32 @!p2 $0x0  }
0x16: {  	s3 =	sld [smem:$0x3FDB];
	s0 =	simm.s32 @p2 $0x1  }
0x17: {  	s4 =	simm.s32 $0x1BF5;
	[smem:$0x3FB7] =	sst s0  }
0x18: {  	s0 =	sld [smem:$0x3F9A];
	_ =	swait.ge [sflag:s4], $0x0  }
0x19: {  	s7 =	sld [smem:$0x3F9B]  }
0x1a: {  	s8 =	sadd.s32 $0xFFFFE003, lr  }
0x1b: {  	s9 =	sadd.s32 $0xFFFFFEF7, lr;
	s5 =	simm.s32 $0xFFFFFFFF;
	p2 =	slt.u32 s8, $0xFFFFF086  }
0x1c: {  	p1 =	slt.u32 s9, $0xF7A;
	s5 =	simm.s32 @!p2 $0x0  }
0x1d: {  	s5 =	simm.s32 @p1 $0x1;
	p0 =	seq.s32 s7, s2  }
0x1e: {  	s7 =	smul.u32 @!p0 $0xF7A, s2;
	p2 =	seq.s32 @!p0 s5, $0x0  }
0x1f: {  	s9 =	smul.u32 $0xF7A, s1;
	s8 =	simm.s32 @!p0 $0x1BF5;
	p2 =	por !p2, p0  }
0x20: {  	[sflag:s8] =	ssyncset.s32 @!p0 $0xFFFFF086;
	s6 =	sadd.s32 @!p0 s3, s7;
	s7 =	simm.s32 @!p0 $0x108  }
0x21: {  	s3 =	sadd.s32 s3, s9;
	s6 =	sadd.s32 @!p0 $0x88, s6;
	s7 =	simm.s32 @p2 $0x1082  }
0x22: {  	[simem:s7], [sflag:s8] =	dma.local @!p0 [hbm:s6], $0xF7A  }
0x23: {  	s9 =	sor.u32 $0xD0000000, s2;
	s6 =	simm.s32 $0x108;
	_ =	swait.ge @!p0 [sflag:s8], $0x0  }
0x24: {  	s3 =	sadd.s32 $0x88, s3;
	s6 =	simm.s32 @!p1 $0x1082;
	[sflag:s4] =	ssyncset.s32 $0xFFFFF086  }
0x25: {  	[simem:s6], [sflag:s4] =	dma.local [hbm:s3], $0xF7A  }
0x26: {  	[smem:$0x3F9B] =	sst s1;
	(tag) =	ssettag s2;
	_ =	strace s9  }
0x27: {  	s1 =	sld [smem:$0x3FAB]  }
0x28: {  	s2 =	sld [smem:$0x3FAC]  }
0x29: {  	s4 =	sld [smem:$0x3FAE]  }
0x2a: {  	p0 =	seq.s32 s5, $0x0;
	s5 =	sld [smem:$0x3FAF]  }
0x2b: {  	s6 =	sld [smem:$0x3FB0]  }
0x2c: {  	s7 =	sld [smem:$0x3FB1]  }
0x2d: {  	s3 =	simm.s32 $0x108;
	s8 =	sld [smem:$0x3FB2]  }
0x2e: {  	s3 =	simm.s32 @!p0 $0x1082;
	s9 =	sld [smem:$0x3FB3]  }
0x2f: {  	lr =	sadd.s32 s0, s3;
	s0 =	sld [smem:$0x3FAA]  }
0x30: {  	s3 =	sld [smem:$0x3FAD]  }
0x31: {  	[smem:$0x3FB6] =	sst s10  }
0x32: {  	s10 =	sld [smem:$0x3FB4];
	_ =	sdelay $0x3  }
0x33: {  	p0 =	seq.s32 s10, $0x1;
	s10 =	sld [smem:$0x3FB6];
	_ =	sdelay $0x3  }
0x34: {  	[smem:$0x3FB6] =	sst s10  }
0x35: {  	s10 =	sld [smem:$0x3FB5];
	_ =	sdelay $0x3  }
0x36: {  	p1 =	seq.s32 s10, $0x1;
	s10 =	sld [smem:$0x3FB6];
	_ =	sdelay $0x3  }
0x37: {  	[smem:$0x3FB6] =	sst s10  }
0x38: {  	s10 =	sld [smem:$0x3FB7]  }
0x39: {  	_ = 	snop;
	(pc) =	sbr.ind lr, $3  }
0x3a: {  	_ = 	snop  }
0x3b: {  	_ = 	snop  }
0x3c: {  	p2 =	seq.s32 s10, $0x1;
	s10 =	sld [smem:$0x3FB6]  }
0x3d: {  	_ =	shalt  }
0x3e: {  	_ =	shalt  }
0x3f: {  	_ =	shalt  }
0x40: {  	_ =	shalt  }
0x41: {  	_ =	shalt  }
0x42: {  	_ =	shalt  }
0x43: {  	_ =	shalt  }
0x44: {  	_ =	shalt  }
0x45: {  	_ =	shalt  }
0x46: {  	_ =	shalt  }
0x47: {  	_ =	shalt  }
0x48: {  	_ =	shalt  }
0x49: {  	_ =	shalt  }
0x4a: {  	_ =	shalt  }
0x4b: {  	_ =	shalt  }
0x4c: {  	_ =	shalt  }
0x4d: {  	_ =	shalt  }
0x4e: {  	_ =	shalt  }
0x4f: {  	_ =	shalt  }
0x50: {  	_ =	shalt  }
0x51: {  	_ =	shalt  }
0x52: {  	_ =	shalt  }
0x53: {  	_ =	shalt  }
0x54: {  	_ =	shalt  }
0x55: {  	_ =	shalt  }
0x56: {  	_ =	shalt  }
0x57: {  	_ =	shalt  }
0x58: {  	_ =	shalt  }
0x59: {  	_ =	shalt  }
0x5a: {  	_ =	shalt  }
0x5b: {  	_ =	shalt  }
0x5c: {  	_ =	shalt  }
0x5d: {  	_ =	shalt  }
0x5e: {  	_ =	shalt  }
0x5f: {  	_ =	shalt  }
0x60: {  	_ =	shalt  }
0x61: {  	_ =	shalt  }
0x62: {  	_ =	shalt  }
0x63: {  	_ =	shalt  }
0x64: {  	_ =	shalt  }
0x65: {  	_ =	shalt  }
0x66: {  	_ =	shalt  }
0x67: {  	_ =	shalt  }
0x68: {  	_ =	shalt  }
0x69: {  	_ =	shalt  }
0x6a: {  	_ =	shalt  }
0x6b: {  	_ =	shalt  }
0x6c: {  	_ =	shalt  }
0x6d: {  	_ =	shalt  }
0x6e: {  	_ =	shalt  }
0x6f: {  	_ =	shalt  }
0x70: {  	_ =	shalt  }
0x71: {  	_ =	shalt  }
0x72: {  	_ =	shalt  }
0x73: {  	_ =	shalt  }
0x74: {  	_ =	shalt  }
0x75: {  	_ =	shalt  }
0x76: {  	_ =	shalt  }
0x77: {  	_ =	shalt  }
0x78: {  	_ =	shalt  }
0x79: {  	_ =	shalt  }
0x7a: {  	_ =	shalt  }
0x7b: {  	_ =	shalt  }
0x7c: {  	_ =	shalt  }
0x7d: {  	_ =	shalt  }
0x7e: {  	_ =	shalt  }
0x7f: {  	_ =	shalt  }
0x80: {  	_ =	shalt  }
0x81: {  	_ =	shalt  }
0x82: {  	_ =	shalt  }
0x83: {  	_ =	shalt  }
0x84: {  	_ =	shalt  }
0x85: {  	_ =	shalt  }
0x86: {  	_ =	shalt  }
0x87: {  	_ =	shalt  }
.Lfunc_end0:
.L_simem_size_0:
called_computation.1_lowered:
.L_overlay_start_0:
0x88: {  	s2 =	sld [smem:$0x3FD9]  }
0x89: {  	s3 =	sld [smem:$0x3FFE];
	_ =	sdelay $0x1  }
0x8a: {  	s1 =	srdreg.scid  }
0x8b: {  	s0 =	sand.u32 $0x1, s1  }
0x8c: {  	s16 =	sshll.u32 s0, $0xA;
	s2 =	sadd.s32 s3, s2  }
0x8d: {  	s2 =	sadd.s32 s2, s16  }
0x8e: {  	[smem:$0x3FC2] =	sst s2  }
0x8f: {  	_ = 	snop  }
0x90: {  	(tm) =	ssettm $0x1  }
0x91: {  	s17 =	sld [smem:$0x3FFB];
	_ =	sdelay $0x3  }
0x92: {  	_ =	strace s17  }
0x93: {  	s2 =	sld [smem:$0x3FFC];
	_ =	sdelay $0x3  }
0x94: {  	_ =	strace s2  }
0x95: {  	s2 =	sld [smem:$0x3FFD];
	_ =	sdelay $0x3  }
0x96: {  	_ =	strace s2  }
0x97: {  	_ =	strace $0x8FFFFFFF  }
0x98: {  	s18 =	sld [smem:$0x3FDB];
	_ =	sdelay $0x1  }
0x99: {  	s19 =	simm.s32 $_scs_section_size  }
0x9a: {  	s4 =	simm.s32 $_size__tile_overlayer_lowered;
	s5 =	simm.s32 $_tile_overlayer_lowered  }
0x9b: {  	s22 =	simm.s32 $0x1BFF;
	s21 =	sshll.u32 s5, $0x1;
	s2 =	sadd.s32 s19, s18  }
0x9c: {  	s6 =	simm.s32 $0x0;
	s20 =	sshll.u32 s4, $0x1;
	s4 =	sadd.s32 s21, s2  }
0x9d: {  	[timem:s6], [sflag:s22] =	dma.local [hbm:s4], s20  }
0x9e: {  	_ =	swait.ge [sflag:s22], s20  }
0x9f: {  	s3 =	ssub.s32 $0x0, s20;
	[sflag:s22] =	ssyncset.done $0x0  }
0xa0: {  	[sflag:s22] =	ssyncadd.s32 s3;
	_ =	sdelay $0x1  }
0xa1: {  	s23 =	simm.s32 $0x1B8B  }
0xa2: {  	_ =	swait.ge [sflag:s23], $0x1  }
0xa3: {  	[sflag:s23] =	ssyncset.done $0x0  }
0xa4: {  	s25 =	simm.s32 $0x1B8E;
	s24 =	sld [smem:$0x3FFE];
	[sflag:s23] =	ssyncadd.s32 $0xFFFFFFFF  }
0xa5: {  	s26 =	simm.s32 $execute0_lowered;
	[smem:$0x3FD2] =	sst s25  }
0xa6: {  	s4 =	sshll.u32 s26, $0x1;
	_ =	strace $0x80000049;
	[dreg:$0x1] =	wrdreg $0xFFFFFFFF  }
0xa7: {  	s28 =	simm.s32 $_size_execute0_lowered;
	s2 =	sadd.s32 s2, s4;
	[dreg:$0x0] =	wrdreg $0x0  }
0xa8: {  	s4 =	sshll.u32 s28, $0x1;
	[dreg:$0x2] =	wrdreg s2  }
0xa9: {  	[dreg:$0x3] =	wrdreg s4  }
0xaa: {  	[dreg:$0x4] =	wrdreg $0xC0  }
0xab: {  	_ =	task [dreg:s6], $0x5FFFF  }
0xac: {  	[dreg:$0x1] =	wrdreg $0xFFFFFFFF  }
0xad: {  	[dreg:$0x0] =	wrdreg $0x60  }
0xae: {  	[dreg:$0x2] =	wrdreg s24  }
0xaf: {  	[dreg:$0x3] =	wrdreg $0x114000  }
0xb0: {  	[dreg:$0x4] =	wrdreg $0x9  }
0xb1: {  	_ =	task.clear_ibuf [dreg:s6], $0x5FFFF;
	_ =	strace $0x90000049  }
0xb2: {  	s29 =	simm.s32 $0x9;
	_ =	strace $0x8000004B  }
0xb3: {  	_ =	swait.ge [sflag:s29], $0x1  }
0xb4: {  	[sflag:s29] =	ssyncadd.s32 $0xFFFFFFFF  }
0xb5: {  	_ =	strace $0x9000004B  }
0xb6: {  	_ =	sfence  }
0xb7: {  	s30 =	sld [smem:$0x0];
	_ =	sdelay $0x2  }
0xb8: {  	s31 =	sshll.u32 s1, $0xD;
	s1 =	sshrl.u32 s1, $0x2  }
0xb9: {  	s3 =	sand.u32 $0x4000, s31;
	s1 =	sadd.s32 s1, s30  }
0xba: {  	s0 =	sor.u32 s3, s0;
	s1 =	sshll.u32 s1, $0x11  }
0xbb: {  	s0 =	sor.u32 s1, s0  }
0xbc: {  	s0 =	sadd.s32 $0x8F2B, s0  }
0xbd: {  	[sflag:s0] =	ssyncadd.remote.s32 $0x1  }
0xbe: {  	_ =	sfence.sel $0xFFFF  }
0xbf: {  	[dreg:$0x0] =	wrdreg $0xFFFFFFFF;
	(pc) =	sbr.abs _section_cstart, $3  }
0xc0: {  	[dreg:$0x1] =	wrdreg $0xFFFFFFFF  }
0xc1: {  	_ =	task.clear_ibuf [dreg:s6], $0x2FFFF;
	_ =	strace $0x9FFFFFFF  }
0xc2: {  	(tm) =	ssettm $0x7FFFFFFF  }
0xc3: {  	_ =	shalt  }
tec
execute0_lowered:
.L_overlay_start_1:
0x0: {  	(tag) =	ssettag $0x1  }
0x1: {  	s0 =	rddreg [dreg:$0x0]  }
0x2: {  	s1 =	rddreg [dreg:$0x1]  }
0x3: {  	s2 =	simm.s32 $0x0;
	s3 =	srdreg.scid;
	s19 =	stileid.u32  }
0x4: {  	s29 =	simm.s32 $0xF400;
	s30 =	simm.s32 $0x1;
	s31 =	simm.s32 $0x2  }
0x5: {  	[smem:$0x7FF] =	sst s2;
	s4 =	sadd.s32 $0x97A00, s0;
	s11 =	smul.u32 $0xA000, s19  }
0x6: {  	s3 =	sand.u32 $0x1, s3;
	s10 =	sadd.s32 $0x15A00, s0;
	s9 =	smul.u32 $0x600, s19  }
0x7: {  	s12 =	sadd.s32 $0x1A00, s0;
	s19 =	smul.u32 $0x940, s19;
	_ =	strace $0x8000004A  }
0x8: {  	s5 =	smul.u32 $0x14000, s3;
	s6 =	ssub.s32 $0x2, s3;
	p0 =	sne.s32 s3, $0x0  }
0x9: {  	s3 =	simm.s32 $0x4;
	s7 =	sshrl.u32 s6, $0x1;
	s14 =	sadd.s32 $0x2000, s11  }
0xa: {  	s15 =	sadd.s32 $0x4000, s11;
	s16 =	sadd.s32 $0x6000, s11;
	s9 =	sshrl.u32 s9, $0x3  }
0xb: {  	s17 =	sadd.s32 $0x8000, s11;
	s21 =	sadd.s32 s12, s19;
	s22 =	sshrl.u32 s11, $0x3  }
0xc: {  	s0 =	sadd.s32 s5, s0;
	s13 =	ssub.s32 s6, s7;
	s5 =	sadd.s32 s11, s1  }
0xd: {  	s6 =	sadd.s32 s14, s1;
	s7 =	sadd.s32 s15, s1;
	s8 =	sadd.s32 s16, s1  }
0xe: {  	s18 =	sadd.s32 $0x9400, s9;
	s9 =	sadd.s32 s17, s1;
	[dreg:$0x6] =	wrdreg s21  }
0xf: {  	s23 =	sshrl.u32 s14, $0x3;
	s24 =	sshrl.u32 s15, $0x3;
	s25 =	sshrl.u32 s16, $0x3  }
0x10: {  	s17 =	sshrl.u32 s17, $0x3;
	s15 =	simm.s32 $0x9400;
	s16 =	simm.s32 $0x9  }
0x11: {  	s21 =	simm.s32 $0x4A00;
	s11 =	simm.s32 $0x6;
	s20 =	sadd.s32 s10, s18  }
0x12: {  	s18 =	sadd.s32 s12, s18;
	s10 =	sadd.s32 s10, s19;
	[dreg:$0x3] =	wrdreg s20  }
0x13: {  	s0 =	sadd.s32 $0xABA00, s0;
	s13 =	smax.u32 s13, $0x1;
	[dreg:$0x4] =	wrdreg s18  }
0x14: {  	s19 =	simm.s32 $0xB400;
	s12 =	simm.s32 $0x7;
	[dreg:$0x5] =	wrdreg s10  }
.Ltmp0:
0x15: {  	[dreg:$0x7] =	wrdreg s13;
	s18 =	simm.s32 $0x80;
	(pc) =	sbr.rel .LBB2_1-.Ltmp0, $4  }
0x16: {  	s26 =	sadd.s32 s22, s0;
	s28 =	sadd.s32 s23, s0;
	s22 =	sadd.s32 s24, s0  }
0x17: {  	s23 =	sadd.s32 s25, s0;
	s24 =	sadd.s32 s17, s0;
	s0 =	simm.s32 $0x3  }
0x18: {  	s10 =	simm.s32 $0x5;
	s13 =	simm.s32 $0x8;
	[dreg:$0x8] =	wrdreg s26  }
0x19: {  	v0 =	vimm.f32 $0.0e+00;
	s25 =	simm.s32 $0x0;
	[dreg:$0x9] =	wrdreg s28;
	s26 =	simm.s32 $0xD400  }
.LBB2_7:
0x1a: {  	s14 =	rddreg [dreg:$0x3]  }
0x1b: {  	[tilespmem:s2], [sflag:$0x9] =	stream.linear.gather [hbm4b:s14+s2], $0x600, $0x38;
	[tilespmem:$0x1B400] =	vst v63  }
0x1c: {  	_ =	swait.ge [sflag:s16], $0x600  }
0x1d: {  	[sflag:s16] =	ssyncset.done $0x0  }
0x1e: {  	s17 =	simm.s32 $0x4A00;
	s21 =	rddreg [dreg:$0x4];
	[sflag:s16] =	ssyncadd.s32 $0xFFFFFA00  }
0x1f: {  	[tilespmem:s17], [sflag:$0x9] =	stream.linear.gather [hbm4b:s21+s2], $0x600, $0x38;
	[tilespmem:$0x1B400] =	vst v63  }
0x20: {  	_ =	swait.ge [sflag:s16], $0x600  }
0x21: {  	[sflag:s16] =	ssyncset.done $0x0  }
0x22: {  	[sflag:s16] =	ssyncadd.s32 $0xFFFFFA00  }
0x23: {  	[bflag:$0x0] =	sbarrier.arrive $0xFFFF  }
0x24: {  	[tilespmem:s15], [sflag:$0x1] =	stream.indirect.gather [hbm4b:s4+s18], $0x40, s2, s18, $0xb8;
	[tilespmem:$0x1B400] =	vst v63  }
0x25: {  	_ = 	snop  }
0x26: {  	[tilespmem:s19], [sflag:$0x2] =	stream.indirect.gather [hbm4b:s4+s18], $0x40, s18, s18, $0xb8;
	[tilespmem:$0x1B400] =	vst v63  }
0x27: {  	s20 =	simm.s32 $0x100  }
0x28: {  	[tilespmem:s26], [sflag:$0x3] =	stream.indirect.gather [hbm4b:s4+s18], $0x40, s20, s18, $0xb8;
	[tilespmem:$0x1B400] =	vst v63  }
0x29: {  	s21 =	simm.s32 $0x180  }
0x2a: {  	[tilespmem:s29], [sflag:$0x4] =	stream.indirect.gather [hbm4b:s4+s18], $0x40, s21, s18, $0xb8;
	[tilespmem:$0x1B400] =	vst v63  }
0x2b: {  	_ =	swait.ge [sflag:s30], $0x2000  }
0x2c: {  	[sflag:s30] =	ssyncset.done $0x0  }
0x2d: {  	[sflag:s30] =	ssyncadd.s32 $0xFFFFE000  }
0x2e: {  	[spmem:s1] =	stream.indirect.scatter.add.f32 [tilespmem:s15], [sflag:$0x5], $0x40, s17, s18, $0xb8;
	[tilespmem:$0x1B400] =	vst v63  }
0x2f: {  	_ =	swait.ge [sflag:s31], $0x2000  }
0x30: {  	[sflag:s31] =	ssyncset.done $0x0  }
0x31: {  	s20 =	simm.s32 $0x4A80;
	[sflag:s31] =	ssyncadd.s32 $0xFFFFE000  }
0x32: {  	[spmem:s1] =	stream.indirect.scatter.add.f32 [tilespmem:s19], [sflag:$0x6], $0x40, s20, s18, $0xb8;
	[tilespmem:$0x1B400] =	vst v63  }
0x33: {  	_ =	swait.ge [sflag:s0], $0x2000  }
0x34: {  	[sflag:s0] =	ssyncset.done $0x0  }
0x35: {  	s17 =	simm.s32 $0x4B00;
	[sflag:s0] =	ssyncadd.s32 $0xFFFFE000  }
0x36: {  	[spmem:s1] =	stream.indirect.scatter.add.f32 [tilespmem:s26], [sflag:$0x7], $0x40, s17, s18, $0xb8;
	[tilespmem:$0x1B400] =	vst v63  }
0x37: {  	_ =	swait.ge [sflag:s3], $0x2000  }
0x38: {  	[sflag:s3] =	ssyncset.done $0x0  }
0x39: {  	s20 =	simm.s32 $0x4B80;
	[sflag:s3] =	ssyncadd.s32 $0xFFFFE000  }
0x3a: {  	[spmem:s1] =	stream.indirect.scatter.add.f32 [tilespmem:s29], [sflag:$0x8], $0x40, s20, s18, $0xb8;
	[tilespmem:$0x1B400] =	vst v63  }
0x3b: {  	_ =	swait.ge [sflag:s10], $0x2000  }
0x3c: {  	[sflag:s10] =	ssyncset.done $0x0  }
0x3d: {  	s17 =	simm.s32 $0x200;
	[sflag:s10] =	ssyncadd.s32 $0xFFFFE000  }
0x3e: {  	[tilespmem:s15], [sflag:$0x1] =	stream.indirect.gather [hbm4b:s4+s18], $0x40, s17, s18, $0xb8;
	[tilespmem:$0x1B400] =	vst v63  }
0x3f: {  	_ =	swait.ge [sflag:s11], $0x2000  }
0x40: {  	[sflag:s11] =	ssyncset.done $0x0  }
0x41: {  	s20 =	simm.s32 $0x280;
	[sflag:s11] =	ssyncadd.s32 $0xFFFFE000  }
0x42: {  	[tilespmem:s19], [sflag:$0x2] =	stream.indirect.gather [hbm4b:s4+s18], $0x40, s20, s18, $0xb8;
	[tilespmem:$0x1B400] =	vst v63  }
0x43: {  	_ =	swait.ge [sflag:s12], $0x2000  }
0x44: {  	[sflag:s12] =	ssyncset.done $0x0  }
0x45: {  	s17 =	simm.s32 $0x300;
	[sflag:s12] =	ssyncadd.s32 $0xFFFFE000  }
0x46: {  	[tilespmem:s26], [sflag:$0x3] =	stream.indirect.gather [hbm4b:s4+s18], $0x40, s17, s18, $0xb8;
	[tilespmem:$0x1B400] =	vst v63  }
0x47: {  	_ =	swait.ge [sflag:s13], $0x2000  }
0x48: {  	[sflag:s13] =	ssyncset.done $0x0  }
0x49: {  	s20 =	simm.s32 $0x380;
	[sflag:s13] =	ssyncadd.s32 $0xFFFFE000  }
0x4a: {  	[tilespmem:s29], [sflag:$0x4] =	stream.indirect.gather [hbm4b:s4+s18], $0x40, s20, s18, $0xb8;
	[tilespmem:$0x1B400] =	vst v63  }
0x4b: {  	_ =	swait.ge [sflag:s30], $0x2000  }
0x4c: {  	[sflag:s30] =	ssyncset.done $0x0  }
0x4d: {  	s17 =	simm.s32 $0x4C00;
	[sflag:s30] =	ssyncadd.s32 $0xFFFFE000  }
0x4e: {  	[spmem:s1] =	stream.indirect.scatter.add.f32 [tilespmem:s15], [sflag:$0x5], $0x40, s17, s18, $0xb8;
	[tilespmem:$0x1B400] =	vst v63  }
0x4f: {  	_ =	swait.ge [sflag:s31], $0x2000  }
0x50: {  	[sflag:s31] =	ssyncset.done $0x0  }
0x51: {  	s20 =	simm.s32 $0x4C80;
	[sflag:s31] =	ssyncadd.s32 $0xFFFFE000  }
0x52: {  	[spmem:s1] =	stream.indirect.scatter.add.f32 [tilespmem:s19], [sflag:$0x6], $0x40, s20, s18, $0xb8;
	[tilespmem:$0x1B400] =	vst v63  }
0x53: {  	_ =	swait.ge [sflag:s0], $0x2000  }
0x54: {  	[sflag:s0] =	ssyncset.done $0x0  }
0x55: {  	s17 =	simm.s32 $0x4D00;
	[sflag:s0] =	ssyncadd.s32 $0xFFFFE000  }
0x56: {  	[spmem:s1] =	stream.indirect.scatter.add.f32 [tilespmem:s26], [sflag:$0x7], $0x40, s17, s18, $0xb8;
	[tilespmem:$0x1B400] =	vst v63  }
0x57: {  	_ =	swait.ge [sflag:s3], $0x2000  }
0x58: {  	[sflag:s3] =	ssyncset.done $0x0  }
0x59: {  	s20 =	simm.s32 $0x4D80;
	[sflag:s3] =	ssyncadd.s32 $0xFFFFE000  }
0x5a: {  	[spmem:s1] =	stream.indirect.scatter.add.f32 [tilespmem:s29], [sflag:$0x8], $0x40, s20, s18, $0xb8;
	[tilespmem:$0x1B400] =	vst v63  }
0x5b: {  	_ =	swait.ge [sflag:s10], $0x2000  }
0x5c: {  	[sflag:s10] =	ssyncset.done $0x0  }
0x5d: {  	s17 =	simm.s32 $0x400;
	[sflag:s10] =	ssyncadd.s32 $0xFFFFE000  }
0x5e: {  	[tilespmem:s15], [sflag:$0x1] =	stream.indirect.gather [hbm4b:s4+s18], $0x40, s17, s18, $0xb8;
	[tilespmem:$0x1B400] =	vst v63  }
0x5f: {  	_ =	swait.ge [sflag:s11], $0x2000  }
0x60: {  	[sflag:s11] =	ssyncset.done $0x0  }
0x61: {  	s20 =	simm.s32 $0x480;
	[sflag:s11] =	ssyncadd.s32 $0xFFFFE000  }
0x62: {  	[tilespmem:s19], [sflag:$0x2] =	stream.indirect.gather [hbm4b:s4+s18], $0x40, s20, s18, $0xb8;
	[tilespmem:$0x1B400] =	vst v63  }
0x63: {  	_ =	swait.ge [sflag:s12], $0x2000  }
0x64: {  	[sflag:s12] =	ssyncset.done $0x0  }
0x65: {  	s17 =	simm.s32 $0x500;
	[sflag:s12] =	ssyncadd.s32 $0xFFFFE000  }
0x66: {  	[tilespmem:s26], [sflag:$0x3] =	stream.indirect.gather [hbm4b:s4+s18], $0x40, s17, s18, $0xb8;
	[tilespmem:$0x1B400] =	vst v63  }
0x67: {  	_ =	swait.ge [sflag:s13], $0x2000  }
0x68: {  	s28 =	simm.s32 $0x4F00;
	[sflag:s13] =	ssyncset.done $0x0  }
0x69: {  	s14 =	simm.s32 $0x4E80;
	s20 =	simm.s32 $0x580;
	[sflag:s13] =	ssyncadd.s32 $0xFFFFE000  }
0x6a: {  	[tilespmem:s29], [sflag:$0x4] =	stream.indirect.gather [hbm4b:s4+s18], $0x40, s20, s18, $0xb8;
	[tilespmem:$0x1B400] =	vst v63  }
0x6b: {  	s21 =	simm.s32 $0x4A00;
	s17 =	simm.s32 $0x4F80;
	s20 =	simm.s32 $0x4E00  }
.LBB2_8:
0x6c: {  	_ =	swait.ge [sflag:s30], $0x2000  }
0x6d: {  	[sflag:s30] =	ssyncset.done $0x0  }
0x6e: {  	[sflag:s30] =	ssyncadd.s32 $0xFFFFE000  }
0x6f: {  	[spmem:s1] =	stream.indirect.scatter.add.f32 [tilespmem:s15], [sflag:$0x5], $0x40, s20, s18, $0xb8;
	[tilespmem:$0x1B400] =	vst v63  }
0x70: {  	_ =	swait.ge [sflag:s31], $0x2000  }
0x71: {  	[sflag:s31] =	ssyncset.done $0x0  }
0x72: {  	[sflag:s31] =	ssyncadd.s32 $0xFFFFE000  }
0x73: {  	[spmem:s1] =	stream.indirect.scatter.add.f32 [tilespmem:s19], [sflag:$0x6], $0x40, s14, s18, $0xb8;
	[tilespmem:$0x1B400] =	vst v63  }
0x74: {  	_ =	swait.ge [sflag:s0], $0x2000  }
0x75: {  	[sflag:s0] =	ssyncset.done $0x0  }
0x76: {  	[sflag:s0] =	ssyncadd.s32 $0xFFFFE000  }
0x77: {  	[spmem:s1] =	stream.indirect.scatter.add.f32 [tilespmem:s26], [sflag:$0x7], $0x40, s28, s18, $0xb8;
	[tilespmem:$0x1B400] =	vst v63  }
0x78: {  	_ =	swait.ge [sflag:s3], $0x2000  }
0x79: {  	[sflag:s3] =	ssyncset.done $0x0  }
0x7a: {  	[sflag:s3] =	ssyncadd.s32 $0xFFFFE000  }
0x7b: {  	[spmem:s1] =	stream.indirect.scatter.add.f32 [tilespmem:s29], [sflag:$0x8], $0x40, s17, s18, $0xb8;
	[tilespmem:$0x1B400] =	vst v63  }
0x7c: {  	_ =	swait.ge [sflag:s10], $0x2000  }
0x7d: {  	[sflag:s10] =	ssyncset.done $0x0  }
0x7e: {  	[sflag:s10] =	ssyncadd.s32 $0xFFFFE000  }
0x7f: {  	_ =	swait.ge [sflag:s11], $0x2000  }
0x80: {  	[sflag:s11] =	ssyncset.done $0x0  }
0x81: {  	[sflag:s11] =	ssyncadd.s32 $0xFFFFE000  }
0x82: {  	_ =	swait.ge [sflag:s12], $0x2000  }
0x83: {  	[sflag:s12] =	ssyncset.done $0x0  }
0x84: {  	[sflag:s12] =	ssyncadd.s32 $0xFFFFE000  }
0x85: {  	_ =	swait.ge [sflag:s13], $0x2000  }
0x86: {  	[sflag:s13] =	ssyncset.done $0x0  }
0x87: {  	[sflag:s13] =	ssyncadd.s32 $0xFFFFE000  }
0x88: {  	[bflag:$0x0] =	sbarrier.arrive $0xFFFF  }
0x89: {  	[tilespmem:s15], [sflag:$0x1] =	stream.linear.gather [spmem:s5], $0x2000, $0x38;
	[tilespmem:$0x1B400] =	vst v63  }
0x8a: {  	_ =	swait.ge [sflag:s30], $0x2000  }
0x8b: {  	[sflag:s30] =	ssyncset.done $0x0  }
0x8c: {  	s17 =	rddreg [dreg:$0x8];
	[sflag:s30] =	ssyncadd.s32 $0xFFFFE000  }
0x8d: {  	[hbm4b:s17+s2] =	stream.linear.scatter [tilespmem:s15], [sflag:$0x5], $0x2000, $0x38;
	[tilespmem:$0x1B400] =	vst v63  }
0x8e: {  	_ = 	snop  }
0x8f: {  	[tilespmem:s19], [sflag:$0x2] =	stream.linear.gather [spmem:s6], $0x2000, $0x38;
	[tilespmem:$0x1B400] =	vst v63  }
0x90: {  	_ =	swait.ge [sflag:s31], $0x2000  }
0x91: {  	[sflag:s31] =	ssyncset.done $0x0  }
0x92: {  	s20 =	rddreg [dreg:$0x9];
	[sflag:s31] =	ssyncadd.s32 $0xFFFFE000  }
0x93: {  	[hbm4b:s20+s2] =	stream.linear.scatter [tilespmem:s19], [sflag:$0x6], $0x2000, $0x38;
	[tilespmem:$0x1B400] =	vst v63  }
0x94: {  	_ = 	snop  }
0x95: {  	[tilespmem:s26], [sflag:$0x3] =	stream.linear.gather [spmem:s7], $0x2000, $0x38;
	[tilespmem:$0x1B400] =	vst v63  }
0x96: {  	_ =	swait.ge [sflag:s0], $0x2000  }
0x97: {  	[sflag:s0] =	ssyncset.done $0x0  }
0x98: {  	[sflag:s0] =	ssyncadd.s32 $0xFFFFE000  }
0x99: {  	[hbm4b:s22+s2] =	stream.linear.scatter [tilespmem:s26], [sflag:$0x7], $0x2000, $0x38;
	[tilespmem:$0x1B400] =	vst v63  }
0x9a: {  	_ = 	snop  }
0x9b: {  	[tilespmem:s29], [sflag:$0x4] =	stream.linear.gather [spmem:s8], $0x2000, $0x38;
	[tilespmem:$0x1B400] =	vst v63  }
0x9c: {  	_ =	swait.ge [sflag:s3], $0x2000  }
0x9d: {  	[sflag:s3] =	ssyncset.done $0x0  }
0x9e: {  	[sflag:s3] =	ssyncadd.s32 $0xFFFFE000  }
0x9f: {  	[hbm4b:s23+s2] =	stream.linear.scatter [tilespmem:s29], [sflag:$0x8], $0x2000, $0x38;
	[tilespmem:$0x1B400] =	vst v63  }
0xa0: {  	_ =	swait.ge [sflag:s10], $0x2000  }
0xa1: {  	[sflag:s10] =	ssyncset.done $0x0  }
0xa2: {  	[sflag:s10] =	ssyncadd.s32 $0xFFFFE000  }
0xa3: {  	[tilespmem:s15], [sflag:$0x1] =	stream.linear.gather [spmem:s9], $0x2000, $0x38;
	[tilespmem:$0x1B400] =	vst v63  }
0xa4: {  	_ =	swait.ge [sflag:s30], $0x2000  }
0xa5: {  	[sflag:s30] =	ssyncset.done $0x0  }
0xa6: {  	[sflag:s30] =	ssyncadd.s32 $0xFFFFE000  }
0xa7: {  	[hbm4b:s24+s2] =	stream.linear.scatter [tilespmem:s15], [sflag:$0x5], $0x2000, $0x38;
	[tilespmem:$0x1B400] =	vst v63  }
0xa8: {  	_ =	swait.ge [sflag:s10], $0x2000  }
0xa9: {  	[sflag:s10] =	ssyncset.done $0x0  }
0xaa: {  	[sflag:s10] =	ssyncadd.s32 $0xFFFFE000  }
0xab: {  	_ =	swait.ge [sflag:s11], $0x2000  }
0xac: {  	[sflag:s11] =	ssyncset.done $0x0  }
0xad: {  	[sflag:s11] =	ssyncadd.s32 $0xFFFFE000  }
0xae: {  	_ =	swait.ge [sflag:s12], $0x2000  }
0xaf: {  	[sflag:s12] =	ssyncset.done $0x0  }
0xb0: {  	[sflag:s12] =	ssyncadd.s32 $0xFFFFE000  }
0xb1: {  	_ =	swait.ge [sflag:s13], $0x2000  }
0xb2: {  	s25 =	sadd.s32 $0x1, s25;
	s28 =	rddreg [dreg:$0x7]  }
0xb3: {  	p1 =	sne.s32 s25, s28  }
.Ltmp1:
0xb4: {  	_ = 	snop;
	(pc) =	sbr.rel @!p1 .LBB2_9-.Ltmp1, $3  }
0xb5: {  	_ =	sdelay $0x1  }
0xb6: {  	[sflag:s13] =	ssyncset.done $0x0  }
0xb7: {  	[sflag:s13] =	ssyncadd.s32 $0xFFFFE000  }
.LBB2_1:
0xb8: {  	s28 =	simm.s32 $0x100;
	s17 =	simm.s32 $0x0  }
.LBB2_2:
0xb9: {  	p1 =	sne.s32 s28, $0x7F00;
	[tilespmem:s17+$0x9430] =	vst v0;
	s14 =	smov.u32 s28;
	s28 =	sadd.s32 $0x100, s28  }
.Ltmp2:
0xba: {  	[tilespmem:s17+$0x9420] =	vst v0;
	(pc) =	sbr.rel @p1 .LBB2_2-.Ltmp2, $3  }
0xbb: {  	[tilespmem:s17+$0x9400] =	vst v0  }
0xbc: {  	[tilespmem:s17+$0x9410] =	vst v0;
	_ =	sdelay $0x1  }
0xbd: {  	s17 =	sshra.s32 s14, $0x2  }
0xbe: {  	[tilespmem:s17+$0x9430] =	vst v0  }
0xbf: {  	[tilespmem:s17+$0x9420] =	vst v0  }
0xc0: {  	[tilespmem:s17+$0x9400] =	vst v0  }
0xc1: {  	[tilespmem:s17+$0x9410] =	vst v0  }
0xc2: {  	[spmem:s5] =	stream.linear.scatter [tilespmem:s15], [sflag:$0x9], $0x2000, $0x38;
	[tilespmem:$0x1B400] =	vst v63  }
0xc3: {  	_ =	swait.ge [sflag:s16], $0x2000  }
0xc4: {  	[sflag:s16] =	ssyncset.done $0x0  }
0xc5: {  	[sflag:s16] =	ssyncadd.s32 $0xFFFFE000  }
0xc6: {  	[spmem:s6] =	stream.linear.scatter [tilespmem:s15], [sflag:$0x9], $0x2000, $0x38;
	[tilespmem:$0x1B400] =	vst v63  }
0xc7: {  	_ =	swait.ge [sflag:s16], $0x2000  }
0xc8: {  	[sflag:s16] =	ssyncset.done $0x0  }
0xc9: {  	[sflag:s16] =	ssyncadd.s32 $0xFFFFE000  }
0xca: {  	[spmem:s7] =	stream.linear.scatter [tilespmem:s15], [sflag:$0x9], $0x2000, $0x38;
	[tilespmem:$0x1B400] =	vst v63  }
0xcb: {  	_ =	swait.ge [sflag:s16], $0x2000  }
0xcc: {  	[sflag:s16] =	ssyncset.done $0x0  }
0xcd: {  	[sflag:s16] =	ssyncadd.s32 $0xFFFFE000  }
0xce: {  	[spmem:s8] =	stream.linear.scatter [tilespmem:s15], [sflag:$0x9], $0x2000, $0x38;
	[tilespmem:$0x1B400] =	vst v63  }
0xcf: {  	_ =	swait.ge [sflag:s16], $0x2000  }
0xd0: {  	[sflag:s16] =	ssyncset.done $0x0  }
.Ltmp3:
0xd1: {  	[sflag:s16] =	ssyncadd.s32 $0xFFFFE000;
	(pc) =	sbr.rel @p0 .LBB2_7-.Ltmp3, $4  }
0xd2: {  	[spmem:s9] =	stream.linear.scatter [tilespmem:s15], [sflag:$0x9], $0x2000, $0x38;
	[tilespmem:$0x1B400] =	vst v63  }
0xd3: {  	_ =	swait.ge [sflag:s16], $0x2000  }
0xd4: {  	[sflag:s16] =	ssyncset.done $0x0  }
0xd5: {  	[sflag:s16] =	ssyncadd.s32 $0xFFFFE000  }
0xd6: {  	s14 =	simm.s32 $0x0;
	s17 =	rddreg [dreg:$0x5]  }
0xd7: {  	[tilespmem:s14], [sflag:$0x9] =	stream.linear.gather [hbm4b:s17+s14], $0x4A00, $0x38;
	[tilespmem:$0x1B400] =	vst v63  }
0xd8: {  	_ =	swait.ge [sflag:s16], $0x4A00  }
0xd9: {  	[sflag:s16] =	ssyncset.done $0x0  }
0xda: {  	s20 =	rddreg [dreg:$0x6];
	[sflag:s16] =	ssyncadd.s32 $0xFFFFB600  }
0xdb: {  	[tilespmem:s21], [sflag:$0x9] =	stream.linear.gather [hbm4b:s20+s14], $0x4A00, $0x38;
	[tilespmem:$0x1B400] =	vst v63  }
0xdc: {  	_ =	swait.ge [sflag:s16], $0x4A00  }
0xdd: {  	[sflag:s16] =	ssyncset.done $0x0  }
0xde: {  	[sflag:s16] =	ssyncadd.s32 $0xFFFFB600  }
0xdf: {  	[bflag:$0x0] =	sbarrier.arrive $0xFFFF  }
0xe0: {  	[tilespmem:s15], [sflag:$0x1] =	stream.indirect.gather [hbm4b:s4+s18], $0x40, s14, s18, $0xb8;
	[tilespmem:$0x1B400] =	vst v63  }
0xe1: {  	_ = 	snop  }
0xe2: {  	[tilespmem:s19], [sflag:$0x2] =	stream.indirect.gather [hbm4b:s4+s18], $0x40, s18, s18, $0xb8;
	[tilespmem:$0x1B400] =	vst v63  }
0xe3: {  	s20 =	simm.s32 $0x100  }
0xe4: {  	[tilespmem:s26], [sflag:$0x3] =	stream.indirect.gather [hbm4b:s4+s18], $0x40, s20, s18, $0xb8;
	[tilespmem:$0x1B400] =	vst v63  }
0xe5: {  	s17 =	simm.s32 $0x180  }
0xe6: {  	[tilespmem:s29], [sflag:$0x4] =	stream.indirect.gather [hbm4b:s4+s18], $0x40, s17, s18, $0xb8;
	[tilespmem:$0x1B400] =	vst v63  }
0xe7: {  	_ =	swait.ge [sflag:s30], $0x2000  }
0xe8: {  	[sflag:s30] =	ssyncset.done $0x0  }
0xe9: {  	s20 =	simm.s32 $0x4A00;
	[sflag:s30] =	ssyncadd.s32 $0xFFFFE000  }
0xea: {  	[spmem:s1] =	stream.indirect.scatter.add.f32 [tilespmem:s15], [sflag:$0x5], $0x40, s20, s18, $0xb8;
	[tilespmem:$0x1B400] =	vst v63  }
0xeb: {  	_ =	swait.ge [sflag:s31], $0x2000  }
0xec: {  	[sflag:s31] =	ssyncset.done $0x0  }
0xed: {  	s17 =	simm.s32 $0x4A80;
	[sflag:s31] =	ssyncadd.s32 $0xFFFFE000  }
0xee: {  	[spmem:s1] =	stream.indirect.scatter.add.f32 [tilespmem:s19], [sflag:$0x6], $0x40, s17, s18, $0xb8;
	[tilespmem:$0x1B400] =	vst v63  }
0xef: {  	_ =	swait.ge [sflag:s0], $0x2000  }
0xf0: {  	[sflag:s0] =	ssyncset.done $0x0  }
0xf1: {  	s20 =	simm.s32 $0x4B00;
	[sflag:s0] =	ssyncadd.s32 $0xFFFFE000  }
0xf2: {  	[spmem:s1] =	stream.indirect.scatter.add.f32 [tilespmem:s26], [sflag:$0x7], $0x40, s20, s18, $0xb8;
	[tilespmem:$0x1B400] =	vst v63  }
0xf3: {  	_ =	swait.ge [sflag:s3], $0x2000  }
0xf4: {  	[sflag:s3] =	ssyncset.done $0x0  }
0xf5: {  	s17 =	simm.s32 $0x4B80;
	[sflag:s3] =	ssyncadd.s32 $0xFFFFE000  }
0xf6: {  	[spmem:s1] =	stream.indirect.scatter.add.f32 [tilespmem:s29], [sflag:$0x8], $0x40, s17, s18, $0xb8;
	[tilespmem:$0x1B400] =	vst v63  }
0xf7: {  	_ =	swait.ge [sflag:s10], $0x2000  }
0xf8: {  	[sflag:s10] =	ssyncset.done $0x0  }
0xf9: {  	s20 =	simm.s32 $0x200;
	[sflag:s10] =	ssyncadd.s32 $0xFFFFE000  }
0xfa: {  	[tilespmem:s15], [sflag:$0x1] =	stream.indirect.gather [hbm4b:s4+s18], $0x40, s20, s18, $0xb8;
	[tilespmem:$0x1B400] =	vst v63  }
0xfb: {  	_ =	swait.ge [sflag:s11], $0x2000  }
0xfc: {  	[sflag:s11] =	ssyncset.done $0x0  }
0xfd: {  	s17 =	simm.s32 $0x280;
	[sflag:s11] =	ssyncadd.s32 $0xFFFFE000  }
0xfe: {  	[tilespmem:s19], [sflag:$0x2] =	stream.indirect.gather [hbm4b:s4+s18], $0x40, s17, s18, $0xb8;
	[tilespmem:$0x1B400] =	vst v63  }
0xff: {  	_ =	swait.ge [sflag:s12], $0x2000  }
0x100: {  	p1 =	por $0x0, $0x0;
	[sflag:s12] =	ssyncset.done $0x0  }
.Ltmp4:
0x101: {  	s20 =	simm.s32 $0x300;
	[sflag:s12] =	ssyncadd.s32 $0xFFFFE000;
	(pc) =	sbr.rel @p1 .LBB2_6-.Ltmp4, $4  }
0x102: {  	[tilespmem:s26], [sflag:$0x3] =	stream.indirect.gather [hbm4b:s4+s18], $0x40, s20, s18, $0xb8;
	[tilespmem:$0x1B400] =	vst v63  }
0x103: {  	_ =	swait.ge [sflag:s13], $0x2000  }
0x104: {  	[sflag:s13] =	ssyncset.done $0x0  }
0x105: {  	s28 =	simm.s32 $0x800;
	s14 =	simm.s32 $0x380;
	[sflag:s13] =	ssyncadd.s32 $0xFFFFE000  }
.LBB2_5:
0x106: {  	[tilespmem:s29], [sflag:$0x4] =	stream.indirect.gather [hbm4b:s4+s18], $0x40, s14, s18, $0xb8;
	[tilespmem:$0x1B400] =	vst v63  }
0x107: {  	s14 =	smov.u32 s28  }
0x108: {  	p1 =	seq.s32 s28, $0x11800;
	s28 =	sadd.s32 $0x800, s28;
	_ =	swait.ge [sflag:s30], $0x2000  }
0x109: {  	s17 =	sshra.s32 s14, $0x2;
	[sflag:s30] =	ssyncset.done $0x0  }
0x10a: {  	s14 =	sadd.s32 $0x4A00, s17;
	[sflag:s30] =	ssyncadd.s32 $0xFFFFE000  }
0x10b: {  	[spmem:s1] =	stream.indirect.scatter.add.f32 [tilespmem:s15], [sflag:$0x5], $0x40, s14, s18, $0xb8;
	[tilespmem:$0x1B400] =	vst v63  }
0x10c: {  	_ =	swait.ge [sflag:s31], $0x2000  }
0x10d: {  	[sflag:s31] =	ssyncset.done $0x0  }
0x10e: {  	s14 =	sadd.s32 $0x4A80, s17;
	[sflag:s31] =	ssyncadd.s32 $0xFFFFE000  }
0x10f: {  	[spmem:s1] =	stream.indirect.scatter.add.f32 [tilespmem:s19], [sflag:$0x6], $0x40, s14, s18, $0xb8;
	[tilespmem:$0x1B400] =	vst v63  }
0x110: {  	_ =	swait.ge [sflag:s0], $0x2000  }
0x111: {  	[sflag:s0] =	ssyncset.done $0x0  }
0x112: {  	s14 =	sadd.s32 $0x4B00, s17;
	[sflag:s0] =	ssyncadd.s32 $0xFFFFE000  }
0x113: {  	[spmem:s1] =	stream.indirect.scatter.add.f32 [tilespmem:s26], [sflag:$0x7], $0x40, s14, s18, $0xb8;
	[tilespmem:$0x1B400] =	vst v63  }
0x114: {  	_ =	swait.ge [sflag:s3], $0x2000  }
0x115: {  	[sflag:s3] =	ssyncset.done $0x0  }
0x116: {  	s14 =	sadd.s32 $0x4B80, s17;
	[sflag:s3] =	ssyncadd.s32 $0xFFFFE000  }
0x117: {  	[spmem:s1] =	stream.indirect.scatter.add.f32 [tilespmem:s29], [sflag:$0x8], $0x40, s14, s18, $0xb8;
	[tilespmem:$0x1B400] =	vst v63  }
0x118: {  	_ =	swait.ge [sflag:s10], $0x2000  }
0x119: {  	[sflag:s10] =	ssyncset.done $0x0  }
0x11a: {  	s14 =	sadd.s32 $0x200, s17;
	[sflag:s10] =	ssyncadd.s32 $0xFFFFE000  }
0x11b: {  	[tilespmem:s15], [sflag:$0x1] =	stream.indirect.gather [hbm4b:s4+s18], $0x40, s14, s18, $0xb8;
	[tilespmem:$0x1B400] =	vst v63  }
0x11c: {  	_ =	swait.ge [sflag:s11], $0x2000  }
0x11d: {  	[sflag:s11] =	ssyncset.done $0x0  }
0x11e: {  	s14 =	sadd.s32 $0x280, s17;
	[sflag:s11] =	ssyncadd.s32 $0xFFFFE000  }
0x11f: {  	[tilespmem:s19], [sflag:$0x2] =	stream.indirect.gather [hbm4b:s4+s18], $0x40, s14, s18, $0xb8;
	[tilespmem:$0x1B400] =	vst v63  }
0x120: {  	_ =	swait.ge [sflag:s12], $0x2000  }
0x121: {  	[sflag:s12] =	ssyncset.done $0x0  }
.Ltmp5:
0x122: {  	s14 =	sadd.s32 $0x300, s17;
	[sflag:s12] =	ssyncadd.s32 $0xFFFFE000;
	(pc) =	sbr.rel @!p1 .LBB2_5-.Ltmp5, $4  }
0x123: {  	[tilespmem:s26], [sflag:$0x3] =	stream.indirect.gather [hbm4b:s4+s18], $0x40, s14, s18, $0xb8;
	[tilespmem:$0x1B400] =	vst v63  }
0x124: {  	_ =	swait.ge [sflag:s13], $0x2000  }
0x125: {  	[sflag:s13] =	ssyncset.done $0x0  }
0x126: {  	s14 =	sadd.s32 $0x380, s17;
	[sflag:s13] =	ssyncadd.s32 $0xFFFFE000  }
.LBB2_6:
.Ltmp6:
0x127: {  	(pc) =	sbr.rel .LBB2_8-.Ltmp6, $4  }
0x128: {  	_ = 	snop  }
0x129: {  	[tilespmem:s29], [sflag:$0x4] =	stream.indirect.gather [hbm4b:s4+s18], $0x40, s14, s18, $0xb8;
	[tilespmem:$0x1B400] =	vst v63  }
0x12a: {  	s17 =	simm.s32 $0x9380  }
0x12b: {  	s28 =	simm.s32 $0x9300;
	s14 =	simm.s32 $0x9280;
	s20 =	simm.s32 $0x9200  }
.LBB2_9:
0x12c: {  	_ =	sfence.sel $0x180000  }
0x12d: {  	[bflag:$0x0] =	sbarrier.arrive $0xFFFF  }
0x12e: {  	_ =	strace $0x9000004A  }
0x12f: {  	s0 =	stileid.u32;
	[bflag:$0x2] =	sbarrier.arrive $0xFFFF  }
0x130: {  	p0 =	sne.s32 s0, $0x0;
	s0 =	rddreg [dreg:$0x2]  }
0x131: {  	s0 =	sadd.s32 @!p0 $0x100000, s0  }
0x132: {  	[sflag:s0] =	ssyncadd.tile.s32 @!p0 $0x1;
	_ =	shalt  }
.Lfunc_end2:
_tile_overlayer_lowered:
.L_overlay_start_2:
0x133: {  	(tag) =	ssettag $0x2  }
0x134: {  	s0 =	rddreg [dreg:$0x0];
	s2 =	stileid.u32  }
0x135: {  	s1 =	rddreg [dreg:$0x1];
	p0 =	sne.s32 s2, $0x0  }
0x136: {  	s3 =	rddreg [dreg:$0x2];
	[bflag:$0x3] =	sbarrier.arrive $0xFFFF;
	s2 =	simm.s32 @!p0 $0x1C09  }
0x137: {  	[timem:s3], [sflag:s2] =	dma.local @!p0 [hbm:s0], s1  }
0x138: {  	s0 =	simm.s32 @!p0 $0x9  }
0x139: {  	_ =	swait.ge @!p0 [sflag:s0], s1  }
0x13a: {  	s1 =	ssub.s32 @!p0 $0x0, s1;
	[sflag:s0] =	ssyncset.done @!p0 $0x0  }
0x13b: {  	[sflag:s0] =	ssyncadd.s32 @!p0 s1  }
0x13c: {  	[bflag:$0x3] =	sbarrier.arrive $0xFFFF  }
0x13d: {  	_ =	shalt  }

// kernel: kernel.14.cloned.1.call-start
scs
__scs_entry_jumppad:
0x0: {  	(pc) =	sbr.rel $0x88, $3  }
0x1: {  	(tag) =	ssettag $0x0;
	lr =	simm.s32 $0x1  }
0x2: {  	[smem:$0x3F9B] =	sst lr;
	_ =	strace $0xD0000000  }
0x3: {  	_ = 	snop  }
0x4: {  	_ = 	snop  }
0x5: {  	_ = 	snop  }
0x6: {  	_ = 	snop  }
0x7: {  	_ = 	snop  }
__scs_overlays_trampoline_lowered:
0x8: {  	[smem:$0x3FAA] =	sst s0  }
0x9: {  	[smem:$0x3FAB] =	sst s1  }
0xa: {  	[smem:$0x3FAC] =	sst s2  }
0xb: {  	[smem:$0x3FAD] =	sst s3  }
0xc: {  	[smem:$0x3FAE] =	sst s4  }
0xd: {  	[smem:$0x3FAF] =	sst s5  }
0xe: {  	[smem:$0x3FB0] =	sst s6  }
0xf: {  	[smem:$0x3FB1] =	sst s7  }
0x10: {  	[smem:$0x3FB2] =	sst s8  }
0x11: {  	[smem:$0x3FB3] =	sst s9;
	s0 =	simm.s32 @!p0 $0x0  }
0x12: {  	s1 =	sld [smem:$0x3F99];
	s0 =	simm.s32 @p0 $0x1  }
0x13: {  	[smem:$0x3FB4] =	sst s0;
	s0 =	simm.s32 @!p1 $0x0  }
0x14: {  	s2 =	sld [smem:$0x3F98];
	s0 =	simm.s32 @p1 $0x1  }
0x15: {  	[smem:$0x3FB5] =	sst s0;
	s0 =	simm.s32 @!p2 $0x0  }
0x16: {  	s3 =	sld [smem:$0x3FDB];
	s0 =	simm.s32 @p2 $0x1  }
0x17: {  	s4 =	simm.s32 $0x1BF5;
	[smem:$0x3FB7] =	sst s0  }
0x18: {  	s0 =	sld [smem:$0x3F9A];
	_ =	swait.ge [sflag:s4], $0x0  }
0x19: {  	s7 =	sld [smem:$0x3F9B]  }
0x1a: {  	s8 =	sadd.s32 $0xFFFFE003, lr  }
0x1b: {  	s9 =	sadd.s32 $0xFFFFFEF7, lr;
	s5 =	simm.s32 $0xFFFFFFFF;
	p2 =	slt.u32 s8, $0xFFFFF086  }
0x1c: {  	p1 =	slt.u32 s9, $0xF7A;
	s5 =	simm.s32 @!p2 $0x0  }
0x1d: {  	s5 =	simm.s32 @p1 $0x1;
	p0 =	seq.s32 s7, s2  }
0x1e: {  	s7 =	smul.u32 @!p0 $0xF7A, s2;
	p2 =	seq.s32 @!p0 s5, $0x0  }
0x1f: {  	s9 =	smul.u32 $0xF7A, s1;
	s8 =	simm.s32 @!p0 $0x1BF5;
	p2 =	por !p2, p0  }
0x20: {  	[sflag:s8] =	ssyncset.s32 @!p0 $0xFFFFF086;
	s6 =	sadd.s32 @!p0 s3, s7;
	s7 =	simm.s32 @!p0 $0x108  }
0x21: {  	s3 =	sadd.s32 s3, s9;
	s6 =	sadd.s32 @!p0 $0x88, s6;
	s7 =	simm.s32 @p2 $0x1082  }
0x22: {  	[simem:s7], [sflag:s8] =	dma.local @!p0 [hbm:s6], $0xF7A  }
0x23: {  	s9 =	sor.u32 $0xD0000000, s2;
	s6 =	simm.s32 $0x108;
	_ =	swait.ge @!p0 [sflag:s8], $0x0  }
0x24: {  	s3 =	sadd.s32 $0x88, s3;
	s6 =	simm.s32 @!p1 $0x1082;
	[sflag:s4] =	ssyncset.s32 $0xFFFFF086  }
0x25: {  	[simem:s6], [sflag:s4] =	dma.local [hbm:s3], $0xF7A  }
0x26: {  	[smem:$0x3F9B] =	sst s1;
	(tag) =	ssettag s2;
	_ =	strace s9  }
0x27: {  	s1 =	sld [smem:$0x3FAB]  }
0x28: {  	s2 =	sld [smem:$0x3FAC]  }
0x29: {  	s4 =	sld [smem:$0x3FAE]  }
0x2a: {  	p0 =	seq.s32 s5, $0x0;
	s5 =	sld [smem:$0x3FAF]  }
0x2b: {  	s6 =	sld [smem:$0x3FB0]  }
0x2c: {  	s7 =	sld [smem:$0x3FB1]  }
0x2d: {  	s3 =	simm.s32 $0x108;
	s8 =	sld [smem:$0x3FB2]  }
0x2e: {  	s3 =	simm.s32 @!p0 $0x1082;
	s9 =	sld [smem:$0x3FB3]  }
0x2f: {  	lr =	sadd.s32 s0, s3;
	s0 =	sld [smem:$0x3FAA]  }
0x30: {  	s3 =	sld [smem:$0x3FAD]  }
0x31: {  	[smem:$0x3FB6] =	sst s10  }
0x32: {  	s10 =	sld [smem:$0x3FB4];
	_ =	sdelay $0x3  }
0x33: {  	p0 =	seq.s32 s10, $0x1;
	s10 =	sld [smem:$0x3FB6];
	_ =	sdelay $0x3  }
0x34: {  	[smem:$0x3FB6] =	sst s10  }
0x35: {  	s10 =	sld [smem:$0x3FB5];
	_ =	sdelay $0x3  }
0x36: {  	p1 =	seq.s32 s10, $0x1;
	s10 =	sld [smem:$0x3FB6];
	_ =	sdelay $0x3  }
0x37: {  	[smem:$0x3FB6] =	sst s10  }
0x38: {  	s10 =	sld [smem:$0x3FB7]  }
0x39: {  	_ = 	snop;
	(pc) =	sbr.ind lr, $3  }
0x3a: {  	_ = 	snop  }
0x3b: {  	_ = 	snop  }
0x3c: {  	p2 =	seq.s32 s10, $0x1;
	s10 =	sld [smem:$0x3FB6]  }
0x3d: {  	_ =	shalt  }
0x3e: {  	_ =	shalt  }
0x3f: {  	_ =	shalt  }
0x40: {  	_ =	shalt  }
0x41: {  	_ =	shalt  }
0x42: {  	_ =	shalt  }
0x43: {  	_ =	shalt  }
0x44: {  	_ =	shalt  }
0x45: {  	_ =	shalt  }
0x46: {  	_ =	shalt  }
0x47: {  	_ =	shalt  }
0x48: {  	_ =	shalt  }
0x49: {  	_ =	shalt  }
0x4a: {  	_ =	shalt  }
0x4b: {  	_ =	shalt  }
0x4c: {  	_ =	shalt  }
0x4d: {  	_ =	shalt  }
0x4e: {  	_ =	shalt  }
0x4f: {  	_ =	shalt  }
0x50: {  	_ =	shalt  }
0x51: {  	_ =	shalt  }
0x52: {  	_ =	shalt  }
0x53: {  	_ =	shalt  }
0x54: {  	_ =	shalt  }
0x55: {  	_ =	shalt  }
0x56: {  	_ =	shalt  }
0x57: {  	_ =	shalt  }
0x58: {  	_ =	shalt  }
0x59: {  	_ =	shalt  }
0x5a: {  	_ =	shalt  }
0x5b: {  	_ =	shalt  }
0x5c: {  	_ =	shalt  }
0x5d: {  	_ =	shalt  }
0x5e: {  	_ =	shalt  }
0x5f: {  	_ =	shalt  }
0x60: {  	_ =	shalt  }
0x61: {  	_ =	shalt  }
0x62: {  	_ =	shalt  }
0x63: {  	_ =	shalt  }
0x64: {  	_ =	shalt  }
0x65: {  	_ =	shalt  }
0x66: {  	_ =	shalt  }
0x67: {  	_ =	shalt  }
0x68: {  	_ =	shalt  }
0x69: {  	_ =	shalt  }
0x6a: {  	_ =	shalt  }
0x6b: {  	_ =	shalt  }
0x6c: {  	_ =	shalt  }
0x6d: {  	_ =	shalt  }
0x6e: {  	_ =	shalt  }
0x6f: {  	_ =	shalt  }
0x70: {  	_ =	shalt  }
0x71: {  	_ =	shalt  }
0x72: {  	_ =	shalt  }
0x73: {  	_ =	shalt  }
0x74: {  	_ =	shalt  }
0x75: {  	_ =	shalt  }
0x76: {  	_ =	shalt  }
0x77: {  	_ =	shalt  }
0x78: {  	_ =	shalt  }
0x79: {  	_ =	shalt  }
0x7a: {  	_ =	shalt  }
0x7b: {  	_ =	shalt  }
0x7c: {  	_ =	shalt  }
0x7d: {  	_ =	shalt  }
0x7e: {  	_ =	shalt  }
0x7f: {  	_ =	shalt  }
0x80: {  	_ =	shalt  }
0x81: {  	_ =	shalt  }
0x82: {  	_ =	shalt  }
0x83: {  	_ =	shalt  }
0x84: {  	_ =	shalt  }
0x85: {  	_ =	shalt  }
0x86: {  	_ =	shalt  }
0x87: {  	_ =	shalt  }
.Lfunc_end0:
.L_simem_size_0:
called_computation.2_lowered:
.L_overlay_start_0:
0x88: {  	s2 =	sld [smem:$0x3FD9]  }
0x89: {  	s3 =	sld [smem:$0x3FFE];
	_ =	sdelay $0x1  }
0x8a: {  	s1 =	srdreg.scid  }
0x8b: {  	s0 =	sand.u32 $0x1, s1  }
0x8c: {  	s16 =	sshll.u32 s0, $0xA;
	s2 =	sadd.s32 s3, s2  }
0x8d: {  	s2 =	sadd.s32 s2, s16  }
0x8e: {  	[smem:$0x3FC2] =	sst s2  }
0x8f: {  	_ = 	snop  }
0x90: {  	(tm) =	ssettm $0x1  }
0x91: {  	s17 =	sld [smem:$0x3FFB];
	_ =	sdelay $0x3  }
0x92: {  	_ =	strace s17  }
0x93: {  	s2 =	sld [smem:$0x3FFC];
	_ =	sdelay $0x3  }
0x94: {  	_ =	strace s2  }
0x95: {  	s2 =	sld [smem:$0x3FFD];
	_ =	sdelay $0x3  }
0x96: {  	_ =	strace s2  }
0x97: {  	_ =	strace $0x8FFFFFFF  }
0x98: {  	s18 =	sld [smem:$0x3FDB];
	_ =	sdelay $0x1  }
0x99: {  	s19 =	simm.s32 $_scs_section_size  }
0x9a: {  	s4 =	simm.s32 $_size__tile_overlayer_lowered;
	s5 =	simm.s32 $_tile_overlayer_lowered  }
0x9b: {  	s22 =	simm.s32 $0x1BFF;
	s21 =	sshll.u32 s5, $0x1;
	s2 =	sadd.s32 s19, s18  }
0x9c: {  	s6 =	simm.s32 $0x0;
	s20 =	sshll.u32 s4, $0x1;
	s4 =	sadd.s32 s21, s2  }
0x9d: {  	[timem:s6], [sflag:s22] =	dma.local [hbm:s4], s20  }
0x9e: {  	_ =	swait.ge [sflag:s22], s20  }
0x9f: {  	s3 =	ssub.s32 $0x0, s20;
	[sflag:s22] =	ssyncset.done $0x0  }
0xa0: {  	[sflag:s22] =	ssyncadd.s32 s3;
	_ =	sdelay $0x1  }
0xa1: {  	s23 =	simm.s32 $0x1B8B  }
0xa2: {  	_ =	swait.ge [sflag:s23], $0x1  }
0xa3: {  	[sflag:s23] =	ssyncset.done $0x0  }
0xa4: {  	s25 =	simm.s32 $0x1B8E;
	s24 =	sld [smem:$0x3FFE];
	[sflag:s23] =	ssyncadd.s32 $0xFFFFFFFF  }
0xa5: {  	s26 =	simm.s32 $execute0_lowered;
	[smem:$0x3FD2] =	sst s25  }
0xa6: {  	s4 =	sshll.u32 s26, $0x1;
	_ =	strace $0x8000004C;
	[dreg:$0x1] =	wrdreg $0xFFFFFFFF  }
0xa7: {  	s28 =	simm.s32 $_size_execute0_lowered;
	s2 =	sadd.s32 s2, s4;
	[dreg:$0x0] =	wrdreg $0x0  }
0xa8: {  	s4 =	sshll.u32 s28, $0x1;
	[dreg:$0x2] =	wrdreg s2  }
0xa9: {  	[dreg:$0x3] =	wrdreg s4  }
0xaa: {  	[dreg:$0x4] =	wrdreg $0xC0  }
0xab: {  	_ =	task [dreg:s6], $0x5FFFF  }
0xac: {  	[dreg:$0x1] =	wrdreg $0xFFFFFFFF  }
0xad: {  	[dreg:$0x0] =	wrdreg $0x60  }
0xae: {  	[dreg:$0x2] =	wrdreg s24  }
0xaf: {  	[dreg:$0x3] =	wrdreg $0xD4000  }
0xb0: {  	[dreg:$0x4] =	wrdreg $0x9  }
0xb1: {  	_ =	task.clear_ibuf [dreg:s6], $0x5FFFF;
	_ =	strace $0x9000004C  }
0xb2: {  	s29 =	simm.s32 $0x9;
	_ =	strace $0x8000004E  }
0xb3: {  	_ =	swait.ge [sflag:s29], $0x1  }
0xb4: {  	[sflag:s29] =	ssyncadd.s32 $0xFFFFFFFF  }
0xb5: {  	_ =	strace $0x9000004E  }
0xb6: {  	_ =	sfence  }
0xb7: {  	s30 =	sld [smem:$0x0];
	_ =	sdelay $0x2  }
0xb8: {  	s31 =	sshll.u32 s1, $0xD;
	s1 =	sshrl.u32 s1, $0x2  }
0xb9: {  	s3 =	sand.u32 $0x4000, s31;
	s1 =	sadd.s32 s1, s30  }
0xba: {  	s0 =	sor.u32 s3, s0;
	s1 =	sshll.u32 s1, $0x11  }
0xbb: {  	s0 =	sor.u32 s1, s0  }
0xbc: {  	s0 =	sadd.s32 $0x8F2B, s0  }
0xbd: {  	[sflag:s0] =	ssyncadd.remote.s32 $0x1  }
0xbe: {  	_ =	sfence.sel $0xFFFF  }
0xbf: {  	[dreg:$0x0] =	wrdreg $0xFFFFFFFF;
	(pc) =	sbr.abs _section_cstart, $3  }
0xc0: {  	[dreg:$0x1] =	wrdreg $0xFFFFFFFF  }
0xc1: {  	_ =	task.clear_ibuf [dreg:s6], $0x2FFFF;
	_ =	strace $0x9FFFFFFF  }
0xc2: {  	(tm) =	ssettm $0x7FFFFFFF  }
0xc3: {  	_ =	shalt  }
tec
execute0_lowered:
.L_overlay_start_1:
0x0: {  	(tag) =	ssettag $0x1  }
0x1: {  	s0 =	rddreg [dreg:$0x0]  }
0x2: {  	s1 =	rddreg [dreg:$0x1];
	s2 =	simm.s32 $0x0;
	s3 =	srdreg.scid  }
0x3: {  	s9 =	stileid.u32;
	s21 =	simm.s32 $0x4A00;
	s29 =	simm.s32 $0xC400  }
0x4: {  	s30 =	simm.s32 $0x1;
	s31 =	simm.s32 $0x2;
	[smem:$0x7FF] =	sst s2  }
0x5: {  	s3 =	sand.u32 $0x1, s3;
	s4 =	sadd.s32 $0xBA00, s0;
	s10 =	smul.u32 $0x5000, s9  }
0x6: {  	s11 =	sadd.s32 $0x15A00, s0;
	s12 =	sadd.s32 $0x1A00, s0;
	s19 =	smul.u32 $0x900, s9  }
0x7: {  	s8 =	sshll.u32 s9, $0x8;
	_ =	strace $0x8000004D;
	s5 =	smul.u32 $0xA000, s3  }
0x8: {  	s6 =	ssub.s32 $0x2, s3;
	s18 =	sor.u32 $0x9000, s8;
	p0 =	sne.s32 s3, $0x0  }
0x9: {  	s3 =	simm.s32 $0x4;
	s7 =	sshrl.u32 s6, $0x1;
	s14 =	sadd.s32 $0x1000, s10  }
0xa: {  	s15 =	sadd.s32 $0x2000, s10;
	s16 =	sadd.s32 $0x3000, s10;
	s17 =	sadd.s32 $0x4000, s10  }
0xb: {  	s20 =	sadd.s32 s11, s18;
	s18 =	sadd.s32 s12, s18;
	s11 =	sadd.s32 s11, s19  }
0xc: {  	s22 =	sadd.s32 s12, s19;
	s19 =	simm.s32 $0xA400;
	s12 =	simm.s32 $0x7  }
0xd: {  	s0 =	sadd.s32 s5, s0;
	s13 =	ssub.s32 s6, s7;
	[dreg:$0x3] =	wrdreg s20  }
0xe: {  	s5 =	sadd.s32 s10, s1;
	s6 =	sadd.s32 s14, s1;
	[dreg:$0x4] =	wrdreg s18  }
0xf: {  	s7 =	sadd.s32 s15, s1;
	s8 =	sadd.s32 s16, s1;
	[dreg:$0x5] =	wrdreg s11  }
0x10: {  	s9 =	sadd.s32 s17, s1;
	[dreg:$0x6] =	wrdreg s22;
	s10 =	sshrl.u32 s10, $0x3  }
0x11: {  	s23 =	sshrl.u32 s14, $0x3;
	s24 =	sshrl.u32 s15, $0x3;
	s25 =	sshrl.u32 s16, $0x3  }
0x12: {  	s17 =	sshrl.u32 s17, $0x3;
	s15 =	simm.s32 $0x9400;
	s16 =	simm.s32 $0x9  }
0x13: {  	s18 =	simm.s32 $0x80;
	s11 =	simm.s32 $0x6;
	s13 =	smax.u32 s13, $0x1  }
.Ltmp0:
0x14: {  	s0 =	sadd.s32 $0x6FA00, s0;
	[dreg:$0x7] =	wrdreg s13;
	(pc) =	sbr.rel .LBB2_1-.Ltmp0, $4  }
0x15: {  	s26 =	sadd.s32 s10, s0;
	s28 =	sadd.s32 s23, s0;
	s22 =	sadd.s32 s24, s0  }
0x16: {  	s23 =	sadd.s32 s25, s0;
	s24 =	sadd.s32 s17, s0;
	s0 =	simm.s32 $0x3  }
0x17: {  	s10 =	simm.s32 $0x5;
	s13 =	simm.s32 $0x8;
	[dreg:$0x8] =	wrdreg s26  }
0x18: {  	v0 =	vimm.f32 $0.0e+00;
	s25 =	simm.s32 $0x0;
	[dreg:$0x9] =	wrdreg s28;
	s26 =	simm.s32 $0xB400  }
.LBB2_7:
0x19: {  	s14 =	rddreg [dreg:$0x3]  }
0x1a: {  	[tilespmem:s2], [sflag:$0x9] =	stream.linear.gather [hbm4b:s14+s2], $0x800, $0x38;
	[tilespmem:$0x12400] =	vst v63  }
0x1b: {  	_ =	swait.ge [sflag:s16], $0x800  }
0x1c: {  	[sflag:s16] =	ssyncset.done $0x0  }
0x1d: {  	s17 =	simm.s32 $0x4A00;
	s21 =	rddreg [dreg:$0x4];
	[sflag:s16] =	ssyncadd.s32 $0xFFFFF800  }
0x1e: {  	[tilespmem:s17], [sflag:$0x9] =	stream.linear.gather [hbm4b:s21+s2], $0x800, $0x38;
	[tilespmem:$0x12400] =	vst v63  }
0x1f: {  	_ =	swait.ge [sflag:s16], $0x800  }
0x20: {  	[sflag:s16] =	ssyncset.done $0x0  }
0x21: {  	[sflag:s16] =	ssyncadd.s32 $0xFFFFF800  }
0x22: {  	[bflag:$0x0] =	sbarrier.arrive $0xFFFF  }
0x23: {  	[tilespmem:s15], [sflag:$0x1] =	stream.indirect.gather [hbm4b:s4+s18], $0x20, s2, s18, $0xb8;
	[tilespmem:$0x12400] =	vst v63  }
0x24: {  	_ = 	snop  }
0x25: {  	[tilespmem:s19], [sflag:$0x2] =	stream.indirect.gather [hbm4b:s4+s18], $0x20, s18, s18, $0xb8;
	[tilespmem:$0x12400] =	vst v63  }
0x26: {  	s20 =	simm.s32 $0x100  }
0x27: {  	[tilespmem:s26], [sflag:$0x3] =	stream.indirect.gather [hbm4b:s4+s18], $0x20, s20, s18, $0xb8;
	[tilespmem:$0x12400] =	vst v63  }
0x28: {  	s21 =	simm.s32 $0x180  }
0x29: {  	[tilespmem:s29], [sflag:$0x4] =	stream.indirect.gather [hbm4b:s4+s18], $0x20, s21, s18, $0xb8;
	[tilespmem:$0x12400] =	vst v63  }
0x2a: {  	_ =	swait.ge [sflag:s30], $0x1000  }
0x2b: {  	[sflag:s30] =	ssyncset.done $0x0  }
0x2c: {  	[sflag:s30] =	ssyncadd.s32 $0xFFFFF000  }
0x2d: {  	[spmem:s1] =	stream.indirect.scatter.add.f32 [tilespmem:s15], [sflag:$0x5], $0x20, s17, s18, $0xb8;
	[tilespmem:$0x12400] =	vst v63  }
0x2e: {  	_ =	swait.ge [sflag:s31], $0x1000  }
0x2f: {  	[sflag:s31] =	ssyncset.done $0x0  }
0x30: {  	s20 =	simm.s32 $0x4A80;
	[sflag:s31] =	ssyncadd.s32 $0xFFFFF000  }
0x31: {  	[spmem:s1] =	stream.indirect.scatter.add.f32 [tilespmem:s19], [sflag:$0x6], $0x20, s20, s18, $0xb8;
	[tilespmem:$0x12400] =	vst v63  }
0x32: {  	_ =	swait.ge [sflag:s0], $0x1000  }
0x33: {  	[sflag:s0] =	ssyncset.done $0x0  }
0x34: {  	s17 =	simm.s32 $0x4B00;
	[sflag:s0] =	ssyncadd.s32 $0xFFFFF000  }
0x35: {  	[spmem:s1] =	stream.indirect.scatter.add.f32 [tilespmem:s26], [sflag:$0x7], $0x20, s17, s18, $0xb8;
	[tilespmem:$0x12400] =	vst v63  }
0x36: {  	_ =	swait.ge [sflag:s3], $0x1000  }
0x37: {  	[sflag:s3] =	ssyncset.done $0x0  }
0x38: {  	s20 =	simm.s32 $0x4B80;
	[sflag:s3] =	ssyncadd.s32 $0xFFFFF000  }
0x39: {  	[spmem:s1] =	stream.indirect.scatter.add.f32 [tilespmem:s29], [sflag:$0x8], $0x20, s20, s18, $0xb8;
	[tilespmem:$0x12400] =	vst v63  }
0x3a: {  	_ =	swait.ge [sflag:s10], $0x1000  }
0x3b: {  	[sflag:s10] =	ssyncset.done $0x0  }
0x3c: {  	s17 =	simm.s32 $0x200;
	[sflag:s10] =	ssyncadd.s32 $0xFFFFF000  }
0x3d: {  	[tilespmem:s15], [sflag:$0x1] =	stream.indirect.gather [hbm4b:s4+s18], $0x20, s17, s18, $0xb8;
	[tilespmem:$0x12400] =	vst v63  }
0x3e: {  	_ =	swait.ge [sflag:s11], $0x1000  }
0x3f: {  	[sflag:s11] =	ssyncset.done $0x0  }
0x40: {  	s20 =	simm.s32 $0x280;
	[sflag:s11] =	ssyncadd.s32 $0xFFFFF000  }
0x41: {  	[tilespmem:s19], [sflag:$0x2] =	stream.indirect.gather [hbm4b:s4+s18], $0x20, s20, s18, $0xb8;
	[tilespmem:$0x12400] =	vst v63  }
0x42: {  	_ =	swait.ge [sflag:s12], $0x1000  }
0x43: {  	[sflag:s12] =	ssyncset.done $0x0  }
0x44: {  	s17 =	simm.s32 $0x300;
	[sflag:s12] =	ssyncadd.s32 $0xFFFFF000  }
0x45: {  	[tilespmem:s26], [sflag:$0x3] =	stream.indirect.gather [hbm4b:s4+s18], $0x20, s17, s18, $0xb8;
	[tilespmem:$0x12400] =	vst v63  }
0x46: {  	_ =	swait.ge [sflag:s13], $0x1000  }
0x47: {  	[sflag:s13] =	ssyncset.done $0x0  }
0x48: {  	s20 =	simm.s32 $0x380;
	[sflag:s13] =	ssyncadd.s32 $0xFFFFF000  }
0x49: {  	[tilespmem:s29], [sflag:$0x4] =	stream.indirect.gather [hbm4b:s4+s18], $0x20, s20, s18, $0xb8;
	[tilespmem:$0x12400] =	vst v63  }
0x4a: {  	_ =	swait.ge [sflag:s30], $0x1000  }
0x4b: {  	[sflag:s30] =	ssyncset.done $0x0  }
0x4c: {  	s17 =	simm.s32 $0x4C00;
	[sflag:s30] =	ssyncadd.s32 $0xFFFFF000  }
0x4d: {  	[spmem:s1] =	stream.indirect.scatter.add.f32 [tilespmem:s15], [sflag:$0x5], $0x20, s17, s18, $0xb8;
	[tilespmem:$0x12400] =	vst v63  }
0x4e: {  	_ =	swait.ge [sflag:s31], $0x1000  }
0x4f: {  	[sflag:s31] =	ssyncset.done $0x0  }
0x50: {  	s20 =	simm.s32 $0x4C80;
	[sflag:s31] =	ssyncadd.s32 $0xFFFFF000  }
0x51: {  	[spmem:s1] =	stream.indirect.scatter.add.f32 [tilespmem:s19], [sflag:$0x6], $0x20, s20, s18, $0xb8;
	[tilespmem:$0x12400] =	vst v63  }
0x52: {  	_ =	swait.ge [sflag:s0], $0x1000  }
0x53: {  	[sflag:s0] =	ssyncset.done $0x0  }
0x54: {  	s17 =	simm.s32 $0x4D00;
	[sflag:s0] =	ssyncadd.s32 $0xFFFFF000  }
0x55: {  	[spmem:s1] =	stream.indirect.scatter.add.f32 [tilespmem:s26], [sflag:$0x7], $0x20, s17, s18, $0xb8;
	[tilespmem:$0x12400] =	vst v63  }
0x56: {  	_ =	swait.ge [sflag:s3], $0x1000  }
0x57: {  	[sflag:s3] =	ssyncset.done $0x0  }
0x58: {  	s20 =	simm.s32 $0x4D80;
	[sflag:s3] =	ssyncadd.s32 $0xFFFFF000  }
0x59: {  	[spmem:s1] =	stream.indirect.scatter.add.f32 [tilespmem:s29], [sflag:$0x8], $0x20, s20, s18, $0xb8;
	[tilespmem:$0x12400] =	vst v63  }
0x5a: {  	_ =	swait.ge [sflag:s10], $0x1000  }
0x5b: {  	[sflag:s10] =	ssyncset.done $0x0  }
0x5c: {  	s17 =	simm.s32 $0x400;
	[sflag:s10] =	ssyncadd.s32 $0xFFFFF000  }
0x5d: {  	[tilespmem:s15], [sflag:$0x1] =	stream.indirect.gather [hbm4b:s4+s18], $0x20, s17, s18, $0xb8;
	[tilespmem:$0x12400] =	vst v63  }
0x5e: {  	_ =	swait.ge [sflag:s11], $0x1000  }
0x5f: {  	[sflag:s11] =	ssyncset.done $0x0  }
0x60: {  	s20 =	simm.s32 $0x480;
	[sflag:s11] =	ssyncadd.s32 $0xFFFFF000  }
0x61: {  	[tilespmem:s19], [sflag:$0x2] =	stream.indirect.gather [hbm4b:s4+s18], $0x20, s20, s18, $0xb8;
	[tilespmem:$0x12400] =	vst v63  }
0x62: {  	_ =	swait.ge [sflag:s12], $0x1000  }
0x63: {  	[sflag:s12] =	ssyncset.done $0x0  }
0x64: {  	s17 =	simm.s32 $0x500;
	[sflag:s12] =	ssyncadd.s32 $0xFFFFF000  }
0x65: {  	[tilespmem:s26], [sflag:$0x3] =	stream.indirect.gather [hbm4b:s4+s18], $0x20, s17, s18, $0xb8;
	[tilespmem:$0x12400] =	vst v63  }
0x66: {  	_ =	swait.ge [sflag:s13], $0x1000  }
0x67: {  	[sflag:s13] =	ssyncset.done $0x0  }
0x68: {  	s20 =	simm.s32 $0x580;
	[sflag:s13] =	ssyncadd.s32 $0xFFFFF000  }
0x69: {  	[tilespmem:s29], [sflag:$0x4] =	stream.indirect.gather [hbm4b:s4+s18], $0x20, s20, s18, $0xb8;
	[tilespmem:$0x12400] =	vst v63  }
0x6a: {  	_ =	swait.ge [sflag:s30], $0x1000  }
0x6b: {  	[sflag:s30] =	ssyncset.done $0x0  }
0x6c: {  	s17 =	simm.s32 $0x4E00;
	[sflag:s30] =	ssyncadd.s32 $0xFFFFF000  }
0x6d: {  	[spmem:s1] =	stream.indirect.scatter.add.f32 [tilespmem:s15], [sflag:$0x5], $0x20, s17, s18, $0xb8;
	[tilespmem:$0x12400] =	vst v63  }
0x6e: {  	_ =	swait.ge [sflag:s31], $0x1000  }
0x6f: {  	[sflag:s31] =	ssyncset.done $0x0  }
0x70: {  	s20 =	simm.s32 $0x4E80;
	[sflag:s31] =	ssyncadd.s32 $0xFFFFF000  }
0x71: {  	[spmem:s1] =	stream.indirect.scatter.add.f32 [tilespmem:s19], [sflag:$0x6], $0x20, s20, s18, $0xb8;
	[tilespmem:$0x12400] =	vst v63  }
0x72: {  	_ =	swait.ge [sflag:s0], $0x1000  }
0x73: {  	[sflag:s0] =	ssyncset.done $0x0  }
0x74: {  	s17 =	simm.s32 $0x4F00;
	[sflag:s0] =	ssyncadd.s32 $0xFFFFF000  }
0x75: {  	[spmem:s1] =	stream.indirect.scatter.add.f32 [tilespmem:s26], [sflag:$0x7], $0x20, s17, s18, $0xb8;
	[tilespmem:$0x12400] =	vst v63  }
0x76: {  	_ =	swait.ge [sflag:s3], $0x1000  }
0x77: {  	[sflag:s3] =	ssyncset.done $0x0  }
0x78: {  	s20 =	simm.s32 $0x4F80;
	[sflag:s3] =	ssyncadd.s32 $0xFFFFF000  }
0x79: {  	[spmem:s1] =	stream.indirect.scatter.add.f32 [tilespmem:s29], [sflag:$0x8], $0x20, s20, s18, $0xb8;
	[tilespmem:$0x12400] =	vst v63  }
0x7a: {  	_ =	swait.ge [sflag:s10], $0x1000  }
0x7b: {  	[sflag:s10] =	ssyncset.done $0x0  }
0x7c: {  	s17 =	simm.s32 $0x600;
	[sflag:s10] =	ssyncadd.s32 $0xFFFFF000  }
0x7d: {  	[tilespmem:s15], [sflag:$0x1] =	stream.indirect.gather [hbm4b:s4+s18], $0x20, s17, s18, $0xb8;
	[tilespmem:$0x12400] =	vst v63  }
0x7e: {  	_ =	swait.ge [sflag:s11], $0x1000  }
0x7f: {  	[sflag:s11] =	ssyncset.done $0x0  }
0x80: {  	s20 =	simm.s32 $0x680;
	[sflag:s11] =	ssyncadd.s32 $0xFFFFF000  }
0x81: {  	[tilespmem:s19], [sflag:$0x2] =	stream.indirect.gather [hbm4b:s4+s18], $0x20, s20, s18, $0xb8;
	[tilespmem:$0x12400] =	vst v63  }
0x82: {  	_ =	swait.ge [sflag:s12], $0x1000  }
0x83: {  	[sflag:s12] =	ssyncset.done $0x0  }
0x84: {  	s17 =	simm.s32 $0x700;
	[sflag:s12] =	ssyncadd.s32 $0xFFFFF000  }
0x85: {  	[tilespmem:s26], [sflag:$0x3] =	stream.indirect.gather [hbm4b:s4+s18], $0x20, s17, s18, $0xb8;
	[tilespmem:$0x12400] =	vst v63  }
0x86: {  	_ =	swait.ge [sflag:s13], $0x1000  }
0x87: {  	s28 =	simm.s32 $0x5100;
	[sflag:s13] =	ssyncset.done $0x0  }
0x88: {  	s14 =	simm.s32 $0x5080;
	s20 =	simm.s32 $0x780;
	[sflag:s13] =	ssyncadd.s32 $0xFFFFF000  }
0x89: {  	[tilespmem:s29], [sflag:$0x4] =	stream.indirect.gather [hbm4b:s4+s18], $0x20, s20, s18, $0xb8;
	[tilespmem:$0x12400] =	vst v63  }
0x8a: {  	s21 =	simm.s32 $0x4A00;
	s17 =	simm.s32 $0x5180;
	s20 =	simm.s32 $0x5000  }
.LBB2_8:
0x8b: {  	_ =	swait.ge [sflag:s30], $0x1000  }
0x8c: {  	[sflag:s30] =	ssyncset.done $0x0  }
0x8d: {  	[sflag:s30] =	ssyncadd.s32 $0xFFFFF000  }
0x8e: {  	[spmem:s1] =	stream.indirect.scatter.add.f32 [tilespmem:s15], [sflag:$0x5], $0x20, s20, s18, $0xb8;
	[tilespmem:$0x12400] =	vst v63  }
0x8f: {  	_ =	swait.ge [sflag:s31], $0x1000  }
0x90: {  	[sflag:s31] =	ssyncset.done $0x0  }
0x91: {  	[sflag:s31] =	ssyncadd.s32 $0xFFFFF000  }
0x92: {  	[spmem:s1] =	stream.indirect.scatter.add.f32 [tilespmem:s19], [sflag:$0x6], $0x20, s14, s18, $0xb8;
	[tilespmem:$0x12400] =	vst v63  }
0x93: {  	_ =	swait.ge [sflag:s0], $0x1000  }
0x94: {  	[sflag:s0] =	ssyncset.done $0x0  }
0x95: {  	[sflag:s0] =	ssyncadd.s32 $0xFFFFF000  }
0x96: {  	[spmem:s1] =	stream.indirect.scatter.add.f32 [tilespmem:s26], [sflag:$0x7], $0x20, s28, s18, $0xb8;
	[tilespmem:$0x12400] =	vst v63  }
0x97: {  	_ =	swait.ge [sflag:s3], $0x1000  }
0x98: {  	[sflag:s3] =	ssyncset.done $0x0  }
0x99: {  	[sflag:s3] =	ssyncadd.s32 $0xFFFFF000  }
0x9a: {  	[spmem:s1] =	stream.indirect.scatter.add.f32 [tilespmem:s29], [sflag:$0x8], $0x20, s17, s18, $0xb8;
	[tilespmem:$0x12400] =	vst v63  }
0x9b: {  	_ =	swait.ge [sflag:s10], $0x1000  }
0x9c: {  	[sflag:s10] =	ssyncset.done $0x0  }
0x9d: {  	[sflag:s10] =	ssyncadd.s32 $0xFFFFF000  }
0x9e: {  	_ =	swait.ge [sflag:s11], $0x1000  }
0x9f: {  	[sflag:s11] =	ssyncset.done $0x0  }
0xa0: {  	[sflag:s11] =	ssyncadd.s32 $0xFFFFF000  }
0xa1: {  	_ =	swait.ge [sflag:s12], $0x1000  }
0xa2: {  	[sflag:s12] =	ssyncset.done $0x0  }
0xa3: {  	[sflag:s12] =	ssyncadd.s32 $0xFFFFF000  }
0xa4: {  	_ =	swait.ge [sflag:s13], $0x1000  }
0xa5: {  	[sflag:s13] =	ssyncset.done $0x0  }
0xa6: {  	[sflag:s13] =	ssyncadd.s32 $0xFFFFF000  }
0xa7: {  	[bflag:$0x0] =	sbarrier.arrive $0xFFFF  }
0xa8: {  	[tilespmem:s15], [sflag:$0x1] =	stream.linear.gather [spmem:s5], $0x1000, $0x38;
	[tilespmem:$0x12400] =	vst v63  }
0xa9: {  	_ =	swait.ge [sflag:s30], $0x1000  }
0xaa: {  	[sflag:s30] =	ssyncset.done $0x0  }
0xab: {  	s17 =	rddreg [dreg:$0x8];
	[sflag:s30] =	ssyncadd.s32 $0xFFFFF000  }
0xac: {  	[hbm4b:s17+s2] =	stream.linear.scatter [tilespmem:s15], [sflag:$0x5], $0x1000, $0x38;
	[tilespmem:$0x12400] =	vst v63  }
0xad: {  	_ = 	snop  }
0xae: {  	[tilespmem:s19], [sflag:$0x2] =	stream.linear.gather [spmem:s6], $0x1000, $0x38;
	[tilespmem:$0x12400] =	vst v63  }
0xaf: {  	_ =	swait.ge [sflag:s31], $0x1000  }
0xb0: {  	[sflag:s31] =	ssyncset.done $0x0  }
0xb1: {  	s20 =	rddreg [dreg:$0x9];
	[sflag:s31] =	ssyncadd.s32 $0xFFFFF000  }
0xb2: {  	[hbm4b:s20+s2] =	stream.linear.scatter [tilespmem:s19], [sflag:$0x6], $0x1000, $0x38;
	[tilespmem:$0x12400] =	vst v63  }
0xb3: {  	_ = 	snop  }
0xb4: {  	[tilespmem:s26], [sflag:$0x3] =	stream.linear.gather [spmem:s7], $0x1000, $0x38;
	[tilespmem:$0x12400] =	vst v63  }
0xb5: {  	_ =	swait.ge [sflag:s0], $0x1000  }
0xb6: {  	[sflag:s0] =	ssyncset.done $0x0  }
0xb7: {  	[sflag:s0] =	ssyncadd.s32 $0xFFFFF000  }
0xb8: {  	[hbm4b:s22+s2] =	stream.linear.scatter [tilespmem:s26], [sflag:$0x7], $0x1000, $0x38;
	[tilespmem:$0x12400] =	vst v63  }
0xb9: {  	_ = 	snop  }
0xba: {  	[tilespmem:s29], [sflag:$0x4] =	stream.linear.gather [spmem:s8], $0x1000, $0x38;
	[tilespmem:$0x12400] =	vst v63  }
0xbb: {  	_ =	swait.ge [sflag:s3], $0x1000  }
0xbc: {  	[sflag:s3] =	ssyncset.done $0x0  }
0xbd: {  	[sflag:s3] =	ssyncadd.s32 $0xFFFFF000  }
0xbe: {  	[hbm4b:s23+s2] =	stream.linear.scatter [tilespmem:s29], [sflag:$0x8], $0x1000, $0x38;
	[tilespmem:$0x12400] =	vst v63  }
0xbf: {  	_ =	swait.ge [sflag:s10], $0x1000  }
0xc0: {  	[sflag:s10] =	ssyncset.done $0x0  }
0xc1: {  	[sflag:s10] =	ssyncadd.s32 $0xFFFFF000  }
0xc2: {  	[tilespmem:s15], [sflag:$0x1] =	stream.linear.gather [spmem:s9], $0x1000, $0x38;
	[tilespmem:$0x12400] =	vst v63  }
0xc3: {  	_ =	swait.ge [sflag:s30], $0x1000  }
0xc4: {  	[sflag:s30] =	ssyncset.done $0x0  }
0xc5: {  	[sflag:s30] =	ssyncadd.s32 $0xFFFFF000  }
0xc6: {  	[hbm4b:s24+s2] =	stream.linear.scatter [tilespmem:s15], [sflag:$0x5], $0x1000, $0x38;
	[tilespmem:$0x12400] =	vst v63  }
0xc7: {  	_ =	swait.ge [sflag:s10], $0x1000  }
0xc8: {  	[sflag:s10] =	ssyncset.done $0x0  }
0xc9: {  	[sflag:s10] =	ssyncadd.s32 $0xFFFFF000  }
0xca: {  	_ =	swait.ge [sflag:s11], $0x1000  }
0xcb: {  	[sflag:s11] =	ssyncset.done $0x0  }
0xcc: {  	[sflag:s11] =	ssyncadd.s32 $0xFFFFF000  }
0xcd: {  	_ =	swait.ge [sflag:s12], $0x1000  }
0xce: {  	[sflag:s12] =	ssyncset.done $0x0  }
0xcf: {  	[sflag:s12] =	ssyncadd.s32 $0xFFFFF000  }
0xd0: {  	_ =	swait.ge [sflag:s13], $0x1000  }
0xd1: {  	s25 =	sadd.s32 $0x1, s25;
	s28 =	rddreg [dreg:$0x7]  }
0xd2: {  	p1 =	sne.s32 s25, s28  }
.Ltmp1:
0xd3: {  	_ = 	snop;
	(pc) =	sbr.rel @!p1 .LBB2_9-.Ltmp1, $3  }
0xd4: {  	_ =	sdelay $0x1  }
0xd5: {  	[sflag:s13] =	ssyncset.done $0x0  }
0xd6: {  	[sflag:s13] =	ssyncadd.s32 $0xFFFFF000  }
.LBB2_1:
0xd7: {  	s17 =	simm.s32 $0x80;
	s28 =	simm.s32 $0x0  }
.LBB2_2:
0xd8: {  	p1 =	sne.s32 s17, $0x3F80;
	[tilespmem:s28+$0x9400] =	vst v0;
	s14 =	smov.u32 s17;
	s17 =	sadd.s32 $0x80, s17  }
.Ltmp2:
0xd9: {  	[tilespmem:s28+$0x9410] =	vst v0;
	(pc) =	sbr.rel @p1 .LBB2_2-.Ltmp2, $2  }
0xda: {  	_ =	sdelay $0x2  }
0xdb: {  	s28 =	sshra.s32 s14, $0x2  }
0xdc: {  	[tilespmem:s28+$0x9400] =	vst v0  }
0xdd: {  	[tilespmem:s28+$0x9410] =	vst v0  }
0xde: {  	[spmem:s5] =	stream.linear.scatter [tilespmem:s15], [sflag:$0x9], $0x1000, $0x38;
	[tilespmem:$0x12400] =	vst v63  }
0xdf: {  	_ =	swait.ge [sflag:s16], $0x1000  }
0xe0: {  	[sflag:s16] =	ssyncset.done $0x0  }
0xe1: {  	[sflag:s16] =	ssyncadd.s32 $0xFFFFF000  }
0xe2: {  	[spmem:s6] =	stream.linear.scatter [tilespmem:s15], [sflag:$0x9], $0x1000, $0x38;
	[tilespmem:$0x12400] =	vst v63  }
0xe3: {  	_ =	swait.ge [sflag:s16], $0x1000  }
0xe4: {  	[sflag:s16] =	ssyncset.done $0x0  }
0xe5: {  	[sflag:s16] =	ssyncadd.s32 $0xFFFFF000  }
0xe6: {  	[spmem:s7] =	stream.linear.scatter [tilespmem:s15], [sflag:$0x9], $0x1000, $0x38;
	[tilespmem:$0x12400] =	vst v63  }
0xe7: {  	_ =	swait.ge [sflag:s16], $0x1000  }
0xe8: {  	[sflag:s16] =	ssyncset.done $0x0  }
0xe9: {  	[sflag:s16] =	ssyncadd.s32 $0xFFFFF000  }
0xea: {  	[spmem:s8] =	stream.linear.scatter [tilespmem:s15], [sflag:$0x9], $0x1000, $0x38;
	[tilespmem:$0x12400] =	vst v63  }
0xeb: {  	_ =	swait.ge [sflag:s16], $0x1000  }
0xec: {  	[sflag:s16] =	ssyncset.done $0x0  }
.Ltmp3:
0xed: {  	[sflag:s16] =	ssyncadd.s32 $0xFFFFF000;
	(pc) =	sbr.rel @p0 .LBB2_7-.Ltmp3, $4  }
0xee: {  	[spmem:s9] =	stream.linear.scatter [tilespmem:s15], [sflag:$0x9], $0x1000, $0x38;
	[tilespmem:$0x12400] =	vst v63  }
0xef: {  	_ =	swait.ge [sflag:s16], $0x1000  }
0xf0: {  	[sflag:s16] =	ssyncset.done $0x0  }
0xf1: {  	[sflag:s16] =	ssyncadd.s32 $0xFFFFF000  }
0xf2: {  	s14 =	simm.s32 $0x0;
	s17 =	rddreg [dreg:$0x5]  }
0xf3: {  	[tilespmem:s14], [sflag:$0x9] =	stream.linear.gather [hbm4b:s17+s14], $0x4800, $0x38;
	[tilespmem:$0x12400] =	vst v63  }
0xf4: {  	_ =	swait.ge [sflag:s16], $0x4800  }
0xf5: {  	[sflag:s16] =	ssyncset.done $0x0  }
0xf6: {  	s20 =	rddreg [dreg:$0x6];
	[sflag:s16] =	ssyncadd.s32 $0xFFFFB800  }
0xf7: {  	[tilespmem:s21], [sflag:$0x9] =	stream.linear.gather [hbm4b:s20+s14], $0x4800, $0x38;
	[tilespmem:$0x12400] =	vst v63  }
0xf8: {  	_ =	swait.ge [sflag:s16], $0x4800  }
0xf9: {  	[sflag:s16] =	ssyncset.done $0x0  }
0xfa: {  	[sflag:s16] =	ssyncadd.s32 $0xFFFFB800  }
0xfb: {  	[bflag:$0x0] =	sbarrier.arrive $0xFFFF  }
0xfc: {  	[tilespmem:s15], [sflag:$0x1] =	stream.indirect.gather [hbm4b:s4+s18], $0x20, s14, s18, $0xb8;
	[tilespmem:$0x12400] =	vst v63  }
0xfd: {  	_ = 	snop  }
0xfe: {  	[tilespmem:s19], [sflag:$0x2] =	stream.indirect.gather [hbm4b:s4+s18], $0x20, s18, s18, $0xb8;
	[tilespmem:$0x12400] =	vst v63  }
0xff: {  	s20 =	simm.s32 $0x100  }
0x100: {  	[tilespmem:s26], [sflag:$0x3] =	stream.indirect.gather [hbm4b:s4+s18], $0x20, s20, s18, $0xb8;
	[tilespmem:$0x12400] =	vst v63  }
0x101: {  	s17 =	simm.s32 $0x180  }
0x102: {  	[tilespmem:s29], [sflag:$0x4] =	stream.indirect.gather [hbm4b:s4+s18], $0x20, s17, s18, $0xb8;
	[tilespmem:$0x12400] =	vst v63  }
0x103: {  	_ =	swait.ge [sflag:s30], $0x1000  }
0x104: {  	[sflag:s30] =	ssyncset.done $0x0  }
0x105: {  	s20 =	simm.s32 $0x4A00;
	[sflag:s30] =	ssyncadd.s32 $0xFFFFF000  }
0x106: {  	[spmem:s1] =	stream.indirect.scatter.add.f32 [tilespmem:s15], [sflag:$0x5], $0x20, s20, s18, $0xb8;
	[tilespmem:$0x12400] =	vst v63  }
0x107: {  	_ =	swait.ge [sflag:s31], $0x1000  }
0x108: {  	[sflag:s31] =	ssyncset.done $0x0  }
0x109: {  	s17 =	simm.s32 $0x4A80;
	[sflag:s31] =	ssyncadd.s32 $0xFFFFF000  }
0x10a: {  	[spmem:s1] =	stream.indirect.scatter.add.f32 [tilespmem:s19], [sflag:$0x6], $0x20, s17, s18, $0xb8;
	[tilespmem:$0x12400] =	vst v63  }
0x10b: {  	_ =	swait.ge [sflag:s0], $0x1000  }
0x10c: {  	[sflag:s0] =	ssyncset.done $0x0  }
0x10d: {  	s20 =	simm.s32 $0x4B00;
	[sflag:s0] =	ssyncadd.s32 $0xFFFFF000  }
0x10e: {  	[spmem:s1] =	stream.indirect.scatter.add.f32 [tilespmem:s26], [sflag:$0x7], $0x20, s20, s18, $0xb8;
	[tilespmem:$0x12400] =	vst v63  }
0x10f: {  	_ =	swait.ge [sflag:s3], $0x1000  }
0x110: {  	[sflag:s3] =	ssyncset.done $0x0  }
0x111: {  	s17 =	simm.s32 $0x4B80;
	[sflag:s3] =	ssyncadd.s32 $0xFFFFF000  }
0x112: {  	[spmem:s1] =	stream.indirect.scatter.add.f32 [tilespmem:s29], [sflag:$0x8], $0x20, s17, s18, $0xb8;
	[tilespmem:$0x12400] =	vst v63  }
0x113: {  	_ =	swait.ge [sflag:s10], $0x1000  }
0x114: {  	[sflag:s10] =	ssyncset.done $0x0  }
0x115: {  	s20 =	simm.s32 $0x200;
	[sflag:s10] =	ssyncadd.s32 $0xFFFFF000  }
0x116: {  	[tilespmem:s15], [sflag:$0x1] =	stream.indirect.gather [hbm4b:s4+s18], $0x20, s20, s18, $0xb8;
	[tilespmem:$0x12400] =	vst v63  }
0x117: {  	_ =	swait.ge [sflag:s11], $0x1000  }
0x118: {  	[sflag:s11] =	ssyncset.done $0x0  }
0x119: {  	s17 =	simm.s32 $0x280;
	[sflag:s11] =	ssyncadd.s32 $0xFFFFF000  }
0x11a: {  	[tilespmem:s19], [sflag:$0x2] =	stream.indirect.gather [hbm4b:s4+s18], $0x20, s17, s18, $0xb8;
	[tilespmem:$0x12400] =	vst v63  }
0x11b: {  	_ =	swait.ge [sflag:s12], $0x1000  }
0x11c: {  	p1 =	por $0x0, $0x0;
	[sflag:s12] =	ssyncset.done $0x0  }
.Ltmp4:
0x11d: {  	s20 =	simm.s32 $0x300;
	[sflag:s12] =	ssyncadd.s32 $0xFFFFF000;
	(pc) =	sbr.rel @p1 .LBB2_6-.Ltmp4, $4  }
0x11e: {  	[tilespmem:s26], [sflag:$0x3] =	stream.indirect.gather [hbm4b:s4+s18], $0x20, s20, s18, $0xb8;
	[tilespmem:$0x12400] =	vst v63  }
0x11f: {  	_ =	swait.ge [sflag:s13], $0x1000  }
0x120: {  	[sflag:s13] =	ssyncset.done $0x0  }
0x121: {  	s28 =	simm.s32 $0x800;
	s14 =	simm.s32 $0x380;
	[sflag:s13] =	ssyncadd.s32 $0xFFFFF000  }
.LBB2_5:
0x122: {  	[tilespmem:s29], [sflag:$0x4] =	stream.indirect.gather [hbm4b:s4+s18], $0x20, s14, s18, $0xb8;
	[tilespmem:$0x12400] =	vst v63  }
0x123: {  	s14 =	smov.u32 s28  }
0x124: {  	p1 =	seq.s32 s28, $0x11000;
	s28 =	sadd.s32 $0x800, s28;
	_ =	swait.ge [sflag:s30], $0x1000  }
0x125: {  	s17 =	sshra.s32 s14, $0x2;
	[sflag:s30] =	ssyncset.done $0x0  }
0x126: {  	s14 =	sadd.s32 $0x4A00, s17;
	[sflag:s30] =	ssyncadd.s32 $0xFFFFF000  }
0x127: {  	[spmem:s1] =	stream.indirect.scatter.add.f32 [tilespmem:s15], [sflag:$0x5], $0x20, s14, s18, $0xb8;
	[tilespmem:$0x12400] =	vst v63  }
0x128: {  	_ =	swait.ge [sflag:s31], $0x1000  }
0x129: {  	[sflag:s31] =	ssyncset.done $0x0  }
0x12a: {  	s14 =	sadd.s32 $0x4A80, s17;
	[sflag:s31] =	ssyncadd.s32 $0xFFFFF000  }
0x12b: {  	[spmem:s1] =	stream.indirect.scatter.add.f32 [tilespmem:s19], [sflag:$0x6], $0x20, s14, s18, $0xb8;
	[tilespmem:$0x12400] =	vst v63  }
0x12c: {  	_ =	swait.ge [sflag:s0], $0x1000  }
0x12d: {  	[sflag:s0] =	ssyncset.done $0x0  }
0x12e: {  	s14 =	sadd.s32 $0x4B00, s17;
	[sflag:s0] =	ssyncadd.s32 $0xFFFFF000  }
0x12f: {  	[spmem:s1] =	stream.indirect.scatter.add.f32 [tilespmem:s26], [sflag:$0x7], $0x20, s14, s18, $0xb8;
	[tilespmem:$0x12400] =	vst v63  }
0x130: {  	_ =	swait.ge [sflag:s3], $0x1000  }
0x131: {  	[sflag:s3] =	ssyncset.done $0x0  }
0x132: {  	s14 =	sadd.s32 $0x4B80, s17;
	[sflag:s3] =	ssyncadd.s32 $0xFFFFF000  }
0x133: {  	[spmem:s1] =	stream.indirect.scatter.add.f32 [tilespmem:s29], [sflag:$0x8], $0x20, s14, s18, $0xb8;
	[tilespmem:$0x12400] =	vst v63  }
0x134: {  	_ =	swait.ge [sflag:s10], $0x1000  }
0x135: {  	[sflag:s10] =	ssyncset.done $0x0  }
0x136: {  	s14 =	sadd.s32 $0x200, s17;
	[sflag:s10] =	ssyncadd.s32 $0xFFFFF000  }
0x137: {  	[tilespmem:s15], [sflag:$0x1] =	stream.indirect.gather [hbm4b:s4+s18], $0x20, s14, s18, $0xb8;
	[tilespmem:$0x12400] =	vst v63  }
0x138: {  	_ =	swait.ge [sflag:s11], $0x1000  }
0x139: {  	[sflag:s11] =	ssyncset.done $0x0  }
0x13a: {  	s14 =	sadd.s32 $0x280, s17;
	[sflag:s11] =	ssyncadd.s32 $0xFFFFF000  }
0x13b: {  	[tilespmem:s19], [sflag:$0x2] =	stream.indirect.gather [hbm4b:s4+s18], $0x20, s14, s18, $0xb8;
	[tilespmem:$0x12400] =	vst v63  }
0x13c: {  	_ =	swait.ge [sflag:s12], $0x1000  }
0x13d: {  	[sflag:s12] =	ssyncset.done $0x0  }
.Ltmp5:
0x13e: {  	s14 =	sadd.s32 $0x300, s17;
	[sflag:s12] =	ssyncadd.s32 $0xFFFFF000;
	(pc) =	sbr.rel @!p1 .LBB2_5-.Ltmp5, $4  }
0x13f: {  	[tilespmem:s26], [sflag:$0x3] =	stream.indirect.gather [hbm4b:s4+s18], $0x20, s14, s18, $0xb8;
	[tilespmem:$0x12400] =	vst v63  }
0x140: {  	_ =	swait.ge [sflag:s13], $0x1000  }
0x141: {  	[sflag:s13] =	ssyncset.done $0x0  }
0x142: {  	s14 =	sadd.s32 $0x380, s17;
	[sflag:s13] =	ssyncadd.s32 $0xFFFFF000  }
.LBB2_6:
.Ltmp6:
0x143: {  	(pc) =	sbr.rel .LBB2_8-.Ltmp6, $4  }
0x144: {  	_ = 	snop  }
0x145: {  	[tilespmem:s29], [sflag:$0x4] =	stream.indirect.gather [hbm4b:s4+s18], $0x20, s14, s18, $0xb8;
	[tilespmem:$0x12400] =	vst v63  }
0x146: {  	s17 =	simm.s32 $0x9180  }
0x147: {  	s28 =	simm.s32 $0x9100;
	s14 =	simm.s32 $0x9080;
	s20 =	simm.s32 $0x9000  }
.LBB2_9:
0x148: {  	_ =	sfence.sel $0x180000  }
0x149: {  	[bflag:$0x0] =	sbarrier.arrive $0xFFFF  }
0x14a: {  	_ =	strace $0x9000004D  }
0x14b: {  	s0 =	stileid.u32;
	[bflag:$0x2] =	sbarrier.arrive $0xFFFF  }
0x14c: {  	p0 =	sne.s32 s0, $0x0;
	s0 =	rddreg [dreg:$0x2]  }
0x14d: {  	s0 =	sadd.s32 @!p0 $0x100000, s0  }
0x14e: {  	[sflag:s0] =	ssyncadd.tile.s32 @!p0 $0x1;
	_ =	shalt  }
.Lfunc_end2:
_tile_overlayer_lowered:
.L_overlay_start_2:
0x14f: {  	(tag) =	ssettag $0x2  }
0x150: {  	s0 =	rddreg [dreg:$0x0];
	s2 =	stileid.u32  }
0x151: {  	s1 =	rddreg [dreg:$0x1];
	p0 =	sne.s32 s2, $0x0  }
0x152: {  	s3 =	rddreg [dreg:$0x2];
	[bflag:$0x3] =	sbarrier.arrive $0xFFFF;
	s2 =	simm.s32 @!p0 $0x1C09  }
0x153: {  	[timem:s3], [sflag:s2] =	dma.local @!p0 [hbm:s0], s1  }
0x154: {  	s0 =	simm.s32 @!p0 $0x9  }
0x155: {  	_ =	swait.ge @!p0 [sflag:s0], s1  }
0x156: {  	s1 =	ssub.s32 @!p0 $0x0, s1;
	[sflag:s0] =	ssyncset.done @!p0 $0x0  }
0x157: {  	[sflag:s0] =	ssyncadd.s32 @!p0 s1  }
0x158: {  	[bflag:$0x3] =	sbarrier.arrive $0xFFFF  }
0x159: {  	_ =	shalt  }

// kernel: kernel.8.cloned.1.call-start
scs
__scs_entry_jumppad:
0x0: {  	(pc) =	sbr.rel $0x88, $3  }
0x1: {  	(tag) =	ssettag $0x0;
	lr =	simm.s32 $0x1  }
0x2: {  	[smem:$0x3F9B] =	sst lr;
	_ =	strace $0xD0000000  }
0x3: {  	_ = 	snop  }
0x4: {  	_ = 	snop  }
0x5: {  	_ = 	snop  }
0x6: {  	_ = 	snop  }
0x7: {  	_ = 	snop  }
__scs_overlays_trampoline_lowered:
0x8: {  	[smem:$0x3FAA] =	sst s0  }
0x9: {  	[smem:$0x3FAB] =	sst s1  }
0xa: {  	[smem:$0x3FAC] =	sst s2  }
0xb: {  	[smem:$0x3FAD] =	sst s3  }
0xc: {  	[smem:$0x3FAE] =	sst s4  }
0xd: {  	[smem:$0x3FAF] =	sst s5  }
0xe: {  	[smem:$0x3FB0] =	sst s6  }
0xf: {  	[smem:$0x3FB1] =	sst s7  }
0x10: {  	[smem:$0x3FB2] =	sst s8  }
0x11: {  	[smem:$0x3FB3] =	sst s9;
	s0 =	simm.s32 @!p0 $0x0  }
0x12: {  	s1 =	sld [smem:$0x3F99];
	s0 =	simm.s32 @p0 $0x1  }
0x13: {  	[smem:$0x3FB4] =	sst s0;
	s0 =	simm.s32 @!p1 $0x0  }
0x14: {  	s2 =	sld [smem:$0x3F98];
	s0 =	simm.s32 @p1 $0x1  }
0x15: {  	[smem:$0x3FB5] =	sst s0;
	s0 =	simm.s32 @!p2 $0x0  }
0x16: {  	s3 =	sld [smem:$0x3FDB];
	s0 =	simm.s32 @p2 $0x1  }
0x17: {  	s4 =	simm.s32 $0x1BF5;
	[smem:$0x3FB7] =	sst s0  }
0x18: {  	s0 =	sld [smem:$0x3F9A];
	_ =	swait.ge [sflag:s4], $0x0  }
0x19: {  	s7 =	sld [smem:$0x3F9B]  }
0x1a: {  	s8 =	sadd.s32 $0xFFFFE003, lr  }
0x1b: {  	s9 =	sadd.s32 $0xFFFFFEF7, lr;
	s5 =	simm.s32 $0xFFFFFFFF;
	p2 =	slt.u32 s8, $0xFFFFF086  }
0x1c: {  	p1 =	slt.u32 s9, $0xF7A;
	s5 =	simm.s32 @!p2 $0x0  }
0x1d: {  	s5 =	simm.s32 @p1 $0x1;
	p0 =	seq.s32 s7, s2  }
0x1e: {  	s7 =	smul.u32 @!p0 $0xF7A, s2;
	p2 =	seq.s32 @!p0 s5, $0x0  }
0x1f: {  	s9 =	smul.u32 $0xF7A, s1;
	s8 =	simm.s32 @!p0 $0x1BF5;
	p2 =	por !p2, p0  }
0x20: {  	[sflag:s8] =	ssyncset.s32 @!p0 $0xFFFFF086;
	s6 =	sadd.s32 @!p0 s3, s7;
	s7 =	simm.s32 @!p0 $0x108  }
0x21: {  	s3 =	sadd.s32 s3, s9;
	s6 =	sadd.s32 @!p0 $0x88, s6;
	s7 =	simm.s32 @p2 $0x1082  }
0x22: {  	[simem:s7], [sflag:s8] =	dma.local @!p0 [hbm:s6], $0xF7A  }
0x23: {  	s9 =	sor.u32 $0xD0000000, s2;
	s6 =	simm.s32 $0x108;
	_ =	swait.ge @!p0 [sflag:s8], $0x0  }
0x24: {  	s3 =	sadd.s32 $0x88, s3;
	s6 =	simm.s32 @!p1 $0x1082;
	[sflag:s4] =	ssyncset.s32 $0xFFFFF086  }
0x25: {  	[simem:s6], [sflag:s4] =	dma.local [hbm:s3], $0xF7A  }
0x26: {  	[smem:$0x3F9B] =	sst s1;
	(tag) =	ssettag s2;
	_ =	strace s9  }
0x27: {  	s1 =	sld [smem:$0x3FAB]  }
0x28: {  	s2 =	sld [smem:$0x3FAC]  }
0x29: {  	s4 =	sld [smem:$0x3FAE]  }
0x2a: {  	p0 =	seq.s32 s5, $0x0;
	s5 =	sld [smem:$0x3FAF]  }
0x2b: {  	s6 =	sld [smem:$0x3FB0]  }
0x2c: {  	s7 =	sld [smem:$0x3FB1]  }
0x2d: {  	s3 =	simm.s32 $0x108;
	s8 =	sld [smem:$0x3FB2]  }
0x2e: {  	s3 =	simm.s32 @!p0 $0x1082;
	s9 =	sld [smem:$0x3FB3]  }
0x2f: {  	lr =	sadd.s32 s0, s3;
	s0 =	sld [smem:$0x3FAA]  }
0x30: {  	s3 =	sld [smem:$0x3FAD]  }
0x31: {  	[smem:$0x3FB6] =	sst s10  }
0x32: {  	s10 =	sld [smem:$0x3FB4];
	_ =	sdelay $0x3  }
0x33: {  	p0 =	seq.s32 s10, $0x1;
	s10 =	sld [smem:$0x3FB6];
	_ =	sdelay $0x3  }
0x34: {  	[smem:$0x3FB6] =	sst s10  }
0x35: {  	s10 =	sld [smem:$0x3FB5];
	_ =	sdelay $0x3  }
0x36: {  	p1 =	seq.s32 s10, $0x1;
	s10 =	sld [smem:$0x3FB6];
	_ =	sdelay $0x3  }
0x37: {  	[smem:$0x3FB6] =	sst s10  }
0x38: {  	s10 =	sld [smem:$0x3FB7]  }
0x39: {  	_ = 	snop;
	(pc) =	sbr.ind lr, $3  }
0x3a: {  	_ = 	snop  }
0x3b: {  	_ = 	snop  }
0x3c: {  	p2 =	seq.s32 s10, $0x1;
	s10 =	sld [smem:$0x3FB6]  }
0x3d: {  	_ =	shalt  }
0x3e: {  	_ =	shalt  }
0x3f: {  	_ =	shalt  }
0x40: {  	_ =	shalt  }
0x41: {  	_ =	shalt  }
0x42: {  	_ =	shalt  }
0x43: {  	_ =	shalt  }
0x44: {  	_ =	shalt  }
0x45: {  	_ =	shalt  }
0x46: {  	_ =	shalt  }
0x47: {  	_ =	shalt  }
0x48: {  	_ =	shalt  }
0x49: {  	_ =	shalt  }
0x4a: {  	_ =	shalt  }
0x4b: {  	_ =	shalt  }
0x4c: {  	_ =	shalt  }
0x4d: {  	_ =	shalt  }
0x4e: {  	_ =	shalt  }
0x4f: {  	_ =	shalt  }
0x50: {  	_ =	shalt  }
0x51: {  	_ =	shalt  }
0x52: {  	_ =	shalt  }
0x53: {  	_ =	shalt  }
0x54: {  	_ =	shalt  }
0x55: {  	_ =	shalt  }
0x56: {  	_ =	shalt  }
0x57: {  	_ =	shalt  }
0x58: {  	_ =	shalt  }
0x59: {  	_ =	shalt  }
0x5a: {  	_ =	shalt  }
0x5b: {  	_ =	shalt  }
0x5c: {  	_ =	shalt  }
0x5d: {  	_ =	shalt  }
0x5e: {  	_ =	shalt  }
0x5f: {  	_ =	shalt  }
0x60: {  	_ =	shalt  }
0x61: {  	_ =	shalt  }
0x62: {  	_ =	shalt  }
0x63: {  	_ =	shalt  }
0x64: {  	_ =	shalt  }
0x65: {  	_ =	shalt  }
0x66: {  	_ =	shalt  }
0x67: {  	_ =	shalt  }
0x68: {  	_ =	shalt  }
0x69: {  	_ =	shalt  }
0x6a: {  	_ =	shalt  }
0x6b: {  	_ =	shalt  }
0x6c: {  	_ =	shalt  }
0x6d: {  	_ =	shalt  }
0x6e: {  	_ =	shalt  }
0x6f: {  	_ =	shalt  }
0x70: {  	_ =	shalt  }
0x71: {  	_ =	shalt  }
0x72: {  	_ =	shalt  }
0x73: {  	_ =	shalt  }
0x74: {  	_ =	shalt  }
0x75: {  	_ =	shalt  }
0x76: {  	_ =	shalt  }
0x77: {  	_ =	shalt  }
0x78: {  	_ =	shalt  }
0x79: {  	_ =	shalt  }
0x7a: {  	_ =	shalt  }
0x7b: {  	_ =	shalt  }
0x7c: {  	_ =	shalt  }
0x7d: {  	_ =	shalt  }
0x7e: {  	_ =	shalt  }
0x7f: {  	_ =	shalt  }
0x80: {  	_ =	shalt  }
0x81: {  	_ =	shalt  }
0x82: {  	_ =	shalt  }
0x83: {  	_ =	shalt  }
0x84: {  	_ =	shalt  }
0x85: {  	_ =	shalt  }
0x86: {  	_ =	shalt  }
0x87: {  	_ =	shalt  }
.Lfunc_end0:
.L_simem_size_0:
called_computation_lowered:
.L_overlay_start_0:
0x88: {  	s2 =	sld [smem:$0x3FD9]  }
0x89: {  	s3 =	sld [smem:$0x3FFE];
	_ =	sdelay $0x1  }
0x8a: {  	s1 =	srdreg.scid  }
0x8b: {  	s0 =	sand.u32 $0x1, s1  }
0x8c: {  	s17 =	sshll.u32 s0, $0xA;
	s2 =	sadd.s32 s3, s2  }
0x8d: {  	s2 =	sadd.s32 s2, s17  }
0x8e: {  	[smem:$0x3FC2] =	sst s2  }
0x8f: {  	_ = 	snop  }
0x90: {  	s2 =	sld [smem:$0x3FD0];
	(tm) =	ssettm $0x1  }
0x91: {  	s18 =	sld [smem:$0x3FFB];
	_ =	sdelay $0x3  }
0x92: {  	_ =	strace s18  }
0x93: {  	s3 =	sld [smem:$0x3FFC];
	_ =	sdelay $0x3  }
0x94: {  	_ =	strace s3  }
0x95: {  	s3 =	sld [smem:$0x3FFD];
	_ =	sdelay $0x3  }
0x96: {  	_ =	strace s3  }
0x97: {  	_ =	strace $0x8FFFFFFF  }
0x98: {  	s19 =	sld [smem:$0x3FDB];
	_ =	sdelay $0x1  }
0x99: {  	s4 =	simm.s32 $_scs_section_size  }
0x9a: {  	s5 =	simm.s32 $_size__tile_overlayer_lowered;
	s6 =	simm.s32 $_tile_overlayer_lowered  }
0x9b: {  	s22 =	simm.s32 $0x1BFF;
	s21 =	sshll.u32 s6, $0x1;
	s3 =	sadd.s32 s4, s19  }
0x9c: {  	s7 =	simm.s32 $0x0;
	s20 =	sshll.u32 s5, $0x1;
	s5 =	sadd.s32 s21, s3  }
0x9d: {  	[timem:s7], [sflag:s22] =	dma.local [hbm:s5], s20  }
0x9e: {  	_ =	swait.ge [sflag:s22], s20  }
0x9f: {  	s4 =	ssub.s32 $0x0, s20;
	[sflag:s22] =	ssyncset.done $0x0  }
0xa0: {  	[sflag:s22] =	ssyncadd.s32 s4;
	_ =	sdelay $0x1  }
0xa1: {  	s23 =	simm.s32 $0x1B8B  }
0xa2: {  	_ =	swait.ge [sflag:s23], $0x1  }
0xa3: {  	[sflag:s23] =	ssyncset.done $0x0  }
0xa4: {  	s25 =	simm.s32 $0x1B8E;
	s24 =	sld [smem:$0x3FFE];
	[sflag:s23] =	ssyncadd.s32 $0xFFFFFFFF  }
0xa5: {  	s26 =	simm.s32 $execute0_lowered;
	[smem:$0x3FD2] =	sst s25  }
0xa6: {  	s5 =	sshll.u32 s26, $0x1;
	_ =	strace $0x80000046;
	[dreg:$0x1] =	wrdreg $0xFFFFFFFF  }
0xa7: {  	s28 =	simm.s32 $_size_execute0_lowered;
	s3 =	sadd.s32 s3, s5;
	[dreg:$0x0] =	wrdreg $0x0  }
0xa8: {  	s5 =	sshll.u32 s28, $0x1;
	[dreg:$0x2] =	wrdreg s3  }
0xa9: {  	[dreg:$0x3] =	wrdreg s5  }
0xaa: {  	[dreg:$0x4] =	wrdreg $0xC0  }
0xab: {  	_ =	task [dreg:s7], $0x5FFFF  }
0xac: {  	[dreg:$0x1] =	wrdreg $0xFFFFFFFF  }
0xad: {  	[dreg:$0x0] =	wrdreg $0x60  }
0xae: {  	[dreg:$0x2] =	wrdreg s24  }
0xaf: {  	[dreg:$0x3] =	wrdreg s2  }
0xb0: {  	[dreg:$0x4] =	wrdreg $0x40000  }
0xb1: {  	[dreg:$0x5] =	wrdreg $0x9  }
0xb2: {  	_ =	task.clear_ibuf [dreg:s7], $0x6FFFF;
	_ =	strace $0x90000046  }
0xb3: {  	s29 =	simm.s32 $0x9;
	_ =	strace $0x80000048  }
0xb4: {  	_ =	swait.ge [sflag:s29], $0x1  }
0xb5: {  	[sflag:s29] =	ssyncadd.s32 $0xFFFFFFFF  }
0xb6: {  	_ =	strace $0x90000048  }
0xb7: {  	_ =	sfence  }
0xb8: {  	s30 =	sld [smem:$0x0];
	_ =	sdelay $0x2  }
0xb9: {  	s31 =	sshll.u32 s1, $0xD;
	s1 =	sshrl.u32 s1, $0x2  }
0xba: {  	s3 =	sand.u32 $0x4000, s31;
	s1 =	sadd.s32 s1, s30  }
0xbb: {  	s0 =	sor.u32 s3, s0;
	s1 =	sshll.u32 s1, $0x11  }
0xbc: {  	s0 =	sor.u32 s1, s0  }
0xbd: {  	s0 =	sadd.s32 $0x8F2B, s0  }
0xbe: {  	[sflag:s0] =	ssyncadd.remote.s32 $0x1  }
0xbf: {  	_ =	sfence.sel $0xFFFF  }
0xc0: {  	[dreg:$0x0] =	wrdreg $0xFFFFFFFF;
	(pc) =	sbr.abs _section_cstart, $3  }
0xc1: {  	[dreg:$0x1] =	wrdreg $0xFFFFFFFF  }
0xc2: {  	_ =	task.clear_ibuf [dreg:s7], $0x2FFFF;
	_ =	strace $0x9FFFFFFF  }
0xc3: {  	(tm) =	ssettm $0x7FFFFFFF  }
tec
execute0_lowered:
.L_overlay_start_1:
0x0: {  	(tag) =	ssettag $0x1  }
0x1: {  	s5 =	rddreg [dreg:$0x0]  }
0x2: {  	s1 =	rddreg [dreg:$0x1]  }
0x3: {  	s2 =	rddreg [dreg:$0x2]  }
0x4: {  	s0 =	rddreg [dreg:$0x3];
	s3 =	simm.s32 $0x0;
	s4 =	srdreg.scid  }
0x5: {  	[smem:$0x7FF] =	sst s3;
	s13 =	sand.u32 $0x1, s4;
	s4 =	stileid.u32  }
0x6: {  	s11 =	sadd.s32 $0x1A00, s5;
	s6 =	smul.u32 $0x5000, s13;
	s7 =	ssub.s32 $0x2, s13  }
0x7: {  	_ =	strace $0x80000047;
	s12 =	smul.u32 $0x2800, s4;
	s10 =	sshll.u32 s4, $0xA  }
0x8: {  	s20 =	smul.u32 $0x600, s4;
	p0 =	sne.s32 s13, $0x0;
	s13 =	simm.s32 $0x3800  }
0x9: {  	s8 =	sshrl.u32 s7, $0x1;
	s10 =	sadd.s32 s10, s11;
	s14 =	sadd.s32 s6, s5  }
0xa: {  	s15 =	ssub.s32 s7, s8;
	s5 =	sadd.s32 s12, s2;
	s16 =	sadd.s32 $0x800, s12  }
0xb: {  	s17 =	sadd.s32 $0x1000, s12;
	s18 =	sadd.s32 $0x1800, s12;
	s19 =	sadd.s32 $0x2000, s12  }
0xc: {  	s10 =	sadd.s32 $0x6000, s10;
	s11 =	sadd.s32 s11, s20;
	s31 =	sshrl.u32 s12, $0x3  }
0xd: {  	s6 =	sadd.s32 s16, s2;
	s7 =	sadd.s32 s17, s2;
	s8 =	sadd.s32 s18, s2  }
0xe: {  	s9 =	sadd.s32 s19, s2;
	s22 =	sadd.s32 $0xBA00, s14;
	s21 =	sshrl.u32 s16, $0x3  }
.Ltmp0:
0xf: {  	s23 =	sshrl.u32 s17, $0x3;
	s24 =	sshrl.u32 s18, $0x3;
	(pc) =	sbr.rel .LBB2_1-.Ltmp0, $4  }
0x10: {  	s25 =	sshrl.u32 s19, $0x3;
	s12 =	smax.u32 s15, $0x1;
	s14 =	simm.s32 $0x2  }
0x11: {  	s15 =	simm.s32 $0x3000;
	s16 =	simm.s32 $0x80;
	s17 =	simm.s32 $0x1  }
0x12: {  	s18 =	sadd.s32 s31, s22;
	s19 =	sadd.s32 s21, s22;
	s20 =	sadd.s32 s23, s22  }
0x13: {  	v0 =	vimm.f32 $0.0e+00;
	s21 =	sadd.s32 s24, s22;
	s22 =	sadd.s32 s25, s22;
	s23 =	simm.s32 $0x0  }
.LBB2_13:
0x14: {  	[sflag:s17] =	ssyncadd.s32 $0xFFFFF800  }
.LBB2_14:
0x15: {  	[bflag:$0x0] =	sbarrier.arrive $0xFFFF  }
0x16: {  	[tilespmem:s13], [sflag:$0x2] =	stream.linear.gather [spmem:s5], $0x800, $0x38;
	[tilespmem:$0x6800] =	vst v63  }
0x17: {  	_ =	swait.ge [sflag:s14], $0x800  }
0x18: {  	[sflag:s14] =	ssyncset.done $0x0  }
0x19: {  	[sflag:s14] =	ssyncadd.s32 $0xFFFFF800  }
0x1a: {  	[hbm4b:s18+s3] =	stream.linear.scatter [tilespmem:s13], [sflag:$0x2], $0x800, $0x38;
	[tilespmem:$0x6800] =	vst v63  }
0x1b: {  	_ =	swait.ge [sflag:s14], $0x800  }
0x1c: {  	[sflag:s14] =	ssyncset.done $0x0  }
0x1d: {  	[sflag:s14] =	ssyncadd.s32 $0xFFFFF800  }
0x1e: {  	[tilespmem:s13], [sflag:$0x2] =	stream.linear.gather [spmem:s6], $0x800, $0x38;
	[tilespmem:$0x6800] =	vst v63  }
0x1f: {  	_ =	swait.ge [sflag:s14], $0x800  }
0x20: {  	[sflag:s14] =	ssyncset.done $0x0  }
0x21: {  	[sflag:s14] =	ssyncadd.s32 $0xFFFFF800  }
0x22: {  	[hbm4b:s19+s3] =	stream.linear.scatter [tilespmem:s13], [sflag:$0x2], $0x800, $0x38;
	[tilespmem:$0x6800] =	vst v63  }
0x23: {  	_ =	swait.ge [sflag:s14], $0x800  }
0x24: {  	[sflag:s14] =	ssyncset.done $0x0  }
0x25: {  	[sflag:s14] =	ssyncadd.s32 $0xFFFFF800  }
0x26: {  	[tilespmem:s13], [sflag:$0x2] =	stream.linear.gather [spmem:s7], $0x800, $0x38;
	[tilespmem:$0x6800] =	vst v63  }
0x27: {  	_ =	swait.ge [sflag:s14], $0x800  }
0x28: {  	[sflag:s14] =	ssyncset.done $0x0  }
0x29: {  	[sflag:s14] =	ssyncadd.s32 $0xFFFFF800  }
0x2a: {  	[hbm4b:s20+s3] =	stream.linear.scatter [tilespmem:s13], [sflag:$0x2], $0x800, $0x38;
	[tilespmem:$0x6800] =	vst v63  }
0x2b: {  	_ =	swait.ge [sflag:s14], $0x800  }
0x2c: {  	[sflag:s14] =	ssyncset.done $0x0  }
0x2d: {  	[sflag:s14] =	ssyncadd.s32 $0xFFFFF800  }
0x2e: {  	[tilespmem:s13], [sflag:$0x2] =	stream.linear.gather [spmem:s8], $0x800, $0x38;
	[tilespmem:$0x6800] =	vst v63  }
0x2f: {  	_ =	swait.ge [sflag:s14], $0x800  }
0x30: {  	[sflag:s14] =	ssyncset.done $0x0  }
0x31: {  	[sflag:s14] =	ssyncadd.s32 $0xFFFFF800  }
0x32: {  	[hbm4b:s21+s3] =	stream.linear.scatter [tilespmem:s13], [sflag:$0x2], $0x800, $0x38;
	[tilespmem:$0x6800] =	vst v63  }
0x33: {  	_ =	swait.ge [sflag:s14], $0x800  }
0x34: {  	[sflag:s14] =	ssyncset.done $0x0  }
0x35: {  	[sflag:s14] =	ssyncadd.s32 $0xFFFFF800  }
0x36: {  	[tilespmem:s13], [sflag:$0x2] =	stream.linear.gather [spmem:s9], $0x800, $0x38;
	[tilespmem:$0x6800] =	vst v63  }
0x37: {  	s23 =	sadd.s32 $0x1, s23;
	_ =	swait.ge [sflag:s14], $0x800  }
0x38: {  	p1 =	sne.s32 s23, s12;
	[sflag:s14] =	ssyncset.done $0x0  }
.Ltmp1:
0x39: {  	[sflag:s14] =	ssyncadd.s32 $0xFFFFF800;
	(pc) =	sbr.rel @!p1 .LBB2_15-.Ltmp1, $4  }
0x3a: {  	[hbm4b:s22+s3] =	stream.linear.scatter [tilespmem:s13], [sflag:$0x2], $0x800, $0x38;
	[tilespmem:$0x6800] =	vst v63  }
0x3b: {  	_ =	swait.ge [sflag:s14], $0x800  }
0x3c: {  	[sflag:s14] =	ssyncset.done $0x0  }
0x3d: {  	[sflag:s14] =	ssyncadd.s32 $0xFFFFF800  }
.LBB2_1:
0x3e: {  	s24 =	simm.s32 $0x40;
	s25 =	simm.s32 $0x0  }
.LBB2_2:
0x3f: {  	p1 =	sne.s32 s24, $0x1FC0;
	[tilespmem:s25+$0x3800] =	vst v0;
	s25 =	smov.u32 s24;
	s24 =	sadd.s32 $0x40, s24  }
.Ltmp2:
0x40: {  	(pc) =	sbr.rel @p1 .LBB2_2-.Ltmp2, $2  }
0x41: {  	_ =	sdelay $0x2  }
0x42: {  	s25 =	sshra.s32 s25, $0x2  }
0x43: {  	[tilespmem:s25+$0x3800] =	vst v0  }
0x44: {  	[spmem:s5] =	stream.linear.scatter [tilespmem:s13], [sflag:$0x2], $0x800, $0x38;
	[tilespmem:$0x6800] =	vst v63  }
0x45: {  	_ =	swait.ge [sflag:s14], $0x800  }
0x46: {  	[sflag:s14] =	ssyncset.done $0x0  }
0x47: {  	[sflag:s14] =	ssyncadd.s32 $0xFFFFF800  }
0x48: {  	[spmem:s6] =	stream.linear.scatter [tilespmem:s13], [sflag:$0x2], $0x800, $0x38;
	[tilespmem:$0x6800] =	vst v63  }
0x49: {  	_ =	swait.ge [sflag:s14], $0x800  }
0x4a: {  	[sflag:s14] =	ssyncset.done $0x0  }
0x4b: {  	[sflag:s14] =	ssyncadd.s32 $0xFFFFF800  }
0x4c: {  	[spmem:s7] =	stream.linear.scatter [tilespmem:s13], [sflag:$0x2], $0x800, $0x38;
	[tilespmem:$0x6800] =	vst v63  }
0x4d: {  	_ =	swait.ge [sflag:s14], $0x800  }
0x4e: {  	[sflag:s14] =	ssyncset.done $0x0  }
0x4f: {  	[sflag:s14] =	ssyncadd.s32 $0xFFFFF800  }
0x50: {  	[spmem:s8] =	stream.linear.scatter [tilespmem:s13], [sflag:$0x2], $0x800, $0x38;
	[tilespmem:$0x6800] =	vst v63  }
0x51: {  	_ =	swait.ge [sflag:s14], $0x800  }
0x52: {  	[sflag:s14] =	ssyncset.done $0x0  }
0x53: {  	[sflag:s14] =	ssyncadd.s32 $0xFFFFF800  }
0x54: {  	[spmem:s9] =	stream.linear.scatter [tilespmem:s13], [sflag:$0x2], $0x800, $0x38;
	[tilespmem:$0x6800] =	vst v63  }
0x55: {  	_ =	swait.ge [sflag:s14], $0x800  }
0x56: {  	[sflag:s14] =	ssyncset.done $0x0  }
.Ltmp3:
0x57: {  	[sflag:s14] =	ssyncadd.s32 $0xFFFFF800;
	(pc) =	sbr.rel @p0 .LBB2_9-.Ltmp3, $4  }
0x58: {  	[tilespmem:s15], [sflag:$0x2] =	stream.linear.gather [hbm4b:s1+s3], $0x800, $0x38;
	[tilespmem:$0x6800] =	vst v63  }
0x59: {  	_ =	swait.ge [sflag:s14], $0x800  }
0x5a: {  	[sflag:s14] =	ssyncset.done $0x0  }
0x5b: {  	s24 =	simm.s32 $0x0;
	[sflag:s14] =	ssyncadd.s32 $0xFFFFF800  }
0x5c: {  	[tilespmem:s24], [sflag:$0x2] =	stream.linear.gather [hbm4b:s11+s24], $0x3000, $0x38;
	[tilespmem:$0x6800] =	vst v63  }
0x5d: {  	_ =	swait.ge [sflag:s14], $0x3000  }
0x5e: {  	[sflag:s14] =	ssyncset.done $0x0  }
0x5f: {  	[sflag:s14] =	ssyncadd.s32 $0xFFFFD000  }
0x60: {  	[bflag:$0x0] =	sbarrier.arrive $0xFFFF  }
.LBB2_5:
0x61: {  	p1 =	sne.s32 s24, $0xBE00  }
.Ltmp4:
0x62: {  	_ = 	snop;
	(pc) =	sbr.rel @p1 .LBB2_5-.Ltmp4, $3  }
0x63: {  	_ =	sdelay $0x1  }
0x64: {  	s25 =	sshra.s32 s24, $0x2;
	s24 =	sadd.s32 $0x200, s24  }
0x65: {  	[spmem:s2] =	stream.indirect.scatter.add.f32 [tilespmem:s15], [sflag:$0x1], $0x10, s25, s16, $0xb8;
	[tilespmem:$0x6800] =	vst v63  }
0x66: {  	_ =	swait.ge [sflag:s17], $0x800  }
0x67: {  	s24 =	simm.s32 $0x5F;
	[sflag:s17] =	ssyncset.done $0x0  }
.LBB2_7:
0x68: {  	p1 =	seq.s32 s24, $0x1;
	s24 =	sadd.s32 $0xFFFFFFFF, s24;
	[sflag:s17] =	ssyncadd.s32 $0xFFFFF800  }
.Ltmp5:
0x69: {  	(pc) =	sbr.rel @!p1 .LBB2_7-.Ltmp5, $3  }
0x6a: {  	_ =	sdelay $0x1  }
0x6b: {  	_ =	swait.ge [sflag:s17], $0x800  }
0x6c: {  	[sflag:s17] =	ssyncset.done $0x0  }
.Ltmp6:
0x6d: {  	(pc) =	sbr.rel .LBB2_14-.Ltmp6, $2  }
0x6e: {  	_ =	sdelay $0x2  }
0x6f: {  	[sflag:s17] =	ssyncadd.s32 $0xFFFFF800  }
.LBB2_9:
0x70: {  	[tilespmem:s24], [sflag:$0x2] =	stream.linear.gather [hbm4b:s10+s24], $0x2000, $0x38;
	[tilespmem:$0x6800] =	vst v63  }
0x71: {  	_ =	swait.ge [sflag:s14], $0x2000  }
0x72: {  	[sflag:s14] =	ssyncset.done $0x0  }
0x73: {  	[sflag:s14] =	ssyncadd.s32 $0xFFFFE000  }
0x74: {  	[bflag:$0x0] =	sbarrier.arrive $0xFFFF  }
.LBB2_10:
0x75: {  	p1 =	sne.s32 s24, $0x7E00  }
.Ltmp7:
0x76: {  	_ = 	snop;
	(pc) =	sbr.rel @p1 .LBB2_10-.Ltmp7, $3  }
0x77: {  	_ =	sdelay $0x1  }
0x78: {  	s25 =	sshra.s32 s24, $0x2;
	s24 =	sadd.s32 $0x200, s24  }
0x79: {  	[spmem:s2] =	stream.indirect.scatter.add.f32 [tilespmem:s15], [sflag:$0x1], $0x10, s25, s16, $0xb8;
	[tilespmem:$0x6800] =	vst v63  }
0x7a: {  	_ =	swait.ge [sflag:s17], $0x800  }
0x7b: {  	s24 =	simm.s32 $0x3F;
	[sflag:s17] =	ssyncset.done $0x0  }
.LBB2_12:
0x7c: {  	p1 =	sne.s32 s24, $0x1;
	s24 =	sadd.s32 $0xFFFFFFFF, s24;
	[sflag:s17] =	ssyncadd.s32 $0xFFFFF800  }
.Ltmp8:
0x7d: {  	(pc) =	sbr.rel @p1 .LBB2_12-.Ltmp8, $3  }
0x7e: {  	_ =	sdelay $0x1  }
0x7f: {  	_ =	swait.ge [sflag:s17], $0x800  }
0x80: {  	[sflag:s17] =	ssyncset.done $0x0  }
.Ltmp9:
0x81: {  	_ = 	snop;
	(pc) =	sbr.rel .LBB2_13-.Ltmp9, $1  }
0x82: {  	_ =	sdelay $0x3  }
.LBB2_15:
0x83: {  	_ =	sfence.sel $0x180000  }
0x84: {  	[bflag:$0x0] =	sbarrier.arrive $0xFFFF  }
0x85: {  	p0 =	sne.s32 s4, $0x0;
	_ =	strace $0x90000047  }
0x86: {  	s0 =	sadd.s32 @!p0 $0x100000, s0;
	[bflag:$0x2] =	sbarrier.arrive $0xFFFF  }
0x87: {  	[sflag:s0] =	ssyncadd.tile.s32 @!p0 $0x1;
	_ =	shalt  }
.Lfunc_end2:
_tile_overlayer_lowered:
.L_overlay_start_2:
0x88: {  	(tag) =	ssettag $0x2  }
0x89: {  	s0 =	rddreg [dreg:$0x0];
	s2 =	stileid.u32  }
0x8a: {  	s1 =	rddreg [dreg:$0x1];
	p0 =	sne.s32 s2, $0x0  }
0x8b: {  	s3 =	rddreg [dreg:$0x2];
	[bflag:$0x3] =	sbarrier.arrive $0xFFFF;
	s2 =	simm.s32 @!p0 $0x1C02  }
0x8c: {  	[timem:s3], [sflag:s2] =	dma.local @!p0 [hbm:s0], s1  }
0x8d: {  	s0 =	simm.s32 @!p0 $0x2  }
0x8e: {  	_ =	swait.ge @!p0 [sflag:s0], s1  }
0x8f: {  	s1 =	ssub.s32 @!p0 $0x0, s1;
	[sflag:s0] =	ssyncset.done @!p0 $0x0  }
0x90: {  	[sflag:s0] =	ssyncadd.s32 @!p0 s1  }
0x91: {  	[bflag:$0x3] =	sbarrier.arrive $0xFFFF  }
0x92: {  	_ =	shalt  }

</sc_bundles>
